<compile_context>
chip_gen: v7x
topology: tpu7x:2x2x1
jax: 0.10.2.dev20260603
libtpu: 0.0.44.dev20260713+nightly
codegen_flags: <defaults>
</compile_context>

<pallas_src>
import functools

import jax
import jax.numpy as jnp
from jax import lax
from jax.experimental import pallas as pl
from jax.experimental.pallas import tpu as pltpu
from jax.experimental.pallas import tpu_sc as plsc

N_Q = 32768
N_T = 8192
F_DIM = 256

BQ = 512
TCH = 128
N_CH = N_T // TCH

N_SC = 8704
N_TC = N_Q - N_SC
N_BLK = N_TC // BQ
TV = N_T // 16

BQS = 544
N_BLKS = N_SC // BQS


def _argmin_body(qp_ref, tpt_ref, idx_ref):
    qx = jnp.broadcast_to(qp_ref[:, 0:1], (BQ, TCH))
    qy = jnp.broadcast_to(qp_ref[:, 1:2], (BQ, TCH))
    qz = jnp.broadcast_to(qp_ref[:, 2:3], (BQ, TCH))

    minval = jnp.full((BQ, TCH), jnp.inf, jnp.float32)
    mink = jnp.zeros((BQ, TCH), jnp.int32)
    for k in range(N_CH):
        tx = tpt_ref[0:1, k * TCH:(k + 1) * TCH]
        ty = tpt_ref[1:2, k * TCH:(k + 1) * TCH]
        tz = tpt_ref[2:3, k * TCH:(k + 1) * TCH]
        dx = qx - tx
        dy = qy - ty
        dz = qz - tz
        d = (dx * dx + dy * dy) + dz * dz
        upd = d < minval
        minval = jnp.where(upd, d, minval)
        mink = jnp.where(upd, k, mink)

    m = jnp.min(minval, axis=1, keepdims=True)
    lane = lax.broadcasted_iota(jnp.int32, (BQ, TCH), 1)
    full_idx = mink * TCH + lane
    cand = jnp.where(minval == m, full_idx, N_T)
    idx = jnp.min(cand, axis=1, keepdims=True)
    idx_ref[...] = idx.T[None]


def _nn_argmin(query_points, tpt):
    out = pl.pallas_call(
        _argmin_body,
        grid=(N_BLK,),
        in_specs=[
            pl.BlockSpec((BQ, 3), lambda i: (i, 0)),
            pl.BlockSpec((3, N_T), lambda i: (0, 0)),
        ],
        out_specs=pl.BlockSpec((1, 1, BQ), lambda i: (i, 0, 0)),
        out_shape=jax.ShapeDtypeStruct((N_BLK, 1, BQ), jnp.int32),
    )(query_points, tpt)
    return out.reshape(N_TC)


def _make_sc_argmin():
    info = plsc.get_sparse_core_info()
    nc, ns = info.num_cores, info.num_subcores
    nw = nc * ns
    qpw = N_SC // nw
    mesh = plsc.VectorSubcoreMesh(core_axis_name="c", subcore_axis_name="s")

    @functools.partial(
        pl.kernel, mesh=mesh,
        out_type=(jax.ShapeDtypeStruct((N_SC, 16), jnp.float32),
                  jax.ShapeDtypeStruct((N_SC, 16), jnp.int32)),
        scratch_types=[
            pltpu.VMEM((3, N_T), jnp.float32),
            pltpu.VMEM((3, qpw * 16), jnp.float32),
            pltpu.VMEM((qpw, 16), jnp.float32),
            pltpu.VMEM((qpw, 16), jnp.int32),
        ],
    )
    def sc_argmin(tpt_hbm, qrep_hbm, minv_hbm, minj_hbm,
                  tpt_v, q_v, minv_b, minj_b):
        wid = lax.axis_index("s") * nc + lax.axis_index("c")
        base = wid * qpw
        pltpu.sync_copy(tpt_hbm, tpt_v)
        pltpu.sync_copy(qrep_hbm.at[:, pl.ds(base * 16, qpw * 16)], q_v)
        inf16 = jnp.full((16,), jnp.inf, jnp.float32)
        zero16 = jnp.zeros((16,), jnp.int32)

        def per_query(qi, carry0):
            qx = q_v[0, pl.ds(qi * 16, 16)]
            qy = q_v[1, pl.ds(qi * 16, 16)]
            qz = q_v[2, pl.ds(qi * 16, 16)]

            def tchunk(j, carry):
                minv, minj = carry
                tx = tpt_v[0, pl.ds(j * 16, 16)]
                ty = tpt_v[1, pl.ds(j * 16, 16)]
                tz = tpt_v[2, pl.ds(j * 16, 16)]
                dx = qx - tx
                dy = qy - ty
                dz = qz - tz
                d = (dx * dx + dy * dy) + dz * dz
                upd = d < minv
                minv = jnp.where(upd, d, minv)
                minj = jnp.where(upd, j, minj)
                return minv, minj

            minv, minj = lax.fori_loop(0, TV, tchunk, (inf16, zero16),
                                       unroll=8)
            minv_b[qi, :] = minv
            minj_b[qi, :] = minj
            return carry0

        lax.fori_loop(0, qpw, per_query, 0)
        pltpu.sync_copy(minv_b, minv_hbm.at[pl.ds(base, qpw), :])
        pltpu.sync_copy(minj_b, minj_hbm.at[pl.ds(base, qpw), :])

    return sc_argmin


_sc_argmin = _make_sc_argmin()


def _sc_merge_body(minv_ref, minj_ref, idx_ref):
    minv = minv_ref[...]
    minj = minj_ref[...]
    m = jnp.min(minv, axis=1, keepdims=True)
    lane = lax.broadcasted_iota(jnp.int32, (BQS, 16), 1)
    full_idx = minj * 16 + lane
    cand = jnp.where(minv == m, full_idx, N_T)
    idx = jnp.min(cand, axis=1)
    idx_ref[...] = idx[None, :, None]


def _sc_merge(minv, minj):
    out = pl.pallas_call(
        _sc_merge_body,
        grid=(N_BLKS,),
        in_specs=[
            pl.BlockSpec((BQS, 16), lambda i: (i, 0)),
            pl.BlockSpec((BQS, 16), lambda i: (i, 0)),
        ],
        out_specs=pl.BlockSpec((1, BQS, 1), lambda i: (i, 0, 0)),
        out_shape=jax.ShapeDtypeStruct((N_BLKS, BQS, 1), jnp.int32),
    )(minv, minj)
    return out.reshape(N_SC)


def _make_gather():
    info = plsc.get_sparse_core_info()
    nc, ns = info.num_cores, info.num_subcores
    nw = nc * ns
    b_per_w = N_Q // nw
    chunk = 128
    n_chunks = b_per_w // chunk
    nslots = 3
    mesh = plsc.VectorSubcoreMesh(core_axis_name="c", subcore_axis_name="s")

    @functools.partial(
        pl.kernel, mesh=mesh,
        out_type=jax.ShapeDtypeStruct((N_Q, F_DIM), jnp.float32),
        scratch_types=[
            pltpu.VMEM((b_per_w,), jnp.int32),
            pltpu.VMEM((nslots, chunk, F_DIM), jnp.float32),
        ] + [pltpu.SemaphoreType.DMA] * (2 * nslots),
    )
    def gather(table_hbm, idx_hbm, out_hbm, idx_v, rows_v, *sems):
        gsem, wsem = sems[:nslots], sems[nslots:]
        wid = lax.axis_index("s") * nc + lax.axis_index("c")
        base = wid * b_per_w
        pltpu.sync_copy(idx_hbm.at[pl.ds(base, b_per_w)], idx_v)
        gh = [None] * n_chunks
        wh = [None] * n_chunks
        for c in range(n_chunks):
            s = c % nslots
            if c >= nslots:
                wh[c - nslots].wait()
            gh[c] = pltpu.async_copy(
                table_hbm.at[idx_v.at[pl.ds(c * chunk, chunk)]],
                rows_v.at[s], gsem[s])
            if c == 0:
                continue
            gh[c - 1].wait()
            wh[c - 1] = pltpu.async_copy(
                rows_v.at[(c - 1) % nslots],
                out_hbm.at[pl.ds(base + (c - 1) * chunk, chunk)],
                wsem[(c - 1) % nslots])
        gh[n_chunks - 1].wait()
        wh[n_chunks - 1] = pltpu.async_copy(
            rows_v.at[(n_chunks - 1) % nslots],
            out_hbm.at[pl.ds(base + (n_chunks - 1) * chunk, chunk)],
            wsem[(n_chunks - 1) % nslots])
        for c in range(max(0, n_chunks - nslots), n_chunks):
            wh[c].wait()

    return gather


_gather_rows = _make_gather()


def kernel(query_points, target_points, target_features):
    tpt = target_points.T
    qrep = jnp.repeat(query_points[N_TC:].T, 16, axis=1)
    minv16, minj16 = _sc_argmin(tpt, qrep)
    idx_tc = _nn_argmin(query_points[:N_TC], tpt)
    idx_sc = _sc_merge(minv16, minj16)
    idx = jnp.concatenate([idx_tc, idx_sc])
    feats = _gather_rows(target_features, idx)
    return (query_points, feats)

# --- scband reference (transcript-rebuilt; emitter-appended) ---
"""Pipeline reference for scband-upsample-block-14920716386525 (READ-ONLY COPY).

The authoritative reference and input builder live on the scoring server;
editing this copy changes nothing except your own understanding.
"""

import jax, jax.numpy as jnp
import numpy as np

N_QUERY = 32768
N_TARGET = 8192
F_DIM = 256


def setup_inputs(seed: int = 0) -> dict:
    key = jax.random.key(seed)
    k1, k2, k3 = jax.random.split(key, 3)
    query_points = jax.random.normal(k1, (N_QUERY, 3), dtype=jnp.float32)
    target_points = jax.random.normal(k2, (N_TARGET, 3), dtype=jnp.float32)
    target_features = jax.random.normal(k3, (N_TARGET, F_DIM), dtype=jnp.float32)
    return {
        "query_points": query_points,
        "target_points": target_points,
        "target_features": target_features,
    }


def _nn_idx(query, target, chunk=4096):
    # Faithful to keops argKmin(k=1) with euclidean metric:
    # for each query point, index of nearest target point by squared L2.
    idxs = []
    n = query.shape[0]
    for i in range(0, n, chunk):
        q = query[i:i + chunk]                                   # [c, 3]
        d = ((q[:, None, :] - target[None, :, :]) ** 2).sum(-1)  # [c, m]
        idxs.append(jnp.argmin(d, axis=1))                       # [c]
    return jnp.concatenate(idxs, axis=0)                         # [n]


def reference(query_points, target_points, target_features):
    # masked_knn_keops(query, target, k=1, metric='euclidean') -> idx [n, 1]
    idx = _nn_idx(query_points, target_points)                   # [n]
    # torch.gather(target_features, -2, idx.expand([n, f_dim])) ==
    # take rows of target_features at nearest-neighbor indices
    query_features = jnp.take(target_features, idx, axis=0)      # [n, f_dim]
    return (query_points, query_features)

if __name__ == "__main__":
    import jax
    _d = setup_inputs()
    print(jax.jit(kernel)(*tuple(_d.values())))

</pallas_src>

<mosaic_0001>
#map = affine_map<(d0, d1) -> (0, 0)>
#map1 = affine_map<(d0, d1) -> (0)>
module attributes {stable_mosaic.version = 14 : i64} {
  func.func @gather(%arg0: i32, %arg1: i32, %arg2: memref<8192x256xf32, #tpu.memory_space<hbm>>, %arg3: memref<32768xi32, #tpu.memory_space<hbm>>, %arg4: memref<32768x256xf32, #tpu.memory_space<hbm>>, %arg5: memref<1024xi32, #tpu.memory_space<vmem>>, %arg6: memref<3x128x256xf32, #tpu.memory_space<vmem>>, %arg7: memref<!tpu.dma_semaphore, #tpu.memory_space<semaphore_mem>>, %arg8: memref<!tpu.dma_semaphore, #tpu.memory_space<semaphore_mem>>, %arg9: memref<!tpu.dma_semaphore, #tpu.memory_space<semaphore_mem>>, %arg10: memref<!tpu.dma_semaphore, #tpu.memory_space<semaphore_mem>>, %arg11: memref<!tpu.dma_semaphore, #tpu.memory_space<semaphore_mem>>, %arg12: memref<!tpu.dma_semaphore, #tpu.memory_space<semaphore_mem>>) attributes {dimension_semantics = [#tpu.dimension_semantics<core_parallel>, #tpu.dimension_semantics<subcore_parallel>], iteration_bounds = array<i64: 2, 16>, scalar_prefetch = 0 : i64, scratch_operands = 8 : i64, tpu.core_type = #tpu.core_type<sc_vector_subcore>, window_params = [{transform_indices = #map}, {transform_indices = #map1}, {transform_indices = #map}]} {
    %mul3A = arith.constant 2 : i32
    %mul3A_0 = arith.muli %arg1, %mul3A : i32
    %add3A = arith.addi %mul3A_0, %arg0 : i32
    %mul3A_1 = arith.constant 1024 : i32
    %mul3A_2 = arith.muli %add3A, %mul3A_1 : i32
    "tpu.region"() ({
      %run_scoped3A = tpu.sem_alloc : memref<!tpu.dma_semaphore, #tpu.memory_space<semaphore_mem>>
      %dma_start3A_385 = tpu.memref_slice %arg3[%mul3A_2] : memref<32768xi32, #tpu.memory_space<hbm>> -> memref<1024xi32, #tpu.memory_space<hbm>>
      %dma_start3A_386 = tpu.memref_slice %arg3[%mul3A_2] : memref<32768xi32, #tpu.memory_space<hbm>> -> memref<1024xi32, #tpu.memory_space<hbm>>
      tpu.enqueue_dma source(%dma_start3A_386 : memref<1024xi32, #tpu.memory_space<hbm>>) target(%arg5 : memref<1024xi32, #tpu.memory_space<vmem>>) target_semaphore(%run_scoped3A : memref<!tpu.dma_semaphore, #tpu.memory_space<semaphore_mem>>)
      %dma_wait3A_387 = tpu.memref_slice %arg3[%mul3A_2] : memref<32768xi32, #tpu.memory_space<hbm>> -> memref<1024xi32, #tpu.memory_space<hbm>>
      %dma_wait3A_388 = tpu.memref_slice %arg3[%mul3A_2] : memref<32768xi32, #tpu.memory_space<hbm>> -> memref<1024xi32, #tpu.memory_space<hbm>>
      tpu.wait_dma2 semaphore(%run_scoped3A : memref<!tpu.dma_semaphore, #tpu.memory_space<semaphore_mem>>) src(%dma_wait3A_388 : memref<1024xi32, #tpu.memory_space<hbm>>) dst(%arg5 : memref<1024xi32, #tpu.memory_space<vmem>>)
      tpu.yield
    }) : () -> ()
    %dma_start3A = arith.constant 0 : i32
    %dma_start3A_3 = arith.constant 0 : i32
    %dma_start3A_4 = arith.constant 0 : i32
    %dma_start3A_5 = tpu.memref_slice %arg6[%dma_start3A, %dma_start3A_3, %dma_start3A_4] : memref<3x128x256xf32, #tpu.memory_space<vmem>> -> memref<1x128x256xf32, #tpu.memory_space<vmem>>
    %dma_start3A_6 = tpu.memref_squeeze %dma_start3A_5 : memref<1x128x256xf32, #tpu.memory_space<vmem>> -> memref<128x256xf32, #tpu.memory_space<vmem>>
    %dma_start3A_7 = arith.constant 0 : i32
    %dma_start3A_8 = tpu.memref_slice %arg5[%dma_start3A_7] : memref<1024xi32, #tpu.memory_space<vmem>> -> memref<128xi32, #tpu.memory_space<vmem>>
    %dma_start3A_9 = arith.constant 0 : i32
    %dma_start3A_10 = arith.constant 0 : i32
    %dma_start3A_11 = tpu.memref_slice %arg2[%dma_start3A_9, %dma_start3A_10] : memref<8192x256xf32, #tpu.memory_space<hbm>> -> memref<8192x256xf32, #tpu.memory_space<hbm>>
    tpu.enqueue_indirect_dma source(%dma_start3A_11 : memref<8192x256xf32, #tpu.memory_space<hbm>>) target(%dma_start3A_6 : memref<128x256xf32, #tpu.memory_space<vmem>>) offsets(%dma_start3A_8 : memref<128xi32, #tpu.memory_space<vmem>>) semaphore(%arg7 : memref<!tpu.dma_semaphore, #tpu.memory_space<semaphore_mem>>)
    %dma_start3A_12 = arith.constant 1 : i32
    %dma_start3A_13 = arith.constant 0 : i32
    %dma_start3A_14 = arith.constant 0 : i32
    %dma_start3A_15 = tpu.memref_slice %arg6[%dma_start3A_12, %dma_start3A_13, %dma_start3A_14] : memref<3x128x256xf32, #tpu.memory_space<vmem>> -> memref<1x128x256xf32, #tpu.memory_space<vmem>>
    %dma_start3A_16 = tpu.memref_squeeze %dma_start3A_15 : memref<1x128x256xf32, #tpu.memory_space<vmem>> -> memref<128x256xf32, #tpu.memory_space<vmem>>
    %dma_start3A_17 = arith.constant 128 : i32
    %dma_start3A_18 = tpu.memref_slice %arg5[%dma_start3A_17] : memref<1024xi32, #tpu.memory_space<vmem>> -> memref<128xi32, #tpu.memory_space<vmem>>
    %dma_start3A_19 = arith.constant 0 : i32
    %dma_start3A_20 = arith.constant 0 : i32
    %dma_start3A_21 = tpu.memref_slice %arg2[%dma_start3A_19, %dma_start3A_20] : memref<8192x256xf32, #tpu.memory_space<hbm>> -> memref<8192x256xf32, #tpu.memory_space<hbm>>
    tpu.enqueue_indirect_dma source(%dma_start3A_21 : memref<8192x256xf32, #tpu.memory_space<hbm>>) target(%dma_start3A_16 : memref<128x256xf32, #tpu.memory_space<vmem>>) offsets(%dma_start3A_18 : memref<128xi32, #tpu.memory_space<vmem>>) semaphore(%arg8 : memref<!tpu.dma_semaphore, #tpu.memory_space<semaphore_mem>>)
    %dma_wait3A = arith.constant 0 : i32
    %dma_wait3A_22 = arith.constant 0 : i32
    %dma_wait3A_23 = arith.constant 0 : i32
    %dma_wait3A_24 = tpu.memref_slice %arg6[%dma_wait3A, %dma_wait3A_22, %dma_wait3A_23] : memref<3x128x256xf32, #tpu.memory_space<vmem>> -> memref<1x128x256xf32, #tpu.memory_space<vmem>>
    %dma_wait3A_25 = tpu.memref_squeeze %dma_wait3A_24 : memref<1x128x256xf32, #tpu.memory_space<vmem>> -> memref<128x256xf32, #tpu.memory_space<vmem>>
    %dma_wait3A_26 = arith.constant 0 : i32
    %dma_wait3A_27 = tpu.memref_slice %arg5[%dma_wait3A_26] : memref<1024xi32, #tpu.memory_space<vmem>> -> memref<128xi32, #tpu.memory_space<vmem>>
    %dma_wait3A_28 = arith.constant 0 : i32
    %dma_wait3A_29 = arith.constant 0 : i32
    %dma_wait3A_30 = tpu.memref_slice %arg2[%dma_wait3A_28, %dma_wait3A_29] : memref<8192x256xf32, #tpu.memory_space<hbm>> -> memref<8192x256xf32, #tpu.memory_space<hbm>>
    tpu.wait_indirect_dma semaphore(%arg7 : memref<!tpu.dma_semaphore, #tpu.memory_space<semaphore_mem>>) src(%dma_wait3A_30 : memref<8192x256xf32, #tpu.memory_space<hbm>>) dst(%dma_wait3A_25 : memref<128x256xf32, #tpu.memory_space<vmem>>)
    %add3A_31 = arith.constant 0 : i32
    %add3A_32 = arith.addi %mul3A_2, %add3A_31 : i32
    %dma_start3A_33 = arith.constant 0 : i32
    %dma_start3A_34 = arith.constant 0 : i32
    %dma_start3A_35 = arith.constant 0 : i32
    %dma_start3A_36 = tpu.memref_slice %arg6[%dma_start3A_33, %dma_start3A_34, %dma_start3A_35] : memref<3x128x256xf32, #tpu.memory_space<vmem>> -> memref<1x128x256xf32, #tpu.memory_space<vmem>>
    %dma_start3A_37 = tpu.memref_squeeze %dma_start3A_36 : memref<1x128x256xf32, #tpu.memory_space<vmem>> -> memref<128x256xf32, #tpu.memory_space<vmem>>
    %dma_start3A_38 = arith.constant 0 : i32
    %dma_start3A_39 = tpu.memref_slice %arg4[%add3A_32, %dma_start3A_38] : memref<32768x256xf32, #tpu.memory_space<hbm>> -> memref<128x256xf32, #tpu.memory_space<hbm>>
    %dma_start3A_40 = arith.constant 0 : i32
    %dma_start3A_41 = tpu.memref_slice %arg4[%add3A_32, %dma_start3A_40] : memref<32768x256xf32, #tpu.memory_space<hbm>> -> memref<128x256xf32, #tpu.memory_space<hbm>>
    %dma_start3A_42 = arith.constant 0 : i32
    %dma_start3A_43 = arith.constant 0 : i32
    %dma_start3A_44 = tpu.memref_slice %arg6[%dma_start3A_33, %dma_start3A_42, %dma_start3A_43] : memref<3x128x256xf32, #tpu.memory_space<vmem>> -> memref<1x128x256xf32, #tpu.memory_space<vmem>>
    %dma_start3A_45 = tpu.memref_squeeze %dma_start3A_44 : memref<1x128x256xf32, #tpu.memory_space<vmem>> -> memref<128x256xf32, #tpu.memory_space<vmem>>
    tpu.enqueue_dma source(%dma_start3A_45 : memref<128x256xf32, #tpu.memory_space<vmem>>) target(%dma_start3A_41 : memref<128x256xf32, #tpu.memory_space<hbm>>) target_semaphore(%arg10 : memref<!tpu.dma_semaphore, #tpu.memory_space<semaphore_mem>>)
    %dma_start3A_46 = arith.constant 2 : i32
    %dma_start3A_47 = arith.constant 0 : i32
    %dma_start3A_48 = arith.constant 0 : i32
    %dma_start3A_49 = tpu.memref_slice %arg6[%dma_start3A_46, %dma_start3A_47, %dma_start3A_48] : memref<3x128x256xf32, #tpu.memory_space<vmem>> -> memref<1x128x256xf32, #tpu.memory_space<vmem>>
    %dma_start3A_50 = tpu.memref_squeeze %dma_start3A_49 : memref<1x128x256xf32, #tpu.memory_space<vmem>> -> memref<128x256xf32, #tpu.memory_space<vmem>>
    %dma_start3A_51 = arith.constant 256 : i32
    %dma_start3A_52 = tpu.memref_slice %arg5[%dma_start3A_51] : memref<1024xi32, #tpu.memory_space<vmem>> -> memref<128xi32, #tpu.memory_space<vmem>>
    %dma_start3A_53 = arith.constant 0 : i32
    %dma_start3A_54 = arith.constant 0 : i32
    %dma_start3A_55 = tpu.memref_slice %arg2[%dma_start3A_53, %dma_start3A_54] : memref<8192x256xf32, #tpu.memory_space<hbm>> -> memref<8192x256xf32, #tpu.memory_space<hbm>>
    tpu.enqueue_indirect_dma source(%dma_start3A_55 : memref<8192x256xf32, #tpu.memory_space<hbm>>) target(%dma_start3A_50 : memref<128x256xf32, #tpu.memory_space<vmem>>) offsets(%dma_start3A_52 : memref<128xi32, #tpu.memory_space<vmem>>) semaphore(%arg9 : memref<!tpu.dma_semaphore, #tpu.memory_space<semaphore_mem>>)
    %dma_wait3A_56 = arith.constant 1 : i32
    %dma_wait3A_57 = arith.constant 0 : i32
    %dma_wait3A_58 = arith.constant 0 : i32
    %dma_wait3A_59 = tpu.memref_slice %arg6[%dma_wait3A_56, %dma_wait3A_57, %dma_wait3A_58] : memref<3x128x256xf32, #tpu.memory_space<vmem>> -> memref<1x128x256xf32, #tpu.memory_space<vmem>>
    %dma_wait3A_60 = tpu.memref_squeeze %dma_wait3A_59 : memref<1x128x256xf32, #tpu.memory_space<vmem>> -> memref<128x256xf32, #tpu.memory_space<vmem>>
    %dma_wait3A_61 = arith.constant 128 : i32
    %dma_wait3A_62 = tpu.memref_slice %arg5[%dma_wait3A_61] : memref<1024xi32, #tpu.memory_space<vmem>> -> memref<128xi32, #tpu.memory_space<vmem>>
    %dma_wait3A_63 = arith.constant 0 : i32
    %dma_wait3A_64 = arith.constant 0 : i32
    %dma_wait3A_65 = tpu.memref_slice %arg2[%dma_wait3A_63, %dma_wait3A_64] : memref<8192x256xf32, #tpu.memory_space<hbm>> -> memref<8192x256xf32, #tpu.memory_space<hbm>>
    tpu.wait_indirect_dma semaphore(%arg8 : memref<!tpu.dma_semaphore, #tpu.memory_space<semaphore_mem>>) src(%dma_wait3A_65 : memref<8192x256xf32, #tpu.memory_space<hbm>>) dst(%dma_wait3A_60 : memref<128x256xf32, #tpu.memory_space<vmem>>)
    %add3A_66 = arith.constant 128 : i32
    %add3A_67 = arith.addi %mul3A_2, %add3A_66 : i32
    %dma_start3A_68 = arith.constant 1 : i32
    %dma_start3A_69 = arith.constant 0 : i32
    %dma_start3A_70 = arith.constant 0 : i32
    %dma_start3A_71 = tpu.memref_slice %arg6[%dma_start3A_68, %dma_start3A_69, %dma_start3A_70] : memref<3x128x256xf32, #tpu.memory_space<vmem>> -> memref<1x128x256xf32, #tpu.memory_space<vmem>>
    %dma_start3A_72 = tpu.memref_squeeze %dma_start3A_71 : memref<1x128x256xf32, #tpu.memory_space<vmem>> -> memref<128x256xf32, #tpu.memory_space<vmem>>
    %dma_start3A_73 = arith.constant 0 : i32
    %dma_start3A_74 = tpu.memref_slice %arg4[%add3A_67, %dma_start3A_73] : memref<32768x256xf32, #tpu.memory_space<hbm>> -> memref<128x256xf32, #tpu.memory_space<hbm>>
    %dma_start3A_75 = arith.constant 0 : i32
    %dma_start3A_76 = tpu.memref_slice %arg4[%add3A_67, %dma_start3A_75] : memref<32768x256xf32, #tpu.memory_space<hbm>> -> memref<128x256xf32, #tpu.memory_space<hbm>>
    %dma_start3A_77 = arith.constant 0 : i32
    %dma_start3A_78 = arith.constant 0 : i32
    %dma_start3A_79 = tpu.memref_slice %arg6[%dma_start3A_68, %dma_start3A_77, %dma_start3A_78] : memref<3x128x256xf32, #tpu.memory_space<vmem>> -> memref<1x128x256xf32, #tpu.memory_space<vmem>>
    %dma_start3A_80 = tpu.memref_squeeze %dma_start3A_79 : memref<1x128x256xf32, #tpu.memory_space<vmem>> -> memref<128x256xf32, #tpu.memory_space<vmem>>
    tpu.enqueue_dma source(%dma_start3A_80 : memref<128x256xf32, #tpu.memory_space<vmem>>) target(%dma_start3A_76 : memref<128x256xf32, #tpu.memory_space<hbm>>) target_semaphore(%arg11 : memref<!tpu.dma_semaphore, #tpu.memory_space<semaphore_mem>>)
    %dma_wait3A_81 = arith.constant 0 : i32
    %dma_wait3A_82 = arith.constant 0 : i32
    %dma_wait3A_83 = arith.constant 0 : i32
    %dma_wait3A_84 = tpu.memref_slice %arg6[%dma_wait3A_81, %dma_wait3A_82, %dma_wait3A_83] : memref<3x128x256xf32, #tpu.memory_space<vmem>> -> memref<1x128x256xf32, #tpu.memory_space<vmem>>
    %dma_wait3A_85 = tpu.memref_squeeze %dma_wait3A_84 : memref<1x128x256xf32, #tpu.memory_space<vmem>> -> memref<128x256xf32, #tpu.memory_space<vmem>>
    %dma_wait3A_86 = arith.constant 0 : i32
    %dma_wait3A_87 = tpu.memref_slice %arg4[%add3A_32, %dma_wait3A_86] : memref<32768x256xf32, #tpu.memory_space<hbm>> -> memref<128x256xf32, #tpu.memory_space<hbm>>
    %dma_wait3A_88 = arith.constant 0 : i32
    %dma_wait3A_89 = tpu.memref_slice %arg4[%add3A_32, %dma_wait3A_88] : memref<32768x256xf32, #tpu.memory_space<hbm>> -> memref<128x256xf32, #tpu.memory_space<hbm>>
    %dma_wait3A_90 = arith.constant 0 : i32
    %dma_wait3A_91 = arith.constant 0 : i32
    %dma_wait3A_92 = tpu.memref_slice %arg6[%dma_wait3A_81, %dma_wait3A_90, %dma_wait3A_91] : memref<3x128x256xf32, #tpu.memory_space<vmem>> -> memref<1x128x256xf32, #tpu.memory_space<vmem>>
    %dma_wait3A_93 = tpu.memref_squeeze %dma_wait3A_92 : memref<1x128x256xf32, #tpu.memory_space<vmem>> -> memref<128x256xf32, #tpu.memory_space<vmem>>
    tpu.wait_dma2 semaphore(%arg10 : memref<!tpu.dma_semaphore, #tpu.memory_space<semaphore_mem>>) src(%dma_wait3A_93 : memref<128x256xf32, #tpu.memory_space<vmem>>) dst(%dma_wait3A_89 : memref<128x256xf32, #tpu.memory_space<hbm>>)
    %dma_start3A_94 = arith.constant 0 : i32
    %dma_start3A_95 = arith.constant 0 : i32
    %dma_start3A_96 = arith.constant 0 : i32
    %dma_start3A_97 = tpu.memref_slice %arg6[%dma_start3A_94, %dma_start3A_95, %dma_start3A_96] : memref<3x128x256xf32, #tpu.memory_space<vmem>> -> memref<1x128x256xf32, #tpu.memory_space<vmem>>
    %dma_start3A_98 = tpu.memref_squeeze %dma_start3A_97 : memref<1x128x256xf32, #tpu.memory_space<vmem>> -> memref<128x256xf32, #tpu.memory_space<vmem>>
    %dma_start3A_99 = arith.constant 384 : i32
    %dma_start3A_100 = tpu.memref_slice %arg5[%dma_start3A_99] : memref<1024xi32, #tpu.memory_space<vmem>> -> memref<128xi32, #tpu.memory_space<vmem>>
    %dma_start3A_101 = arith.constant 0 : i32
    %dma_start3A_102 = arith.constant 0 : i32
    %dma_start3A_103 = tpu.memref_slice %arg2[%dma_start3A_101, %dma_start3A_102] : memref<8192x256xf32, #tpu.memory_space<hbm>> -> memref<8192x256xf32, #tpu.memory_space<hbm>>
    tpu.enqueue_indirect_dma source(%dma_start3A_103 : memref<8192x256xf32, #tpu.memory_space<hbm>>) target(%dma_start3A_98 : memref<128x256xf32, #tpu.memory_space<vmem>>) offsets(%dma_start3A_100 : memref<128xi32, #tpu.memory_space<vmem>>) semaphore(%arg7 : memref<!tpu.dma_semaphore, #tpu.memory_space<semaphore_mem>>)
    %dma_wait3A_104 = arith.constant 2 : i32
    %dma_wait3A_105 = arith.constant 0 : i32
    %dma_wait3A_106 = arith.constant 0 : i32
    %dma_wait3A_107 = tpu.memref_slice %arg6[%dma_wait3A_104, %dma_wait3A_105, %dma_wait3A_106] : memref<3x128x256xf32, #tpu.memory_space<vmem>> -> memref<1x128x256xf32, #tpu.memory_space<vmem>>
    %dma_wait3A_108 = tpu.memref_squeeze %dma_wait3A_107 : memref<1x128x256xf32, #tpu.memory_space<vmem>> -> memref<128x256xf32, #tpu.memory_space<vmem>>
    %dma_wait3A_109 = arith.constant 256 : i32
    %dma_wait3A_110 = tpu.memref_slice %arg5[%dma_wait3A_109] : memref<1024xi32, #tpu.memory_space<vmem>> -> memref<128xi32, #tpu.memory_space<vmem>>
    %dma_wait3A_111 = arith.constant 0 : i32
    %dma_wait3A_112 = arith.constant 0 : i32
    %dma_wait3A_113 = tpu.memref_slice %arg2[%dma_wait3A_111, %dma_wait3A_112] : memref<8192x256xf32, #tpu.memory_space<hbm>> -> memref<8192x256xf32, #tpu.memory_space<hbm>>
    tpu.wait_indirect_dma semaphore(%arg9 : memref<!tpu.dma_semaphore, #tpu.memory_space<semaphore_mem>>) src(%dma_wait3A_113 : memref<8192x256xf32, #tpu.memory_space<hbm>>) dst(%dma_wait3A_108 : memref<128x256xf32, #tpu.memory_space<vmem>>)
    %add3A_114 = arith.constant 256 : i32
    %add3A_115 = arith.addi %mul3A_2, %add3A_114 : i32
    %dma_start3A_116 = arith.constant 2 : i32
    %dma_start3A_117 = arith.constant 0 : i32
    %dma_start3A_118 = arith.constant 0 : i32
    %dma_start3A_119 = tpu.memref_slice %arg6[%dma_start3A_116, %dma_start3A_117, %dma_start3A_118] : memref<3x128x256xf32, #tpu.memory_space<vmem>> -> memref<1x128x256xf32, #tpu.memory_space<vmem>>
    %dma_start3A_120 = tpu.memref_squeeze %dma_start3A_119 : memref<1x128x256xf32, #tpu.memory_space<vmem>> -> memref<128x256xf32, #tpu.memory_space<vmem>>
    %dma_start3A_121 = arith.constant 0 : i32
    %dma_start3A_122 = tpu.memref_slice %arg4[%add3A_115, %dma_start3A_121] : memref<32768x256xf32, #tpu.memory_space<hbm>> -> memref<128x256xf32, #tpu.memory_space<hbm>>
    %dma_start3A_123 = arith.constant 0 : i32
    %dma_start3A_124 = tpu.memref_slice %arg4[%add3A_115, %dma_start3A_123] : memref<32768x256xf32, #tpu.memory_space<hbm>> -> memref<128x256xf32, #tpu.memory_space<hbm>>
    %dma_start3A_125 = arith.constant 0 : i32
    %dma_start3A_126 = arith.constant 0 : i32
    %dma_start3A_127 = tpu.memref_slice %arg6[%dma_start3A_116, %dma_start3A_125, %dma_start3A_126] : memref<3x128x256xf32, #tpu.memory_space<vmem>> -> memref<1x128x256xf32, #tpu.memory_space<vmem>>
    %dma_start3A_128 = tpu.memref_squeeze %dma_start3A_127 : memref<1x128x256xf32, #tpu.memory_space<vmem>> -> memref<128x256xf32, #tpu.memory_space<vmem>>
    tpu.enqueue_dma source(%dma_start3A_128 : memref<128x256xf32, #tpu.memory_space<vmem>>) target(%dma_start3A_124 : memref<128x256xf32, #tpu.memory_space<hbm>>) target_semaphore(%arg12 : memref<!tpu.dma_semaphore, #tpu.memory_space<semaphore_mem>>)
    %dma_wait3A_129 = arith.constant 1 : i32
    %dma_wait3A_130 = arith.constant 0 : i32
    %dma_wait3A_131 = arith.constant 0 : i32
    %dma_wait3A_132 = tpu.memref_slice %arg6[%dma_wait3A_129, %dma_wait3A_130, %dma_wait3A_131] : memref<3x128x256xf32, #tpu.memory_space<vmem>> -> memref<1x128x256xf32, #tpu.memory_space<vmem>>
    %dma_wait3A_133 = tpu.memref_squeeze %dma_wait3A_132 : memref<1x128x256xf32, #tpu.memory_space<vmem>> -> memref<128x256xf32, #tpu.memory_space<vmem>>
    %dma_wait3A_134 = arith.constant 0 : i32
    %dma_wait3A_135 = tpu.memref_slice %arg4[%add3A_67, %dma_wait3A_134] : memref<32768x256xf32, #tpu.memory_space<hbm>> -> memref<128x256xf32, #tpu.memory_space<hbm>>
    %dma_wait3A_136 = arith.constant 0 : i32
    %dma_wait3A_137 = tpu.memref_slice %arg4[%add3A_67, %dma_wait3A_136] : memref<32768x256xf32, #tpu.memory_space<hbm>> -> memref<128x256xf32, #tpu.memory_space<hbm>>
    %dma_wait3A_138 = arith.constant 0 : i32
    %dma_wait3A_139 = arith.constant 0 : i32
    %dma_wait3A_140 = tpu.memref_slice %arg6[%dma_wait3A_129, %dma_wait3A_138, %dma_wait3A_139] : memref<3x128x256xf32, #tpu.memory_space<vmem>> -> memref<1x128x256xf32, #tpu.memory_space<vmem>>
    %dma_wait3A_141 = tpu.memref_squeeze %dma_wait3A_140 : memref<1x128x256xf32, #tpu.memory_space<vmem>> -> memref<128x256xf32, #tpu.memory_space<vmem>>
    tpu.wait_dma2 semaphore(%arg11 : memref<!tpu.dma_semaphore, #tpu.memory_space<semaphore_mem>>) src(%dma_wait3A_141 : memref<128x256xf32, #tpu.memory_space<vmem>>) dst(%dma_wait3A_137 : memref<128x256xf32, #tpu.memory_space<hbm>>)
    %dma_start3A_142 = arith.constant 1 : i32
    %dma_start3A_143 = arith.constant 0 : i32
    %dma_start3A_144 = arith.constant 0 : i32
    %dma_start3A_145 = tpu.memref_slice %arg6[%dma_start3A_142, %dma_start3A_143, %dma_start3A_144] : memref<3x128x256xf32, #tpu.memory_space<vmem>> -> memref<1x128x256xf32, #tpu.memory_space<vmem>>
    %dma_start3A_146 = tpu.memref_squeeze %dma_start3A_145 : memref<1x128x256xf32, #tpu.memory_space<vmem>> -> memref<128x256xf32, #tpu.memory_space<vmem>>
    %dma_start3A_147 = arith.constant 512 : i32
    %dma_start3A_148 = tpu.memref_slice %arg5[%dma_start3A_147] : memref<1024xi32, #tpu.memory_space<vmem>> -> memref<128xi32, #tpu.memory_space<vmem>>
    %dma_start3A_149 = arith.constant 0 : i32
    %dma_start3A_150 = arith.constant 0 : i32
    %dma_start3A_151 = tpu.memref_slice %arg2[%dma_start3A_149, %dma_start3A_150] : memref<8192x256xf32, #tpu.memory_space<hbm>> -> memref<8192x256xf32, #tpu.memory_space<hbm>>
    tpu.enqueue_indirect_dma source(%dma_start3A_151 : memref<8192x256xf32, #tpu.memory_space<hbm>>) target(%dma_start3A_146 : memref<128x256xf32, #tpu.memory_space<vmem>>) offsets(%dma_start3A_148 : memref<128xi32, #tpu.memory_space<vmem>>) semaphore(%arg8 : memref<!tpu.dma_semaphore, #tpu.memory_space<semaphore_mem>>)
    %dma_wait3A_152 = arith.constant 0 : i32
    %dma_wait3A_153 = arith.constant 0 : i32
    %dma_wait3A_154 = arith.constant 0 : i32
    %dma_wait3A_155 = tpu.memref_slice %arg6[%dma_wait3A_152, %dma_wait3A_153, %dma_wait3A_154] : memref<3x128x256xf32, #tpu.memory_space<vmem>> -> memref<1x128x256xf32, #tpu.memory_space<vmem>>
    %dma_wait3A_156 = tpu.memref_squeeze %dma_wait3A_155 : memref<1x128x256xf32, #tpu.memory_space<vmem>> -> memref<128x256xf32, #tpu.memory_space<vmem>>
    %dma_wait3A_157 = arith.constant 384 : i32
    %dma_wait3A_158 = tpu.memref_slice %arg5[%dma_wait3A_157] : memref<1024xi32, #tpu.memory_space<vmem>> -> memref<128xi32, #tpu.memory_space<vmem>>
    %dma_wait3A_159 = arith.constant 0 : i32
    %dma_wait3A_160 = arith.constant 0 : i32
    %dma_wait3A_161 = tpu.memref_slice %arg2[%dma_wait3A_159, %dma_wait3A_160] : memref<8192x256xf32, #tpu.memory_space<hbm>> -> memref<8192x256xf32, #tpu.memory_space<hbm>>
    tpu.wait_indirect_dma semaphore(%arg7 : memref<!tpu.dma_semaphore, #tpu.memory_space<semaphore_mem>>) src(%dma_wait3A_161 : memref<8192x256xf32, #tpu.memory_space<hbm>>) dst(%dma_wait3A_156 : memref<128x256xf32, #tpu.memory_space<vmem>>)
    %add3A_162 = arith.constant 384 : i32
    %add3A_163 = arith.addi %mul3A_2, %add3A_162 : i32
    %dma_start3A_164 = arith.constant 0 : i32
    %dma_start3A_165 = arith.constant 0 : i32
    %dma_start3A_166 = arith.constant 0 : i32
    %dma_start3A_167 = tpu.memref_slice %arg6[%dma_start3A_164, %dma_start3A_165, %dma_start3A_166] : memref<3x128x256xf32, #tpu.memory_space<vmem>> -> memref<1x128x256xf32, #tpu.memory_space<vmem>>
    %dma_start3A_168 = tpu.memref_squeeze %dma_start3A_167 : memref<1x128x256xf32, #tpu.memory_space<vmem>> -> memref<128x256xf32, #tpu.memory_space<vmem>>
    %dma_start3A_169 = arith.constant 0 : i32
    %dma_start3A_170 = tpu.memref_slice %arg4[%add3A_163, %dma_start3A_169] : memref<32768x256xf32, #tpu.memory_space<hbm>> -> memref<128x256xf32, #tpu.memory_space<hbm>>
    %dma_start3A_171 = arith.constant 0 : i32
    %dma_start3A_172 = tpu.memref_slice %arg4[%add3A_163, %dma_start3A_171] : memref<32768x256xf32, #tpu.memory_space<hbm>> -> memref<128x256xf32, #tpu.memory_space<hbm>>
    %dma_start3A_173 = arith.constant 0 : i32
    %dma_start3A_174 = arith.constant 0 : i32
    %dma_start3A_175 = tpu.memref_slice %arg6[%dma_start3A_164, %dma_start3A_173, %dma_start3A_174] : memref<3x128x256xf32, #tpu.memory_space<vmem>> -> memref<1x128x256xf32, #tpu.memory_space<vmem>>
    %dma_start3A_176 = tpu.memref_squeeze %dma_start3A_175 : memref<1x128x256xf32, #tpu.memory_space<vmem>> -> memref<128x256xf32, #tpu.memory_space<vmem>>
    tpu.enqueue_dma source(%dma_start3A_176 : memref<128x256xf32, #tpu.memory_space<vmem>>) target(%dma_start3A_172 : memref<128x256xf32, #tpu.memory_space<hbm>>) target_semaphore(%arg10 : memref<!tpu.dma_semaphore, #tpu.memory_space<semaphore_mem>>)
    %dma_wait3A_177 = arith.constant 2 : i32
    %dma_wait3A_178 = arith.constant 0 : i32
    %dma_wait3A_179 = arith.constant 0 : i32
    %dma_wait3A_180 = tpu.memref_slice %arg6[%dma_wait3A_177, %dma_wait3A_178, %dma_wait3A_179] : memref<3x128x256xf32, #tpu.memory_space<vmem>> -> memref<1x128x256xf32, #tpu.memory_space<vmem>>
    %dma_wait3A_181 = tpu.memref_squeeze %dma_wait3A_180 : memref<1x128x256xf32, #tpu.memory_space<vmem>> -> memref<128x256xf32, #tpu.memory_space<vmem>>
    %dma_wait3A_182 = arith.constant 0 : i32
    %dma_wait3A_183 = tpu.memref_slice %arg4[%add3A_115, %dma_wait3A_182] : memref<32768x256xf32, #tpu.memory_space<hbm>> -> memref<128x256xf32, #tpu.memory_space<hbm>>
    %dma_wait3A_184 = arith.constant 0 : i32
    %dma_wait3A_185 = tpu.memref_slice %arg4[%add3A_115, %dma_wait3A_184] : memref<32768x256xf32, #tpu.memory_space<hbm>> -> memref<128x256xf32, #tpu.memory_space<hbm>>
    %dma_wait3A_186 = arith.constant 0 : i32
    %dma_wait3A_187 = arith.constant 0 : i32
    %dma_wait3A_188 = tpu.memref_slice %arg6[%dma_wait3A_177, %dma_wait3A_186, %dma_wait3A_187] : memref<3x128x256xf32, #tpu.memory_space<vmem>> -> memref<1x128x256xf32, #tpu.memory_space<vmem>>
    %dma_wait3A_189 = tpu.memref_squeeze %dma_wait3A_188 : memref<1x128x256xf32, #tpu.memory_space<vmem>> -> memref<128x256xf32, #tpu.memory_space<vmem>>
    tpu.wait_dma2 semaphore(%arg12 : memref<!tpu.dma_semaphore, #tpu.memory_space<semaphore_mem>>) src(%dma_wait3A_189 : memref<128x256xf32, #tpu.memory_space<vmem>>) dst(%dma_wait3A_185 : memref<128x256xf32, #tpu.memory_space<hbm>>)
    %dma_start3A_190 = arith.constant 2 : i32
    %dma_start3A_191 = arith.constant 0 : i32
    %dma_start3A_192 = arith.constant 0 : i32
    %dma_start3A_193 = tpu.memref_slice %arg6[%dma_start3A_190, %dma_start3A_191, %dma_start3A_192] : memref<3x128x256xf32, #tpu.memory_space<vmem>> -> memref<1x128x256xf32, #tpu.memory_space<vmem>>
    %dma_start3A_194 = tpu.memref_squeeze %dma_start3A_193 : memref<1x128x256xf32, #tpu.memory_space<vmem>> -> memref<128x256xf32, #tpu.memory_space<vmem>>
    %dma_start3A_195 = arith.constant 640 : i32
    %dma_start3A_196 = tpu.memref_slice %arg5[%dma_start3A_195] : memref<1024xi32, #tpu.memory_space<vmem>> -> memref<128xi32, #tpu.memory_space<vmem>>
    %dma_start3A_197 = arith.constant 0 : i32
    %dma_start3A_198 = arith.constant 0 : i32
    %dma_start3A_199 = tpu.memref_slice %arg2[%dma_start3A_197, %dma_start3A_198] : memref<8192x256xf32, #tpu.memory_space<hbm>> -> memref<8192x256xf32, #tpu.memory_space<hbm>>
    tpu.enqueue_indirect_dma source(%dma_start3A_199 : memref<8192x256xf32, #tpu.memory_space<hbm>>) target(%dma_start3A_194 : memref<128x256xf32, #tpu.memory_space<vmem>>) offsets(%dma_start3A_196 : memref<128xi32, #tpu.memory_space<vmem>>) semaphore(%arg9 : memref<!tpu.dma_semaphore, #tpu.memory_space<semaphore_mem>>)
    %dma_wait3A_200 = arith.constant 1 : i32
    %dma_wait3A_201 = arith.constant 0 : i32
    %dma_wait3A_202 = arith.constant 0 : i32
    %dma_wait3A_203 = tpu.memref_slice %arg6[%dma_wait3A_200, %dma_wait3A_201, %dma_wait3A_202] : memref<3x128x256xf32, #tpu.memory_space<vmem>> -> memref<1x128x256xf32, #tpu.memory_space<vmem>>
    %dma_wait3A_204 = tpu.memref_squeeze %dma_wait3A_203 : memref<1x128x256xf32, #tpu.memory_space<vmem>> -> memref<128x256xf32, #tpu.memory_space<vmem>>
    %dma_wait3A_205 = arith.constant 512 : i32
    %dma_wait3A_206 = tpu.memref_slice %arg5[%dma_wait3A_205] : memref<1024xi32, #tpu.memory_space<vmem>> -> memref<128xi32, #tpu.memory_space<vmem>>
    %dma_wait3A_207 = arith.constant 0 : i32
    %dma_wait3A_208 = arith.constant 0 : i32
    %dma_wait3A_209 = tpu.memref_slice %arg2[%dma_wait3A_207, %dma_wait3A_208] : memref<8192x256xf32, #tpu.memory_space<hbm>> -> memref<8192x256xf32, #tpu.memory_space<hbm>>
    tpu.wait_indirect_dma semaphore(%arg8 : memref<!tpu.dma_semaphore, #tpu.memory_space<semaphore_mem>>) src(%dma_wait3A_209 : memref<8192x256xf32, #tpu.memory_space<hbm>>) dst(%dma_wait3A_204 : memref<128x256xf32, #tpu.memory_space<vmem>>)
    %add3A_210 = arith.constant 512 : i32
    %add3A_211 = arith.addi %mul3A_2, %add3A_210 : i32
    %dma_start3A_212 = arith.constant 1 : i32
    %dma_start3A_213 = arith.constant 0 : i32
    %dma_start3A_214 = arith.constant 0 : i32
    %dma_start3A_215 = tpu.memref_slice %arg6[%dma_start3A_212, %dma_start3A_213, %dma_start3A_214] : memref<3x128x256xf32, #tpu.memory_space<vmem>> -> memref<1x128x256xf32, #tpu.memory_space<vmem>>
    %dma_start3A_216 = tpu.memref_squeeze %dma_start3A_215 : memref<1x128x256xf32, #tpu.memory_space<vmem>> -> memref<128x256xf32, #tpu.memory_space<vmem>>
    %dma_start3A_217 = arith.constant 0 : i32
    %dma_start3A_218 = tpu.memref_slice %arg4[%add3A_211, %dma_start3A_217] : memref<32768x256xf32, #tpu.memory_space<hbm>> -> memref<128x256xf32, #tpu.memory_space<hbm>>
    %dma_start3A_219 = arith.constant 0 : i32
    %dma_start3A_220 = tpu.memref_slice %arg4[%add3A_211, %dma_start3A_219] : memref<32768x256xf32, #tpu.memory_space<hbm>> -> memref<128x256xf32, #tpu.memory_space<hbm>>
    %dma_start3A_221 = arith.constant 0 : i32
    %dma_start3A_222 = arith.constant 0 : i32
    %dma_start3A_223 = tpu.memref_slice %arg6[%dma_start3A_212, %dma_start3A_221, %dma_start3A_222] : memref<3x128x256xf32, #tpu.memory_space<vmem>> -> memref<1x128x256xf32, #tpu.memory_space<vmem>>
    %dma_start3A_224 = tpu.memref_squeeze %dma_start3A_223 : memref<1x128x256xf32, #tpu.memory_space<vmem>> -> memref<128x256xf32, #tpu.memory_space<vmem>>
    tpu.enqueue_dma source(%dma_start3A_224 : memref<128x256xf32, #tpu.memory_space<vmem>>) target(%dma_start3A_220 : memref<128x256xf32, #tpu.memory_space<hbm>>) target_semaphore(%arg11 : memref<!tpu.dma_semaphore, #tpu.memory_space<semaphore_mem>>)
    %dma_wait3A_225 = arith.constant 0 : i32
    %dma_wait3A_226 = arith.constant 0 : i32
    %dma_wait3A_227 = arith.constant 0 : i32
    %dma_wait3A_228 = tpu.memref_slice %arg6[%dma_wait3A_225, %dma_wait3A_226, %dma_wait3A_227] : memref<3x128x256xf32, #tpu.memory_space<vmem>> -> memref<1x128x256xf32, #tpu.memory_space<vmem>>
    %dma_wait3A_229 = tpu.memref_squeeze %dma_wait3A_228 : memref<1x128x256xf32, #tpu.memory_space<vmem>> -> memref<128x256xf32, #tpu.memory_space<vmem>>
    %dma_wait3A_230 = arith.constant 0 : i32
    %dma_wait3A_231 = tpu.memref_slice %arg4[%add3A_163, %dma_wait3A_230] : memref<32768x256xf32, #tpu.memory_space<hbm>> -> memref<128x256xf32, #tpu.memory_space<hbm>>
    %dma_wait3A_232 = arith.constant 0 : i32
    %dma_wait3A_233 = tpu.memref_slice %arg4[%add3A_163, %dma_wait3A_232] : memref<32768x256xf32, #tpu.memory_space<hbm>> -> memref<128x256xf32, #tpu.memory_space<hbm>>
    %dma_wait3A_234 = arith.constant 0 : i32
    %dma_wait3A_235 = arith.constant 0 : i32
    %dma_wait3A_236 = tpu.memref_slice %arg6[%dma_wait3A_225, %dma_wait3A_234, %dma_wait3A_235] : memref<3x128x256xf32, #tpu.memory_space<vmem>> -> memref<1x128x256xf32, #tpu.memory_space<vmem>>
    %dma_wait3A_237 = tpu.memref_squeeze %dma_wait3A_236 : memref<1x128x256xf32, #tpu.memory_space<vmem>> -> memref<128x256xf32, #tpu.memory_space<vmem>>
    tpu.wait_dma2 semaphore(%arg10 : memref<!tpu.dma_semaphore, #tpu.memory_space<semaphore_mem>>) src(%dma_wait3A_237 : memref<128x256xf32, #tpu.memory_space<vmem>>) dst(%dma_wait3A_233 : memref<128x256xf32, #tpu.memory_space<hbm>>)
    %dma_start3A_238 = arith.constant 0 : i32
    %dma_start3A_239 = arith.constant 0 : i32
    %dma_start3A_240 = arith.constant 0 : i32
    %dma_start3A_241 = tpu.memref_slice %arg6[%dma_start3A_238, %dma_start3A_239, %dma_start3A_240] : memref<3x128x256xf32, #tpu.memory_space<vmem>> -> memref<1x128x256xf32, #tpu.memory_space<vmem>>
    %dma_start3A_242 = tpu.memref_squeeze %dma_start3A_241 : memref<1x128x256xf32, #tpu.memory_space<vmem>> -> memref<128x256xf32, #tpu.memory_space<vmem>>
    %dma_start3A_243 = arith.constant 768 : i32
    %dma_start3A_244 = tpu.memref_slice %arg5[%dma_start3A_243] : memref<1024xi32, #tpu.memory_space<vmem>> -> memref<128xi32, #tpu.memory_space<vmem>>
    %dma_start3A_245 = arith.constant 0 : i32
    %dma_start3A_246 = arith.constant 0 : i32
    %dma_start3A_247 = tpu.memref_slice %arg2[%dma_start3A_245, %dma_start3A_246] : memref<8192x256xf32, #tpu.memory_space<hbm>> -> memref<8192x256xf32, #tpu.memory_space<hbm>>
    tpu.enqueue_indirect_dma source(%dma_start3A_247 : memref<8192x256xf32, #tpu.memory_space<hbm>>) target(%dma_start3A_242 : memref<128x256xf32, #tpu.memory_space<vmem>>) offsets(%dma_start3A_244 : memref<128xi32, #tpu.memory_space<vmem>>) semaphore(%arg7 : memref<!tpu.dma_semaphore, #tpu.memory_space<semaphore_mem>>)
    %dma_wait3A_248 = arith.constant 2 : i32
    %dma_wait3A_249 = arith.constant 0 : i32
    %dma_wait3A_250 = arith.constant 0 : i32
    %dma_wait3A_251 = tpu.memref_slice %arg6[%dma_wait3A_248, %dma_wait3A_249, %dma_wait3A_250] : memref<3x128x256xf32, #tpu.memory_space<vmem>> -> memref<1x128x256xf32, #tpu.memory_space<vmem>>
    %dma_wait3A_252 = tpu.memref_squeeze %dma_wait3A_251 : memref<1x128x256xf32, #tpu.memory_space<vmem>> -> memref<128x256xf32, #tpu.memory_space<vmem>>
    %dma_wait3A_253 = arith.constant 640 : i32
    %dma_wait3A_254 = tpu.memref_slice %arg5[%dma_wait3A_253] : memref<1024xi32, #tpu.memory_space<vmem>> -> memref<128xi32, #tpu.memory_space<vmem>>
    %dma_wait3A_255 = arith.constant 0 : i32
    %dma_wait3A_256 = arith.constant 0 : i32
    %dma_wait3A_257 = tpu.memref_slice %arg2[%dma_wait3A_255, %dma_wait3A_256] : memref<8192x256xf32, #tpu.memory_space<hbm>> -> memref<8192x256xf32, #tpu.memory_space<hbm>>
    tpu.wait_indirect_dma semaphore(%arg9 : memref<!tpu.dma_semaphore, #tpu.memory_space<semaphore_mem>>) src(%dma_wait3A_257 : memref<8192x256xf32, #tpu.memory_space<hbm>>) dst(%dma_wait3A_252 : memref<128x256xf32, #tpu.memory_space<vmem>>)
    %add3A_258 = arith.constant 640 : i32
    %add3A_259 = arith.addi %mul3A_2, %add3A_258 : i32
    %dma_start3A_260 = arith.constant 2 : i32
    %dma_start3A_261 = arith.constant 0 : i32
    %dma_start3A_262 = arith.constant 0 : i32
    %dma_start3A_263 = tpu.memref_slice %arg6[%dma_start3A_260, %dma_start3A_261, %dma_start3A_262] : memref<3x128x256xf32, #tpu.memory_space<vmem>> -> memref<1x128x256xf32, #tpu.memory_space<vmem>>
    %dma_start3A_264 = tpu.memref_squeeze %dma_start3A_263 : memref<1x128x256xf32, #tpu.memory_space<vmem>> -> memref<128x256xf32, #tpu.memory_space<vmem>>
    %dma_start3A_265 = arith.constant 0 : i32
    %dma_start3A_266 = tpu.memref_slice %arg4[%add3A_259, %dma_start3A_265] : memref<32768x256xf32, #tpu.memory_space<hbm>> -> memref<128x256xf32, #tpu.memory_space<hbm>>
    %dma_start3A_267 = arith.constant 0 : i32
    %dma_start3A_268 = tpu.memref_slice %arg4[%add3A_259, %dma_start3A_267] : memref<32768x256xf32, #tpu.memory_space<hbm>> -> memref<128x256xf32, #tpu.memory_space<hbm>>
    %dma_start3A_269 = arith.constant 0 : i32
    %dma_start3A_270 = arith.constant 0 : i32
    %dma_start3A_271 = tpu.memref_slice %arg6[%dma_start3A_260, %dma_start3A_269, %dma_start3A_270] : memref<3x128x256xf32, #tpu.memory_space<vmem>> -> memref<1x128x256xf32, #tpu.memory_space<vmem>>
    %dma_start3A_272 = tpu.memref_squeeze %dma_start3A_271 : memref<1x128x256xf32, #tpu.memory_space<vmem>> -> memref<128x256xf32, #tpu.memory_space<vmem>>
    tpu.enqueue_dma source(%dma_start3A_272 : memref<128x256xf32, #tpu.memory_space<vmem>>) target(%dma_start3A_268 : memref<128x256xf32, #tpu.memory_space<hbm>>) target_semaphore(%arg12 : memref<!tpu.dma_semaphore, #tpu.memory_space<semaphore_mem>>)
    %dma_wait3A_273 = arith.constant 1 : i32
    %dma_wait3A_274 = arith.constant 0 : i32
    %dma_wait3A_275 = arith.constant 0 : i32
    %dma_wait3A_276 = tpu.memref_slice %arg6[%dma_wait3A_273, %dma_wait3A_274, %dma_wait3A_275] : memref<3x128x256xf32, #tpu.memory_space<vmem>> -> memref<1x128x256xf32, #tpu.memory_space<vmem>>
    %dma_wait3A_277 = tpu.memref_squeeze %dma_wait3A_276 : memref<1x128x256xf32, #tpu.memory_space<vmem>> -> memref<128x256xf32, #tpu.memory_space<vmem>>
    %dma_wait3A_278 = arith.constant 0 : i32
    %dma_wait3A_279 = tpu.memref_slice %arg4[%add3A_211, %dma_wait3A_278] : memref<32768x256xf32, #tpu.memory_space<hbm>> -> memref<128x256xf32, #tpu.memory_space<hbm>>
    %dma_wait3A_280 = arith.constant 0 : i32
    %dma_wait3A_281 = tpu.memref_slice %arg4[%add3A_211, %dma_wait3A_280] : memref<32768x256xf32, #tpu.memory_space<hbm>> -> memref<128x256xf32, #tpu.memory_space<hbm>>
    %dma_wait3A_282 = arith.constant 0 : i32
    %dma_wait3A_283 = arith.constant 0 : i32
    %dma_wait3A_284 = tpu.memref_slice %arg6[%dma_wait3A_273, %dma_wait3A_282, %dma_wait3A_283] : memref<3x128x256xf32, #tpu.memory_space<vmem>> -> memref<1x128x256xf32, #tpu.memory_space<vmem>>
    %dma_wait3A_285 = tpu.memref_squeeze %dma_wait3A_284 : memref<1x128x256xf32, #tpu.memory_space<vmem>> -> memref<128x256xf32, #tpu.memory_space<vmem>>
    tpu.wait_dma2 semaphore(%arg11 : memref<!tpu.dma_semaphore, #tpu.memory_space<semaphore_mem>>) src(%dma_wait3A_285 : memref<128x256xf32, #tpu.memory_space<vmem>>) dst(%dma_wait3A_281 : memref<128x256xf32, #tpu.memory_space<hbm>>)
    %dma_start3A_286 = arith.constant 1 : i32
    %dma_start3A_287 = arith.constant 0 : i32
    %dma_start3A_288 = arith.constant 0 : i32
    %dma_start3A_289 = tpu.memref_slice %arg6[%dma_start3A_286, %dma_start3A_287, %dma_start3A_288] : memref<3x128x256xf32, #tpu.memory_space<vmem>> -> memref<1x128x256xf32, #tpu.memory_space<vmem>>
    %dma_start3A_290 = tpu.memref_squeeze %dma_start3A_289 : memref<1x128x256xf32, #tpu.memory_space<vmem>> -> memref<128x256xf32, #tpu.memory_space<vmem>>
    %dma_start3A_291 = arith.constant 896 : i32
    %dma_start3A_292 = tpu.memref_slice %arg5[%dma_start3A_291] : memref<1024xi32, #tpu.memory_space<vmem>> -> memref<128xi32, #tpu.memory_space<vmem>>
    %dma_start3A_293 = arith.constant 0 : i32
    %dma_start3A_294 = arith.constant 0 : i32
    %dma_start3A_295 = tpu.memref_slice %arg2[%dma_start3A_293, %dma_start3A_294] : memref<8192x256xf32, #tpu.memory_space<hbm>> -> memref<8192x256xf32, #tpu.memory_space<hbm>>
    tpu.enqueue_indirect_dma source(%dma_start3A_295 : memref<8192x256xf32, #tpu.memory_space<hbm>>) target(%dma_start3A_290 : memref<128x256xf32, #tpu.memory_space<vmem>>) offsets(%dma_start3A_292 : memref<128xi32, #tpu.memory_space<vmem>>) semaphore(%arg8 : memref<!tpu.dma_semaphore, #tpu.memory_space<semaphore_mem>>)
    %dma_wait3A_296 = arith.constant 0 : i32
    %dma_wait3A_297 = arith.constant 0 : i32
    %dma_wait3A_298 = arith.constant 0 : i32
    %dma_wait3A_299 = tpu.memref_slice %arg6[%dma_wait3A_296, %dma_wait3A_297, %dma_wait3A_298] : memref<3x128x256xf32, #tpu.memory_space<vmem>> -> memref<1x128x256xf32, #tpu.memory_space<vmem>>
    %dma_wait3A_300 = tpu.memref_squeeze %dma_wait3A_299 : memref<1x128x256xf32, #tpu.memory_space<vmem>> -> memref<128x256xf32, #tpu.memory_space<vmem>>
    %dma_wait3A_301 = arith.constant 768 : i32
    %dma_wait3A_302 = tpu.memref_slice %arg5[%dma_wait3A_301] : memref<1024xi32, #tpu.memory_space<vmem>> -> memref<128xi32, #tpu.memory_space<vmem>>
    %dma_wait3A_303 = arith.constant 0 : i32
    %dma_wait3A_304 = arith.constant 0 : i32
    %dma_wait3A_305 = tpu.memref_slice %arg2[%dma_wait3A_303, %dma_wait3A_304] : memref<8192x256xf32, #tpu.memory_space<hbm>> -> memref<8192x256xf32, #tpu.memory_space<hbm>>
    tpu.wait_indirect_dma semaphore(%arg7 : memref<!tpu.dma_semaphore, #tpu.memory_space<semaphore_mem>>) src(%dma_wait3A_305 : memref<8192x256xf32, #tpu.memory_space<hbm>>) dst(%dma_wait3A_300 : memref<128x256xf32, #tpu.memory_space<vmem>>)
    %add3A_306 = arith.constant 768 : i32
    %add3A_307 = arith.addi %mul3A_2, %add3A_306 : i32
    %dma_start3A_308 = arith.constant 0 : i32
    %dma_start3A_309 = arith.constant 0 : i32
    %dma_start3A_310 = arith.constant 0 : i32
    %dma_start3A_311 = tpu.memref_slice %arg6[%dma_start3A_308, %dma_start3A_309, %dma_start3A_310] : memref<3x128x256xf32, #tpu.memory_space<vmem>> -> memref<1x128x256xf32, #tpu.memory_space<vmem>>
    %dma_start3A_312 = tpu.memref_squeeze %dma_start3A_311 : memref<1x128x256xf32, #tpu.memory_space<vmem>> -> memref<128x256xf32, #tpu.memory_space<vmem>>
    %dma_start3A_313 = arith.constant 0 : i32
    %dma_start3A_314 = tpu.memref_slice %arg4[%add3A_307, %dma_start3A_313] : memref<32768x256xf32, #tpu.memory_space<hbm>> -> memref<128x256xf32, #tpu.memory_space<hbm>>
    %dma_start3A_315 = arith.constant 0 : i32
    %dma_start3A_316 = tpu.memref_slice %arg4[%add3A_307, %dma_start3A_315] : memref<32768x256xf32, #tpu.memory_space<hbm>> -> memref<128x256xf32, #tpu.memory_space<hbm>>
    %dma_start3A_317 = arith.constant 0 : i32
    %dma_start3A_318 = arith.constant 0 : i32
    %dma_start3A_319 = tpu.memref_slice %arg6[%dma_start3A_308, %dma_start3A_317, %dma_start3A_318] : memref<3x128x256xf32, #tpu.memory_space<vmem>> -> memref<1x128x256xf32, #tpu.memory_space<vmem>>
    %dma_start3A_320 = tpu.memref_squeeze %dma_start3A_319 : memref<1x128x256xf32, #tpu.memory_space<vmem>> -> memref<128x256xf32, #tpu.memory_space<vmem>>
    tpu.enqueue_dma source(%dma_start3A_320 : memref<128x256xf32, #tpu.memory_space<vmem>>) target(%dma_start3A_316 : memref<128x256xf32, #tpu.memory_space<hbm>>) target_semaphore(%arg10 : memref<!tpu.dma_semaphore, #tpu.memory_space<semaphore_mem>>)
    %dma_wait3A_321 = arith.constant 1 : i32
    %dma_wait3A_322 = arith.constant 0 : i32
    %dma_wait3A_323 = arith.constant 0 : i32
    %dma_wait3A_324 = tpu.memref_slice %arg6[%dma_wait3A_321, %dma_wait3A_322, %dma_wait3A_323] : memref<3x128x256xf32, #tpu.memory_space<vmem>> -> memref<1x128x256xf32, #tpu.memory_space<vmem>>
    %dma_wait3A_325 = tpu.memref_squeeze %dma_wait3A_324 : memref<1x128x256xf32, #tpu.memory_space<vmem>> -> memref<128x256xf32, #tpu.memory_space<vmem>>
    %dma_wait3A_326 = arith.constant 896 : i32
    %dma_wait3A_327 = tpu.memref_slice %arg5[%dma_wait3A_326] : memref<1024xi32, #tpu.memory_space<vmem>> -> memref<128xi32, #tpu.memory_space<vmem>>
    %dma_wait3A_328 = arith.constant 0 : i32
    %dma_wait3A_329 = arith.constant 0 : i32
    %dma_wait3A_330 = tpu.memref_slice %arg2[%dma_wait3A_328, %dma_wait3A_329] : memref<8192x256xf32, #tpu.memory_space<hbm>> -> memref<8192x256xf32, #tpu.memory_space<hbm>>
    tpu.wait_indirect_dma semaphore(%arg8 : memref<!tpu.dma_semaphore, #tpu.memory_space<semaphore_mem>>) src(%dma_wait3A_330 : memref<8192x256xf32, #tpu.memory_space<hbm>>) dst(%dma_wait3A_325 : memref<128x256xf32, #tpu.memory_space<vmem>>)
    %add3A_331 = arith.constant 896 : i32
    %add3A_332 = arith.addi %mul3A_2, %add3A_331 : i32
    %dma_start3A_333 = arith.constant 1 : i32
    %dma_start3A_334 = arith.constant 0 : i32
    %dma_start3A_335 = arith.constant 0 : i32
    %dma_start3A_336 = tpu.memref_slice %arg6[%dma_start3A_333, %dma_start3A_334, %dma_start3A_335] : memref<3x128x256xf32, #tpu.memory_space<vmem>> -> memref<1x128x256xf32, #tpu.memory_space<vmem>>
    %dma_start3A_337 = tpu.memref_squeeze %dma_start3A_336 : memref<1x128x256xf32, #tpu.memory_space<vmem>> -> memref<128x256xf32, #tpu.memory_space<vmem>>
    %dma_start3A_338 = arith.constant 0 : i32
    %dma_start3A_339 = tpu.memref_slice %arg4[%add3A_332, %dma_start3A_338] : memref<32768x256xf32, #tpu.memory_space<hbm>> -> memref<128x256xf32, #tpu.memory_space<hbm>>
    %dma_start3A_340 = arith.constant 0 : i32
    %dma_start3A_341 = tpu.memref_slice %arg4[%add3A_332, %dma_start3A_340] : memref<32768x256xf32, #tpu.memory_space<hbm>> -> memref<128x256xf32, #tpu.memory_space<hbm>>
    %dma_start3A_342 = arith.constant 0 : i32
    %dma_start3A_343 = arith.constant 0 : i32
    %dma_start3A_344 = tpu.memref_slice %arg6[%dma_start3A_333, %dma_start3A_342, %dma_start3A_343] : memref<3x128x256xf32, #tpu.memory_space<vmem>> -> memref<1x128x256xf32, #tpu.memory_space<vmem>>
    %dma_start3A_345 = tpu.memref_squeeze %dma_start3A_344 : memref<1x128x256xf32, #tpu.memory_space<vmem>> -> memref<128x256xf32, #tpu.memory_space<vmem>>
    tpu.enqueue_dma source(%dma_start3A_345 : memref<128x256xf32, #tpu.memory_space<vmem>>) target(%dma_start3A_341 : memref<128x256xf32, #tpu.memory_space<hbm>>) target_semaphore(%arg11 : memref<!tpu.dma_semaphore, #tpu.memory_space<semaphore_mem>>)
    %dma_wait3A_346 = arith.constant 2 : i32
    %dma_wait3A_347 = arith.constant 0 : i32
    %dma_wait3A_348 = arith.constant 0 : i32
    %dma_wait3A_349 = tpu.memref_slice %arg6[%dma_wait3A_346, %dma_wait3A_347, %dma_wait3A_348] : memref<3x128x256xf32, #tpu.memory_space<vmem>> -> memref<1x128x256xf32, #tpu.memory_space<vmem>>
    %dma_wait3A_350 = tpu.memref_squeeze %dma_wait3A_349 : memref<1x128x256xf32, #tpu.memory_space<vmem>> -> memref<128x256xf32, #tpu.memory_space<vmem>>
    %dma_wait3A_351 = arith.constant 0 : i32
    %dma_wait3A_352 = tpu.memref_slice %arg4[%add3A_259, %dma_wait3A_351] : memref<32768x256xf32, #tpu.memory_space<hbm>> -> memref<128x256xf32, #tpu.memory_space<hbm>>
    %dma_wait3A_353 = arith.constant 0 : i32
    %dma_wait3A_354 = tpu.memref_slice %arg4[%add3A_259, %dma_wait3A_353] : memref<32768x256xf32, #tpu.memory_space<hbm>> -> memref<128x256xf32, #tpu.memory_space<hbm>>
    %dma_wait3A_355 = arith.constant 0 : i32
    %dma_wait3A_356 = arith.constant 0 : i32
    %dma_wait3A_357 = tpu.memref_slice %arg6[%dma_wait3A_346, %dma_wait3A_355, %dma_wait3A_356] : memref<3x128x256xf32, #tpu.memory_space<vmem>> -> memref<1x128x256xf32, #tpu.memory_space<vmem>>
    %dma_wait3A_358 = tpu.memref_squeeze %dma_wait3A_357 : memref<1x128x256xf32, #tpu.memory_space<vmem>> -> memref<128x256xf32, #tpu.memory_space<vmem>>
    tpu.wait_dma2 semaphore(%arg12 : memref<!tpu.dma_semaphore, #tpu.memory_space<semaphore_mem>>) src(%dma_wait3A_358 : memref<128x256xf32, #tpu.memory_space<vmem>>) dst(%dma_wait3A_354 : memref<128x256xf32, #tpu.memory_space<hbm>>)
    %dma_wait3A_359 = arith.constant 0 : i32
    %dma_wait3A_360 = arith.constant 0 : i32
    %dma_wait3A_361 = arith.constant 0 : i32
    %dma_wait3A_362 = tpu.memref_slice %arg6[%dma_wait3A_359, %dma_wait3A_360, %dma_wait3A_361] : memref<3x128x256xf32, #tpu.memory_space<vmem>> -> memref<1x128x256xf32, #tpu.memory_space<vmem>>
    %dma_wait3A_363 = tpu.memref_squeeze %dma_wait3A_362 : memref<1x128x256xf32, #tpu.memory_space<vmem>> -> memref<128x256xf32, #tpu.memory_space<vmem>>
    %dma_wait3A_364 = arith.constant 0 : i32
    %dma_wait3A_365 = tpu.memref_slice %arg4[%add3A_307, %dma_wait3A_364] : memref<32768x256xf32, #tpu.memory_space<hbm>> -> memref<128x256xf32, #tpu.memory_space<hbm>>
    %dma_wait3A_366 = arith.constant 0 : i32
    %dma_wait3A_367 = tpu.memref_slice %arg4[%add3A_307, %dma_wait3A_366] : memref<32768x256xf32, #tpu.memory_space<hbm>> -> memref<128x256xf32, #tpu.memory_space<hbm>>
    %dma_wait3A_368 = arith.constant 0 : i32
    %dma_wait3A_369 = arith.constant 0 : i32
    %dma_wait3A_370 = tpu.memref_slice %arg6[%dma_wait3A_359, %dma_wait3A_368, %dma_wait3A_369] : memref<3x128x256xf32, #tpu.memory_space<vmem>> -> memref<1x128x256xf32, #tpu.memory_space<vmem>>
    %dma_wait3A_371 = tpu.memref_squeeze %dma_wait3A_370 : memref<1x128x256xf32, #tpu.memory_space<vmem>> -> memref<128x256xf32, #tpu.memory_space<vmem>>
    tpu.wait_dma2 semaphore(%arg10 : memref<!tpu.dma_semaphore, #tpu.memory_space<semaphore_mem>>) src(%dma_wait3A_371 : memref<128x256xf32, #tpu.memory_space<vmem>>) dst(%dma_wait3A_367 : memref<128x256xf32, #tpu.memory_space<hbm>>)
    %dma_wait3A_372 = arith.constant 1 : i32
    %dma_wait3A_373 = arith.constant 0 : i32
    %dma_wait3A_374 = arith.constant 0 : i32
    %dma_wait3A_375 = tpu.memref_slice %arg6[%dma_wait3A_372, %dma_wait3A_373, %dma_wait3A_374] : memref<3x128x256xf32, #tpu.memory_space<vmem>> -> memref<1x128x256xf32, #tpu.memory_space<vmem>>
    %dma_wait3A_376 = tpu.memref_squeeze %dma_wait3A_375 : memref<1x128x256xf32, #tpu.memory_space<vmem>> -> memref<128x256xf32, #tpu.memory_space<vmem>>
    %dma_wait3A_377 = arith.constant 0 : i32
    %dma_wait3A_378 = tpu.memref_slice %arg4[%add3A_332, %dma_wait3A_377] : memref<32768x256xf32, #tpu.memory_space<hbm>> -> memref<128x256xf32, #tpu.memory_space<hbm>>
    %dma_wait3A_379 = arith.constant 0 : i32
    %dma_wait3A_380 = tpu.memref_slice %arg4[%add3A_332, %dma_wait3A_379] : memref<32768x256xf32, #tpu.memory_space<hbm>> -> memref<128x256xf32, #tpu.memory_space<hbm>>
    %dma_wait3A_381 = arith.constant 0 : i32
    %dma_wait3A_382 = arith.constant 0 : i32
    %dma_wait3A_383 = tpu.memref_slice %arg6[%dma_wait3A_372, %dma_wait3A_381, %dma_wait3A_382] : memref<3x128x256xf32, #tpu.memory_space<vmem>> -> memref<1x128x256xf32, #tpu.memory_space<vmem>>
    %dma_wait3A_384 = tpu.memref_squeeze %dma_wait3A_383 : memref<1x128x256xf32, #tpu.memory_space<vmem>> -> memref<128x256xf32, #tpu.memory_space<vmem>>
    tpu.wait_dma2 semaphore(%arg11 : memref<!tpu.dma_semaphore, #tpu.memory_space<semaphore_mem>>) src(%dma_wait3A_384 : memref<128x256xf32, #tpu.memory_space<vmem>>) dst(%dma_wait3A_380 : memref<128x256xf32, #tpu.memory_space<hbm>>)
    return
  }
}

#map = affine_map<(d0, d1) -> (0, 0)>
module attributes {stable_mosaic.version = 14 : i64} {
  func.func @sc_argmin(%arg0: i32, %arg1: i32, %arg2: memref<3x8192xf32, #tpu.memory_space<hbm>>, %arg3: memref<3x139264xf32, #tpu.memory_space<hbm>>, %arg4: memref<8704x16xf32, #tpu.memory_space<hbm>>, %arg5: memref<8704x16xi32, #tpu.memory_space<hbm>>, %arg6: memref<3x8192xf32, #tpu.memory_space<vmem>>, %arg7: memref<3x4352xf32, #tpu.memory_space<vmem>>, %arg8: memref<272x16xf32, #tpu.memory_space<vmem>>, %arg9: memref<272x16xi32, #tpu.memory_space<vmem>>) attributes {dimension_semantics = [#tpu.dimension_semantics<core_parallel>, #tpu.dimension_semantics<subcore_parallel>], iteration_bounds = array<i64: 2, 16>, scalar_prefetch = 0 : i64, scratch_operands = 4 : i64, tpu.core_type = #tpu.core_type<sc_vector_subcore>, window_params = [{transform_indices = #map}, {transform_indices = #map}, {transform_indices = #map}, {transform_indices = #map}]} {
    %mul3A = arith.constant 2 : i32
    %mul3A_0 = arith.muli %arg1, %mul3A : i32
    %add3A = arith.addi %mul3A_0, %arg0 : i32
    %mul3A_1 = arith.constant 272 : i32
    %mul3A_2 = arith.muli %add3A, %mul3A_1 : i32
    "tpu.region"() ({
      %run_scoped3A = tpu.sem_alloc : memref<!tpu.dma_semaphore, #tpu.memory_space<semaphore_mem>>
      tpu.enqueue_dma source(%arg2 : memref<3x8192xf32, #tpu.memory_space<hbm>>) target(%arg6 : memref<3x8192xf32, #tpu.memory_space<vmem>>) target_semaphore(%run_scoped3A : memref<!tpu.dma_semaphore, #tpu.memory_space<semaphore_mem>>)
      tpu.wait_dma2 semaphore(%run_scoped3A : memref<!tpu.dma_semaphore, #tpu.memory_space<semaphore_mem>>) src(%arg2 : memref<3x8192xf32, #tpu.memory_space<hbm>>) dst(%arg6 : memref<3x8192xf32, #tpu.memory_space<vmem>>)
      tpu.yield
    }) : () -> ()
    %mul3A_3 = arith.constant 16 : i32
    %mul3A_4 = arith.muli %mul3A_2, %mul3A_3 : i32
    "tpu.region"() ({
      %run_scoped3A = tpu.sem_alloc : memref<!tpu.dma_semaphore, #tpu.memory_space<semaphore_mem>>
      %dma_start3A = arith.constant 0 : i32
      %dma_start3A_13 = tpu.memref_slice %arg3[%dma_start3A, %mul3A_4] : memref<3x139264xf32, #tpu.memory_space<hbm>> -> memref<3x4352xf32, #tpu.memory_space<hbm>>
      %dma_start3A_14 = arith.constant 0 : i32
      %dma_start3A_15 = tpu.memref_slice %arg3[%dma_start3A_14, %mul3A_4] : memref<3x139264xf32, #tpu.memory_space<hbm>> -> memref<3x4352xf32, #tpu.memory_space<hbm>>
      tpu.enqueue_dma source(%dma_start3A_15 : memref<3x4352xf32, #tpu.memory_space<hbm>>) target(%arg7 : memref<3x4352xf32, #tpu.memory_space<vmem>>) target_semaphore(%run_scoped3A : memref<!tpu.dma_semaphore, #tpu.memory_space<semaphore_mem>>)
      %dma_wait3A = arith.constant 0 : i32
      %dma_wait3A_16 = tpu.memref_slice %arg3[%dma_wait3A, %mul3A_4] : memref<3x139264xf32, #tpu.memory_space<hbm>> -> memref<3x4352xf32, #tpu.memory_space<hbm>>
      %dma_wait3A_17 = arith.constant 0 : i32
      %dma_wait3A_18 = tpu.memref_slice %arg3[%dma_wait3A_17, %mul3A_4] : memref<3x139264xf32, #tpu.memory_space<hbm>> -> memref<3x4352xf32, #tpu.memory_space<hbm>>
      tpu.wait_dma2 semaphore(%run_scoped3A : memref<!tpu.dma_semaphore, #tpu.memory_space<semaphore_mem>>) src(%dma_wait3A_18 : memref<3x4352xf32, #tpu.memory_space<hbm>>) dst(%arg7 : memref<3x4352xf32, #tpu.memory_space<vmem>>)
      tpu.yield
    }) : () -> ()
    %broadcast_in_dim3A = arith.constant 0x7F800000 : f32
    %broadcast_in_dim3A_5 = vector.broadcast %broadcast_in_dim3A : f32 to vector<16xf32>
    %broadcast_in_dim3A_6 = arith.constant 0 : i32
    %broadcast_in_dim3A_7 = vector.broadcast %broadcast_in_dim3A_6 : i32 to vector<16xi32>
    %scan3A = arith.constant 0 : i32
    %scan3A_8 = arith.constant 0 : i32
    %scan3A_9 = arith.constant 272 : i32
    %scan3A_10 = arith.addi %scan3A_8, %scan3A_9 : i32
    %scan3A_11 = arith.constant 1 : i32
    scf.for %scan3A_13 = %scan3A_8 to %scan3A_10 step %scan3A_11  : i32 {
      %mul3A_14 = arith.constant 16 : i32
      %mul3A_15 = arith.muli %scan3A_13, %mul3A_14 : i32
      %get3A = arith.constant 0 : i32
      %get3A_16 = arith.index_cast %get3A : i32 to index
      %get3A_17 = arith.index_cast %mul3A_15 : i32 to index
      %get3A_18 = tpu.vector_load %arg7[%get3A_16, %get3A_17] {strides = array<i32>} : memref<3x4352xf32, #tpu.memory_space<vmem>>, vector<1x16xf32>,
      %get3A_19 = vector.shape_cast %get3A_18 : vector<1x16xf32> to vector<16xf32>
      %mul3A_20 = arith.constant 16 : i32
      %mul3A_21 = arith.muli %scan3A_13, %mul3A_20 : i32
      %get3A_22 = arith.constant 1 : i32
      %get3A_23 = arith.index_cast %get3A_22 : i32 to index
      %get3A_24 = arith.index_cast %mul3A_21 : i32 to index
      %get3A_25 = tpu.vector_load %arg7[%get3A_23, %get3A_24] {strides = array<i32>} : memref<3x4352xf32, #tpu.memory_space<vmem>>, vector<1x16xf32>,
      %get3A_26 = vector.shape_cast %get3A_25 : vector<1x16xf32> to vector<16xf32>
      %mul3A_27 = arith.constant 16 : i32
      %mul3A_28 = arith.muli %scan3A_13, %mul3A_27 : i32
      %get3A_29 = arith.constant 2 : i32
      %get3A_30 = arith.index_cast %get3A_29 : i32 to index
      %get3A_31 = arith.index_cast %mul3A_28 : i32 to index
      %get3A_32 = tpu.vector_load %arg7[%get3A_30, %get3A_31] {strides = array<i32>} : memref<3x4352xf32, #tpu.memory_space<vmem>>, vector<1x16xf32>,
      %get3A_33 = vector.shape_cast %get3A_32 : vector<1x16xf32> to vector<16xf32>
      %scan3A_34 = arith.constant 0 : i32
      %scan3A_35 = arith.constant 512 : i32
      %scan3A_36 = arith.addi %scan3A_34, %scan3A_35 : i32
      %scan3A_37 = arith.constant 8 : i32
      %scan3A_38:2 = scf.for %scan3A_49 = %scan3A_34 to %scan3A_36 step %scan3A_37 iter_args(%scan3A_50 = %broadcast_in_dim3A_5, %scan3A_51 = %broadcast_in_dim3A_7) -> (vector<16xf32>, vector<16xi32>)  : i32 {
        %mul3A_52 = arith.constant 16 : i32
        %mul3A_53 = arith.muli %scan3A_49, %mul3A_52 : i32
        %get3A_54 = arith.constant 0 : i32
        %get3A_55 = arith.index_cast %get3A_54 : i32 to index
        %get3A_56 = arith.index_cast %mul3A_53 : i32 to index
        %get3A_57 = tpu.vector_load %arg6[%get3A_55, %get3A_56] {strides = array<i32>} : memref<3x8192xf32, #tpu.memory_space<vmem>>, vector<1x16xf32>,
        %get3A_58 = vector.shape_cast %get3A_57 : vector<1x16xf32> to vector<16xf32>
        %mul3A_59 = arith.constant 16 : i32
        %mul3A_60 = arith.muli %scan3A_49, %mul3A_59 : i32
        %get3A_61 = arith.constant 1 : i32
        %get3A_62 = arith.index_cast %get3A_61 : i32 to index
        %get3A_63 = arith.index_cast %mul3A_60 : i32 to index
        %get3A_64 = tpu.vector_load %arg6[%get3A_62, %get3A_63] {strides = array<i32>} : memref<3x8192xf32, #tpu.memory_space<vmem>>, vector<1x16xf32>,
        %get3A_65 = vector.shape_cast %get3A_64 : vector<1x16xf32> to vector<16xf32>
        %mul3A_66 = arith.constant 16 : i32
        %mul3A_67 = arith.muli %scan3A_49, %mul3A_66 : i32
        %get3A_68 = arith.constant 2 : i32
        %get3A_69 = arith.index_cast %get3A_68 : i32 to index
        %get3A_70 = arith.index_cast %mul3A_67 : i32 to index
        %get3A_71 = tpu.vector_load %arg6[%get3A_69, %get3A_70] {strides = array<i32>} : memref<3x8192xf32, #tpu.memory_space<vmem>>, vector<1x16xf32>,
        %get3A_72 = vector.shape_cast %get3A_71 : vector<1x16xf32> to vector<16xf32>
        %sub3A = arith.subf %get3A_19, %get3A_58 : vector<16xf32>
        %sub3A_73 = arith.subf %get3A_26, %get3A_65 : vector<16xf32>
        %sub3A_74 = arith.subf %get3A_33, %get3A_72 : vector<16xf32>
        %mul3A_75 = arith.mulf %sub3A, %sub3A : vector<16xf32>
        %mul3A_76 = arith.mulf %sub3A_73, %sub3A_73 : vector<16xf32>
        %add3A_77 = arith.addf %mul3A_75, %mul3A_76 : vector<16xf32>
        %mul3A_78 = arith.mulf %sub3A_74, %sub3A_74 : vector<16xf32>
        %add3A_79 = arith.addf %add3A_77, %mul3A_78 : vector<16xf32>
        %lt3A = arith.cmpf olt, %add3A_79, %scan3A_50 : vector<16xf32>
        %select_n3A = arith.select %lt3A, %add3A_79, %scan3A_50 : vector<16xi1>, vector<16xf32>
        %broadcast_in_dim3A_80 = vector.broadcast %scan3A_49 : i32 to vector<16xi32>
        %select_n3A_81 = arith.select %lt3A, %broadcast_in_dim3A_80, %scan3A_51 : vector<16xi1>, vector<16xi32>
        %scan3A_82 = arith.constant 1 : i32
        %scan3A_83 = arith.addi %scan3A_49, %scan3A_82 : i32
        %mul3A_84 = arith.constant 16 : i32
        %mul3A_85 = arith.muli %scan3A_83, %mul3A_84 : i32
        %get3A_86 = arith.constant 0 : i32
        %get3A_87 = arith.index_cast %get3A_86 : i32 to index
        %get3A_88 = arith.index_cast %mul3A_85 : i32 to index
        %get3A_89 = tpu.vector_load %arg6[%get3A_87, %get3A_88] {strides = array<i32>} : memref<3x8192xf32, #tpu.memory_space<vmem>>, vector<1x16xf32>,
        %get3A_90 = vector.shape_cast %get3A_89 : vector<1x16xf32> to vector<16xf32>
        %mul3A_91 = arith.constant 16 : i32
        %mul3A_92 = arith.muli %scan3A_83, %mul3A_91 : i32
        %get3A_93 = arith.constant 1 : i32
        %get3A_94 = arith.index_cast %get3A_93 : i32 to index
        %get3A_95 = arith.index_cast %mul3A_92 : i32 to index
        %get3A_96 = tpu.vector_load %arg6[%get3A_94, %get3A_95] {strides = array<i32>} : memref<3x8192xf32, #tpu.memory_space<vmem>>, vector<1x16xf32>,
        %get3A_97 = vector.shape_cast %get3A_96 : vector<1x16xf32> to vector<16xf32>
        %mul3A_98 = arith.constant 16 : i32
        %mul3A_99 = arith.muli %scan3A_83, %mul3A_98 : i32
        %get3A_100 = arith.constant 2 : i32
        %get3A_101 = arith.index_cast %get3A_100 : i32 to index
        %get3A_102 = arith.index_cast %mul3A_99 : i32 to index
        %get3A_103 = tpu.vector_load %arg6[%get3A_101, %get3A_102] {strides = array<i32>} : memref<3x8192xf32, #tpu.memory_space<vmem>>, vector<1x16xf32>,
        %get3A_104 = vector.shape_cast %get3A_103 : vector<1x16xf32> to vector<16xf32>
        %sub3A_105 = arith.subf %get3A_19, %get3A_90 : vector<16xf32>
        %sub3A_106 = arith.subf %get3A_26, %get3A_97 : vector<16xf32>
        %sub3A_107 = arith.subf %get3A_33, %get3A_104 : vector<16xf32>
        %mul3A_108 = arith.mulf %sub3A_105, %sub3A_105 : vector<16xf32>
        %mul3A_109 = arith.mulf %sub3A_106, %sub3A_106 : vector<16xf32>
        %add3A_110 = arith.addf %mul3A_108, %mul3A_109 : vector<16xf32>
        %mul3A_111 = arith.mulf %sub3A_107, %sub3A_107 : vector<16xf32>
        %add3A_112 = arith.addf %add3A_110, %mul3A_111 : vector<16xf32>
        %lt3A_113 = arith.cmpf olt, %add3A_112, %select_n3A : vector<16xf32>
        %select_n3A_114 = arith.select %lt3A_113, %add3A_112, %select_n3A : vector<16xi1>, vector<16xf32>
        %broadcast_in_dim3A_115 = vector.broadcast %scan3A_83 : i32 to vector<16xi32>
        %select_n3A_116 = arith.select %lt3A_113, %broadcast_in_dim3A_115, %select_n3A_81 : vector<16xi1>, vector<16xi32>
        %scan3A_117 = arith.constant 2 : i32
        %scan3A_118 = arith.addi %scan3A_49, %scan3A_117 : i32
        %mul3A_119 = arith.constant 16 : i32
        %mul3A_120 = arith.muli %scan3A_118, %mul3A_119 : i32
        %get3A_121 = arith.constant 0 : i32
        %get3A_122 = arith.index_cast %get3A_121 : i32 to index
        %get3A_123 = arith.index_cast %mul3A_120 : i32 to index
        %get3A_124 = tpu.vector_load %arg6[%get3A_122, %get3A_123] {strides = array<i32>} : memref<3x8192xf32, #tpu.memory_space<vmem>>, vector<1x16xf32>,
        %get3A_125 = vector.shape_cast %get3A_124 : vector<1x16xf32> to vector<16xf32>
        %mul3A_126 = arith.constant 16 : i32
        %mul3A_127 = arith.muli %scan3A_118, %mul3A_126 : i32
        %get3A_128 = arith.constant 1 : i32
        %get3A_129 = arith.index_cast %get3A_128 : i32 to index
        %get3A_130 = arith.index_cast %mul3A_127 : i32 to index
        %get3A_131 = tpu.vector_load %arg6[%get3A_129, %get3A_130] {strides = array<i32>} : memref<3x8192xf32, #tpu.memory_space<vmem>>, vector<1x16xf32>,
        %get3A_132 = vector.shape_cast %get3A_131 : vector<1x16xf32> to vector<16xf32>
        %mul3A_133 = arith.constant 16 : i32
        %mul3A_134 = arith.muli %scan3A_118, %mul3A_133 : i32
        %get3A_135 = arith.constant 2 : i32
        %get3A_136 = arith.index_cast %get3A_135 : i32 to index
        %get3A_137 = arith.index_cast %mul3A_134 : i32 to index
        %get3A_138 = tpu.vector_load %arg6[%get3A_136, %get3A_137] {strides = array<i32>} : memref<3x8192xf32, #tpu.memory_space<vmem>>, vector<1x16xf32>,
        %get3A_139 = vector.shape_cast %get3A_138 : vector<1x16xf32> to vector<16xf32>
        %sub3A_140 = arith.subf %get3A_19, %get3A_125 : vector<16xf32>
        %sub3A_141 = arith.subf %get3A_26, %get3A_132 : vector<16xf32>
        %sub3A_142 = arith.subf %get3A_33, %get3A_139 : vector<16xf32>
        %mul3A_143 = arith.mulf %sub3A_140, %sub3A_140 : vector<16xf32>
        %mul3A_144 = arith.mulf %sub3A_141, %sub3A_141 : vector<16xf32>
        %add3A_145 = arith.addf %mul3A_143, %mul3A_144 : vector<16xf32>
        %mul3A_146 = arith.mulf %sub3A_142, %sub3A_142 : vector<16xf32>
        %add3A_147 = arith.addf %add3A_145, %mul3A_146 : vector<16xf32>
        %lt3A_148 = arith.cmpf olt, %add3A_147, %select_n3A_114 : vector<16xf32>
        %select_n3A_149 = arith.select %lt3A_148, %add3A_147, %select_n3A_114 : vector<16xi1>, vector<16xf32>
        %broadcast_in_dim3A_150 = vector.broadcast %scan3A_118 : i32 to vector<16xi32>
        %select_n3A_151 = arith.select %lt3A_148, %broadcast_in_dim3A_150, %select_n3A_116 : vector<16xi1>, vector<16xi32>
        %scan3A_152 = arith.constant 3 : i32
        %scan3A_153 = arith.addi %scan3A_49, %scan3A_152 : i32
        %mul3A_154 = arith.constant 16 : i32
        %mul3A_155 = arith.muli %scan3A_153, %mul3A_154 : i32
        %get3A_156 = arith.constant 0 : i32
        %get3A_157 = arith.index_cast %get3A_156 : i32 to index
        %get3A_158 = arith.index_cast %mul3A_155 : i32 to index
        %get3A_159 = tpu.vector_load %arg6[%get3A_157, %get3A_158] {strides = array<i32>} : memref<3x8192xf32, #tpu.memory_space<vmem>>, vector<1x16xf32>,
        %get3A_160 = vector.shape_cast %get3A_159 : vector<1x16xf32> to vector<16xf32>
        %mul3A_161 = arith.constant 16 : i32
        %mul3A_162 = arith.muli %scan3A_153, %mul3A_161 : i32
        %get3A_163 = arith.constant 1 : i32
        %get3A_164 = arith.index_cast %get3A_163 : i32 to index
        %get3A_165 = arith.index_cast %mul3A_162 : i32 to index
        %get3A_166 = tpu.vector_load %arg6[%get3A_164, %get3A_165] {strides = array<i32>} : memref<3x8192xf32, #tpu.memory_space<vmem>>, vector<1x16xf32>,
        %get3A_167 = vector.shape_cast %get3A_166 : vector<1x16xf32> to vector<16xf32>
        %mul3A_168 = arith.constant 16 : i32
        %mul3A_169 = arith.muli %scan3A_153, %mul3A_168 : i32
        %get3A_170 = arith.constant 2 : i32
        %get3A_171 = arith.index_cast %get3A_170 : i32 to index
        %get3A_172 = arith.index_cast %mul3A_169 : i32 to index
        %get3A_173 = tpu.vector_load %arg6[%get3A_171, %get3A_172] {strides = array<i32>} : memref<3x8192xf32, #tpu.memory_space<vmem>>, vector<1x16xf32>,
        %get3A_174 = vector.shape_cast %get3A_173 : vector<1x16xf32> to vector<16xf32>
        %sub3A_175 = arith.subf %get3A_19, %get3A_160 : vector<16xf32>
        %sub3A_176 = arith.subf %get3A_26, %get3A_167 : vector<16xf32>
        %sub3A_177 = arith.subf %get3A_33, %get3A_174 : vector<16xf32>
        %mul3A_178 = arith.mulf %sub3A_175, %sub3A_175 : vector<16xf32>
        %mul3A_179 = arith.mulf %sub3A_176, %sub3A_176 : vector<16xf32>
        %add3A_180 = arith.addf %mul3A_178, %mul3A_179 : vector<16xf32>
        %mul3A_181 = arith.mulf %sub3A_177, %sub3A_177 : vector<16xf32>
        %add3A_182 = arith.addf %add3A_180, %mul3A_181 : vector<16xf32>
        %lt3A_183 = arith.cmpf olt, %add3A_182, %select_n3A_149 : vector<16xf32>
        %select_n3A_184 = arith.select %lt3A_183, %add3A_182, %select_n3A_149 : vector<16xi1>, vector<16xf32>
        %broadcast_in_dim3A_185 = vector.broadcast %scan3A_153 : i32 to vector<16xi32>
        %select_n3A_186 = arith.select %lt3A_183, %broadcast_in_dim3A_185, %select_n3A_151 : vector<16xi1>, vector<16xi32>
        %scan3A_187 = arith.constant 4 : i32
        %scan3A_188 = arith.addi %scan3A_49, %scan3A_187 : i32
        %mul3A_189 = arith.constant 16 : i32
        %mul3A_190 = arith.muli %scan3A_188, %mul3A_189 : i32
        %get3A_191 = arith.constant 0 : i32
        %get3A_192 = arith.index_cast %get3A_191 : i32 to index
        %get3A_193 = arith.index_cast %mul3A_190 : i32 to index
        %get3A_194 = tpu.vector_load %arg6[%get3A_192, %get3A_193] {strides = array<i32>} : memref<3x8192xf32, #tpu.memory_space<vmem>>, vector<1x16xf32>,
        %get3A_195 = vector.shape_cast %get3A_194 : vector<1x16xf32> to vector<16xf32>
        %mul3A_196 = arith.constant 16 : i32
        %mul3A_197 = arith.muli %scan3A_188, %mul3A_196 : i32
        %get3A_198 = arith.constant 1 : i32
        %get3A_199 = arith.index_cast %get3A_198 : i32 to index
        %get3A_200 = arith.index_cast %mul3A_197 : i32 to index
        %get3A_201 = tpu.vector_load %arg6[%get3A_199, %get3A_200] {strides = array<i32>} : memref<3x8192xf32, #tpu.memory_space<vmem>>, vector<1x16xf32>,
        %get3A_202 = vector.shape_cast %get3A_201 : vector<1x16xf32> to vector<16xf32>
        %mul3A_203 = arith.constant 16 : i32
        %mul3A_204 = arith.muli %scan3A_188, %mul3A_203 : i32
        %get3A_205 = arith.constant 2 : i32
        %get3A_206 = arith.index_cast %get3A_205 : i32 to index
        %get3A_207 = arith.index_cast %mul3A_204 : i32 to index
        %get3A_208 = tpu.vector_load %arg6[%get3A_206, %get3A_207] {strides = array<i32>} : memref<3x8192xf32, #tpu.memory_space<vmem>>, vector<1x16xf32>,
        %get3A_209 = vector.shape_cast %get3A_208 : vector<1x16xf32> to vector<16xf32>
        %sub3A_210 = arith.subf %get3A_19, %get3A_195 : vector<16xf32>
        %sub3A_211 = arith.subf %get3A_26, %get3A_202 : vector<16xf32>
        %sub3A_212 = arith.subf %get3A_33, %get3A_209 : vector<16xf32>
        %mul3A_213 = arith.mulf %sub3A_210, %sub3A_210 : vector<16xf32>
        %mul3A_214 = arith.mulf %sub3A_211, %sub3A_211 : vector<16xf32>
        %add3A_215 = arith.addf %mul3A_213, %mul3A_214 : vector<16xf32>
        %mul3A_216 = arith.mulf %sub3A_212, %sub3A_212 : vector<16xf32>
        %add3A_217 = arith.addf %add3A_215, %mul3A_216 : vector<16xf32>
        %lt3A_218 = arith.cmpf olt, %add3A_217, %select_n3A_184 : vector<16xf32>
        %select_n3A_219 = arith.select %lt3A_218, %add3A_217, %select_n3A_184 : vector<16xi1>, vector<16xf32>
        %broadcast_in_dim3A_220 = vector.broadcast %scan3A_188 : i32 to vector<16xi32>
        %select_n3A_221 = arith.select %lt3A_218, %broadcast_in_dim3A_220, %select_n3A_186 : vector<16xi1>, vector<16xi32>
        %scan3A_222 = arith.constant 5 : i32
        %scan3A_223 = arith.addi %scan3A_49, %scan3A_222 : i32
        %mul3A_224 = arith.constant 16 : i32
        %mul3A_225 = arith.muli %scan3A_223, %mul3A_224 : i32
        %get3A_226 = arith.constant 0 : i32
        %get3A_227 = arith.index_cast %get3A_226 : i32 to index
        %get3A_228 = arith.index_cast %mul3A_225 : i32 to index
        %get3A_229 = tpu.vector_load %arg6[%get3A_227, %get3A_228] {strides = array<i32>} : memref<3x8192xf32, #tpu.memory_space<vmem>>, vector<1x16xf32>,
        %get3A_230 = vector.shape_cast %get3A_229 : vector<1x16xf32> to vector<16xf32>
        %mul3A_231 = arith.constant 16 : i32
        %mul3A_232 = arith.muli %scan3A_223, %mul3A_231 : i32
        %get3A_233 = arith.constant 1 : i32
        %get3A_234 = arith.index_cast %get3A_233 : i32 to index
        %get3A_235 = arith.index_cast %mul3A_232 : i32 to index
        %get3A_236 = tpu.vector_load %arg6[%get3A_234, %get3A_235] {strides = array<i32>} : memref<3x8192xf32, #tpu.memory_space<vmem>>, vector<1x16xf32>,
        %get3A_237 = vector.shape_cast %get3A_236 : vector<1x16xf32> to vector<16xf32>
        %mul3A_238 = arith.constant 16 : i32
        %mul3A_239 = arith.muli %scan3A_223, %mul3A_238 : i32
        %get3A_240 = arith.constant 2 : i32
        %get3A_241 = arith.index_cast %get3A_240 : i32 to index
        %get3A_242 = arith.index_cast %mul3A_239 : i32 to index
        %get3A_243 = tpu.vector_load %arg6[%get3A_241, %get3A_242] {strides = array<i32>} : memref<3x8192xf32, #tpu.memory_space<vmem>>, vector<1x16xf32>,
        %get3A_244 = vector.shape_cast %get3A_243 : vector<1x16xf32> to vector<16xf32>
        %sub3A_245 = arith.subf %get3A_19, %get3A_230 : vector<16xf32>
        %sub3A_246 = arith.subf %get3A_26, %get3A_237 : vector<16xf32>
        %sub3A_247 = arith.subf %get3A_33, %get3A_244 : vector<16xf32>
        %mul3A_248 = arith.mulf %sub3A_245, %sub3A_245 : vector<16xf32>
        %mul3A_249 = arith.mulf %sub3A_246, %sub3A_246 : vector<16xf32>
        %add3A_250 = arith.addf %mul3A_248, %mul3A_249 : vector<16xf32>
        %mul3A_251 = arith.mulf %sub3A_247, %sub3A_247 : vector<16xf32>
        %add3A_252 = arith.addf %add3A_250, %mul3A_251 : vector<16xf32>
        %lt3A_253 = arith.cmpf olt, %add3A_252, %select_n3A_219 : vector<16xf32>
        %select_n3A_254 = arith.select %lt3A_253, %add3A_252, %select_n3A_219 : vector<16xi1>, vector<16xf32>
        %broadcast_in_dim3A_255 = vector.broadcast %scan3A_223 : i32 to vector<16xi32>
        %select_n3A_256 = arith.select %lt3A_253, %broadcast_in_dim3A_255, %select_n3A_221 : vector<16xi1>, vector<16xi32>
        %scan3A_257 = arith.constant 6 : i32
        %scan3A_258 = arith.addi %scan3A_49, %scan3A_257 : i32
        %mul3A_259 = arith.constant 16 : i32
        %mul3A_260 = arith.muli %scan3A_258, %mul3A_259 : i32
        %get3A_261 = arith.constant 0 : i32
        %get3A_262 = arith.index_cast %get3A_261 : i32 to index
        %get3A_263 = arith.index_cast %mul3A_260 : i32 to index
        %get3A_264 = tpu.vector_load %arg6[%get3A_262, %get3A_263] {strides = array<i32>} : memref<3x8192xf32, #tpu.memory_space<vmem>>, vector<1x16xf32>,
        %get3A_265 = vector.shape_cast %get3A_264 : vector<1x16xf32> to vector<16xf32>
        %mul3A_266 = arith.constant 16 : i32
        %mul3A_267 = arith.muli %scan3A_258, %mul3A_266 : i32
        %get3A_268 = arith.constant 1 : i32
        %get3A_269 = arith.index_cast %get3A_268 : i32 to index
        %get3A_270 = arith.index_cast %mul3A_267 : i32 to index
        %get3A_271 = tpu.vector_load %arg6[%get3A_269, %get3A_270] {strides = array<i32>} : memref<3x8192xf32, #tpu.memory_space<vmem>>, vector<1x16xf32>,
        %get3A_272 = vector.shape_cast %get3A_271 : vector<1x16xf32> to vector<16xf32>
        %mul3A_273 = arith.constant 16 : i32
        %mul3A_274 = arith.muli %scan3A_258, %mul3A_273 : i32
        %get3A_275 = arith.constant 2 : i32
        %get3A_276 = arith.index_cast %get3A_275 : i32 to index
        %get3A_277 = arith.index_cast %mul3A_274 : i32 to index
        %get3A_278 = tpu.vector_load %arg6[%get3A_276, %get3A_277] {strides = array<i32>} : memref<3x8192xf32, #tpu.memory_space<vmem>>, vector<1x16xf32>,
        %get3A_279 = vector.shape_cast %get3A_278 : vector<1x16xf32> to vector<16xf32>
        %sub3A_280 = arith.subf %get3A_19, %get3A_265 : vector<16xf32>
        %sub3A_281 = arith.subf %get3A_26, %get3A_272 : vector<16xf32>
        %sub3A_282 = arith.subf %get3A_33, %get3A_279 : vector<16xf32>
        %mul3A_283 = arith.mulf %sub3A_280, %sub3A_280 : vector<16xf32>
        %mul3A_284 = arith.mulf %sub3A_281, %sub3A_281 : vector<16xf32>
        %add3A_285 = arith.addf %mul3A_283, %mul3A_284 : vector<16xf32>
        %mul3A_286 = arith.mulf %sub3A_282, %sub3A_282 : vector<16xf32>
        %add3A_287 = arith.addf %add3A_285, %mul3A_286 : vector<16xf32>
        %lt3A_288 = arith.cmpf olt, %add3A_287, %select_n3A_254 : vector<16xf32>
        %select_n3A_289 = arith.select %lt3A_288, %add3A_287, %select_n3A_254 : vector<16xi1>, vector<16xf32>
        %broadcast_in_dim3A_290 = vector.broadcast %scan3A_258 : i32 to vector<16xi32>
        %select_n3A_291 = arith.select %lt3A_288, %broadcast_in_dim3A_290, %select_n3A_256 : vector<16xi1>, vector<16xi32>
        %scan3A_292 = arith.constant 7 : i32
        %scan3A_293 = arith.addi %scan3A_49, %scan3A_292 : i32
        %mul3A_294 = arith.constant 16 : i32
        %mul3A_295 = arith.muli %scan3A_293, %mul3A_294 : i32
        %get3A_296 = arith.constant 0 : i32
        %get3A_297 = arith.index_cast %get3A_296 : i32 to index
        %get3A_298 = arith.index_cast %mul3A_295 : i32 to index
        %get3A_299 = tpu.vector_load %arg6[%get3A_297, %get3A_298] {strides = array<i32>} : memref<3x8192xf32, #tpu.memory_space<vmem>>, vector<1x16xf32>,
        %get3A_300 = vector.shape_cast %get3A_299 : vector<1x16xf32> to vector<16xf32>
        %mul3A_301 = arith.constant 16 : i32
        %mul3A_302 = arith.muli %scan3A_293, %mul3A_301 : i32
        %get3A_303 = arith.constant 1 : i32
        %get3A_304 = arith.index_cast %get3A_303 : i32 to index
        %get3A_305 = arith.index_cast %mul3A_302 : i32 to index
        %get3A_306 = tpu.vector_load %arg6[%get3A_304, %get3A_305] {strides = array<i32>} : memref<3x8192xf32, #tpu.memory_space<vmem>>, vector<1x16xf32>,
        %get3A_307 = vector.shape_cast %get3A_306 : vector<1x16xf32> to vector<16xf32>
        %mul3A_308 = arith.constant 16 : i32
        %mul3A_309 = arith.muli %scan3A_293, %mul3A_308 : i32
        %get3A_310 = arith.constant 2 : i32
        %get3A_311 = arith.index_cast %get3A_310 : i32 to index
        %get3A_312 = arith.index_cast %mul3A_309 : i32 to index
        %get3A_313 = tpu.vector_load %arg6[%get3A_311, %get3A_312] {strides = array<i32>} : memref<3x8192xf32, #tpu.memory_space<vmem>>, vector<1x16xf32>,
        %get3A_314 = vector.shape_cast %get3A_313 : vector<1x16xf32> to vector<16xf32>
        %sub3A_315 = arith.subf %get3A_19, %get3A_300 : vector<16xf32>
        %sub3A_316 = arith.subf %get3A_26, %get3A_307 : vector<16xf32>
        %sub3A_317 = arith.subf %get3A_33, %get3A_314 : vector<16xf32>
        %mul3A_318 = arith.mulf %sub3A_315, %sub3A_315 : vector<16xf32>
        %mul3A_319 = arith.mulf %sub3A_316, %sub3A_316 : vector<16xf32>
        %add3A_320 = arith.addf %mul3A_318, %mul3A_319 : vector<16xf32>
        %mul3A_321 = arith.mulf %sub3A_317, %sub3A_317 : vector<16xf32>
        %add3A_322 = arith.addf %add3A_320, %mul3A_321 : vector<16xf32>
        %lt3A_323 = arith.cmpf olt, %add3A_322, %select_n3A_289 : vector<16xf32>
        %select_n3A_324 = arith.select %lt3A_323, %add3A_322, %select_n3A_289 : vector<16xi1>, vector<16xf32>
        %broadcast_in_dim3A_325 = vector.broadcast %scan3A_293 : i32 to vector<16xi32>
        %select_n3A_326 = arith.select %lt3A_323, %broadcast_in_dim3A_325, %select_n3A_291 : vector<16xi1>, vector<16xi32>
        scf.yield %select_n3A_324, %select_n3A_326 : vector<16xf32>, vector<16xi32>
      }
      %scan3A_39 = arith.constant 512 : i32
      %swap3A = arith.index_cast %scan3A_13 : i32 to index
      %swap3A_40 = arith.constant 0 : index
      %swap3A_41 = tpu.vector_load %arg8[%swap3A, %swap3A_40] {strides = array<i32>} : memref<272x16xf32, #tpu.memory_space<vmem>>, vector<1x16xf32>,
      %swap3A_42 = vector.shape_cast %swap3A_41 : vector<1x16xf32> to vector<16xf32>
      %swap3A_43 = vector.shape_cast %scan3A_38#0 : vector<16xf32> to vector<1x16xf32>
      tpu.vector_store %arg8[%swap3A, %swap3A_40], %swap3A_43 {strides = array<i32>} : memref<272x16xf32, #tpu.memory_space<vmem>>, vector<1x16xf32>,
      %swap3A_44 = arith.index_cast %scan3A_13 : i32 to index
      %swap3A_45 = arith.constant 0 : index
      %swap3A_46 = tpu.vector_load %arg9[%swap3A_44, %swap3A_45] {strides = array<i32>} : memref<272x16xi32, #tpu.memory_space<vmem>>, vector<1x16xi32>,
      %swap3A_47 = vector.shape_cast %swap3A_46 : vector<1x16xi32> to vector<16xi32>
      %swap3A_48 = vector.shape_cast %scan3A_38#1 : vector<16xi32> to vector<1x16xi32>
      tpu.vector_store %arg9[%swap3A_44, %swap3A_45], %swap3A_48 {strides = array<i32>} : memref<272x16xi32, #tpu.memory_space<vmem>>, vector<1x16xi32>,
    }
    %scan3A_12 = arith.constant 272 : i32
    "tpu.region"() ({
      %run_scoped3A = tpu.sem_alloc : memref<!tpu.dma_semaphore, #tpu.memory_space<semaphore_mem>>
      %dma_start3A = arith.constant 0 : i32
      %dma_start3A_13 = tpu.memref_slice %arg4[%mul3A_2, %dma_start3A] : memref<8704x16xf32, #tpu.memory_space<hbm>> -> memref<272x16xf32, #tpu.memory_space<hbm>>
      %dma_start3A_14 = arith.constant 0 : i32
      %dma_start3A_15 = tpu.memref_slice %arg4[%mul3A_2, %dma_start3A_14] : memref<8704x16xf32, #tpu.memory_space<hbm>> -> memref<272x16xf32, #tpu.memory_space<hbm>>
      tpu.enqueue_dma source(%arg8 : memref<272x16xf32, #tpu.memory_space<vmem>>) target(%dma_start3A_15 : memref<272x16xf32, #tpu.memory_space<hbm>>) target_semaphore(%run_scoped3A : memref<!tpu.dma_semaphore, #tpu.memory_space<semaphore_mem>>)
      %dma_wait3A = arith.constant 0 : i32
      %dma_wait3A_16 = tpu.memref_slice %arg4[%mul3A_2, %dma_wait3A] : memref<8704x16xf32, #tpu.memory_space<hbm>> -> memref<272x16xf32, #tpu.memory_space<hbm>>
      %dma_wait3A_17 = arith.constant 0 : i32
      %dma_wait3A_18 = tpu.memref_slice %arg4[%mul3A_2, %dma_wait3A_17] : memref<8704x16xf32, #tpu.memory_space<hbm>> -> memref<272x16xf32, #tpu.memory_space<hbm>>
      tpu.wait_dma2 semaphore(%run_scoped3A : memref<!tpu.dma_semaphore, #tpu.memory_space<semaphore_mem>>) src(%arg8 : memref<272x16xf32, #tpu.memory_space<vmem>>) dst(%dma_wait3A_18 : memref<272x16xf32, #tpu.memory_space<hbm>>)
      tpu.yield
    }) : () -> ()
    "tpu.region"() ({
      %run_scoped3A = tpu.sem_alloc : memref<!tpu.dma_semaphore, #tpu.memory_space<semaphore_mem>>
      %dma_start3A = arith.constant 0 : i32
      %dma_start3A_13 = tpu.memref_slice %arg5[%mul3A_2, %dma_start3A] : memref<8704x16xi32, #tpu.memory_space<hbm>> -> memref<272x16xi32, #tpu.memory_space<hbm>>
      %dma_start3A_14 = arith.constant 0 : i32
      %dma_start3A_15 = tpu.memref_slice %arg5[%mul3A_2, %dma_start3A_14] : memref<8704x16xi32, #tpu.memory_space<hbm>> -> memref<272x16xi32, #tpu.memory_space<hbm>>
      tpu.enqueue_dma source(%arg9 : memref<272x16xi32, #tpu.memory_space<vmem>>) target(%dma_start3A_15 : memref<272x16xi32, #tpu.memory_space<hbm>>) target_semaphore(%run_scoped3A : memref<!tpu.dma_semaphore, #tpu.memory_space<semaphore_mem>>)
      %dma_wait3A = arith.constant 0 : i32
      %dma_wait3A_16 = tpu.memref_slice %arg5[%mul3A_2, %dma_wait3A] : memref<8704x16xi32, #tpu.memory_space<hbm>> -> memref<272x16xi32, #tpu.memory_space<hbm>>
      %dma_wait3A_17 = arith.constant 0 : i32
      %dma_wait3A_18 = tpu.memref_slice %arg5[%mul3A_2, %dma_wait3A_17] : memref<8704x16xi32, #tpu.memory_space<hbm>> -> memref<272x16xi32, #tpu.memory_space<hbm>>
      tpu.wait_dma2 semaphore(%run_scoped3A : memref<!tpu.dma_semaphore, #tpu.memory_space<semaphore_mem>>) src(%arg9 : memref<272x16xi32, #tpu.memory_space<vmem>>) dst(%dma_wait3A_18 : memref<272x16xi32, #tpu.memory_space<hbm>>)
      tpu.yield
    }) : () -> ()
    return
  }
}

module attributes {stable_mosaic.version = 14 : i64} {
  func.func @_argmin_body(%arg0: i32, %arg1: memref<512x3xf32, #tpu.memory_space<vmem>>, %arg2: memref<3x8192xf32, #tpu.memory_space<vmem>>, %arg3: memref<1x1x512xi32, #tpu.memory_space<vmem>>) attributes {dimension_semantics = [#tpu.dimension_semantics<arbitrary>], iteration_bounds = array<i64: 47>, scalar_prefetch = 0 : i64, scratch_operands = 0 : i64, tpu.core_type = #tpu.core_type<tc>, window_params = [{transform_indices = @transform_0, window_bounds = array<i64: 512, 3>}, {pipeline_mode = #tpu.pipeline_mode<synchronous>, transform_indices = @transform_1, window_bounds = array<i64: 3, 8192>}, {transform_indices = @transform_2, window_bounds = array<i64: 1, 1, 512>}]} {
    %get3A = arith.constant 0 : index
    %get3A_0 = arith.constant 0 : index
    %get3A_1 = vector.load %arg1[%get3A, %get3A_0] : memref<512x3xf32, #tpu.memory_space<vmem>>, vector<512x1xf32>
    %broadcast_in_dim3A = vector.shape_cast %get3A_1 : vector<512x1xf32> to vector<512x1xf32>
    %broadcast_in_dim3A_2 = vector.broadcast %broadcast_in_dim3A : vector<512x1xf32> to vector<512x128xf32>
    %get3A_3 = arith.constant 0 : index
    %get3A_4 = arith.constant 1 : index
    %get3A_5 = vector.load %arg1[%get3A_3, %get3A_4] : memref<512x3xf32, #tpu.memory_space<vmem>>, vector<512x1xf32>
    %broadcast_in_dim3A_6 = vector.shape_cast %get3A_5 : vector<512x1xf32> to vector<512x1xf32>
    %broadcast_in_dim3A_7 = vector.broadcast %broadcast_in_dim3A_6 : vector<512x1xf32> to vector<512x128xf32>
    %get3A_8 = arith.constant 0 : index
    %get3A_9 = arith.constant 2 : index
    %get3A_10 = vector.load %arg1[%get3A_8, %get3A_9] : memref<512x3xf32, #tpu.memory_space<vmem>>, vector<512x1xf32>
    %broadcast_in_dim3A_11 = vector.shape_cast %get3A_10 : vector<512x1xf32> to vector<512x1xf32>
    %broadcast_in_dim3A_12 = vector.broadcast %broadcast_in_dim3A_11 : vector<512x1xf32> to vector<512x128xf32>
    %broadcast_in_dim3A_13 = arith.constant 0x7F800000 : f32
    %broadcast_in_dim3A_14 = vector.broadcast %broadcast_in_dim3A_13 : f32 to vector<512x128xf32>
    %broadcast_in_dim3A_15 = arith.constant 0 : i32
    %broadcast_in_dim3A_16 = vector.broadcast %broadcast_in_dim3A_15 : i32 to vector<512x128xi32>
    %get3A_17 = arith.constant 0 : index
    %get3A_18 = arith.constant 0 : index
    %get3A_19 = vector.load %arg2[%get3A_17, %get3A_18] : memref<3x8192xf32, #tpu.memory_space<vmem>>, vector<1x128xf32>
    %get3A_20 = arith.constant 1 : index
    %get3A_21 = arith.constant 0 : index
    %get3A_22 = vector.load %arg2[%get3A_20, %get3A_21] : memref<3x8192xf32, #tpu.memory_space<vmem>>, vector<1x128xf32>
    %get3A_23 = arith.constant 2 : index
    %get3A_24 = arith.constant 0 : index
    %get3A_25 = vector.load %arg2[%get3A_23, %get3A_24] : memref<3x8192xf32, #tpu.memory_space<vmem>>, vector<1x128xf32>
    %sub3A = vector.broadcast %get3A_19 : vector<1x128xf32> to vector<512x128xf32>
    %sub3A_26 = arith.subf %broadcast_in_dim3A_2, %sub3A : vector<512x128xf32>
    %sub3A_27 = vector.broadcast %get3A_22 : vector<1x128xf32> to vector<512x128xf32>
    %sub3A_28 = arith.subf %broadcast_in_dim3A_7, %sub3A_27 : vector<512x128xf32>
    %sub3A_29 = vector.broadcast %get3A_25 : vector<1x128xf32> to vector<512x128xf32>
    %sub3A_30 = arith.subf %broadcast_in_dim3A_12, %sub3A_29 : vector<512x128xf32>
    %mul3A = arith.mulf %sub3A_26, %sub3A_26 : vector<512x128xf32>
    %mul3A_31 = arith.mulf %sub3A_28, %sub3A_28 : vector<512x128xf32>
    %add3A = arith.addf %mul3A, %mul3A_31 : vector<512x128xf32>
    %mul3A_32 = arith.mulf %sub3A_30, %sub3A_30 : vector<512x128xf32>
    %add3A_33 = arith.addf %add3A, %mul3A_32 : vector<512x128xf32>
    %lt3A = arith.cmpf olt, %add3A_33, %broadcast_in_dim3A_14 : vector<512x128xf32>
    %select_n3A = arith.select %lt3A, %add3A_33, %broadcast_in_dim3A_14 : vector<512x128xi1>, vector<512x128xf32>
    %jit3A = arith.constant 0 : i32
    %broadcast_in_dim3A_34 = vector.broadcast %jit3A : i32 to vector<512x128xi32>
    %select_n3A_35 = arith.select %lt3A, %broadcast_in_dim3A_34, %broadcast_in_dim3A_16 : vector<512x128xi1>, vector<512x128xi32>
    %get3A_36 = arith.constant 0 : index
    %get3A_37 = arith.constant 128 : index
    %get3A_38 = vector.load %arg2[%get3A_36, %get3A_37] : memref<3x8192xf32, #tpu.memory_space<vmem>>, vector<1x128xf32>
    %get3A_39 = arith.constant 1 : index
    %get3A_40 = arith.constant 128 : index
    %get3A_41 = vector.load %arg2[%get3A_39, %get3A_40] : memref<3x8192xf32, #tpu.memory_space<vmem>>, vector<1x128xf32>
    %get3A_42 = arith.constant 2 : index
    %get3A_43 = arith.constant 128 : index
    %get3A_44 = vector.load %arg2[%get3A_42, %get3A_43] : memref<3x8192xf32, #tpu.memory_space<vmem>>, vector<1x128xf32>
    %sub3A_45 = vector.broadcast %get3A_38 : vector<1x128xf32> to vector<512x128xf32>
    %sub3A_46 = arith.subf %broadcast_in_dim3A_2, %sub3A_45 : vector<512x128xf32>
    %sub3A_47 = vector.broadcast %get3A_41 : vector<1x128xf32> to vector<512x128xf32>
    %sub3A_48 = arith.subf %broadcast_in_dim3A_7, %sub3A_47 : vector<512x128xf32>
    %sub3A_49 = vector.broadcast %get3A_44 : vector<1x128xf32> to vector<512x128xf32>
    %sub3A_50 = arith.subf %broadcast_in_dim3A_12, %sub3A_49 : vector<512x128xf32>
    %mul3A_51 = arith.mulf %sub3A_46, %sub3A_46 : vector<512x128xf32>
    %mul3A_52 = arith.mulf %sub3A_48, %sub3A_48 : vector<512x128xf32>
    %add3A_53 = arith.addf %mul3A_51, %mul3A_52 : vector<512x128xf32>
    %mul3A_54 = arith.mulf %sub3A_50, %sub3A_50 : vector<512x128xf32>
    %add3A_55 = arith.addf %add3A_53, %mul3A_54 : vector<512x128xf32>
    %lt3A_56 = arith.cmpf olt, %add3A_55, %select_n3A : vector<512x128xf32>
    %select_n3A_57 = arith.select %lt3A_56, %add3A_55, %select_n3A : vector<512x128xi1>, vector<512x128xf32>
    %jit3A_58 = arith.constant 1 : i32
    %broadcast_in_dim3A_59 = vector.broadcast %jit3A_58 : i32 to vector<512x128xi32>
    %select_n3A_60 = arith.select %lt3A_56, %broadcast_in_dim3A_59, %select_n3A_35 : vector<512x128xi1>, vector<512x128xi32>
    %get3A_61 = arith.constant 0 : index
    %get3A_62 = arith.constant 256 : index
    %get3A_63 = vector.load %arg2[%get3A_61, %get3A_62] : memref<3x8192xf32, #tpu.memory_space<vmem>>, vector<1x128xf32>
    %get3A_64 = arith.constant 1 : index
    %get3A_65 = arith.constant 256 : index
    %get3A_66 = vector.load %arg2[%get3A_64, %get3A_65] : memref<3x8192xf32, #tpu.memory_space<vmem>>, vector<1x128xf32>
    %get3A_67 = arith.constant 2 : index
    %get3A_68 = arith.constant 256 : index
    %get3A_69 = vector.load %arg2[%get3A_67, %get3A_68] : memref<3x8192xf32, #tpu.memory_space<vmem>>, vector<1x128xf32>
    %sub3A_70 = vector.broadcast %get3A_63 : vector<1x128xf32> to vector<512x128xf32>
    %sub3A_71 = arith.subf %broadcast_in_dim3A_2, %sub3A_70 : vector<512x128xf32>
    %sub3A_72 = vector.broadcast %get3A_66 : vector<1x128xf32> to vector<512x128xf32>
    %sub3A_73 = arith.subf %broadcast_in_dim3A_7, %sub3A_72 : vector<512x128xf32>
    %sub3A_74 = vector.broadcast %get3A_69 : vector<1x128xf32> to vector<512x128xf32>
    %sub3A_75 = arith.subf %broadcast_in_dim3A_12, %sub3A_74 : vector<512x128xf32>
    %mul3A_76 = arith.mulf %sub3A_71, %sub3A_71 : vector<512x128xf32>
    %mul3A_77 = arith.mulf %sub3A_73, %sub3A_73 : vector<512x128xf32>
    %add3A_78 = arith.addf %mul3A_76, %mul3A_77 : vector<512x128xf32>
    %mul3A_79 = arith.mulf %sub3A_75, %sub3A_75 : vector<512x128xf32>
    %add3A_80 = arith.addf %add3A_78, %mul3A_79 : vector<512x128xf32>
    %lt3A_81 = arith.cmpf olt, %add3A_80, %select_n3A_57 : vector<512x128xf32>
    %select_n3A_82 = arith.select %lt3A_81, %add3A_80, %select_n3A_57 : vector<512x128xi1>, vector<512x128xf32>
    %jit3A_83 = arith.constant 2 : i32
    %broadcast_in_dim3A_84 = vector.broadcast %jit3A_83 : i32 to vector<512x128xi32>
    %select_n3A_85 = arith.select %lt3A_81, %broadcast_in_dim3A_84, %select_n3A_60 : vector<512x128xi1>, vector<512x128xi32>
    %get3A_86 = arith.constant 0 : index
    %get3A_87 = arith.constant 384 : index
    %get3A_88 = vector.load %arg2[%get3A_86, %get3A_87] : memref<3x8192xf32, #tpu.memory_space<vmem>>, vector<1x128xf32>
    %get3A_89 = arith.constant 1 : index
    %get3A_90 = arith.constant 384 : index
    %get3A_91 = vector.load %arg2[%get3A_89, %get3A_90] : memref<3x8192xf32, #tpu.memory_space<vmem>>, vector<1x128xf32>
    %get3A_92 = arith.constant 2 : index
    %get3A_93 = arith.constant 384 : index
    %get3A_94 = vector.load %arg2[%get3A_92, %get3A_93] : memref<3x8192xf32, #tpu.memory_space<vmem>>, vector<1x128xf32>
    %sub3A_95 = vector.broadcast %get3A_88 : vector<1x128xf32> to vector<512x128xf32>
    %sub3A_96 = arith.subf %broadcast_in_dim3A_2, %sub3A_95 : vector<512x128xf32>
    %sub3A_97 = vector.broadcast %get3A_91 : vector<1x128xf32> to vector<512x128xf32>
    %sub3A_98 = arith.subf %broadcast_in_dim3A_7, %sub3A_97 : vector<512x128xf32>
    %sub3A_99 = vector.broadcast %get3A_94 : vector<1x128xf32> to vector<512x128xf32>
    %sub3A_100 = arith.subf %broadcast_in_dim3A_12, %sub3A_99 : vector<512x128xf32>
    %mul3A_101 = arith.mulf %sub3A_96, %sub3A_96 : vector<512x128xf32>
    %mul3A_102 = arith.mulf %sub3A_98, %sub3A_98 : vector<512x128xf32>
    %add3A_103 = arith.addf %mul3A_101, %mul3A_102 : vector<512x128xf32>
    %mul3A_104 = arith.mulf %sub3A_100, %sub3A_100 : vector<512x128xf32>
    %add3A_105 = arith.addf %add3A_103, %mul3A_104 : vector<512x128xf32>
    %lt3A_106 = arith.cmpf olt, %add3A_105, %select_n3A_82 : vector<512x128xf32>
    %select_n3A_107 = arith.select %lt3A_106, %add3A_105, %select_n3A_82 : vector<512x128xi1>, vector<512x128xf32>
    %jit3A_108 = arith.constant 3 : i32
    %broadcast_in_dim3A_109 = vector.broadcast %jit3A_108 : i32 to vector<512x128xi32>
    %select_n3A_110 = arith.select %lt3A_106, %broadcast_in_dim3A_109, %select_n3A_85 : vector<512x128xi1>, vector<512x128xi32>
    %get3A_111 = arith.constant 0 : index
    %get3A_112 = arith.constant 512 : index
    %get3A_113 = vector.load %arg2[%get3A_111, %get3A_112] : memref<3x8192xf32, #tpu.memory_space<vmem>>, vector<1x128xf32>
    %get3A_114 = arith.constant 1 : index
    %get3A_115 = arith.constant 512 : index
    %get3A_116 = vector.load %arg2[%get3A_114, %get3A_115] : memref<3x8192xf32, #tpu.memory_space<vmem>>, vector<1x128xf32>
    %get3A_117 = arith.constant 2 : index
    %get3A_118 = arith.constant 512 : index
    %get3A_119 = vector.load %arg2[%get3A_117, %get3A_118] : memref<3x8192xf32, #tpu.memory_space<vmem>>, vector<1x128xf32>
    %sub3A_120 = vector.broadcast %get3A_113 : vector<1x128xf32> to vector<512x128xf32>
    %sub3A_121 = arith.subf %broadcast_in_dim3A_2, %sub3A_120 : vector<512x128xf32>
    %sub3A_122 = vector.broadcast %get3A_116 : vector<1x128xf32> to vector<512x128xf32>
    %sub3A_123 = arith.subf %broadcast_in_dim3A_7, %sub3A_122 : vector<512x128xf32>
    %sub3A_124 = vector.broadcast %get3A_119 : vector<1x128xf32> to vector<512x128xf32>
    %sub3A_125 = arith.subf %broadcast_in_dim3A_12, %sub3A_124 : vector<512x128xf32>
    %mul3A_126 = arith.mulf %sub3A_121, %sub3A_121 : vector<512x128xf32>
    %mul3A_127 = arith.mulf %sub3A_123, %sub3A_123 : vector<512x128xf32>
    %add3A_128 = arith.addf %mul3A_126, %mul3A_127 : vector<512x128xf32>
    %mul3A_129 = arith.mulf %sub3A_125, %sub3A_125 : vector<512x128xf32>
    %add3A_130 = arith.addf %add3A_128, %mul3A_129 : vector<512x128xf32>
    %lt3A_131 = arith.cmpf olt, %add3A_130, %select_n3A_107 : vector<512x128xf32>
    %select_n3A_132 = arith.select %lt3A_131, %add3A_130, %select_n3A_107 : vector<512x128xi1>, vector<512x128xf32>
    %jit3A_133 = arith.constant 4 : i32
    %broadcast_in_dim3A_134 = vector.broadcast %jit3A_133 : i32 to vector<512x128xi32>
    %select_n3A_135 = arith.select %lt3A_131, %broadcast_in_dim3A_134, %select_n3A_110 : vector<512x128xi1>, vector<512x128xi32>
    %get3A_136 = arith.constant 0 : index
    %get3A_137 = arith.constant 640 : index
    %get3A_138 = vector.load %arg2[%get3A_136, %get3A_137] : memref<3x8192xf32, #tpu.memory_space<vmem>>, vector<1x128xf32>
    %get3A_139 = arith.constant 1 : index
    %get3A_140 = arith.constant 640 : index
    %get3A_141 = vector.load %arg2[%get3A_139, %get3A_140] : memref<3x8192xf32, #tpu.memory_space<vmem>>, vector<1x128xf32>
    %get3A_142 = arith.constant 2 : index
    %get3A_143 = arith.constant 640 : index
    %get3A_144 = vector.load %arg2[%get3A_142, %get3A_143] : memref<3x8192xf32, #tpu.memory_space<vmem>>, vector<1x128xf32>
    %sub3A_145 = vector.broadcast %get3A_138 : vector<1x128xf32> to vector<512x128xf32>
    %sub3A_146 = arith.subf %broadcast_in_dim3A_2, %sub3A_145 : vector<512x128xf32>
    %sub3A_147 = vector.broadcast %get3A_141 : vector<1x128xf32> to vector<512x128xf32>
    %sub3A_148 = arith.subf %broadcast_in_dim3A_7, %sub3A_147 : vector<512x128xf32>
    %sub3A_149 = vector.broadcast %get3A_144 : vector<1x128xf32> to vector<512x128xf32>
    %sub3A_150 = arith.subf %broadcast_in_dim3A_12, %sub3A_149 : vector<512x128xf32>
    %mul3A_151 = arith.mulf %sub3A_146, %sub3A_146 : vector<512x128xf32>
    %mul3A_152 = arith.mulf %sub3A_148, %sub3A_148 : vector<512x128xf32>
    %add3A_153 = arith.addf %mul3A_151, %mul3A_152 : vector<512x128xf32>
    %mul3A_154 = arith.mulf %sub3A_150, %sub3A_150 : vector<512x128xf32>
    %add3A_155 = arith.addf %add3A_153, %mul3A_154 : vector<512x128xf32>
    %lt3A_156 = arith.cmpf olt, %add3A_155, %select_n3A_132 : vector<512x128xf32>
    %select_n3A_157 = arith.select %lt3A_156, %add3A_155, %select_n3A_132 : vector<512x128xi1>, vector<512x128xf32>
    %jit3A_158 = arith.constant 5 : i32
    %broadcast_in_dim3A_159 = vector.broadcast %jit3A_158 : i32 to vector<512x128xi32>
    %select_n3A_160 = arith.select %lt3A_156, %broadcast_in_dim3A_159, %select_n3A_135 : vector<512x128xi1>, vector<512x128xi32>
    %get3A_161 = arith.constant 0 : index
    %get3A_162 = arith.constant 768 : index
    %get3A_163 = vector.load %arg2[%get3A_161, %get3A_162] : memref<3x8192xf32, #tpu.memory_space<vmem>>, vector<1x128xf32>
    %get3A_164 = arith.constant 1 : index
    %get3A_165 = arith.constant 768 : index
    %get3A_166 = vector.load %arg2[%get3A_164, %get3A_165] : memref<3x8192xf32, #tpu.memory_space<vmem>>, vector<1x128xf32>
    %get3A_167 = arith.constant 2 : index
    %get3A_168 = arith.constant 768 : index
    %get3A_169 = vector.load %arg2[%get3A_167, %get3A_168] : memref<3x8192xf32, #tpu.memory_space<vmem>>, vector<1x128xf32>
    %sub3A_170 = vector.broadcast %get3A_163 : vector<1x128xf32> to vector<512x128xf32>
    %sub3A_171 = arith.subf %broadcast_in_dim3A_2, %sub3A_170 : vector<512x128xf32>
    %sub3A_172 = vector.broadcast %get3A_166 : vector<1x128xf32> to vector<512x128xf32>
    %sub3A_173 = arith.subf %broadcast_in_dim3A_7, %sub3A_172 : vector<512x128xf32>
    %sub3A_174 = vector.broadcast %get3A_169 : vector<1x128xf32> to vector<512x128xf32>
    %sub3A_175 = arith.subf %broadcast_in_dim3A_12, %sub3A_174 : vector<512x128xf32>
    %mul3A_176 = arith.mulf %sub3A_171, %sub3A_171 : vector<512x128xf32>
    %mul3A_177 = arith.mulf %sub3A_173, %sub3A_173 : vector<512x128xf32>
    %add3A_178 = arith.addf %mul3A_176, %mul3A_177 : vector<512x128xf32>
    %mul3A_179 = arith.mulf %sub3A_175, %sub3A_175 : vector<512x128xf32>
    %add3A_180 = arith.addf %add3A_178, %mul3A_179 : vector<512x128xf32>
    %lt3A_181 = arith.cmpf olt, %add3A_180, %select_n3A_157 : vector<512x128xf32>
    %select_n3A_182 = arith.select %lt3A_181, %add3A_180, %select_n3A_157 : vector<512x128xi1>, vector<512x128xf32>
    %jit3A_183 = arith.constant 6 : i32
    %broadcast_in_dim3A_184 = vector.broadcast %jit3A_183 : i32 to vector<512x128xi32>
    %select_n3A_185 = arith.select %lt3A_181, %broadcast_in_dim3A_184, %select_n3A_160 : vector<512x128xi1>, vector<512x128xi32>
    %get3A_186 = arith.constant 0 : index
    %get3A_187 = arith.constant 896 : index
    %get3A_188 = vector.load %arg2[%get3A_186, %get3A_187] : memref<3x8192xf32, #tpu.memory_space<vmem>>, vector<1x128xf32>
    %get3A_189 = arith.constant 1 : index
    %get3A_190 = arith.constant 896 : index
    %get3A_191 = vector.load %arg2[%get3A_189, %get3A_190] : memref<3x8192xf32, #tpu.memory_space<vmem>>, vector<1x128xf32>
    %get3A_192 = arith.constant 2 : index
    %get3A_193 = arith.constant 896 : index
    %get3A_194 = vector.load %arg2[%get3A_192, %get3A_193] : memref<3x8192xf32, #tpu.memory_space<vmem>>, vector<1x128xf32>
    %sub3A_195 = vector.broadcast %get3A_188 : vector<1x128xf32> to vector<512x128xf32>
    %sub3A_196 = arith.subf %broadcast_in_dim3A_2, %sub3A_195 : vector<512x128xf32>
    %sub3A_197 = vector.broadcast %get3A_191 : vector<1x128xf32> to vector<512x128xf32>
    %sub3A_198 = arith.subf %broadcast_in_dim3A_7, %sub3A_197 : vector<512x128xf32>
    %sub3A_199 = vector.broadcast %get3A_194 : vector<1x128xf32> to vector<512x128xf32>
    %sub3A_200 = arith.subf %broadcast_in_dim3A_12, %sub3A_199 : vector<512x128xf32>
    %mul3A_201 = arith.mulf %sub3A_196, %sub3A_196 : vector<512x128xf32>
    %mul3A_202 = arith.mulf %sub3A_198, %sub3A_198 : vector<512x128xf32>
    %add3A_203 = arith.addf %mul3A_201, %mul3A_202 : vector<512x128xf32>
    %mul3A_204 = arith.mulf %sub3A_200, %sub3A_200 : vector<512x128xf32>
    %add3A_205 = arith.addf %add3A_203, %mul3A_204 : vector<512x128xf32>
    %lt3A_206 = arith.cmpf olt, %add3A_205, %select_n3A_182 : vector<512x128xf32>
    %select_n3A_207 = arith.select %lt3A_206, %add3A_205, %select_n3A_182 : vector<512x128xi1>, vector<512x128xf32>
    %jit3A_208 = arith.constant 7 : i32
    %broadcast_in_dim3A_209 = vector.broadcast %jit3A_208 : i32 to vector<512x128xi32>
    %select_n3A_210 = arith.select %lt3A_206, %broadcast_in_dim3A_209, %select_n3A_185 : vector<512x128xi1>, vector<512x128xi32>
    %get3A_211 = arith.constant 0 : index
    %get3A_212 = arith.constant 1024 : index
    %get3A_213 = vector.load %arg2[%get3A_211, %get3A_212] : memref<3x8192xf32, #tpu.memory_space<vmem>>, vector<1x128xf32>
    %get3A_214 = arith.constant 1 : index
    %get3A_215 = arith.constant 1024 : index
    %get3A_216 = vector.load %arg2[%get3A_214, %get3A_215] : memref<3x8192xf32, #tpu.memory_space<vmem>>, vector<1x128xf32>
    %get3A_217 = arith.constant 2 : index
    %get3A_218 = arith.constant 1024 : index
    %get3A_219 = vector.load %arg2[%get3A_217, %get3A_218] : memref<3x8192xf32, #tpu.memory_space<vmem>>, vector<1x128xf32>
    %sub3A_220 = vector.broadcast %get3A_213 : vector<1x128xf32> to vector<512x128xf32>
    %sub3A_221 = arith.subf %broadcast_in_dim3A_2, %sub3A_220 : vector<512x128xf32>
    %sub3A_222 = vector.broadcast %get3A_216 : vector<1x128xf32> to vector<512x128xf32>
    %sub3A_223 = arith.subf %broadcast_in_dim3A_7, %sub3A_222 : vector<512x128xf32>
    %sub3A_224 = vector.broadcast %get3A_219 : vector<1x128xf32> to vector<512x128xf32>
    %sub3A_225 = arith.subf %broadcast_in_dim3A_12, %sub3A_224 : vector<512x128xf32>
    %mul3A_226 = arith.mulf %sub3A_221, %sub3A_221 : vector<512x128xf32>
    %mul3A_227 = arith.mulf %sub3A_223, %sub3A_223 : vector<512x128xf32>
    %add3A_228 = arith.addf %mul3A_226, %mul3A_227 : vector<512x128xf32>
    %mul3A_229 = arith.mulf %sub3A_225, %sub3A_225 : vector<512x128xf32>
    %add3A_230 = arith.addf %add3A_228, %mul3A_229 : vector<512x128xf32>
    %lt3A_231 = arith.cmpf olt, %add3A_230, %select_n3A_207 : vector<512x128xf32>
    %select_n3A_232 = arith.select %lt3A_231, %add3A_230, %select_n3A_207 : vector<512x128xi1>, vector<512x128xf32>
    %jit3A_233 = arith.constant 8 : i32
    %broadcast_in_dim3A_234 = vector.broadcast %jit3A_233 : i32 to vector<512x128xi32>
    %select_n3A_235 = arith.select %lt3A_231, %broadcast_in_dim3A_234, %select_n3A_210 : vector<512x128xi1>, vector<512x128xi32>
    %get3A_236 = arith.constant 0 : index
    %get3A_237 = arith.constant 1152 : index
    %get3A_238 = vector.load %arg2[%get3A_236, %get3A_237] : memref<3x8192xf32, #tpu.memory_space<vmem>>, vector<1x128xf32>
    %get3A_239 = arith.constant 1 : index
    %get3A_240 = arith.constant 1152 : index
    %get3A_241 = vector.load %arg2[%get3A_239, %get3A_240] : memref<3x8192xf32, #tpu.memory_space<vmem>>, vector<1x128xf32>
    %get3A_242 = arith.constant 2 : index
    %get3A_243 = arith.constant 1152 : index
    %get3A_244 = vector.load %arg2[%get3A_242, %get3A_243] : memref<3x8192xf32, #tpu.memory_space<vmem>>, vector<1x128xf32>
    %sub3A_245 = vector.broadcast %get3A_238 : vector<1x128xf32> to vector<512x128xf32>
    %sub3A_246 = arith.subf %broadcast_in_dim3A_2, %sub3A_245 : vector<512x128xf32>
    %sub3A_247 = vector.broadcast %get3A_241 : vector<1x128xf32> to vector<512x128xf32>
    %sub3A_248 = arith.subf %broadcast_in_dim3A_7, %sub3A_247 : vector<512x128xf32>
    %sub3A_249 = vector.broadcast %get3A_244 : vector<1x128xf32> to vector<512x128xf32>
    %sub3A_250 = arith.subf %broadcast_in_dim3A_12, %sub3A_249 : vector<512x128xf32>
    %mul3A_251 = arith.mulf %sub3A_246, %sub3A_246 : vector<512x128xf32>
    %mul3A_252 = arith.mulf %sub3A_248, %sub3A_248 : vector<512x128xf32>
    %add3A_253 = arith.addf %mul3A_251, %mul3A_252 : vector<512x128xf32>
    %mul3A_254 = arith.mulf %sub3A_250, %sub3A_250 : vector<512x128xf32>
    %add3A_255 = arith.addf %add3A_253, %mul3A_254 : vector<512x128xf32>
    %lt3A_256 = arith.cmpf olt, %add3A_255, %select_n3A_232 : vector<512x128xf32>
    %select_n3A_257 = arith.select %lt3A_256, %add3A_255, %select_n3A_232 : vector<512x128xi1>, vector<512x128xf32>
    %jit3A_258 = arith.constant 9 : i32
    %broadcast_in_dim3A_259 = vector.broadcast %jit3A_258 : i32 to vector<512x128xi32>
    %select_n3A_260 = arith.select %lt3A_256, %broadcast_in_dim3A_259, %select_n3A_235 : vector<512x128xi1>, vector<512x128xi32>
    %get3A_261 = arith.constant 0 : index
    %get3A_262 = arith.constant 1280 : index
    %get3A_263 = vector.load %arg2[%get3A_261, %get3A_262] : memref<3x8192xf32, #tpu.memory_space<vmem>>, vector<1x128xf32>
    %get3A_264 = arith.constant 1 : index
    %get3A_265 = arith.constant 1280 : index
    %get3A_266 = vector.load %arg2[%get3A_264, %get3A_265] : memref<3x8192xf32, #tpu.memory_space<vmem>>, vector<1x128xf32>
    %get3A_267 = arith.constant 2 : index
    %get3A_268 = arith.constant 1280 : index
    %get3A_269 = vector.load %arg2[%get3A_267, %get3A_268] : memref<3x8192xf32, #tpu.memory_space<vmem>>, vector<1x128xf32>
    %sub3A_270 = vector.broadcast %get3A_263 : vector<1x128xf32> to vector<512x128xf32>
    %sub3A_271 = arith.subf %broadcast_in_dim3A_2, %sub3A_270 : vector<512x128xf32>
    %sub3A_272 = vector.broadcast %get3A_266 : vector<1x128xf32> to vector<512x128xf32>
    %sub3A_273 = arith.subf %broadcast_in_dim3A_7, %sub3A_272 : vector<512x128xf32>
    %sub3A_274 = vector.broadcast %get3A_269 : vector<1x128xf32> to vector<512x128xf32>
    %sub3A_275 = arith.subf %broadcast_in_dim3A_12, %sub3A_274 : vector<512x128xf32>
    %mul3A_276 = arith.mulf %sub3A_271, %sub3A_271 : vector<512x128xf32>
    %mul3A_277 = arith.mulf %sub3A_273, %sub3A_273 : vector<512x128xf32>
    %add3A_278 = arith.addf %mul3A_276, %mul3A_277 : vector<512x128xf32>
    %mul3A_279 = arith.mulf %sub3A_275, %sub3A_275 : vector<512x128xf32>
    %add3A_280 = arith.addf %add3A_278, %mul3A_279 : vector<512x128xf32>
    %lt3A_281 = arith.cmpf olt, %add3A_280, %select_n3A_257 : vector<512x128xf32>
    %select_n3A_282 = arith.select %lt3A_281, %add3A_280, %select_n3A_257 : vector<512x128xi1>, vector<512x128xf32>
    %jit3A_283 = arith.constant 10 : i32
    %broadcast_in_dim3A_284 = vector.broadcast %jit3A_283 : i32 to vector<512x128xi32>
    %select_n3A_285 = arith.select %lt3A_281, %broadcast_in_dim3A_284, %select_n3A_260 : vector<512x128xi1>, vector<512x128xi32>
    %get3A_286 = arith.constant 0 : index
    %get3A_287 = arith.constant 1408 : index
    %get3A_288 = vector.load %arg2[%get3A_286, %get3A_287] : memref<3x8192xf32, #tpu.memory_space<vmem>>, vector<1x128xf32>
    %get3A_289 = arith.constant 1 : index
    %get3A_290 = arith.constant 1408 : index
    %get3A_291 = vector.load %arg2[%get3A_289, %get3A_290] : memref<3x8192xf32, #tpu.memory_space<vmem>>, vector<1x128xf32>
    %get3A_292 = arith.constant 2 : index
    %get3A_293 = arith.constant 1408 : index
    %get3A_294 = vector.load %arg2[%get3A_292, %get3A_293] : memref<3x8192xf32, #tpu.memory_space<vmem>>, vector<1x128xf32>
    %sub3A_295 = vector.broadcast %get3A_288 : vector<1x128xf32> to vector<512x128xf32>
    %sub3A_296 = arith.subf %broadcast_in_dim3A_2, %sub3A_295 : vector<512x128xf32>
    %sub3A_297 = vector.broadcast %get3A_291 : vector<1x128xf32> to vector<512x128xf32>
    %sub3A_298 = arith.subf %broadcast_in_dim3A_7, %sub3A_297 : vector<512x128xf32>
    %sub3A_299 = vector.broadcast %get3A_294 : vector<1x128xf32> to vector<512x128xf32>
    %sub3A_300 = arith.subf %broadcast_in_dim3A_12, %sub3A_299 : vector<512x128xf32>
    %mul3A_301 = arith.mulf %sub3A_296, %sub3A_296 : vector<512x128xf32>
    %mul3A_302 = arith.mulf %sub3A_298, %sub3A_298 : vector<512x128xf32>
    %add3A_303 = arith.addf %mul3A_301, %mul3A_302 : vector<512x128xf32>
    %mul3A_304 = arith.mulf %sub3A_300, %sub3A_300 : vector<512x128xf32>
    %add3A_305 = arith.addf %add3A_303, %mul3A_304 : vector<512x128xf32>
    %lt3A_306 = arith.cmpf olt, %add3A_305, %select_n3A_282 : vector<512x128xf32>
    %select_n3A_307 = arith.select %lt3A_306, %add3A_305, %select_n3A_282 : vector<512x128xi1>, vector<512x128xf32>
    %jit3A_308 = arith.constant 11 : i32
    %broadcast_in_dim3A_309 = vector.broadcast %jit3A_308 : i32 to vector<512x128xi32>
    %select_n3A_310 = arith.select %lt3A_306, %broadcast_in_dim3A_309, %select_n3A_285 : vector<512x128xi1>, vector<512x128xi32>
    %get3A_311 = arith.constant 0 : index
    %get3A_312 = arith.constant 1536 : index
    %get3A_313 = vector.load %arg2[%get3A_311, %get3A_312] : memref<3x8192xf32, #tpu.memory_space<vmem>>, vector<1x128xf32>
    %get3A_314 = arith.constant 1 : index
    %get3A_315 = arith.constant 1536 : index
    %get3A_316 = vector.load %arg2[%get3A_314, %get3A_315] : memref<3x8192xf32, #tpu.memory_space<vmem>>, vector<1x128xf32>
    %get3A_317 = arith.constant 2 : index
    %get3A_318 = arith.constant 1536 : index
    %get3A_319 = vector.load %arg2[%get3A_317, %get3A_318] : memref<3x8192xf32, #tpu.memory_space<vmem>>, vector<1x128xf32>
    %sub3A_320 = vector.broadcast %get3A_313 : vector<1x128xf32> to vector<512x128xf32>
    %sub3A_321 = arith.subf %broadcast_in_dim3A_2, %sub3A_320 : vector<512x128xf32>
    %sub3A_322 = vector.broadcast %get3A_316 : vector<1x128xf32> to vector<512x128xf32>
    %sub3A_323 = arith.subf %broadcast_in_dim3A_7, %sub3A_322 : vector<512x128xf32>
    %sub3A_324 = vector.broadcast %get3A_319 : vector<1x128xf32> to vector<512x128xf32>
    %sub3A_325 = arith.subf %broadcast_in_dim3A_12, %sub3A_324 : vector<512x128xf32>
    %mul3A_326 = arith.mulf %sub3A_321, %sub3A_321 : vector<512x128xf32>
    %mul3A_327 = arith.mulf %sub3A_323, %sub3A_323 : vector<512x128xf32>
    %add3A_328 = arith.addf %mul3A_326, %mul3A_327 : vector<512x128xf32>
    %mul3A_329 = arith.mulf %sub3A_325, %sub3A_325 : vector<512x128xf32>
    %add3A_330 = arith.addf %add3A_328, %mul3A_329 : vector<512x128xf32>
    %lt3A_331 = arith.cmpf olt, %add3A_330, %select_n3A_307 : vector<512x128xf32>
    %select_n3A_332 = arith.select %lt3A_331, %add3A_330, %select_n3A_307 : vector<512x128xi1>, vector<512x128xf32>
    %jit3A_333 = arith.constant 12 : i32
    %broadcast_in_dim3A_334 = vector.broadcast %jit3A_333 : i32 to vector<512x128xi32>
    %select_n3A_335 = arith.select %lt3A_331, %broadcast_in_dim3A_334, %select_n3A_310 : vector<512x128xi1>, vector<512x128xi32>
    %get3A_336 = arith.constant 0 : index
    %get3A_337 = arith.constant 1664 : index
    %get3A_338 = vector.load %arg2[%get3A_336, %get3A_337] : memref<3x8192xf32, #tpu.memory_space<vmem>>, vector<1x128xf32>
    %get3A_339 = arith.constant 1 : index
    %get3A_340 = arith.constant 1664 : index
    %get3A_341 = vector.load %arg2[%get3A_339, %get3A_340] : memref<3x8192xf32, #tpu.memory_space<vmem>>, vector<1x128xf32>
    %get3A_342 = arith.constant 2 : index
    %get3A_343 = arith.constant 1664 : index
    %get3A_344 = vector.load %arg2[%get3A_342, %get3A_343] : memref<3x8192xf32, #tpu.memory_space<vmem>>, vector<1x128xf32>
    %sub3A_345 = vector.broadcast %get3A_338 : vector<1x128xf32> to vector<512x128xf32>
    %sub3A_346 = arith.subf %broadcast_in_dim3A_2, %sub3A_345 : vector<512x128xf32>
    %sub3A_347 = vector.broadcast %get3A_341 : vector<1x128xf32> to vector<512x128xf32>
    %sub3A_348 = arith.subf %broadcast_in_dim3A_7, %sub3A_347 : vector<512x128xf32>
    %sub3A_349 = vector.broadcast %get3A_344 : vector<1x128xf32> to vector<512x128xf32>
    %sub3A_350 = arith.subf %broadcast_in_dim3A_12, %sub3A_349 : vector<512x128xf32>
    %mul3A_351 = arith.mulf %sub3A_346, %sub3A_346 : vector<512x128xf32>
    %mul3A_352 = arith.mulf %sub3A_348, %sub3A_348 : vector<512x128xf32>
    %add3A_353 = arith.addf %mul3A_351, %mul3A_352 : vector<512x128xf32>
    %mul3A_354 = arith.mulf %sub3A_350, %sub3A_350 : vector<512x128xf32>
    %add3A_355 = arith.addf %add3A_353, %mul3A_354 : vector<512x128xf32>
    %lt3A_356 = arith.cmpf olt, %add3A_355, %select_n3A_332 : vector<512x128xf32>
    %select_n3A_357 = arith.select %lt3A_356, %add3A_355, %select_n3A_332 : vector<512x128xi1>, vector<512x128xf32>
    %jit3A_358 = arith.constant 13 : i32
    %broadcast_in_dim3A_359 = vector.broadcast %jit3A_358 : i32 to vector<512x128xi32>
    %select_n3A_360 = arith.select %lt3A_356, %broadcast_in_dim3A_359, %select_n3A_335 : vector<512x128xi1>, vector<512x128xi32>
    %get3A_361 = arith.constant 0 : index
    %get3A_362 = arith.constant 1792 : index
    %get3A_363 = vector.load %arg2[%get3A_361, %get3A_362] : memref<3x8192xf32, #tpu.memory_space<vmem>>, vector<1x128xf32>
    %get3A_364 = arith.constant 1 : index
    %get3A_365 = arith.constant 1792 : index
    %get3A_366 = vector.load %arg2[%get3A_364, %get3A_365] : memref<3x8192xf32, #tpu.memory_space<vmem>>, vector<1x128xf32>
    %get3A_367 = arith.constant 2 : index
    %get3A_368 = arith.constant 1792 : index
    %get3A_369 = vector.load %arg2[%get3A_367, %get3A_368] : memref<3x8192xf32, #tpu.memory_space<vmem>>, vector<1x128xf32>
    %sub3A_370 = vector.broadcast %get3A_363 : vector<1x128xf32> to vector<512x128xf32>
    %sub3A_371 = arith.subf %broadcast_in_dim3A_2, %sub3A_370 : vector<512x128xf32>
    %sub3A_372 = vector.broadcast %get3A_366 : vector<1x128xf32> to vector<512x128xf32>
    %sub3A_373 = arith.subf %broadcast_in_dim3A_7, %sub3A_372 : vector<512x128xf32>
    %sub3A_374 = vector.broadcast %get3A_369 : vector<1x128xf32> to vector<512x128xf32>
    %sub3A_375 = arith.subf %broadcast_in_dim3A_12, %sub3A_374 : vector<512x128xf32>
    %mul3A_376 = arith.mulf %sub3A_371, %sub3A_371 : vector<512x128xf32>
    %mul3A_377 = arith.mulf %sub3A_373, %sub3A_373 : vector<512x128xf32>
    %add3A_378 = arith.addf %mul3A_376, %mul3A_377 : vector<512x128xf32>
    %mul3A_379 = arith.mulf %sub3A_375, %sub3A_375 : vector<512x128xf32>
    %add3A_380 = arith.addf %add3A_378, %mul3A_379 : vector<512x128xf32>
    %lt3A_381 = arith.cmpf olt, %add3A_380, %select_n3A_357 : vector<512x128xf32>
    %select_n3A_382 = arith.select %lt3A_381, %add3A_380, %select_n3A_357 : vector<512x128xi1>, vector<512x128xf32>
    %jit3A_383 = arith.constant 14 : i32
    %broadcast_in_dim3A_384 = vector.broadcast %jit3A_383 : i32 to vector<512x128xi32>
    %select_n3A_385 = arith.select %lt3A_381, %broadcast_in_dim3A_384, %select_n3A_360 : vector<512x128xi1>, vector<512x128xi32>
    %get3A_386 = arith.constant 0 : index
    %get3A_387 = arith.constant 1920 : index
    %get3A_388 = vector.load %arg2[%get3A_386, %get3A_387] : memref<3x8192xf32, #tpu.memory_space<vmem>>, vector<1x128xf32>
    %get3A_389 = arith.constant 1 : index
    %get3A_390 = arith.constant 1920 : index
    %get3A_391 = vector.load %arg2[%get3A_389, %get3A_390] : memref<3x8192xf32, #tpu.memory_space<vmem>>, vector<1x128xf32>
    %get3A_392 = arith.constant 2 : index
    %get3A_393 = arith.constant 1920 : index
    %get3A_394 = vector.load %arg2[%get3A_392, %get3A_393] : memref<3x8192xf32, #tpu.memory_space<vmem>>, vector<1x128xf32>
    %sub3A_395 = vector.broadcast %get3A_388 : vector<1x128xf32> to vector<512x128xf32>
    %sub3A_396 = arith.subf %broadcast_in_dim3A_2, %sub3A_395 : vector<512x128xf32>
    %sub3A_397 = vector.broadcast %get3A_391 : vector<1x128xf32> to vector<512x128xf32>
    %sub3A_398 = arith.subf %broadcast_in_dim3A_7, %sub3A_397 : vector<512x128xf32>
    %sub3A_399 = vector.broadcast %get3A_394 : vector<1x128xf32> to vector<512x128xf32>
    %sub3A_400 = arith.subf %broadcast_in_dim3A_12, %sub3A_399 : vector<512x128xf32>
    %mul3A_401 = arith.mulf %sub3A_396, %sub3A_396 : vector<512x128xf32>
    %mul3A_402 = arith.mulf %sub3A_398, %sub3A_398 : vector<512x128xf32>
    %add3A_403 = arith.addf %mul3A_401, %mul3A_402 : vector<512x128xf32>
    %mul3A_404 = arith.mulf %sub3A_400, %sub3A_400 : vector<512x128xf32>
    %add3A_405 = arith.addf %add3A_403, %mul3A_404 : vector<512x128xf32>
    %lt3A_406 = arith.cmpf olt, %add3A_405, %select_n3A_382 : vector<512x128xf32>
    %select_n3A_407 = arith.select %lt3A_406, %add3A_405, %select_n3A_382 : vector<512x128xi1>, vector<512x128xf32>
    %jit3A_408 = arith.constant 15 : i32
    %broadcast_in_dim3A_409 = vector.broadcast %jit3A_408 : i32 to vector<512x128xi32>
    %select_n3A_410 = arith.select %lt3A_406, %broadcast_in_dim3A_409, %select_n3A_385 : vector<512x128xi1>, vector<512x128xi32>
    %get3A_411 = arith.constant 0 : index
    %get3A_412 = arith.constant 2048 : index
    %get3A_413 = vector.load %arg2[%get3A_411, %get3A_412] : memref<3x8192xf32, #tpu.memory_space<vmem>>, vector<1x128xf32>
    %get3A_414 = arith.constant 1 : index
    %get3A_415 = arith.constant 2048 : index
    %get3A_416 = vector.load %arg2[%get3A_414, %get3A_415] : memref<3x8192xf32, #tpu.memory_space<vmem>>, vector<1x128xf32>
    %get3A_417 = arith.constant 2 : index
    %get3A_418 = arith.constant 2048 : index
    %get3A_419 = vector.load %arg2[%get3A_417, %get3A_418] : memref<3x8192xf32, #tpu.memory_space<vmem>>, vector<1x128xf32>
    %sub3A_420 = vector.broadcast %get3A_413 : vector<1x128xf32> to vector<512x128xf32>
    %sub3A_421 = arith.subf %broadcast_in_dim3A_2, %sub3A_420 : vector<512x128xf32>
    %sub3A_422 = vector.broadcast %get3A_416 : vector<1x128xf32> to vector<512x128xf32>
    %sub3A_423 = arith.subf %broadcast_in_dim3A_7, %sub3A_422 : vector<512x128xf32>
    %sub3A_424 = vector.broadcast %get3A_419 : vector<1x128xf32> to vector<512x128xf32>
    %sub3A_425 = arith.subf %broadcast_in_dim3A_12, %sub3A_424 : vector<512x128xf32>
    %mul3A_426 = arith.mulf %sub3A_421, %sub3A_421 : vector<512x128xf32>
    %mul3A_427 = arith.mulf %sub3A_423, %sub3A_423 : vector<512x128xf32>
    %add3A_428 = arith.addf %mul3A_426, %mul3A_427 : vector<512x128xf32>
    %mul3A_429 = arith.mulf %sub3A_425, %sub3A_425 : vector<512x128xf32>
    %add3A_430 = arith.addf %add3A_428, %mul3A_429 : vector<512x128xf32>
    %lt3A_431 = arith.cmpf olt, %add3A_430, %select_n3A_407 : vector<512x128xf32>
    %select_n3A_432 = arith.select %lt3A_431, %add3A_430, %select_n3A_407 : vector<512x128xi1>, vector<512x128xf32>
    %jit3A_433 = arith.constant 16 : i32
    %broadcast_in_dim3A_434 = vector.broadcast %jit3A_433 : i32 to vector<512x128xi32>
    %select_n3A_435 = arith.select %lt3A_431, %broadcast_in_dim3A_434, %select_n3A_410 : vector<512x128xi1>, vector<512x128xi32>
    %get3A_436 = arith.constant 0 : index
    %get3A_437 = arith.constant 2176 : index
    %get3A_438 = vector.load %arg2[%get3A_436, %get3A_437] : memref<3x8192xf32, #tpu.memory_space<vmem>>, vector<1x128xf32>
    %get3A_439 = arith.constant 1 : index
    %get3A_440 = arith.constant 2176 : index
    %get3A_441 = vector.load %arg2[%get3A_439, %get3A_440] : memref<3x8192xf32, #tpu.memory_space<vmem>>, vector<1x128xf32>
    %get3A_442 = arith.constant 2 : index
    %get3A_443 = arith.constant 2176 : index
    %get3A_444 = vector.load %arg2[%get3A_442, %get3A_443] : memref<3x8192xf32, #tpu.memory_space<vmem>>, vector<1x128xf32>
    %sub3A_445 = vector.broadcast %get3A_438 : vector<1x128xf32> to vector<512x128xf32>
    %sub3A_446 = arith.subf %broadcast_in_dim3A_2, %sub3A_445 : vector<512x128xf32>
    %sub3A_447 = vector.broadcast %get3A_441 : vector<1x128xf32> to vector<512x128xf32>
    %sub3A_448 = arith.subf %broadcast_in_dim3A_7, %sub3A_447 : vector<512x128xf32>
    %sub3A_449 = vector.broadcast %get3A_444 : vector<1x128xf32> to vector<512x128xf32>
    %sub3A_450 = arith.subf %broadcast_in_dim3A_12, %sub3A_449 : vector<512x128xf32>
    %mul3A_451 = arith.mulf %sub3A_446, %sub3A_446 : vector<512x128xf32>
    %mul3A_452 = arith.mulf %sub3A_448, %sub3A_448 : vector<512x128xf32>
    %add3A_453 = arith.addf %mul3A_451, %mul3A_452 : vector<512x128xf32>
    %mul3A_454 = arith.mulf %sub3A_450, %sub3A_450 : vector<512x128xf32>
    %add3A_455 = arith.addf %add3A_453, %mul3A_454 : vector<512x128xf32>
    %lt3A_456 = arith.cmpf olt, %add3A_455, %select_n3A_432 : vector<512x128xf32>
    %select_n3A_457 = arith.select %lt3A_456, %add3A_455, %select_n3A_432 : vector<512x128xi1>, vector<512x128xf32>
    %jit3A_458 = arith.constant 17 : i32
    %broadcast_in_dim3A_459 = vector.broadcast %jit3A_458 : i32 to vector<512x128xi32>
    %select_n3A_460 = arith.select %lt3A_456, %broadcast_in_dim3A_459, %select_n3A_435 : vector<512x128xi1>, vector<512x128xi32>
    %get3A_461 = arith.constant 0 : index
    %get3A_462 = arith.constant 2304 : index
    %get3A_463 = vector.load %arg2[%get3A_461, %get3A_462] : memref<3x8192xf32, #tpu.memory_space<vmem>>, vector<1x128xf32>
    %get3A_464 = arith.constant 1 : index
    %get3A_465 = arith.constant 2304 : index
    %get3A_466 = vector.load %arg2[%get3A_464, %get3A_465] : memref<3x8192xf32, #tpu.memory_space<vmem>>, vector<1x128xf32>
    %get3A_467 = arith.constant 2 : index
    %get3A_468 = arith.constant 2304 : index
    %get3A_469 = vector.load %arg2[%get3A_467, %get3A_468] : memref<3x8192xf32, #tpu.memory_space<vmem>>, vector<1x128xf32>
    %sub3A_470 = vector.broadcast %get3A_463 : vector<1x128xf32> to vector<512x128xf32>
    %sub3A_471 = arith.subf %broadcast_in_dim3A_2, %sub3A_470 : vector<512x128xf32>
    %sub3A_472 = vector.broadcast %get3A_466 : vector<1x128xf32> to vector<512x128xf32>
    %sub3A_473 = arith.subf %broadcast_in_dim3A_7, %sub3A_472 : vector<512x128xf32>
    %sub3A_474 = vector.broadcast %get3A_469 : vector<1x128xf32> to vector<512x128xf32>
    %sub3A_475 = arith.subf %broadcast_in_dim3A_12, %sub3A_474 : vector<512x128xf32>
    %mul3A_476 = arith.mulf %sub3A_471, %sub3A_471 : vector<512x128xf32>
    %mul3A_477 = arith.mulf %sub3A_473, %sub3A_473 : vector<512x128xf32>
    %add3A_478 = arith.addf %mul3A_476, %mul3A_477 : vector<512x128xf32>
    %mul3A_479 = arith.mulf %sub3A_475, %sub3A_475 : vector<512x128xf32>
    %add3A_480 = arith.addf %add3A_478, %mul3A_479 : vector<512x128xf32>
    %lt3A_481 = arith.cmpf olt, %add3A_480, %select_n3A_457 : vector<512x128xf32>
    %select_n3A_482 = arith.select %lt3A_481, %add3A_480, %select_n3A_457 : vector<512x128xi1>, vector<512x128xf32>
    %jit3A_483 = arith.constant 18 : i32
    %broadcast_in_dim3A_484 = vector.broadcast %jit3A_483 : i32 to vector<512x128xi32>
    %select_n3A_485 = arith.select %lt3A_481, %broadcast_in_dim3A_484, %select_n3A_460 : vector<512x128xi1>, vector<512x128xi32>
    %get3A_486 = arith.constant 0 : index
    %get3A_487 = arith.constant 2432 : index
    %get3A_488 = vector.load %arg2[%get3A_486, %get3A_487] : memref<3x8192xf32, #tpu.memory_space<vmem>>, vector<1x128xf32>
    %get3A_489 = arith.constant 1 : index
    %get3A_490 = arith.constant 2432 : index
    %get3A_491 = vector.load %arg2[%get3A_489, %get3A_490] : memref<3x8192xf32, #tpu.memory_space<vmem>>, vector<1x128xf32>
    %get3A_492 = arith.constant 2 : index
    %get3A_493 = arith.constant 2432 : index
    %get3A_494 = vector.load %arg2[%get3A_492, %get3A_493] : memref<3x8192xf32, #tpu.memory_space<vmem>>, vector<1x128xf32>
    %sub3A_495 = vector.broadcast %get3A_488 : vector<1x128xf32> to vector<512x128xf32>
    %sub3A_496 = arith.subf %broadcast_in_dim3A_2, %sub3A_495 : vector<512x128xf32>
    %sub3A_497 = vector.broadcast %get3A_491 : vector<1x128xf32> to vector<512x128xf32>
    %sub3A_498 = arith.subf %broadcast_in_dim3A_7, %sub3A_497 : vector<512x128xf32>
    %sub3A_499 = vector.broadcast %get3A_494 : vector<1x128xf32> to vector<512x128xf32>
    %sub3A_500 = arith.subf %broadcast_in_dim3A_12, %sub3A_499 : vector<512x128xf32>
    %mul3A_501 = arith.mulf %sub3A_496, %sub3A_496 : vector<512x128xf32>
    %mul3A_502 = arith.mulf %sub3A_498, %sub3A_498 : vector<512x128xf32>
    %add3A_503 = arith.addf %mul3A_501, %mul3A_502 : vector<512x128xf32>
    %mul3A_504 = arith.mulf %sub3A_500, %sub3A_500 : vector<512x128xf32>
    %add3A_505 = arith.addf %add3A_503, %mul3A_504 : vector<512x128xf32>
    %lt3A_506 = arith.cmpf olt, %add3A_505, %select_n3A_482 : vector<512x128xf32>
    %select_n3A_507 = arith.select %lt3A_506, %add3A_505, %select_n3A_482 : vector<512x128xi1>, vector<512x128xf32>
    %jit3A_508 = arith.constant 19 : i32
    %broadcast_in_dim3A_509 = vector.broadcast %jit3A_508 : i32 to vector<512x128xi32>
    %select_n3A_510 = arith.select %lt3A_506, %broadcast_in_dim3A_509, %select_n3A_485 : vector<512x128xi1>, vector<512x128xi32>
    %get3A_511 = arith.constant 0 : index
    %get3A_512 = arith.constant 2560 : index
    %get3A_513 = vector.load %arg2[%get3A_511, %get3A_512] : memref<3x8192xf32, #tpu.memory_space<vmem>>, vector<1x128xf32>
    %get3A_514 = arith.constant 1 : index
    %get3A_515 = arith.constant 2560 : index
    %get3A_516 = vector.load %arg2[%get3A_514, %get3A_515] : memref<3x8192xf32, #tpu.memory_space<vmem>>, vector<1x128xf32>
    %get3A_517 = arith.constant 2 : index
    %get3A_518 = arith.constant 2560 : index
    %get3A_519 = vector.load %arg2[%get3A_517, %get3A_518] : memref<3x8192xf32, #tpu.memory_space<vmem>>, vector<1x128xf32>
    %sub3A_520 = vector.broadcast %get3A_513 : vector<1x128xf32> to vector<512x128xf32>
    %sub3A_521 = arith.subf %broadcast_in_dim3A_2, %sub3A_520 : vector<512x128xf32>
    %sub3A_522 = vector.broadcast %get3A_516 : vector<1x128xf32> to vector<512x128xf32>
    %sub3A_523 = arith.subf %broadcast_in_dim3A_7, %sub3A_522 : vector<512x128xf32>
    %sub3A_524 = vector.broadcast %get3A_519 : vector<1x128xf32> to vector<512x128xf32>
    %sub3A_525 = arith.subf %broadcast_in_dim3A_12, %sub3A_524 : vector<512x128xf32>
    %mul3A_526 = arith.mulf %sub3A_521, %sub3A_521 : vector<512x128xf32>
    %mul3A_527 = arith.mulf %sub3A_523, %sub3A_523 : vector<512x128xf32>
    %add3A_528 = arith.addf %mul3A_526, %mul3A_527 : vector<512x128xf32>
    %mul3A_529 = arith.mulf %sub3A_525, %sub3A_525 : vector<512x128xf32>
    %add3A_530 = arith.addf %add3A_528, %mul3A_529 : vector<512x128xf32>
    %lt3A_531 = arith.cmpf olt, %add3A_530, %select_n3A_507 : vector<512x128xf32>
    %select_n3A_532 = arith.select %lt3A_531, %add3A_530, %select_n3A_507 : vector<512x128xi1>, vector<512x128xf32>
    %jit3A_533 = arith.constant 20 : i32
    %broadcast_in_dim3A_534 = vector.broadcast %jit3A_533 : i32 to vector<512x128xi32>
    %select_n3A_535 = arith.select %lt3A_531, %broadcast_in_dim3A_534, %select_n3A_510 : vector<512x128xi1>, vector<512x128xi32>
    %get3A_536 = arith.constant 0 : index
    %get3A_537 = arith.constant 2688 : index
    %get3A_538 = vector.load %arg2[%get3A_536, %get3A_537] : memref<3x8192xf32, #tpu.memory_space<vmem>>, vector<1x128xf32>
    %get3A_539 = arith.constant 1 : index
    %get3A_540 = arith.constant 2688 : index
    %get3A_541 = vector.load %arg2[%get3A_539, %get3A_540] : memref<3x8192xf32, #tpu.memory_space<vmem>>, vector<1x128xf32>
    %get3A_542 = arith.constant 2 : index
    %get3A_543 = arith.constant 2688 : index
    %get3A_544 = vector.load %arg2[%get3A_542, %get3A_543] : memref<3x8192xf32, #tpu.memory_space<vmem>>, vector<1x128xf32>
    %sub3A_545 = vector.broadcast %get3A_538 : vector<1x128xf32> to vector<512x128xf32>
    %sub3A_546 = arith.subf %broadcast_in_dim3A_2, %sub3A_545 : vector<512x128xf32>
    %sub3A_547 = vector.broadcast %get3A_541 : vector<1x128xf32> to vector<512x128xf32>
    %sub3A_548 = arith.subf %broadcast_in_dim3A_7, %sub3A_547 : vector<512x128xf32>
    %sub3A_549 = vector.broadcast %get3A_544 : vector<1x128xf32> to vector<512x128xf32>
    %sub3A_550 = arith.subf %broadcast_in_dim3A_12, %sub3A_549 : vector<512x128xf32>
    %mul3A_551 = arith.mulf %sub3A_546, %sub3A_546 : vector<512x128xf32>
    %mul3A_552 = arith.mulf %sub3A_548, %sub3A_548 : vector<512x128xf32>
    %add3A_553 = arith.addf %mul3A_551, %mul3A_552 : vector<512x128xf32>
    %mul3A_554 = arith.mulf %sub3A_550, %sub3A_550 : vector<512x128xf32>
    %add3A_555 = arith.addf %add3A_553, %mul3A_554 : vector<512x128xf32>
    %lt3A_556 = arith.cmpf olt, %add3A_555, %select_n3A_532 : vector<512x128xf32>
    %select_n3A_557 = arith.select %lt3A_556, %add3A_555, %select_n3A_532 : vector<512x128xi1>, vector<512x128xf32>
    %jit3A_558 = arith.constant 21 : i32
    %broadcast_in_dim3A_559 = vector.broadcast %jit3A_558 : i32 to vector<512x128xi32>
    %select_n3A_560 = arith.select %lt3A_556, %broadcast_in_dim3A_559, %select_n3A_535 : vector<512x128xi1>, vector<512x128xi32>
    %get3A_561 = arith.constant 0 : index
    %get3A_562 = arith.constant 2816 : index
    %get3A_563 = vector.load %arg2[%get3A_561, %get3A_562] : memref<3x8192xf32, #tpu.memory_space<vmem>>, vector<1x128xf32>
    %get3A_564 = arith.constant 1 : index
    %get3A_565 = arith.constant 2816 : index
    %get3A_566 = vector.load %arg2[%get3A_564, %get3A_565] : memref<3x8192xf32, #tpu.memory_space<vmem>>, vector<1x128xf32>
    %get3A_567 = arith.constant 2 : index
    %get3A_568 = arith.constant 2816 : index
    %get3A_569 = vector.load %arg2[%get3A_567, %get3A_568] : memref<3x8192xf32, #tpu.memory_space<vmem>>, vector<1x128xf32>
    %sub3A_570 = vector.broadcast %get3A_563 : vector<1x128xf32> to vector<512x128xf32>
    %sub3A_571 = arith.subf %broadcast_in_dim3A_2, %sub3A_570 : vector<512x128xf32>
    %sub3A_572 = vector.broadcast %get3A_566 : vector<1x128xf32> to vector<512x128xf32>
    %sub3A_573 = arith.subf %broadcast_in_dim3A_7, %sub3A_572 : vector<512x128xf32>
    %sub3A_574 = vector.broadcast %get3A_569 : vector<1x128xf32> to vector<512x128xf32>
    %sub3A_575 = arith.subf %broadcast_in_dim3A_12, %sub3A_574 : vector<512x128xf32>
    %mul3A_576 = arith.mulf %sub3A_571, %sub3A_571 : vector<512x128xf32>
    %mul3A_577 = arith.mulf %sub3A_573, %sub3A_573 : vector<512x128xf32>
    %add3A_578 = arith.addf %mul3A_576, %mul3A_577 : vector<512x128xf32>
    %mul3A_579 = arith.mulf %sub3A_575, %sub3A_575 : vector<512x128xf32>
    %add3A_580 = arith.addf %add3A_578, %mul3A_579 : vector<512x128xf32>
    %lt3A_581 = arith.cmpf olt, %add3A_580, %select_n3A_557 : vector<512x128xf32>
    %select_n3A_582 = arith.select %lt3A_581, %add3A_580, %select_n3A_557 : vector<512x128xi1>, vector<512x128xf32>
    %jit3A_583 = arith.constant 22 : i32
    %broadcast_in_dim3A_584 = vector.broadcast %jit3A_583 : i32 to vector<512x128xi32>
    %select_n3A_585 = arith.select %lt3A_581, %broadcast_in_dim3A_584, %select_n3A_560 : vector<512x128xi1>, vector<512x128xi32>
    %get3A_586 = arith.constant 0 : index
    %get3A_587 = arith.constant 2944 : index
    %get3A_588 = vector.load %arg2[%get3A_586, %get3A_587] : memref<3x8192xf32, #tpu.memory_space<vmem>>, vector<1x128xf32>
    %get3A_589 = arith.constant 1 : index
    %get3A_590 = arith.constant 2944 : index
    %get3A_591 = vector.load %arg2[%get3A_589, %get3A_590] : memref<3x8192xf32, #tpu.memory_space<vmem>>, vector<1x128xf32>
    %get3A_592 = arith.constant 2 : index
    %get3A_593 = arith.constant 2944 : index
    %get3A_594 = vector.load %arg2[%get3A_592, %get3A_593] : memref<3x8192xf32, #tpu.memory_space<vmem>>, vector<1x128xf32>
    %sub3A_595 = vector.broadcast %get3A_588 : vector<1x128xf32> to vector<512x128xf32>
    %sub3A_596 = arith.subf %broadcast_in_dim3A_2, %sub3A_595 : vector<512x128xf32>
    %sub3A_597 = vector.broadcast %get3A_591 : vector<1x128xf32> to vector<512x128xf32>
    %sub3A_598 = arith.subf %broadcast_in_dim3A_7, %sub3A_597 : vector<512x128xf32>
    %sub3A_599 = vector.broadcast %get3A_594 : vector<1x128xf32> to vector<512x128xf32>
    %sub3A_600 = arith.subf %broadcast_in_dim3A_12, %sub3A_599 : vector<512x128xf32>
    %mul3A_601 = arith.mulf %sub3A_596, %sub3A_596 : vector<512x128xf32>
    %mul3A_602 = arith.mulf %sub3A_598, %sub3A_598 : vector<512x128xf32>
    %add3A_603 = arith.addf %mul3A_601, %mul3A_602 : vector<512x128xf32>
    %mul3A_604 = arith.mulf %sub3A_600, %sub3A_600 : vector<512x128xf32>
    %add3A_605 = arith.addf %add3A_603, %mul3A_604 : vector<512x128xf32>
    %lt3A_606 = arith.cmpf olt, %add3A_605, %select_n3A_582 : vector<512x128xf32>
    %select_n3A_607 = arith.select %lt3A_606, %add3A_605, %select_n3A_582 : vector<512x128xi1>, vector<512x128xf32>
    %jit3A_608 = arith.constant 23 : i32
    %broadcast_in_dim3A_609 = vector.broadcast %jit3A_608 : i32 to vector<512x128xi32>
    %select_n3A_610 = arith.select %lt3A_606, %broadcast_in_dim3A_609, %select_n3A_585 : vector<512x128xi1>, vector<512x128xi32>
    %get3A_611 = arith.constant 0 : index
    %get3A_612 = arith.constant 3072 : index
    %get3A_613 = vector.load %arg2[%get3A_611, %get3A_612] : memref<3x8192xf32, #tpu.memory_space<vmem>>, vector<1x128xf32>
    %get3A_614 = arith.constant 1 : index
    %get3A_615 = arith.constant 3072 : index
    %get3A_616 = vector.load %arg2[%get3A_614, %get3A_615] : memref<3x8192xf32, #tpu.memory_space<vmem>>, vector<1x128xf32>
    %get3A_617 = arith.constant 2 : index
    %get3A_618 = arith.constant 3072 : index
    %get3A_619 = vector.load %arg2[%get3A_617, %get3A_618] : memref<3x8192xf32, #tpu.memory_space<vmem>>, vector<1x128xf32>
    %sub3A_620 = vector.broadcast %get3A_613 : vector<1x128xf32> to vector<512x128xf32>
    %sub3A_621 = arith.subf %broadcast_in_dim3A_2, %sub3A_620 : vector<512x128xf32>
    %sub3A_622 = vector.broadcast %get3A_616 : vector<1x128xf32> to vector<512x128xf32>
    %sub3A_623 = arith.subf %broadcast_in_dim3A_7, %sub3A_622 : vector<512x128xf32>
    %sub3A_624 = vector.broadcast %get3A_619 : vector<1x128xf32> to vector<512x128xf32>
    %sub3A_625 = arith.subf %broadcast_in_dim3A_12, %sub3A_624 : vector<512x128xf32>
    %mul3A_626 = arith.mulf %sub3A_621, %sub3A_621 : vector<512x128xf32>
    %mul3A_627 = arith.mulf %sub3A_623, %sub3A_623 : vector<512x128xf32>
    %add3A_628 = arith.addf %mul3A_626, %mul3A_627 : vector<512x128xf32>
    %mul3A_629 = arith.mulf %sub3A_625, %sub3A_625 : vector<512x128xf32>
    %add3A_630 = arith.addf %add3A_628, %mul3A_629 : vector<512x128xf32>
    %lt3A_631 = arith.cmpf olt, %add3A_630, %select_n3A_607 : vector<512x128xf32>
    %select_n3A_632 = arith.select %lt3A_631, %add3A_630, %select_n3A_607 : vector<512x128xi1>, vector<512x128xf32>
    %jit3A_633 = arith.constant 24 : i32
    %broadcast_in_dim3A_634 = vector.broadcast %jit3A_633 : i32 to vector<512x128xi32>
    %select_n3A_635 = arith.select %lt3A_631, %broadcast_in_dim3A_634, %select_n3A_610 : vector<512x128xi1>, vector<512x128xi32>
    %get3A_636 = arith.constant 0 : index
    %get3A_637 = arith.constant 3200 : index
    %get3A_638 = vector.load %arg2[%get3A_636, %get3A_637] : memref<3x8192xf32, #tpu.memory_space<vmem>>, vector<1x128xf32>
    %get3A_639 = arith.constant 1 : index
    %get3A_640 = arith.constant 3200 : index
    %get3A_641 = vector.load %arg2[%get3A_639, %get3A_640] : memref<3x8192xf32, #tpu.memory_space<vmem>>, vector<1x128xf32>
    %get3A_642 = arith.constant 2 : index
    %get3A_643 = arith.constant 3200 : index
    %get3A_644 = vector.load %arg2[%get3A_642, %get3A_643] : memref<3x8192xf32, #tpu.memory_space<vmem>>, vector<1x128xf32>
    %sub3A_645 = vector.broadcast %get3A_638 : vector<1x128xf32> to vector<512x128xf32>
    %sub3A_646 = arith.subf %broadcast_in_dim3A_2, %sub3A_645 : vector<512x128xf32>
    %sub3A_647 = vector.broadcast %get3A_641 : vector<1x128xf32> to vector<512x128xf32>
    %sub3A_648 = arith.subf %broadcast_in_dim3A_7, %sub3A_647 : vector<512x128xf32>
    %sub3A_649 = vector.broadcast %get3A_644 : vector<1x128xf32> to vector<512x128xf32>
    %sub3A_650 = arith.subf %broadcast_in_dim3A_12, %sub3A_649 : vector<512x128xf32>
    %mul3A_651 = arith.mulf %sub3A_646, %sub3A_646 : vector<512x128xf32>
    %mul3A_652 = arith.mulf %sub3A_648, %sub3A_648 : vector<512x128xf32>
    %add3A_653 = arith.addf %mul3A_651, %mul3A_652 : vector<512x128xf32>
    %mul3A_654 = arith.mulf %sub3A_650, %sub3A_650 : vector<512x128xf32>
    %add3A_655 = arith.addf %add3A_653, %mul3A_654 : vector<512x128xf32>
    %lt3A_656 = arith.cmpf olt, %add3A_655, %select_n3A_632 : vector<512x128xf32>
    %select_n3A_657 = arith.select %lt3A_656, %add3A_655, %select_n3A_632 : vector<512x128xi1>, vector<512x128xf32>
    %jit3A_658 = arith.constant 25 : i32
    %broadcast_in_dim3A_659 = vector.broadcast %jit3A_658 : i32 to vector<512x128xi32>
    %select_n3A_660 = arith.select %lt3A_656, %broadcast_in_dim3A_659, %select_n3A_635 : vector<512x128xi1>, vector<512x128xi32>
    %get3A_661 = arith.constant 0 : index
    %get3A_662 = arith.constant 3328 : index
    %get3A_663 = vector.load %arg2[%get3A_661, %get3A_662] : memref<3x8192xf32, #tpu.memory_space<vmem>>, vector<1x128xf32>
    %get3A_664 = arith.constant 1 : index
    %get3A_665 = arith.constant 3328 : index
    %get3A_666 = vector.load %arg2[%get3A_664, %get3A_665] : memref<3x8192xf32, #tpu.memory_space<vmem>>, vector<1x128xf32>
    %get3A_667 = arith.constant 2 : index
    %get3A_668 = arith.constant 3328 : index
    %get3A_669 = vector.load %arg2[%get3A_667, %get3A_668] : memref<3x8192xf32, #tpu.memory_space<vmem>>, vector<1x128xf32>
    %sub3A_670 = vector.broadcast %get3A_663 : vector<1x128xf32> to vector<512x128xf32>
    %sub3A_671 = arith.subf %broadcast_in_dim3A_2, %sub3A_670 : vector<512x128xf32>
    %sub3A_672 = vector.broadcast %get3A_666 : vector<1x128xf32> to vector<512x128xf32>
    %sub3A_673 = arith.subf %broadcast_in_dim3A_7, %sub3A_672 : vector<512x128xf32>
    %sub3A_674 = vector.broadcast %get3A_669 : vector<1x128xf32> to vector<512x128xf32>
    %sub3A_675 = arith.subf %broadcast_in_dim3A_12, %sub3A_674 : vector<512x128xf32>
    %mul3A_676 = arith.mulf %sub3A_671, %sub3A_671 : vector<512x128xf32>
    %mul3A_677 = arith.mulf %sub3A_673, %sub3A_673 : vector<512x128xf32>
    %add3A_678 = arith.addf %mul3A_676, %mul3A_677 : vector<512x128xf32>
    %mul3A_679 = arith.mulf %sub3A_675, %sub3A_675 : vector<512x128xf32>
    %add3A_680 = arith.addf %add3A_678, %mul3A_679 : vector<512x128xf32>
    %lt3A_681 = arith.cmpf olt, %add3A_680, %select_n3A_657 : vector<512x128xf32>
    %select_n3A_682 = arith.select %lt3A_681, %add3A_680, %select_n3A_657 : vector<512x128xi1>, vector<512x128xf32>
    %jit3A_683 = arith.constant 26 : i32
    %broadcast_in_dim3A_684 = vector.broadcast %jit3A_683 : i32 to vector<512x128xi32>
    %select_n3A_685 = arith.select %lt3A_681, %broadcast_in_dim3A_684, %select_n3A_660 : vector<512x128xi1>, vector<512x128xi32>
    %get3A_686 = arith.constant 0 : index
    %get3A_687 = arith.constant 3456 : index
    %get3A_688 = vector.load %arg2[%get3A_686, %get3A_687] : memref<3x8192xf32, #tpu.memory_space<vmem>>, vector<1x128xf32>
    %get3A_689 = arith.constant 1 : index
    %get3A_690 = arith.constant 3456 : index
    %get3A_691 = vector.load %arg2[%get3A_689, %get3A_690] : memref<3x8192xf32, #tpu.memory_space<vmem>>, vector<1x128xf32>
    %get3A_692 = arith.constant 2 : index
    %get3A_693 = arith.constant 3456 : index
    %get3A_694 = vector.load %arg2[%get3A_692, %get3A_693] : memref<3x8192xf32, #tpu.memory_space<vmem>>, vector<1x128xf32>
    %sub3A_695 = vector.broadcast %get3A_688 : vector<1x128xf32> to vector<512x128xf32>
    %sub3A_696 = arith.subf %broadcast_in_dim3A_2, %sub3A_695 : vector<512x128xf32>
    %sub3A_697 = vector.broadcast %get3A_691 : vector<1x128xf32> to vector<512x128xf32>
    %sub3A_698 = arith.subf %broadcast_in_dim3A_7, %sub3A_697 : vector<512x128xf32>
    %sub3A_699 = vector.broadcast %get3A_694 : vector<1x128xf32> to vector<512x128xf32>
    %sub3A_700 = arith.subf %broadcast_in_dim3A_12, %sub3A_699 : vector<512x128xf32>
    %mul3A_701 = arith.mulf %sub3A_696, %sub3A_696 : vector<512x128xf32>
    %mul3A_702 = arith.mulf %sub3A_698, %sub3A_698 : vector<512x128xf32>
    %add3A_703 = arith.addf %mul3A_701, %mul3A_702 : vector<512x128xf32>
    %mul3A_704 = arith.mulf %sub3A_700, %sub3A_700 : vector<512x128xf32>
    %add3A_705 = arith.addf %add3A_703, %mul3A_704 : vector<512x128xf32>
    %lt3A_706 = arith.cmpf olt, %add3A_705, %select_n3A_682 : vector<512x128xf32>
    %select_n3A_707 = arith.select %lt3A_706, %add3A_705, %select_n3A_682 : vector<512x128xi1>, vector<512x128xf32>
    %jit3A_708 = arith.constant 27 : i32
    %broadcast_in_dim3A_709 = vector.broadcast %jit3A_708 : i32 to vector<512x128xi32>
    %select_n3A_710 = arith.select %lt3A_706, %broadcast_in_dim3A_709, %select_n3A_685 : vector<512x128xi1>, vector<512x128xi32>
    %get3A_711 = arith.constant 0 : index
    %get3A_712 = arith.constant 3584 : index
    %get3A_713 = vector.load %arg2[%get3A_711, %get3A_712] : memref<3x8192xf32, #tpu.memory_space<vmem>>, vector<1x128xf32>
    %get3A_714 = arith.constant 1 : index
    %get3A_715 = arith.constant 3584 : index
    %get3A_716 = vector.load %arg2[%get3A_714, %get3A_715] : memref<3x8192xf32, #tpu.memory_space<vmem>>, vector<1x128xf32>
    %get3A_717 = arith.constant 2 : index
    %get3A_718 = arith.constant 3584 : index
    %get3A_719 = vector.load %arg2[%get3A_717, %get3A_718] : memref<3x8192xf32, #tpu.memory_space<vmem>>, vector<1x128xf32>
    %sub3A_720 = vector.broadcast %get3A_713 : vector<1x128xf32> to vector<512x128xf32>
    %sub3A_721 = arith.subf %broadcast_in_dim3A_2, %sub3A_720 : vector<512x128xf32>
    %sub3A_722 = vector.broadcast %get3A_716 : vector<1x128xf32> to vector<512x128xf32>
    %sub3A_723 = arith.subf %broadcast_in_dim3A_7, %sub3A_722 : vector<512x128xf32>
    %sub3A_724 = vector.broadcast %get3A_719 : vector<1x128xf32> to vector<512x128xf32>
    %sub3A_725 = arith.subf %broadcast_in_dim3A_12, %sub3A_724 : vector<512x128xf32>
    %mul3A_726 = arith.mulf %sub3A_721, %sub3A_721 : vector<512x128xf32>
    %mul3A_727 = arith.mulf %sub3A_723, %sub3A_723 : vector<512x128xf32>
    %add3A_728 = arith.addf %mul3A_726, %mul3A_727 : vector<512x128xf32>
    %mul3A_729 = arith.mulf %sub3A_725, %sub3A_725 : vector<512x128xf32>
    %add3A_730 = arith.addf %add3A_728, %mul3A_729 : vector<512x128xf32>
    %lt3A_731 = arith.cmpf olt, %add3A_730, %select_n3A_707 : vector<512x128xf32>
    %select_n3A_732 = arith.select %lt3A_731, %add3A_730, %select_n3A_707 : vector<512x128xi1>, vector<512x128xf32>
    %jit3A_733 = arith.constant 28 : i32
    %broadcast_in_dim3A_734 = vector.broadcast %jit3A_733 : i32 to vector<512x128xi32>
    %select_n3A_735 = arith.select %lt3A_731, %broadcast_in_dim3A_734, %select_n3A_710 : vector<512x128xi1>, vector<512x128xi32>
    %get3A_736 = arith.constant 0 : index
    %get3A_737 = arith.constant 3712 : index
    %get3A_738 = vector.load %arg2[%get3A_736, %get3A_737] : memref<3x8192xf32, #tpu.memory_space<vmem>>, vector<1x128xf32>
    %get3A_739 = arith.constant 1 : index
    %get3A_740 = arith.constant 3712 : index
    %get3A_741 = vector.load %arg2[%get3A_739, %get3A_740] : memref<3x8192xf32, #tpu.memory_space<vmem>>, vector<1x128xf32>
    %get3A_742 = arith.constant 2 : index
    %get3A_743 = arith.constant 3712 : index
    %get3A_744 = vector.load %arg2[%get3A_742, %get3A_743] : memref<3x8192xf32, #tpu.memory_space<vmem>>, vector<1x128xf32>
    %sub3A_745 = vector.broadcast %get3A_738 : vector<1x128xf32> to vector<512x128xf32>
    %sub3A_746 = arith.subf %broadcast_in_dim3A_2, %sub3A_745 : vector<512x128xf32>
    %sub3A_747 = vector.broadcast %get3A_741 : vector<1x128xf32> to vector<512x128xf32>
    %sub3A_748 = arith.subf %broadcast_in_dim3A_7, %sub3A_747 : vector<512x128xf32>
    %sub3A_749 = vector.broadcast %get3A_744 : vector<1x128xf32> to vector<512x128xf32>
    %sub3A_750 = arith.subf %broadcast_in_dim3A_12, %sub3A_749 : vector<512x128xf32>
    %mul3A_751 = arith.mulf %sub3A_746, %sub3A_746 : vector<512x128xf32>
    %mul3A_752 = arith.mulf %sub3A_748, %sub3A_748 : vector<512x128xf32>
    %add3A_753 = arith.addf %mul3A_751, %mul3A_752 : vector<512x128xf32>
    %mul3A_754 = arith.mulf %sub3A_750, %sub3A_750 : vector<512x128xf32>
    %add3A_755 = arith.addf %add3A_753, %mul3A_754 : vector<512x128xf32>
    %lt3A_756 = arith.cmpf olt, %add3A_755, %select_n3A_732 : vector<512x128xf32>
    %select_n3A_757 = arith.select %lt3A_756, %add3A_755, %select_n3A_732 : vector<512x128xi1>, vector<512x128xf32>
    %jit3A_758 = arith.constant 29 : i32
    %broadcast_in_dim3A_759 = vector.broadcast %jit3A_758 : i32 to vector<512x128xi32>
    %select_n3A_760 = arith.select %lt3A_756, %broadcast_in_dim3A_759, %select_n3A_735 : vector<512x128xi1>, vector<512x128xi32>
    %get3A_761 = arith.constant 0 : index
    %get3A_762 = arith.constant 3840 : index
    %get3A_763 = vector.load %arg2[%get3A_761, %get3A_762] : memref<3x8192xf32, #tpu.memory_space<vmem>>, vector<1x128xf32>
    %get3A_764 = arith.constant 1 : index
    %get3A_765 = arith.constant 3840 : index
    %get3A_766 = vector.load %arg2[%get3A_764, %get3A_765] : memref<3x8192xf32, #tpu.memory_space<vmem>>, vector<1x128xf32>
    %get3A_767 = arith.constant 2 : index
    %get3A_768 = arith.constant 3840 : index
    %get3A_769 = vector.load %arg2[%get3A_767, %get3A_768] : memref<3x8192xf32, #tpu.memory_space<vmem>>, vector<1x128xf32>
    %sub3A_770 = vector.broadcast %get3A_763 : vector<1x128xf32> to vector<512x128xf32>
    %sub3A_771 = arith.subf %broadcast_in_dim3A_2, %sub3A_770 : vector<512x128xf32>
    %sub3A_772 = vector.broadcast %get3A_766 : vector<1x128xf32> to vector<512x128xf32>
    %sub3A_773 = arith.subf %broadcast_in_dim3A_7, %sub3A_772 : vector<512x128xf32>
    %sub3A_774 = vector.broadcast %get3A_769 : vector<1x128xf32> to vector<512x128xf32>
    %sub3A_775 = arith.subf %broadcast_in_dim3A_12, %sub3A_774 : vector<512x128xf32>
    %mul3A_776 = arith.mulf %sub3A_771, %sub3A_771 : vector<512x128xf32>
    %mul3A_777 = arith.mulf %sub3A_773, %sub3A_773 : vector<512x128xf32>
    %add3A_778 = arith.addf %mul3A_776, %mul3A_777 : vector<512x128xf32>
    %mul3A_779 = arith.mulf %sub3A_775, %sub3A_775 : vector<512x128xf32>
    %add3A_780 = arith.addf %add3A_778, %mul3A_779 : vector<512x128xf32>
    %lt3A_781 = arith.cmpf olt, %add3A_780, %select_n3A_757 : vector<512x128xf32>
    %select_n3A_782 = arith.select %lt3A_781, %add3A_780, %select_n3A_757 : vector<512x128xi1>, vector<512x128xf32>
    %jit3A_783 = arith.constant 30 : i32
    %broadcast_in_dim3A_784 = vector.broadcast %jit3A_783 : i32 to vector<512x128xi32>
    %select_n3A_785 = arith.select %lt3A_781, %broadcast_in_dim3A_784, %select_n3A_760 : vector<512x128xi1>, vector<512x128xi32>
    %get3A_786 = arith.constant 0 : index
    %get3A_787 = arith.constant 3968 : index
    %get3A_788 = vector.load %arg2[%get3A_786, %get3A_787] : memref<3x8192xf32, #tpu.memory_space<vmem>>, vector<1x128xf32>
    %get3A_789 = arith.constant 1 : index
    %get3A_790 = arith.constant 3968 : index
    %get3A_791 = vector.load %arg2[%get3A_789, %get3A_790] : memref<3x8192xf32, #tpu.memory_space<vmem>>, vector<1x128xf32>
    %get3A_792 = arith.constant 2 : index
    %get3A_793 = arith.constant 3968 : index
    %get3A_794 = vector.load %arg2[%get3A_792, %get3A_793] : memref<3x8192xf32, #tpu.memory_space<vmem>>, vector<1x128xf32>
    %sub3A_795 = vector.broadcast %get3A_788 : vector<1x128xf32> to vector<512x128xf32>
    %sub3A_796 = arith.subf %broadcast_in_dim3A_2, %sub3A_795 : vector<512x128xf32>
    %sub3A_797 = vector.broadcast %get3A_791 : vector<1x128xf32> to vector<512x128xf32>
    %sub3A_798 = arith.subf %broadcast_in_dim3A_7, %sub3A_797 : vector<512x128xf32>
    %sub3A_799 = vector.broadcast %get3A_794 : vector<1x128xf32> to vector<512x128xf32>
    %sub3A_800 = arith.subf %broadcast_in_dim3A_12, %sub3A_799 : vector<512x128xf32>
    %mul3A_801 = arith.mulf %sub3A_796, %sub3A_796 : vector<512x128xf32>
    %mul3A_802 = arith.mulf %sub3A_798, %sub3A_798 : vector<512x128xf32>
    %add3A_803 = arith.addf %mul3A_801, %mul3A_802 : vector<512x128xf32>
    %mul3A_804 = arith.mulf %sub3A_800, %sub3A_800 : vector<512x128xf32>
    %add3A_805 = arith.addf %add3A_803, %mul3A_804 : vector<512x128xf32>
    %lt3A_806 = arith.cmpf olt, %add3A_805, %select_n3A_782 : vector<512x128xf32>
    %select_n3A_807 = arith.select %lt3A_806, %add3A_805, %select_n3A_782 : vector<512x128xi1>, vector<512x128xf32>
    %jit3A_808 = arith.constant 31 : i32
    %broadcast_in_dim3A_809 = vector.broadcast %jit3A_808 : i32 to vector<512x128xi32>
    %select_n3A_810 = arith.select %lt3A_806, %broadcast_in_dim3A_809, %select_n3A_785 : vector<512x128xi1>, vector<512x128xi32>
    %get3A_811 = arith.constant 0 : index
    %get3A_812 = arith.constant 4096 : index
    %get3A_813 = vector.load %arg2[%get3A_811, %get3A_812] : memref<3x8192xf32, #tpu.memory_space<vmem>>, vector<1x128xf32>
    %get3A_814 = arith.constant 1 : index
    %get3A_815 = arith.constant 4096 : index
    %get3A_816 = vector.load %arg2[%get3A_814, %get3A_815] : memref<3x8192xf32, #tpu.memory_space<vmem>>, vector<1x128xf32>
    %get3A_817 = arith.constant 2 : index
    %get3A_818 = arith.constant 4096 : index
    %get3A_819 = vector.load %arg2[%get3A_817, %get3A_818] : memref<3x8192xf32, #tpu.memory_space<vmem>>, vector<1x128xf32>
    %sub3A_820 = vector.broadcast %get3A_813 : vector<1x128xf32> to vector<512x128xf32>
    %sub3A_821 = arith.subf %broadcast_in_dim3A_2, %sub3A_820 : vector<512x128xf32>
    %sub3A_822 = vector.broadcast %get3A_816 : vector<1x128xf32> to vector<512x128xf32>
    %sub3A_823 = arith.subf %broadcast_in_dim3A_7, %sub3A_822 : vector<512x128xf32>
    %sub3A_824 = vector.broadcast %get3A_819 : vector<1x128xf32> to vector<512x128xf32>
    %sub3A_825 = arith.subf %broadcast_in_dim3A_12, %sub3A_824 : vector<512x128xf32>
    %mul3A_826 = arith.mulf %sub3A_821, %sub3A_821 : vector<512x128xf32>
    %mul3A_827 = arith.mulf %sub3A_823, %sub3A_823 : vector<512x128xf32>
    %add3A_828 = arith.addf %mul3A_826, %mul3A_827 : vector<512x128xf32>
    %mul3A_829 = arith.mulf %sub3A_825, %sub3A_825 : vector<512x128xf32>
    %add3A_830 = arith.addf %add3A_828, %mul3A_829 : vector<512x128xf32>
    %lt3A_831 = arith.cmpf olt, %add3A_830, %select_n3A_807 : vector<512x128xf32>
    %select_n3A_832 = arith.select %lt3A_831, %add3A_830, %select_n3A_807 : vector<512x128xi1>, vector<512x128xf32>
    %jit3A_833 = arith.constant 32 : i32
    %broadcast_in_dim3A_834 = vector.broadcast %jit3A_833 : i32 to vector<512x128xi32>
    %select_n3A_835 = arith.select %lt3A_831, %broadcast_in_dim3A_834, %select_n3A_810 : vector<512x128xi1>, vector<512x128xi32>
    %get3A_836 = arith.constant 0 : index
    %get3A_837 = arith.constant 4224 : index
    %get3A_838 = vector.load %arg2[%get3A_836, %get3A_837] : memref<3x8192xf32, #tpu.memory_space<vmem>>, vector<1x128xf32>
    %get3A_839 = arith.constant 1 : index
    %get3A_840 = arith.constant 4224 : index
    %get3A_841 = vector.load %arg2[%get3A_839, %get3A_840] : memref<3x8192xf32, #tpu.memory_space<vmem>>, vector<1x128xf32>
    %get3A_842 = arith.constant 2 : index
    %get3A_843 = arith.constant 4224 : index
    %get3A_844 = vector.load %arg2[%get3A_842, %get3A_843] : memref<3x8192xf32, #tpu.memory_space<vmem>>, vector<1x128xf32>
    %sub3A_845 = vector.broadcast %get3A_838 : vector<1x128xf32> to vector<512x128xf32>
    %sub3A_846 = arith.subf %broadcast_in_dim3A_2, %sub3A_845 : vector<512x128xf32>
    %sub3A_847 = vector.broadcast %get3A_841 : vector<1x128xf32> to vector<512x128xf32>
    %sub3A_848 = arith.subf %broadcast_in_dim3A_7, %sub3A_847 : vector<512x128xf32>
    %sub3A_849 = vector.broadcast %get3A_844 : vector<1x128xf32> to vector<512x128xf32>
    %sub3A_850 = arith.subf %broadcast_in_dim3A_12, %sub3A_849 : vector<512x128xf32>
    %mul3A_851 = arith.mulf %sub3A_846, %sub3A_846 : vector<512x128xf32>
    %mul3A_852 = arith.mulf %sub3A_848, %sub3A_848 : vector<512x128xf32>
    %add3A_853 = arith.addf %mul3A_851, %mul3A_852 : vector<512x128xf32>
    %mul3A_854 = arith.mulf %sub3A_850, %sub3A_850 : vector<512x128xf32>
    %add3A_855 = arith.addf %add3A_853, %mul3A_854 : vector<512x128xf32>
    %lt3A_856 = arith.cmpf olt, %add3A_855, %select_n3A_832 : vector<512x128xf32>
    %select_n3A_857 = arith.select %lt3A_856, %add3A_855, %select_n3A_832 : vector<512x128xi1>, vector<512x128xf32>
    %jit3A_858 = arith.constant 33 : i32
    %broadcast_in_dim3A_859 = vector.broadcast %jit3A_858 : i32 to vector<512x128xi32>
    %select_n3A_860 = arith.select %lt3A_856, %broadcast_in_dim3A_859, %select_n3A_835 : vector<512x128xi1>, vector<512x128xi32>
    %get3A_861 = arith.constant 0 : index
    %get3A_862 = arith.constant 4352 : index
    %get3A_863 = vector.load %arg2[%get3A_861, %get3A_862] : memref<3x8192xf32, #tpu.memory_space<vmem>>, vector<1x128xf32>
    %get3A_864 = arith.constant 1 : index
    %get3A_865 = arith.constant 4352 : index
    %get3A_866 = vector.load %arg2[%get3A_864, %get3A_865] : memref<3x8192xf32, #tpu.memory_space<vmem>>, vector<1x128xf32>
    %get3A_867 = arith.constant 2 : index
    %get3A_868 = arith.constant 4352 : index
    %get3A_869 = vector.load %arg2[%get3A_867, %get3A_868] : memref<3x8192xf32, #tpu.memory_space<vmem>>, vector<1x128xf32>
    %sub3A_870 = vector.broadcast %get3A_863 : vector<1x128xf32> to vector<512x128xf32>
    %sub3A_871 = arith.subf %broadcast_in_dim3A_2, %sub3A_870 : vector<512x128xf32>
    %sub3A_872 = vector.broadcast %get3A_866 : vector<1x128xf32> to vector<512x128xf32>
    %sub3A_873 = arith.subf %broadcast_in_dim3A_7, %sub3A_872 : vector<512x128xf32>
    %sub3A_874 = vector.broadcast %get3A_869 : vector<1x128xf32> to vector<512x128xf32>
    %sub3A_875 = arith.subf %broadcast_in_dim3A_12, %sub3A_874 : vector<512x128xf32>
    %mul3A_876 = arith.mulf %sub3A_871, %sub3A_871 : vector<512x128xf32>
    %mul3A_877 = arith.mulf %sub3A_873, %sub3A_873 : vector<512x128xf32>
    %add3A_878 = arith.addf %mul3A_876, %mul3A_877 : vector<512x128xf32>
    %mul3A_879 = arith.mulf %sub3A_875, %sub3A_875 : vector<512x128xf32>
    %add3A_880 = arith.addf %add3A_878, %mul3A_879 : vector<512x128xf32>
    %lt3A_881 = arith.cmpf olt, %add3A_880, %select_n3A_857 : vector<512x128xf32>
    %select_n3A_882 = arith.select %lt3A_881, %add3A_880, %select_n3A_857 : vector<512x128xi1>, vector<512x128xf32>
    %jit3A_883 = arith.constant 34 : i32
    %broadcast_in_dim3A_884 = vector.broadcast %jit3A_883 : i32 to vector<512x128xi32>
    %select_n3A_885 = arith.select %lt3A_881, %broadcast_in_dim3A_884, %select_n3A_860 : vector<512x128xi1>, vector<512x128xi32>
    %get3A_886 = arith.constant 0 : index
    %get3A_887 = arith.constant 4480 : index
    %get3A_888 = vector.load %arg2[%get3A_886, %get3A_887] : memref<3x8192xf32, #tpu.memory_space<vmem>>, vector<1x128xf32>
    %get3A_889 = arith.constant 1 : index
    %get3A_890 = arith.constant 4480 : index
    %get3A_891 = vector.load %arg2[%get3A_889, %get3A_890] : memref<3x8192xf32, #tpu.memory_space<vmem>>, vector<1x128xf32>
    %get3A_892 = arith.constant 2 : index
    %get3A_893 = arith.constant 4480 : index
    %get3A_894 = vector.load %arg2[%get3A_892, %get3A_893] : memref<3x8192xf32, #tpu.memory_space<vmem>>, vector<1x128xf32>
    %sub3A_895 = vector.broadcast %get3A_888 : vector<1x128xf32> to vector<512x128xf32>
    %sub3A_896 = arith.subf %broadcast_in_dim3A_2, %sub3A_895 : vector<512x128xf32>
    %sub3A_897 = vector.broadcast %get3A_891 : vector<1x128xf32> to vector<512x128xf32>
    %sub3A_898 = arith.subf %broadcast_in_dim3A_7, %sub3A_897 : vector<512x128xf32>
    %sub3A_899 = vector.broadcast %get3A_894 : vector<1x128xf32> to vector<512x128xf32>
    %sub3A_900 = arith.subf %broadcast_in_dim3A_12, %sub3A_899 : vector<512x128xf32>
    %mul3A_901 = arith.mulf %sub3A_896, %sub3A_896 : vector<512x128xf32>
    %mul3A_902 = arith.mulf %sub3A_898, %sub3A_898 : vector<512x128xf32>
    %add3A_903 = arith.addf %mul3A_901, %mul3A_902 : vector<512x128xf32>
    %mul3A_904 = arith.mulf %sub3A_900, %sub3A_900 : vector<512x128xf32>
    %add3A_905 = arith.addf %add3A_903, %mul3A_904 : vector<512x128xf32>
    %lt3A_906 = arith.cmpf olt, %add3A_905, %select_n3A_882 : vector<512x128xf32>
    %select_n3A_907 = arith.select %lt3A_906, %add3A_905, %select_n3A_882 : vector<512x128xi1>, vector<512x128xf32>
    %jit3A_908 = arith.constant 35 : i32
    %broadcast_in_dim3A_909 = vector.broadcast %jit3A_908 : i32 to vector<512x128xi32>
    %select_n3A_910 = arith.select %lt3A_906, %broadcast_in_dim3A_909, %select_n3A_885 : vector<512x128xi1>, vector<512x128xi32>
    %get3A_911 = arith.constant 0 : index
    %get3A_912 = arith.constant 4608 : index
    %get3A_913 = vector.load %arg2[%get3A_911, %get3A_912] : memref<3x8192xf32, #tpu.memory_space<vmem>>, vector<1x128xf32>
    %get3A_914 = arith.constant 1 : index
    %get3A_915 = arith.constant 4608 : index
    %get3A_916 = vector.load %arg2[%get3A_914, %get3A_915] : memref<3x8192xf32, #tpu.memory_space<vmem>>, vector<1x128xf32>
    %get3A_917 = arith.constant 2 : index
    %get3A_918 = arith.constant 4608 : index
    %get3A_919 = vector.load %arg2[%get3A_917, %get3A_918] : memref<3x8192xf32, #tpu.memory_space<vmem>>, vector<1x128xf32>
    %sub3A_920 = vector.broadcast %get3A_913 : vector<1x128xf32> to vector<512x128xf32>
    %sub3A_921 = arith.subf %broadcast_in_dim3A_2, %sub3A_920 : vector<512x128xf32>
    %sub3A_922 = vector.broadcast %get3A_916 : vector<1x128xf32> to vector<512x128xf32>
    %sub3A_923 = arith.subf %broadcast_in_dim3A_7, %sub3A_922 : vector<512x128xf32>
    %sub3A_924 = vector.broadcast %get3A_919 : vector<1x128xf32> to vector<512x128xf32>
    %sub3A_925 = arith.subf %broadcast_in_dim3A_12, %sub3A_924 : vector<512x128xf32>
    %mul3A_926 = arith.mulf %sub3A_921, %sub3A_921 : vector<512x128xf32>
    %mul3A_927 = arith.mulf %sub3A_923, %sub3A_923 : vector<512x128xf32>
    %add3A_928 = arith.addf %mul3A_926, %mul3A_927 : vector<512x128xf32>
    %mul3A_929 = arith.mulf %sub3A_925, %sub3A_925 : vector<512x128xf32>
    %add3A_930 = arith.addf %add3A_928, %mul3A_929 : vector<512x128xf32>
    %lt3A_931 = arith.cmpf olt, %add3A_930, %select_n3A_907 : vector<512x128xf32>
    %select_n3A_932 = arith.select %lt3A_931, %add3A_930, %select_n3A_907 : vector<512x128xi1>, vector<512x128xf32>
    %jit3A_933 = arith.constant 36 : i32
    %broadcast_in_dim3A_934 = vector.broadcast %jit3A_933 : i32 to vector<512x128xi32>
    %select_n3A_935 = arith.select %lt3A_931, %broadcast_in_dim3A_934, %select_n3A_910 : vector<512x128xi1>, vector<512x128xi32>
    %get3A_936 = arith.constant 0 : index
    %get3A_937 = arith.constant 4736 : index
    %get3A_938 = vector.load %arg2[%get3A_936, %get3A_937] : memref<3x8192xf32, #tpu.memory_space<vmem>>, vector<1x128xf32>
    %get3A_939 = arith.constant 1 : index
    %get3A_940 = arith.constant 4736 : index
    %get3A_941 = vector.load %arg2[%get3A_939, %get3A_940] : memref<3x8192xf32, #tpu.memory_space<vmem>>, vector<1x128xf32>
    %get3A_942 = arith.constant 2 : index
    %get3A_943 = arith.constant 4736 : index
    %get3A_944 = vector.load %arg2[%get3A_942, %get3A_943] : memref<3x8192xf32, #tpu.memory_space<vmem>>, vector<1x128xf32>
    %sub3A_945 = vector.broadcast %get3A_938 : vector<1x128xf32> to vector<512x128xf32>
    %sub3A_946 = arith.subf %broadcast_in_dim3A_2, %sub3A_945 : vector<512x128xf32>
    %sub3A_947 = vector.broadcast %get3A_941 : vector<1x128xf32> to vector<512x128xf32>
    %sub3A_948 = arith.subf %broadcast_in_dim3A_7, %sub3A_947 : vector<512x128xf32>
    %sub3A_949 = vector.broadcast %get3A_944 : vector<1x128xf32> to vector<512x128xf32>
    %sub3A_950 = arith.subf %broadcast_in_dim3A_12, %sub3A_949 : vector<512x128xf32>
    %mul3A_951 = arith.mulf %sub3A_946, %sub3A_946 : vector<512x128xf32>
    %mul3A_952 = arith.mulf %sub3A_948, %sub3A_948 : vector<512x128xf32>
    %add3A_953 = arith.addf %mul3A_951, %mul3A_952 : vector<512x128xf32>
    %mul3A_954 = arith.mulf %sub3A_950, %sub3A_950 : vector<512x128xf32>
    %add3A_955 = arith.addf %add3A_953, %mul3A_954 : vector<512x128xf32>
    %lt3A_956 = arith.cmpf olt, %add3A_955, %select_n3A_932 : vector<512x128xf32>
    %select_n3A_957 = arith.select %lt3A_956, %add3A_955, %select_n3A_932 : vector<512x128xi1>, vector<512x128xf32>
    %jit3A_958 = arith.constant 37 : i32
    %broadcast_in_dim3A_959 = vector.broadcast %jit3A_958 : i32 to vector<512x128xi32>
    %select_n3A_960 = arith.select %lt3A_956, %broadcast_in_dim3A_959, %select_n3A_935 : vector<512x128xi1>, vector<512x128xi32>
    %get3A_961 = arith.constant 0 : index
    %get3A_962 = arith.constant 4864 : index
    %get3A_963 = vector.load %arg2[%get3A_961, %get3A_962] : memref<3x8192xf32, #tpu.memory_space<vmem>>, vector<1x128xf32>
    %get3A_964 = arith.constant 1 : index
    %get3A_965 = arith.constant 4864 : index
    %get3A_966 = vector.load %arg2[%get3A_964, %get3A_965] : memref<3x8192xf32, #tpu.memory_space<vmem>>, vector<1x128xf32>
    %get3A_967 = arith.constant 2 : index
    %get3A_968 = arith.constant 4864 : index
    %get3A_969 = vector.load %arg2[%get3A_967, %get3A_968] : memref<3x8192xf32, #tpu.memory_space<vmem>>, vector<1x128xf32>
    %sub3A_970 = vector.broadcast %get3A_963 : vector<1x128xf32> to vector<512x128xf32>
    %sub3A_971 = arith.subf %broadcast_in_dim3A_2, %sub3A_970 : vector<512x128xf32>
    %sub3A_972 = vector.broadcast %get3A_966 : vector<1x128xf32> to vector<512x128xf32>
    %sub3A_973 = arith.subf %broadcast_in_dim3A_7, %sub3A_972 : vector<512x128xf32>
    %sub3A_974 = vector.broadcast %get3A_969 : vector<1x128xf32> to vector<512x128xf32>
    %sub3A_975 = arith.subf %broadcast_in_dim3A_12, %sub3A_974 : vector<512x128xf32>
    %mul3A_976 = arith.mulf %sub3A_971, %sub3A_971 : vector<512x128xf32>
    %mul3A_977 = arith.mulf %sub3A_973, %sub3A_973 : vector<512x128xf32>
    %add3A_978 = arith.addf %mul3A_976, %mul3A_977 : vector<512x128xf32>
    %mul3A_979 = arith.mulf %sub3A_975, %sub3A_975 : vector<512x128xf32>
    %add3A_980 = arith.addf %add3A_978, %mul3A_979 : vector<512x128xf32>
    %lt3A_981 = arith.cmpf olt, %add3A_980, %select_n3A_957 : vector<512x128xf32>
    %select_n3A_982 = arith.select %lt3A_981, %add3A_980, %select_n3A_957 : vector<512x128xi1>, vector<512x128xf32>
    %jit3A_983 = arith.constant 38 : i32
    %broadcast_in_dim3A_984 = vector.broadcast %jit3A_983 : i32 to vector<512x128xi32>
    %select_n3A_985 = arith.select %lt3A_981, %broadcast_in_dim3A_984, %select_n3A_960 : vector<512x128xi1>, vector<512x128xi32>
    %get3A_986 = arith.constant 0 : index
    %get3A_987 = arith.constant 4992 : index
    %get3A_988 = vector.load %arg2[%get3A_986, %get3A_987] : memref<3x8192xf32, #tpu.memory_space<vmem>>, vector<1x128xf32>
    %get3A_989 = arith.constant 1 : index
    %get3A_990 = arith.constant 4992 : index
    %get3A_991 = vector.load %arg2[%get3A_989, %get3A_990] : memref<3x8192xf32, #tpu.memory_space<vmem>>, vector<1x128xf32>
    %get3A_992 = arith.constant 2 : index
    %get3A_993 = arith.constant 4992 : index
    %get3A_994 = vector.load %arg2[%get3A_992, %get3A_993] : memref<3x8192xf32, #tpu.memory_space<vmem>>, vector<1x128xf32>
    %sub3A_995 = vector.broadcast %get3A_988 : vector<1x128xf32> to vector<512x128xf32>
    %sub3A_996 = arith.subf %broadcast_in_dim3A_2, %sub3A_995 : vector<512x128xf32>
    %sub3A_997 = vector.broadcast %get3A_991 : vector<1x128xf32> to vector<512x128xf32>
    %sub3A_998 = arith.subf %broadcast_in_dim3A_7, %sub3A_997 : vector<512x128xf32>
    %sub3A_999 = vector.broadcast %get3A_994 : vector<1x128xf32> to vector<512x128xf32>
    %sub3A_1000 = arith.subf %broadcast_in_dim3A_12, %sub3A_999 : vector<512x128xf32>
    %mul3A_1001 = arith.mulf %sub3A_996, %sub3A_996 : vector<512x128xf32>
    %mul3A_1002 = arith.mulf %sub3A_998, %sub3A_998 : vector<512x128xf32>
    %add3A_1003 = arith.addf %mul3A_1001, %mul3A_1002 : vector<512x128xf32>
    %mul3A_1004 = arith.mulf %sub3A_1000, %sub3A_1000 : vector<512x128xf32>
    %add3A_1005 = arith.addf %add3A_1003, %mul3A_1004 : vector<512x128xf32>
    %lt3A_1006 = arith.cmpf olt, %add3A_1005, %select_n3A_982 : vector<512x128xf32>
    %select_n3A_1007 = arith.select %lt3A_1006, %add3A_1005, %select_n3A_982 : vector<512x128xi1>, vector<512x128xf32>
    %jit3A_1008 = arith.constant 39 : i32
    %broadcast_in_dim3A_1009 = vector.broadcast %jit3A_1008 : i32 to vector<512x128xi32>
    %select_n3A_1010 = arith.select %lt3A_1006, %broadcast_in_dim3A_1009, %select_n3A_985 : vector<512x128xi1>, vector<512x128xi32>
    %get3A_1011 = arith.constant 0 : index
    %get3A_1012 = arith.constant 5120 : index
    %get3A_1013 = vector.load %arg2[%get3A_1011, %get3A_1012] : memref<3x8192xf32, #tpu.memory_space<vmem>>, vector<1x128xf32>
    %get3A_1014 = arith.constant 1 : index
    %get3A_1015 = arith.constant 5120 : index
    %get3A_1016 = vector.load %arg2[%get3A_1014, %get3A_1015] : memref<3x8192xf32, #tpu.memory_space<vmem>>, vector<1x128xf32>
    %get3A_1017 = arith.constant 2 : index
    %get3A_1018 = arith.constant 5120 : index
    %get3A_1019 = vector.load %arg2[%get3A_1017, %get3A_1018] : memref<3x8192xf32, #tpu.memory_space<vmem>>, vector<1x128xf32>
    %sub3A_1020 = vector.broadcast %get3A_1013 : vector<1x128xf32> to vector<512x128xf32>
    %sub3A_1021 = arith.subf %broadcast_in_dim3A_2, %sub3A_1020 : vector<512x128xf32>
    %sub3A_1022 = vector.broadcast %get3A_1016 : vector<1x128xf32> to vector<512x128xf32>
    %sub3A_1023 = arith.subf %broadcast_in_dim3A_7, %sub3A_1022 : vector<512x128xf32>
    %sub3A_1024 = vector.broadcast %get3A_1019 : vector<1x128xf32> to vector<512x128xf32>
    %sub3A_1025 = arith.subf %broadcast_in_dim3A_12, %sub3A_1024 : vector<512x128xf32>
    %mul3A_1026 = arith.mulf %sub3A_1021, %sub3A_1021 : vector<512x128xf32>
    %mul3A_1027 = arith.mulf %sub3A_1023, %sub3A_1023 : vector<512x128xf32>
    %add3A_1028 = arith.addf %mul3A_1026, %mul3A_1027 : vector<512x128xf32>
    %mul3A_1029 = arith.mulf %sub3A_1025, %sub3A_1025 : vector<512x128xf32>
    %add3A_1030 = arith.addf %add3A_1028, %mul3A_1029 : vector<512x128xf32>
    %lt3A_1031 = arith.cmpf olt, %add3A_1030, %select_n3A_1007 : vector<512x128xf32>
    %select_n3A_1032 = arith.select %lt3A_1031, %add3A_1030, %select_n3A_1007 : vector<512x128xi1>, vector<512x128xf32>
    %jit3A_1033 = arith.constant 40 : i32
    %broadcast_in_dim3A_1034 = vector.broadcast %jit3A_1033 : i32 to vector<512x128xi32>
    %select_n3A_1035 = arith.select %lt3A_1031, %broadcast_in_dim3A_1034, %select_n3A_1010 : vector<512x128xi1>, vector<512x128xi32>
    %get3A_1036 = arith.constant 0 : index
    %get3A_1037 = arith.constant 5248 : index
    %get3A_1038 = vector.load %arg2[%get3A_1036, %get3A_1037] : memref<3x8192xf32, #tpu.memory_space<vmem>>, vector<1x128xf32>
    %get3A_1039 = arith.constant 1 : index
    %get3A_1040 = arith.constant 5248 : index
    %get3A_1041 = vector.load %arg2[%get3A_1039, %get3A_1040] : memref<3x8192xf32, #tpu.memory_space<vmem>>, vector<1x128xf32>
    %get3A_1042 = arith.constant 2 : index
    %get3A_1043 = arith.constant 5248 : index
    %get3A_1044 = vector.load %arg2[%get3A_1042, %get3A_1043] : memref<3x8192xf32, #tpu.memory_space<vmem>>, vector<1x128xf32>
    %sub3A_1045 = vector.broadcast %get3A_1038 : vector<1x128xf32> to vector<512x128xf32>
    %sub3A_1046 = arith.subf %broadcast_in_dim3A_2, %sub3A_1045 : vector<512x128xf32>
    %sub3A_1047 = vector.broadcast %get3A_1041 : vector<1x128xf32> to vector<512x128xf32>
    %sub3A_1048 = arith.subf %broadcast_in_dim3A_7, %sub3A_1047 : vector<512x128xf32>
    %sub3A_1049 = vector.broadcast %get3A_1044 : vector<1x128xf32> to vector<512x128xf32>
    %sub3A_1050 = arith.subf %broadcast_in_dim3A_12, %sub3A_1049 : vector<512x128xf32>
    %mul3A_1051 = arith.mulf %sub3A_1046, %sub3A_1046 : vector<512x128xf32>
    %mul3A_1052 = arith.mulf %sub3A_1048, %sub3A_1048 : vector<512x128xf32>
    %add3A_1053 = arith.addf %mul3A_1051, %mul3A_1052 : vector<512x128xf32>
    %mul3A_1054 = arith.mulf %sub3A_1050, %sub3A_1050 : vector<512x128xf32>
    %add3A_1055 = arith.addf %add3A_1053, %mul3A_1054 : vector<512x128xf32>
    %lt3A_1056 = arith.cmpf olt, %add3A_1055, %select_n3A_1032 : vector<512x128xf32>
    %select_n3A_1057 = arith.select %lt3A_1056, %add3A_1055, %select_n3A_1032 : vector<512x128xi1>, vector<512x128xf32>
    %jit3A_1058 = arith.constant 41 : i32
    %broadcast_in_dim3A_1059 = vector.broadcast %jit3A_1058 : i32 to vector<512x128xi32>
    %select_n3A_1060 = arith.select %lt3A_1056, %broadcast_in_dim3A_1059, %select_n3A_1035 : vector<512x128xi1>, vector<512x128xi32>
    %get3A_1061 = arith.constant 0 : index
    %get3A_1062 = arith.constant 5376 : index
    %get3A_1063 = vector.load %arg2[%get3A_1061, %get3A_1062] : memref<3x8192xf32, #tpu.memory_space<vmem>>, vector<1x128xf32>
    %get3A_1064 = arith.constant 1 : index
    %get3A_1065 = arith.constant 5376 : index
    %get3A_1066 = vector.load %arg2[%get3A_1064, %get3A_1065] : memref<3x8192xf32, #tpu.memory_space<vmem>>, vector<1x128xf32>
    %get3A_1067 = arith.constant 2 : index
    %get3A_1068 = arith.constant 5376 : index
    %get3A_1069 = vector.load %arg2[%get3A_1067, %get3A_1068] : memref<3x8192xf32, #tpu.memory_space<vmem>>, vector<1x128xf32>
    %sub3A_1070 = vector.broadcast %get3A_1063 : vector<1x128xf32> to vector<512x128xf32>
    %sub3A_1071 = arith.subf %broadcast_in_dim3A_2, %sub3A_1070 : vector<512x128xf32>
    %sub3A_1072 = vector.broadcast %get3A_1066 : vector<1x128xf32> to vector<512x128xf32>
    %sub3A_1073 = arith.subf %broadcast_in_dim3A_7, %sub3A_1072 : vector<512x128xf32>
    %sub3A_1074 = vector.broadcast %get3A_1069 : vector<1x128xf32> to vector<512x128xf32>
    %sub3A_1075 = arith.subf %broadcast_in_dim3A_12, %sub3A_1074 : vector<512x128xf32>
    %mul3A_1076 = arith.mulf %sub3A_1071, %sub3A_1071 : vector<512x128xf32>
    %mul3A_1077 = arith.mulf %sub3A_1073, %sub3A_1073 : vector<512x128xf32>
    %add3A_1078 = arith.addf %mul3A_1076, %mul3A_1077 : vector<512x128xf32>
    %mul3A_1079 = arith.mulf %sub3A_1075, %sub3A_1075 : vector<512x128xf32>
    %add3A_1080 = arith.addf %add3A_1078, %mul3A_1079 : vector<512x128xf32>
    %lt3A_1081 = arith.cmpf olt, %add3A_1080, %select_n3A_1057 : vector<512x128xf32>
    %select_n3A_1082 = arith.select %lt3A_1081, %add3A_1080, %select_n3A_1057 : vector<512x128xi1>, vector<512x128xf32>
    %jit3A_1083 = arith.constant 42 : i32
    %broadcast_in_dim3A_1084 = vector.broadcast %jit3A_1083 : i32 to vector<512x128xi32>
    %select_n3A_1085 = arith.select %lt3A_1081, %broadcast_in_dim3A_1084, %select_n3A_1060 : vector<512x128xi1>, vector<512x128xi32>
    %get3A_1086 = arith.constant 0 : index
    %get3A_1087 = arith.constant 5504 : index
    %get3A_1088 = vector.load %arg2[%get3A_1086, %get3A_1087] : memref<3x8192xf32, #tpu.memory_space<vmem>>, vector<1x128xf32>
    %get3A_1089 = arith.constant 1 : index
    %get3A_1090 = arith.constant 5504 : index
    %get3A_1091 = vector.load %arg2[%get3A_1089, %get3A_1090] : memref<3x8192xf32, #tpu.memory_space<vmem>>, vector<1x128xf32>
    %get3A_1092 = arith.constant 2 : index
    %get3A_1093 = arith.constant 5504 : index
    %get3A_1094 = vector.load %arg2[%get3A_1092, %get3A_1093] : memref<3x8192xf32, #tpu.memory_space<vmem>>, vector<1x128xf32>
    %sub3A_1095 = vector.broadcast %get3A_1088 : vector<1x128xf32> to vector<512x128xf32>
    %sub3A_1096 = arith.subf %broadcast_in_dim3A_2, %sub3A_1095 : vector<512x128xf32>
    %sub3A_1097 = vector.broadcast %get3A_1091 : vector<1x128xf32> to vector<512x128xf32>
    %sub3A_1098 = arith.subf %broadcast_in_dim3A_7, %sub3A_1097 : vector<512x128xf32>
    %sub3A_1099 = vector.broadcast %get3A_1094 : vector<1x128xf32> to vector<512x128xf32>
    %sub3A_1100 = arith.subf %broadcast_in_dim3A_12, %sub3A_1099 : vector<512x128xf32>
    %mul3A_1101 = arith.mulf %sub3A_1096, %sub3A_1096 : vector<512x128xf32>
    %mul3A_1102 = arith.mulf %sub3A_1098, %sub3A_1098 : vector<512x128xf32>
    %add3A_1103 = arith.addf %mul3A_1101, %mul3A_1102 : vector<512x128xf32>
    %mul3A_1104 = arith.mulf %sub3A_1100, %sub3A_1100 : vector<512x128xf32>
    %add3A_1105 = arith.addf %add3A_1103, %mul3A_1104 : vector<512x128xf32>
    %lt3A_1106 = arith.cmpf olt, %add3A_1105, %select_n3A_1082 : vector<512x128xf32>
    %select_n3A_1107 = arith.select %lt3A_1106, %add3A_1105, %select_n3A_1082 : vector<512x128xi1>, vector<512x128xf32>
    %jit3A_1108 = arith.constant 43 : i32
    %broadcast_in_dim3A_1109 = vector.broadcast %jit3A_1108 : i32 to vector<512x128xi32>
    %select_n3A_1110 = arith.select %lt3A_1106, %broadcast_in_dim3A_1109, %select_n3A_1085 : vector<512x128xi1>, vector<512x128xi32>
    %get3A_1111 = arith.constant 0 : index
    %get3A_1112 = arith.constant 5632 : index
    %get3A_1113 = vector.load %arg2[%get3A_1111, %get3A_1112] : memref<3x8192xf32, #tpu.memory_space<vmem>>, vector<1x128xf32>
    %get3A_1114 = arith.constant 1 : index
    %get3A_1115 = arith.constant 5632 : index
    %get3A_1116 = vector.load %arg2[%get3A_1114, %get3A_1115] : memref<3x8192xf32, #tpu.memory_space<vmem>>, vector<1x128xf32>
    %get3A_1117 = arith.constant 2 : index
    %get3A_1118 = arith.constant 5632 : index
    %get3A_1119 = vector.load %arg2[%get3A_1117, %get3A_1118] : memref<3x8192xf32, #tpu.memory_space<vmem>>, vector<1x128xf32>
    %sub3A_1120 = vector.broadcast %get3A_1113 : vector<1x128xf32> to vector<512x128xf32>
    %sub3A_1121 = arith.subf %broadcast_in_dim3A_2, %sub3A_1120 : vector<512x128xf32>
    %sub3A_1122 = vector.broadcast %get3A_1116 : vector<1x128xf32> to vector<512x128xf32>
    %sub3A_1123 = arith.subf %broadcast_in_dim3A_7, %sub3A_1122 : vector<512x128xf32>
    %sub3A_1124 = vector.broadcast %get3A_1119 : vector<1x128xf32> to vector<512x128xf32>
    %sub3A_1125 = arith.subf %broadcast_in_dim3A_12, %sub3A_1124 : vector<512x128xf32>
    %mul3A_1126 = arith.mulf %sub3A_1121, %sub3A_1121 : vector<512x128xf32>
    %mul3A_1127 = arith.mulf %sub3A_1123, %sub3A_1123 : vector<512x128xf32>
    %add3A_1128 = arith.addf %mul3A_1126, %mul3A_1127 : vector<512x128xf32>
    %mul3A_1129 = arith.mulf %sub3A_1125, %sub3A_1125 : vector<512x128xf32>
    %add3A_1130 = arith.addf %add3A_1128, %mul3A_1129 : vector<512x128xf32>
    %lt3A_1131 = arith.cmpf olt, %add3A_1130, %select_n3A_1107 : vector<512x128xf32>
    %select_n3A_1132 = arith.select %lt3A_1131, %add3A_1130, %select_n3A_1107 : vector<512x128xi1>, vector<512x128xf32>
    %jit3A_1133 = arith.constant 44 : i32
    %broadcast_in_dim3A_1134 = vector.broadcast %jit3A_1133 : i32 to vector<512x128xi32>
    %select_n3A_1135 = arith.select %lt3A_1131, %broadcast_in_dim3A_1134, %select_n3A_1110 : vector<512x128xi1>, vector<512x128xi32>
    %get3A_1136 = arith.constant 0 : index
    %get3A_1137 = arith.constant 5760 : index
    %get3A_1138 = vector.load %arg2[%get3A_1136, %get3A_1137] : memref<3x8192xf32, #tpu.memory_space<vmem>>, vector<1x128xf32>
    %get3A_1139 = arith.constant 1 : index
    %get3A_1140 = arith.constant 5760 : index
    %get3A_1141 = vector.load %arg2[%get3A_1139, %get3A_1140] : memref<3x8192xf32, #tpu.memory_space<vmem>>, vector<1x128xf32>
    %get3A_1142 = arith.constant 2 : index
    %get3A_1143 = arith.constant 5760 : index
    %get3A_1144 = vector.load %arg2[%get3A_1142, %get3A_1143] : memref<3x8192xf32, #tpu.memory_space<vmem>>, vector<1x128xf32>
    %sub3A_1145 = vector.broadcast %get3A_1138 : vector<1x128xf32> to vector<512x128xf32>
    %sub3A_1146 = arith.subf %broadcast_in_dim3A_2, %sub3A_1145 : vector<512x128xf32>
    %sub3A_1147 = vector.broadcast %get3A_1141 : vector<1x128xf32> to vector<512x128xf32>
    %sub3A_1148 = arith.subf %broadcast_in_dim3A_7, %sub3A_1147 : vector<512x128xf32>
    %sub3A_1149 = vector.broadcast %get3A_1144 : vector<1x128xf32> to vector<512x128xf32>
    %sub3A_1150 = arith.subf %broadcast_in_dim3A_12, %sub3A_1149 : vector<512x128xf32>
    %mul3A_1151 = arith.mulf %sub3A_1146, %sub3A_1146 : vector<512x128xf32>
    %mul3A_1152 = arith.mulf %sub3A_1148, %sub3A_1148 : vector<512x128xf32>
    %add3A_1153 = arith.addf %mul3A_1151, %mul3A_1152 : vector<512x128xf32>
    %mul3A_1154 = arith.mulf %sub3A_1150, %sub3A_1150 : vector<512x128xf32>
    %add3A_1155 = arith.addf %add3A_1153, %mul3A_1154 : vector<512x128xf32>
    %lt3A_1156 = arith.cmpf olt, %add3A_1155, %select_n3A_1132 : vector<512x128xf32>
    %select_n3A_1157 = arith.select %lt3A_1156, %add3A_1155, %select_n3A_1132 : vector<512x128xi1>, vector<512x128xf32>
    %jit3A_1158 = arith.constant 45 : i32
    %broadcast_in_dim3A_1159 = vector.broadcast %jit3A_1158 : i32 to vector<512x128xi32>
    %select_n3A_1160 = arith.select %lt3A_1156, %broadcast_in_dim3A_1159, %select_n3A_1135 : vector<512x128xi1>, vector<512x128xi32>
    %get3A_1161 = arith.constant 0 : index
    %get3A_1162 = arith.constant 5888 : index
    %get3A_1163 = vector.load %arg2[%get3A_1161, %get3A_1162] : memref<3x8192xf32, #tpu.memory_space<vmem>>, vector<1x128xf32>
    %get3A_1164 = arith.constant 1 : index
    %get3A_1165 = arith.constant 5888 : index
    %get3A_1166 = vector.load %arg2[%get3A_1164, %get3A_1165] : memref<3x8192xf32, #tpu.memory_space<vmem>>, vector<1x128xf32>
    %get3A_1167 = arith.constant 2 : index
    %get3A_1168 = arith.constant 5888 : index
    %get3A_1169 = vector.load %arg2[%get3A_1167, %get3A_1168] : memref<3x8192xf32, #tpu.memory_space<vmem>>, vector<1x128xf32>
    %sub3A_1170 = vector.broadcast %get3A_1163 : vector<1x128xf32> to vector<512x128xf32>
    %sub3A_1171 = arith.subf %broadcast_in_dim3A_2, %sub3A_1170 : vector<512x128xf32>
    %sub3A_1172 = vector.broadcast %get3A_1166 : vector<1x128xf32> to vector<512x128xf32>
    %sub3A_1173 = arith.subf %broadcast_in_dim3A_7, %sub3A_1172 : vector<512x128xf32>
    %sub3A_1174 = vector.broadcast %get3A_1169 : vector<1x128xf32> to vector<512x128xf32>
    %sub3A_1175 = arith.subf %broadcast_in_dim3A_12, %sub3A_1174 : vector<512x128xf32>
    %mul3A_1176 = arith.mulf %sub3A_1171, %sub3A_1171 : vector<512x128xf32>
    %mul3A_1177 = arith.mulf %sub3A_1173, %sub3A_1173 : vector<512x128xf32>
    %add3A_1178 = arith.addf %mul3A_1176, %mul3A_1177 : vector<512x128xf32>
    %mul3A_1179 = arith.mulf %sub3A_1175, %sub3A_1175 : vector<512x128xf32>
    %add3A_1180 = arith.addf %add3A_1178, %mul3A_1179 : vector<512x128xf32>
    %lt3A_1181 = arith.cmpf olt, %add3A_1180, %select_n3A_1157 : vector<512x128xf32>
    %select_n3A_1182 = arith.select %lt3A_1181, %add3A_1180, %select_n3A_1157 : vector<512x128xi1>, vector<512x128xf32>
    %jit3A_1183 = arith.constant 46 : i32
    %broadcast_in_dim3A_1184 = vector.broadcast %jit3A_1183 : i32 to vector<512x128xi32>
    %select_n3A_1185 = arith.select %lt3A_1181, %broadcast_in_dim3A_1184, %select_n3A_1160 : vector<512x128xi1>, vector<512x128xi32>
    %get3A_1186 = arith.constant 0 : index
    %get3A_1187 = arith.constant 6016 : index
    %get3A_1188 = vector.load %arg2[%get3A_1186, %get3A_1187] : memref<3x8192xf32, #tpu.memory_space<vmem>>, vector<1x128xf32>
    %get3A_1189 = arith.constant 1 : index
    %get3A_1190 = arith.constant 6016 : index
    %get3A_1191 = vector.load %arg2[%get3A_1189, %get3A_1190] : memref<3x8192xf32, #tpu.memory_space<vmem>>, vector<1x128xf32>
    %get3A_1192 = arith.constant 2 : index
    %get3A_1193 = arith.constant 6016 : index
    %get3A_1194 = vector.load %arg2[%get3A_1192, %get3A_1193] : memref<3x8192xf32, #tpu.memory_space<vmem>>, vector<1x128xf32>
    %sub3A_1195 = vector.broadcast %get3A_1188 : vector<1x128xf32> to vector<512x128xf32>
    %sub3A_1196 = arith.subf %broadcast_in_dim3A_2, %sub3A_1195 : vector<512x128xf32>
    %sub3A_1197 = vector.broadcast %get3A_1191 : vector<1x128xf32> to vector<512x128xf32>
    %sub3A_1198 = arith.subf %broadcast_in_dim3A_7, %sub3A_1197 : vector<512x128xf32>
    %sub3A_1199 = vector.broadcast %get3A_1194 : vector<1x128xf32> to vector<512x128xf32>
    %sub3A_1200 = arith.subf %broadcast_in_dim3A_12, %sub3A_1199 : vector<512x128xf32>
    %mul3A_1201 = arith.mulf %sub3A_1196, %sub3A_1196 : vector<512x128xf32>
    %mul3A_1202 = arith.mulf %sub3A_1198, %sub3A_1198 : vector<512x128xf32>
    %add3A_1203 = arith.addf %mul3A_1201, %mul3A_1202 : vector<512x128xf32>
    %mul3A_1204 = arith.mulf %sub3A_1200, %sub3A_1200 : vector<512x128xf32>
    %add3A_1205 = arith.addf %add3A_1203, %mul3A_1204 : vector<512x128xf32>
    %lt3A_1206 = arith.cmpf olt, %add3A_1205, %select_n3A_1182 : vector<512x128xf32>
    %select_n3A_1207 = arith.select %lt3A_1206, %add3A_1205, %select_n3A_1182 : vector<512x128xi1>, vector<512x128xf32>
    %jit3A_1208 = arith.constant 47 : i32
    %broadcast_in_dim3A_1209 = vector.broadcast %jit3A_1208 : i32 to vector<512x128xi32>
    %select_n3A_1210 = arith.select %lt3A_1206, %broadcast_in_dim3A_1209, %select_n3A_1185 : vector<512x128xi1>, vector<512x128xi32>
    %get3A_1211 = arith.constant 0 : index
    %get3A_1212 = arith.constant 6144 : index
    %get3A_1213 = vector.load %arg2[%get3A_1211, %get3A_1212] : memref<3x8192xf32, #tpu.memory_space<vmem>>, vector<1x128xf32>
    %get3A_1214 = arith.constant 1 : index
    %get3A_1215 = arith.constant 6144 : index
    %get3A_1216 = vector.load %arg2[%get3A_1214, %get3A_1215] : memref<3x8192xf32, #tpu.memory_space<vmem>>, vector<1x128xf32>
    %get3A_1217 = arith.constant 2 : index
    %get3A_1218 = arith.constant 6144 : index
    %get3A_1219 = vector.load %arg2[%get3A_1217, %get3A_1218] : memref<3x8192xf32, #tpu.memory_space<vmem>>, vector<1x128xf32>
    %sub3A_1220 = vector.broadcast %get3A_1213 : vector<1x128xf32> to vector<512x128xf32>
    %sub3A_1221 = arith.subf %broadcast_in_dim3A_2, %sub3A_1220 : vector<512x128xf32>
    %sub3A_1222 = vector.broadcast %get3A_1216 : vector<1x128xf32> to vector<512x128xf32>
    %sub3A_1223 = arith.subf %broadcast_in_dim3A_7, %sub3A_1222 : vector<512x128xf32>
    %sub3A_1224 = vector.broadcast %get3A_1219 : vector<1x128xf32> to vector<512x128xf32>
    %sub3A_1225 = arith.subf %broadcast_in_dim3A_12, %sub3A_1224 : vector<512x128xf32>
    %mul3A_1226 = arith.mulf %sub3A_1221, %sub3A_1221 : vector<512x128xf32>
    %mul3A_1227 = arith.mulf %sub3A_1223, %sub3A_1223 : vector<512x128xf32>
    %add3A_1228 = arith.addf %mul3A_1226, %mul3A_1227 : vector<512x128xf32>
    %mul3A_1229 = arith.mulf %sub3A_1225, %sub3A_1225 : vector<512x128xf32>
    %add3A_1230 = arith.addf %add3A_1228, %mul3A_1229 : vector<512x128xf32>
    %lt3A_1231 = arith.cmpf olt, %add3A_1230, %select_n3A_1207 : vector<512x128xf32>
    %select_n3A_1232 = arith.select %lt3A_1231, %add3A_1230, %select_n3A_1207 : vector<512x128xi1>, vector<512x128xf32>
    %jit3A_1233 = arith.constant 48 : i32
    %broadcast_in_dim3A_1234 = vector.broadcast %jit3A_1233 : i32 to vector<512x128xi32>
    %select_n3A_1235 = arith.select %lt3A_1231, %broadcast_in_dim3A_1234, %select_n3A_1210 : vector<512x128xi1>, vector<512x128xi32>
    %get3A_1236 = arith.constant 0 : index
    %get3A_1237 = arith.constant 6272 : index
    %get3A_1238 = vector.load %arg2[%get3A_1236, %get3A_1237] : memref<3x8192xf32, #tpu.memory_space<vmem>>, vector<1x128xf32>
    %get3A_1239 = arith.constant 1 : index
    %get3A_1240 = arith.constant 6272 : index
    %get3A_1241 = vector.load %arg2[%get3A_1239, %get3A_1240] : memref<3x8192xf32, #tpu.memory_space<vmem>>, vector<1x128xf32>
    %get3A_1242 = arith.constant 2 : index
    %get3A_1243 = arith.constant 6272 : index
    %get3A_1244 = vector.load %arg2[%get3A_1242, %get3A_1243] : memref<3x8192xf32, #tpu.memory_space<vmem>>, vector<1x128xf32>
    %sub3A_1245 = vector.broadcast %get3A_1238 : vector<1x128xf32> to vector<512x128xf32>
    %sub3A_1246 = arith.subf %broadcast_in_dim3A_2, %sub3A_1245 : vector<512x128xf32>
    %sub3A_1247 = vector.broadcast %get3A_1241 : vector<1x128xf32> to vector<512x128xf32>
    %sub3A_1248 = arith.subf %broadcast_in_dim3A_7, %sub3A_1247 : vector<512x128xf32>
    %sub3A_1249 = vector.broadcast %get3A_1244 : vector<1x128xf32> to vector<512x128xf32>
    %sub3A_1250 = arith.subf %broadcast_in_dim3A_12, %sub3A_1249 : vector<512x128xf32>
    %mul3A_1251 = arith.mulf %sub3A_1246, %sub3A_1246 : vector<512x128xf32>
    %mul3A_1252 = arith.mulf %sub3A_1248, %sub3A_1248 : vector<512x128xf32>
    %add3A_1253 = arith.addf %mul3A_1251, %mul3A_1252 : vector<512x128xf32>
    %mul3A_1254 = arith.mulf %sub3A_1250, %sub3A_1250 : vector<512x128xf32>
    %add3A_1255 = arith.addf %add3A_1253, %mul3A_1254 : vector<512x128xf32>
    %lt3A_1256 = arith.cmpf olt, %add3A_1255, %select_n3A_1232 : vector<512x128xf32>
    %select_n3A_1257 = arith.select %lt3A_1256, %add3A_1255, %select_n3A_1232 : vector<512x128xi1>, vector<512x128xf32>
    %jit3A_1258 = arith.constant 49 : i32
    %broadcast_in_dim3A_1259 = vector.broadcast %jit3A_1258 : i32 to vector<512x128xi32>
    %select_n3A_1260 = arith.select %lt3A_1256, %broadcast_in_dim3A_1259, %select_n3A_1235 : vector<512x128xi1>, vector<512x128xi32>
    %get3A_1261 = arith.constant 0 : index
    %get3A_1262 = arith.constant 6400 : index
    %get3A_1263 = vector.load %arg2[%get3A_1261, %get3A_1262] : memref<3x8192xf32, #tpu.memory_space<vmem>>, vector<1x128xf32>
    %get3A_1264 = arith.constant 1 : index
    %get3A_1265 = arith.constant 6400 : index
    %get3A_1266 = vector.load %arg2[%get3A_1264, %get3A_1265] : memref<3x8192xf32, #tpu.memory_space<vmem>>, vector<1x128xf32>
    %get3A_1267 = arith.constant 2 : index
    %get3A_1268 = arith.constant 6400 : index
    %get3A_1269 = vector.load %arg2[%get3A_1267, %get3A_1268] : memref<3x8192xf32, #tpu.memory_space<vmem>>, vector<1x128xf32>
    %sub3A_1270 = vector.broadcast %get3A_1263 : vector<1x128xf32> to vector<512x128xf32>
    %sub3A_1271 = arith.subf %broadcast_in_dim3A_2, %sub3A_1270 : vector<512x128xf32>
    %sub3A_1272 = vector.broadcast %get3A_1266 : vector<1x128xf32> to vector<512x128xf32>
    %sub3A_1273 = arith.subf %broadcast_in_dim3A_7, %sub3A_1272 : vector<512x128xf32>
    %sub3A_1274 = vector.broadcast %get3A_1269 : vector<1x128xf32> to vector<512x128xf32>
    %sub3A_1275 = arith.subf %broadcast_in_dim3A_12, %sub3A_1274 : vector<512x128xf32>
    %mul3A_1276 = arith.mulf %sub3A_1271, %sub3A_1271 : vector<512x128xf32>
    %mul3A_1277 = arith.mulf %sub3A_1273, %sub3A_1273 : vector<512x128xf32>
    %add3A_1278 = arith.addf %mul3A_1276, %mul3A_1277 : vector<512x128xf32>
    %mul3A_1279 = arith.mulf %sub3A_1275, %sub3A_1275 : vector<512x128xf32>
    %add3A_1280 = arith.addf %add3A_1278, %mul3A_1279 : vector<512x128xf32>
    %lt3A_1281 = arith.cmpf olt, %add3A_1280, %select_n3A_1257 : vector<512x128xf32>
    %select_n3A_1282 = arith.select %lt3A_1281, %add3A_1280, %select_n3A_1257 : vector<512x128xi1>, vector<512x128xf32>
    %jit3A_1283 = arith.constant 50 : i32
    %broadcast_in_dim3A_1284 = vector.broadcast %jit3A_1283 : i32 to vector<512x128xi32>
    %select_n3A_1285 = arith.select %lt3A_1281, %broadcast_in_dim3A_1284, %select_n3A_1260 : vector<512x128xi1>, vector<512x128xi32>
    %get3A_1286 = arith.constant 0 : index
    %get3A_1287 = arith.constant 6528 : index
    %get3A_1288 = vector.load %arg2[%get3A_1286, %get3A_1287] : memref<3x8192xf32, #tpu.memory_space<vmem>>, vector<1x128xf32>
    %get3A_1289 = arith.constant 1 : index
    %get3A_1290 = arith.constant 6528 : index
    %get3A_1291 = vector.load %arg2[%get3A_1289, %get3A_1290] : memref<3x8192xf32, #tpu.memory_space<vmem>>, vector<1x128xf32>
    %get3A_1292 = arith.constant 2 : index
    %get3A_1293 = arith.constant 6528 : index
    %get3A_1294 = vector.load %arg2[%get3A_1292, %get3A_1293] : memref<3x8192xf32, #tpu.memory_space<vmem>>, vector<1x128xf32>
    %sub3A_1295 = vector.broadcast %get3A_1288 : vector<1x128xf32> to vector<512x128xf32>
    %sub3A_1296 = arith.subf %broadcast_in_dim3A_2, %sub3A_1295 : vector<512x128xf32>
    %sub3A_1297 = vector.broadcast %get3A_1291 : vector<1x128xf32> to vector<512x128xf32>
    %sub3A_1298 = arith.subf %broadcast_in_dim3A_7, %sub3A_1297 : vector<512x128xf32>
    %sub3A_1299 = vector.broadcast %get3A_1294 : vector<1x128xf32> to vector<512x128xf32>
    %sub3A_1300 = arith.subf %broadcast_in_dim3A_12, %sub3A_1299 : vector<512x128xf32>
    %mul3A_1301 = arith.mulf %sub3A_1296, %sub3A_1296 : vector<512x128xf32>
    %mul3A_1302 = arith.mulf %sub3A_1298, %sub3A_1298 : vector<512x128xf32>
    %add3A_1303 = arith.addf %mul3A_1301, %mul3A_1302 : vector<512x128xf32>
    %mul3A_1304 = arith.mulf %sub3A_1300, %sub3A_1300 : vector<512x128xf32>
    %add3A_1305 = arith.addf %add3A_1303, %mul3A_1304 : vector<512x128xf32>
    %lt3A_1306 = arith.cmpf olt, %add3A_1305, %select_n3A_1282 : vector<512x128xf32>
    %select_n3A_1307 = arith.select %lt3A_1306, %add3A_1305, %select_n3A_1282 : vector<512x128xi1>, vector<512x128xf32>
    %jit3A_1308 = arith.constant 51 : i32
    %broadcast_in_dim3A_1309 = vector.broadcast %jit3A_1308 : i32 to vector<512x128xi32>
    %select_n3A_1310 = arith.select %lt3A_1306, %broadcast_in_dim3A_1309, %select_n3A_1285 : vector<512x128xi1>, vector<512x128xi32>
    %get3A_1311 = arith.constant 0 : index
    %get3A_1312 = arith.constant 6656 : index
    %get3A_1313 = vector.load %arg2[%get3A_1311, %get3A_1312] : memref<3x8192xf32, #tpu.memory_space<vmem>>, vector<1x128xf32>
    %get3A_1314 = arith.constant 1 : index
    %get3A_1315 = arith.constant 6656 : index
    %get3A_1316 = vector.load %arg2[%get3A_1314, %get3A_1315] : memref<3x8192xf32, #tpu.memory_space<vmem>>, vector<1x128xf32>
    %get3A_1317 = arith.constant 2 : index
    %get3A_1318 = arith.constant 6656 : index
    %get3A_1319 = vector.load %arg2[%get3A_1317, %get3A_1318] : memref<3x8192xf32, #tpu.memory_space<vmem>>, vector<1x128xf32>
    %sub3A_1320 = vector.broadcast %get3A_1313 : vector<1x128xf32> to vector<512x128xf32>
    %sub3A_1321 = arith.subf %broadcast_in_dim3A_2, %sub3A_1320 : vector<512x128xf32>
    %sub3A_1322 = vector.broadcast %get3A_1316 : vector<1x128xf32> to vector<512x128xf32>
    %sub3A_1323 = arith.subf %broadcast_in_dim3A_7, %sub3A_1322 : vector<512x128xf32>
    %sub3A_1324 = vector.broadcast %get3A_1319 : vector<1x128xf32> to vector<512x128xf32>
    %sub3A_1325 = arith.subf %broadcast_in_dim3A_12, %sub3A_1324 : vector<512x128xf32>
    %mul3A_1326 = arith.mulf %sub3A_1321, %sub3A_1321 : vector<512x128xf32>
    %mul3A_1327 = arith.mulf %sub3A_1323, %sub3A_1323 : vector<512x128xf32>
    %add3A_1328 = arith.addf %mul3A_1326, %mul3A_1327 : vector<512x128xf32>
    %mul3A_1329 = arith.mulf %sub3A_1325, %sub3A_1325 : vector<512x128xf32>
    %add3A_1330 = arith.addf %add3A_1328, %mul3A_1329 : vector<512x128xf32>
    %lt3A_1331 = arith.cmpf olt, %add3A_1330, %select_n3A_1307 : vector<512x128xf32>
    %select_n3A_1332 = arith.select %lt3A_1331, %add3A_1330, %select_n3A_1307 : vector<512x128xi1>, vector<512x128xf32>
    %jit3A_1333 = arith.constant 52 : i32
    %broadcast_in_dim3A_1334 = vector.broadcast %jit3A_1333 : i32 to vector<512x128xi32>
    %select_n3A_1335 = arith.select %lt3A_1331, %broadcast_in_dim3A_1334, %select_n3A_1310 : vector<512x128xi1>, vector<512x128xi32>
    %get3A_1336 = arith.constant 0 : index
    %get3A_1337 = arith.constant 6784 : index
    %get3A_1338 = vector.load %arg2[%get3A_1336, %get3A_1337] : memref<3x8192xf32, #tpu.memory_space<vmem>>, vector<1x128xf32>
    %get3A_1339 = arith.constant 1 : index
    %get3A_1340 = arith.constant 6784 : index
    %get3A_1341 = vector.load %arg2[%get3A_1339, %get3A_1340] : memref<3x8192xf32, #tpu.memory_space<vmem>>, vector<1x128xf32>
    %get3A_1342 = arith.constant 2 : index
    %get3A_1343 = arith.constant 6784 : index
    %get3A_1344 = vector.load %arg2[%get3A_1342, %get3A_1343] : memref<3x8192xf32, #tpu.memory_space<vmem>>, vector<1x128xf32>
    %sub3A_1345 = vector.broadcast %get3A_1338 : vector<1x128xf32> to vector<512x128xf32>
    %sub3A_1346 = arith.subf %broadcast_in_dim3A_2, %sub3A_1345 : vector<512x128xf32>
    %sub3A_1347 = vector.broadcast %get3A_1341 : vector<1x128xf32> to vector<512x128xf32>
    %sub3A_1348 = arith.subf %broadcast_in_dim3A_7, %sub3A_1347 : vector<512x128xf32>
    %sub3A_1349 = vector.broadcast %get3A_1344 : vector<1x128xf32> to vector<512x128xf32>
    %sub3A_1350 = arith.subf %broadcast_in_dim3A_12, %sub3A_1349 : vector<512x128xf32>
    %mul3A_1351 = arith.mulf %sub3A_1346, %sub3A_1346 : vector<512x128xf32>
    %mul3A_1352 = arith.mulf %sub3A_1348, %sub3A_1348 : vector<512x128xf32>
    %add3A_1353 = arith.addf %mul3A_1351, %mul3A_1352 : vector<512x128xf32>
    %mul3A_1354 = arith.mulf %sub3A_1350, %sub3A_1350 : vector<512x128xf32>
    %add3A_1355 = arith.addf %add3A_1353, %mul3A_1354 : vector<512x128xf32>
    %lt3A_1356 = arith.cmpf olt, %add3A_1355, %select_n3A_1332 : vector<512x128xf32>
    %select_n3A_1357 = arith.select %lt3A_1356, %add3A_1355, %select_n3A_1332 : vector<512x128xi1>, vector<512x128xf32>
    %jit3A_1358 = arith.constant 53 : i32
    %broadcast_in_dim3A_1359 = vector.broadcast %jit3A_1358 : i32 to vector<512x128xi32>
    %select_n3A_1360 = arith.select %lt3A_1356, %broadcast_in_dim3A_1359, %select_n3A_1335 : vector<512x128xi1>, vector<512x128xi32>
    %get3A_1361 = arith.constant 0 : index
    %get3A_1362 = arith.constant 6912 : index
    %get3A_1363 = vector.load %arg2[%get3A_1361, %get3A_1362] : memref<3x8192xf32, #tpu.memory_space<vmem>>, vector<1x128xf32>
    %get3A_1364 = arith.constant 1 : index
    %get3A_1365 = arith.constant 6912 : index
    %get3A_1366 = vector.load %arg2[%get3A_1364, %get3A_1365] : memref<3x8192xf32, #tpu.memory_space<vmem>>, vector<1x128xf32>
    %get3A_1367 = arith.constant 2 : index
    %get3A_1368 = arith.constant 6912 : index
    %get3A_1369 = vector.load %arg2[%get3A_1367, %get3A_1368] : memref<3x8192xf32, #tpu.memory_space<vmem>>, vector<1x128xf32>
    %sub3A_1370 = vector.broadcast %get3A_1363 : vector<1x128xf32> to vector<512x128xf32>
    %sub3A_1371 = arith.subf %broadcast_in_dim3A_2, %sub3A_1370 : vector<512x128xf32>
    %sub3A_1372 = vector.broadcast %get3A_1366 : vector<1x128xf32> to vector<512x128xf32>
    %sub3A_1373 = arith.subf %broadcast_in_dim3A_7, %sub3A_1372 : vector<512x128xf32>
    %sub3A_1374 = vector.broadcast %get3A_1369 : vector<1x128xf32> to vector<512x128xf32>
    %sub3A_1375 = arith.subf %broadcast_in_dim3A_12, %sub3A_1374 : vector<512x128xf32>
    %mul3A_1376 = arith.mulf %sub3A_1371, %sub3A_1371 : vector<512x128xf32>
    %mul3A_1377 = arith.mulf %sub3A_1373, %sub3A_1373 : vector<512x128xf32>
    %add3A_1378 = arith.addf %mul3A_1376, %mul3A_1377 : vector<512x128xf32>
    %mul3A_1379 = arith.mulf %sub3A_1375, %sub3A_1375 : vector<512x128xf32>
    %add3A_1380 = arith.addf %add3A_1378, %mul3A_1379 : vector<512x128xf32>
    %lt3A_1381 = arith.cmpf olt, %add3A_1380, %select_n3A_1357 : vector<512x128xf32>
    %select_n3A_1382 = arith.select %lt3A_1381, %add3A_1380, %select_n3A_1357 : vector<512x128xi1>, vector<512x128xf32>
    %jit3A_1383 = arith.constant 54 : i32
    %broadcast_in_dim3A_1384 = vector.broadcast %jit3A_1383 : i32 to vector<512x128xi32>
    %select_n3A_1385 = arith.select %lt3A_1381, %broadcast_in_dim3A_1384, %select_n3A_1360 : vector<512x128xi1>, vector<512x128xi32>
    %get3A_1386 = arith.constant 0 : index
    %get3A_1387 = arith.constant 7040 : index
    %get3A_1388 = vector.load %arg2[%get3A_1386, %get3A_1387] : memref<3x8192xf32, #tpu.memory_space<vmem>>, vector<1x128xf32>
    %get3A_1389 = arith.constant 1 : index
    %get3A_1390 = arith.constant 7040 : index
    %get3A_1391 = vector.load %arg2[%get3A_1389, %get3A_1390] : memref<3x8192xf32, #tpu.memory_space<vmem>>, vector<1x128xf32>
    %get3A_1392 = arith.constant 2 : index
    %get3A_1393 = arith.constant 7040 : index
    %get3A_1394 = vector.load %arg2[%get3A_1392, %get3A_1393] : memref<3x8192xf32, #tpu.memory_space<vmem>>, vector<1x128xf32>
    %sub3A_1395 = vector.broadcast %get3A_1388 : vector<1x128xf32> to vector<512x128xf32>
    %sub3A_1396 = arith.subf %broadcast_in_dim3A_2, %sub3A_1395 : vector<512x128xf32>
    %sub3A_1397 = vector.broadcast %get3A_1391 : vector<1x128xf32> to vector<512x128xf32>
    %sub3A_1398 = arith.subf %broadcast_in_dim3A_7, %sub3A_1397 : vector<512x128xf32>
    %sub3A_1399 = vector.broadcast %get3A_1394 : vector<1x128xf32> to vector<512x128xf32>
    %sub3A_1400 = arith.subf %broadcast_in_dim3A_12, %sub3A_1399 : vector<512x128xf32>
    %mul3A_1401 = arith.mulf %sub3A_1396, %sub3A_1396 : vector<512x128xf32>
    %mul3A_1402 = arith.mulf %sub3A_1398, %sub3A_1398 : vector<512x128xf32>
    %add3A_1403 = arith.addf %mul3A_1401, %mul3A_1402 : vector<512x128xf32>
    %mul3A_1404 = arith.mulf %sub3A_1400, %sub3A_1400 : vector<512x128xf32>
    %add3A_1405 = arith.addf %add3A_1403, %mul3A_1404 : vector<512x128xf32>
    %lt3A_1406 = arith.cmpf olt, %add3A_1405, %select_n3A_1382 : vector<512x128xf32>
    %select_n3A_1407 = arith.select %lt3A_1406, %add3A_1405, %select_n3A_1382 : vector<512x128xi1>, vector<512x128xf32>
    %jit3A_1408 = arith.constant 55 : i32
    %broadcast_in_dim3A_1409 = vector.broadcast %jit3A_1408 : i32 to vector<512x128xi32>
    %select_n3A_1410 = arith.select %lt3A_1406, %broadcast_in_dim3A_1409, %select_n3A_1385 : vector<512x128xi1>, vector<512x128xi32>
    %get3A_1411 = arith.constant 0 : index
    %get3A_1412 = arith.constant 7168 : index
    %get3A_1413 = vector.load %arg2[%get3A_1411, %get3A_1412] : memref<3x8192xf32, #tpu.memory_space<vmem>>, vector<1x128xf32>
    %get3A_1414 = arith.constant 1 : index
    %get3A_1415 = arith.constant 7168 : index
    %get3A_1416 = vector.load %arg2[%get3A_1414, %get3A_1415] : memref<3x8192xf32, #tpu.memory_space<vmem>>, vector<1x128xf32>
    %get3A_1417 = arith.constant 2 : index
    %get3A_1418 = arith.constant 7168 : index
    %get3A_1419 = vector.load %arg2[%get3A_1417, %get3A_1418] : memref<3x8192xf32, #tpu.memory_space<vmem>>, vector<1x128xf32>
    %sub3A_1420 = vector.broadcast %get3A_1413 : vector<1x128xf32> to vector<512x128xf32>
    %sub3A_1421 = arith.subf %broadcast_in_dim3A_2, %sub3A_1420 : vector<512x128xf32>
    %sub3A_1422 = vector.broadcast %get3A_1416 : vector<1x128xf32> to vector<512x128xf32>
    %sub3A_1423 = arith.subf %broadcast_in_dim3A_7, %sub3A_1422 : vector<512x128xf32>
    %sub3A_1424 = vector.broadcast %get3A_1419 : vector<1x128xf32> to vector<512x128xf32>
    %sub3A_1425 = arith.subf %broadcast_in_dim3A_12, %sub3A_1424 : vector<512x128xf32>
    %mul3A_1426 = arith.mulf %sub3A_1421, %sub3A_1421 : vector<512x128xf32>
    %mul3A_1427 = arith.mulf %sub3A_1423, %sub3A_1423 : vector<512x128xf32>
    %add3A_1428 = arith.addf %mul3A_1426, %mul3A_1427 : vector<512x128xf32>
    %mul3A_1429 = arith.mulf %sub3A_1425, %sub3A_1425 : vector<512x128xf32>
    %add3A_1430 = arith.addf %add3A_1428, %mul3A_1429 : vector<512x128xf32>
    %lt3A_1431 = arith.cmpf olt, %add3A_1430, %select_n3A_1407 : vector<512x128xf32>
    %select_n3A_1432 = arith.select %lt3A_1431, %add3A_1430, %select_n3A_1407 : vector<512x128xi1>, vector<512x128xf32>
    %jit3A_1433 = arith.constant 56 : i32
    %broadcast_in_dim3A_1434 = vector.broadcast %jit3A_1433 : i32 to vector<512x128xi32>
    %select_n3A_1435 = arith.select %lt3A_1431, %broadcast_in_dim3A_1434, %select_n3A_1410 : vector<512x128xi1>, vector<512x128xi32>
    %get3A_1436 = arith.constant 0 : index
    %get3A_1437 = arith.constant 7296 : index
    %get3A_1438 = vector.load %arg2[%get3A_1436, %get3A_1437] : memref<3x8192xf32, #tpu.memory_space<vmem>>, vector<1x128xf32>
    %get3A_1439 = arith.constant 1 : index
    %get3A_1440 = arith.constant 7296 : index
    %get3A_1441 = vector.load %arg2[%get3A_1439, %get3A_1440] : memref<3x8192xf32, #tpu.memory_space<vmem>>, vector<1x128xf32>
    %get3A_1442 = arith.constant 2 : index
    %get3A_1443 = arith.constant 7296 : index
    %get3A_1444 = vector.load %arg2[%get3A_1442, %get3A_1443] : memref<3x8192xf32, #tpu.memory_space<vmem>>, vector<1x128xf32>
    %sub3A_1445 = vector.broadcast %get3A_1438 : vector<1x128xf32> to vector<512x128xf32>
    %sub3A_1446 = arith.subf %broadcast_in_dim3A_2, %sub3A_1445 : vector<512x128xf32>
    %sub3A_1447 = vector.broadcast %get3A_1441 : vector<1x128xf32> to vector<512x128xf32>
    %sub3A_1448 = arith.subf %broadcast_in_dim3A_7, %sub3A_1447 : vector<512x128xf32>
    %sub3A_1449 = vector.broadcast %get3A_1444 : vector<1x128xf32> to vector<512x128xf32>
    %sub3A_1450 = arith.subf %broadcast_in_dim3A_12, %sub3A_1449 : vector<512x128xf32>
    %mul3A_1451 = arith.mulf %sub3A_1446, %sub3A_1446 : vector<512x128xf32>
    %mul3A_1452 = arith.mulf %sub3A_1448, %sub3A_1448 : vector<512x128xf32>
    %add3A_1453 = arith.addf %mul3A_1451, %mul3A_1452 : vector<512x128xf32>
    %mul3A_1454 = arith.mulf %sub3A_1450, %sub3A_1450 : vector<512x128xf32>
    %add3A_1455 = arith.addf %add3A_1453, %mul3A_1454 : vector<512x128xf32>
    %lt3A_1456 = arith.cmpf olt, %add3A_1455, %select_n3A_1432 : vector<512x128xf32>
    %select_n3A_1457 = arith.select %lt3A_1456, %add3A_1455, %select_n3A_1432 : vector<512x128xi1>, vector<512x128xf32>
    %jit3A_1458 = arith.constant 57 : i32
    %broadcast_in_dim3A_1459 = vector.broadcast %jit3A_1458 : i32 to vector<512x128xi32>
    %select_n3A_1460 = arith.select %lt3A_1456, %broadcast_in_dim3A_1459, %select_n3A_1435 : vector<512x128xi1>, vector<512x128xi32>
    %get3A_1461 = arith.constant 0 : index
    %get3A_1462 = arith.constant 7424 : index
    %get3A_1463 = vector.load %arg2[%get3A_1461, %get3A_1462] : memref<3x8192xf32, #tpu.memory_space<vmem>>, vector<1x128xf32>
    %get3A_1464 = arith.constant 1 : index
    %get3A_1465 = arith.constant 7424 : index
    %get3A_1466 = vector.load %arg2[%get3A_1464, %get3A_1465] : memref<3x8192xf32, #tpu.memory_space<vmem>>, vector<1x128xf32>
    %get3A_1467 = arith.constant 2 : index
    %get3A_1468 = arith.constant 7424 : index
    %get3A_1469 = vector.load %arg2[%get3A_1467, %get3A_1468] : memref<3x8192xf32, #tpu.memory_space<vmem>>, vector<1x128xf32>
    %sub3A_1470 = vector.broadcast %get3A_1463 : vector<1x128xf32> to vector<512x128xf32>
    %sub3A_1471 = arith.subf %broadcast_in_dim3A_2, %sub3A_1470 : vector<512x128xf32>
    %sub3A_1472 = vector.broadcast %get3A_1466 : vector<1x128xf32> to vector<512x128xf32>
    %sub3A_1473 = arith.subf %broadcast_in_dim3A_7, %sub3A_1472 : vector<512x128xf32>
    %sub3A_1474 = vector.broadcast %get3A_1469 : vector<1x128xf32> to vector<512x128xf32>
    %sub3A_1475 = arith.subf %broadcast_in_dim3A_12, %sub3A_1474 : vector<512x128xf32>
    %mul3A_1476 = arith.mulf %sub3A_1471, %sub3A_1471 : vector<512x128xf32>
    %mul3A_1477 = arith.mulf %sub3A_1473, %sub3A_1473 : vector<512x128xf32>
    %add3A_1478 = arith.addf %mul3A_1476, %mul3A_1477 : vector<512x128xf32>
    %mul3A_1479 = arith.mulf %sub3A_1475, %sub3A_1475 : vector<512x128xf32>
    %add3A_1480 = arith.addf %add3A_1478, %mul3A_1479 : vector<512x128xf32>
    %lt3A_1481 = arith.cmpf olt, %add3A_1480, %select_n3A_1457 : vector<512x128xf32>
    %select_n3A_1482 = arith.select %lt3A_1481, %add3A_1480, %select_n3A_1457 : vector<512x128xi1>, vector<512x128xf32>
    %jit3A_1483 = arith.constant 58 : i32
    %broadcast_in_dim3A_1484 = vector.broadcast %jit3A_1483 : i32 to vector<512x128xi32>
    %select_n3A_1485 = arith.select %lt3A_1481, %broadcast_in_dim3A_1484, %select_n3A_1460 : vector<512x128xi1>, vector<512x128xi32>
    %get3A_1486 = arith.constant 0 : index
    %get3A_1487 = arith.constant 7552 : index
    %get3A_1488 = vector.load %arg2[%get3A_1486, %get3A_1487] : memref<3x8192xf32, #tpu.memory_space<vmem>>, vector<1x128xf32>
    %get3A_1489 = arith.constant 1 : index
    %get3A_1490 = arith.constant 7552 : index
    %get3A_1491 = vector.load %arg2[%get3A_1489, %get3A_1490] : memref<3x8192xf32, #tpu.memory_space<vmem>>, vector<1x128xf32>
    %get3A_1492 = arith.constant 2 : index
    %get3A_1493 = arith.constant 7552 : index
    %get3A_1494 = vector.load %arg2[%get3A_1492, %get3A_1493] : memref<3x8192xf32, #tpu.memory_space<vmem>>, vector<1x128xf32>
    %sub3A_1495 = vector.broadcast %get3A_1488 : vector<1x128xf32> to vector<512x128xf32>
    %sub3A_1496 = arith.subf %broadcast_in_dim3A_2, %sub3A_1495 : vector<512x128xf32>
    %sub3A_1497 = vector.broadcast %get3A_1491 : vector<1x128xf32> to vector<512x128xf32>
    %sub3A_1498 = arith.subf %broadcast_in_dim3A_7, %sub3A_1497 : vector<512x128xf32>
    %sub3A_1499 = vector.broadcast %get3A_1494 : vector<1x128xf32> to vector<512x128xf32>
    %sub3A_1500 = arith.subf %broadcast_in_dim3A_12, %sub3A_1499 : vector<512x128xf32>
    %mul3A_1501 = arith.mulf %sub3A_1496, %sub3A_1496 : vector<512x128xf32>
    %mul3A_1502 = arith.mulf %sub3A_1498, %sub3A_1498 : vector<512x128xf32>
    %add3A_1503 = arith.addf %mul3A_1501, %mul3A_1502 : vector<512x128xf32>
    %mul3A_1504 = arith.mulf %sub3A_1500, %sub3A_1500 : vector<512x128xf32>
    %add3A_1505 = arith.addf %add3A_1503, %mul3A_1504 : vector<512x128xf32>
    %lt3A_1506 = arith.cmpf olt, %add3A_1505, %select_n3A_1482 : vector<512x128xf32>
    %select_n3A_1507 = arith.select %lt3A_1506, %add3A_1505, %select_n3A_1482 : vector<512x128xi1>, vector<512x128xf32>
    %jit3A_1508 = arith.constant 59 : i32
    %broadcast_in_dim3A_1509 = vector.broadcast %jit3A_1508 : i32 to vector<512x128xi32>
    %select_n3A_1510 = arith.select %lt3A_1506, %broadcast_in_dim3A_1509, %select_n3A_1485 : vector<512x128xi1>, vector<512x128xi32>
    %get3A_1511 = arith.constant 0 : index
    %get3A_1512 = arith.constant 7680 : index
    %get3A_1513 = vector.load %arg2[%get3A_1511, %get3A_1512] : memref<3x8192xf32, #tpu.memory_space<vmem>>, vector<1x128xf32>
    %get3A_1514 = arith.constant 1 : index
    %get3A_1515 = arith.constant 7680 : index
    %get3A_1516 = vector.load %arg2[%get3A_1514, %get3A_1515] : memref<3x8192xf32, #tpu.memory_space<vmem>>, vector<1x128xf32>
    %get3A_1517 = arith.constant 2 : index
    %get3A_1518 = arith.constant 7680 : index
    %get3A_1519 = vector.load %arg2[%get3A_1517, %get3A_1518] : memref<3x8192xf32, #tpu.memory_space<vmem>>, vector<1x128xf32>
    %sub3A_1520 = vector.broadcast %get3A_1513 : vector<1x128xf32> to vector<512x128xf32>
    %sub3A_1521 = arith.subf %broadcast_in_dim3A_2, %sub3A_1520 : vector<512x128xf32>
    %sub3A_1522 = vector.broadcast %get3A_1516 : vector<1x128xf32> to vector<512x128xf32>
    %sub3A_1523 = arith.subf %broadcast_in_dim3A_7, %sub3A_1522 : vector<512x128xf32>
    %sub3A_1524 = vector.broadcast %get3A_1519 : vector<1x128xf32> to vector<512x128xf32>
    %sub3A_1525 = arith.subf %broadcast_in_dim3A_12, %sub3A_1524 : vector<512x128xf32>
    %mul3A_1526 = arith.mulf %sub3A_1521, %sub3A_1521 : vector<512x128xf32>
    %mul3A_1527 = arith.mulf %sub3A_1523, %sub3A_1523 : vector<512x128xf32>
    %add3A_1528 = arith.addf %mul3A_1526, %mul3A_1527 : vector<512x128xf32>
    %mul3A_1529 = arith.mulf %sub3A_1525, %sub3A_1525 : vector<512x128xf32>
    %add3A_1530 = arith.addf %add3A_1528, %mul3A_1529 : vector<512x128xf32>
    %lt3A_1531 = arith.cmpf olt, %add3A_1530, %select_n3A_1507 : vector<512x128xf32>
    %select_n3A_1532 = arith.select %lt3A_1531, %add3A_1530, %select_n3A_1507 : vector<512x128xi1>, vector<512x128xf32>
    %jit3A_1533 = arith.constant 60 : i32
    %broadcast_in_dim3A_1534 = vector.broadcast %jit3A_1533 : i32 to vector<512x128xi32>
    %select_n3A_1535 = arith.select %lt3A_1531, %broadcast_in_dim3A_1534, %select_n3A_1510 : vector<512x128xi1>, vector<512x128xi32>
    %get3A_1536 = arith.constant 0 : index
    %get3A_1537 = arith.constant 7808 : index
    %get3A_1538 = vector.load %arg2[%get3A_1536, %get3A_1537] : memref<3x8192xf32, #tpu.memory_space<vmem>>, vector<1x128xf32>
    %get3A_1539 = arith.constant 1 : index
    %get3A_1540 = arith.constant 7808 : index
    %get3A_1541 = vector.load %arg2[%get3A_1539, %get3A_1540] : memref<3x8192xf32, #tpu.memory_space<vmem>>, vector<1x128xf32>
    %get3A_1542 = arith.constant 2 : index
    %get3A_1543 = arith.constant 7808 : index
    %get3A_1544 = vector.load %arg2[%get3A_1542, %get3A_1543] : memref<3x8192xf32, #tpu.memory_space<vmem>>, vector<1x128xf32>
    %sub3A_1545 = vector.broadcast %get3A_1538 : vector<1x128xf32> to vector<512x128xf32>
    %sub3A_1546 = arith.subf %broadcast_in_dim3A_2, %sub3A_1545 : vector<512x128xf32>
    %sub3A_1547 = vector.broadcast %get3A_1541 : vector<1x128xf32> to vector<512x128xf32>
    %sub3A_1548 = arith.subf %broadcast_in_dim3A_7, %sub3A_1547 : vector<512x128xf32>
    %sub3A_1549 = vector.broadcast %get3A_1544 : vector<1x128xf32> to vector<512x128xf32>
    %sub3A_1550 = arith.subf %broadcast_in_dim3A_12, %sub3A_1549 : vector<512x128xf32>
    %mul3A_1551 = arith.mulf %sub3A_1546, %sub3A_1546 : vector<512x128xf32>
    %mul3A_1552 = arith.mulf %sub3A_1548, %sub3A_1548 : vector<512x128xf32>
    %add3A_1553 = arith.addf %mul3A_1551, %mul3A_1552 : vector<512x128xf32>
    %mul3A_1554 = arith.mulf %sub3A_1550, %sub3A_1550 : vector<512x128xf32>
    %add3A_1555 = arith.addf %add3A_1553, %mul3A_1554 : vector<512x128xf32>
    %lt3A_1556 = arith.cmpf olt, %add3A_1555, %select_n3A_1532 : vector<512x128xf32>
    %select_n3A_1557 = arith.select %lt3A_1556, %add3A_1555, %select_n3A_1532 : vector<512x128xi1>, vector<512x128xf32>
    %jit3A_1558 = arith.constant 61 : i32
    %broadcast_in_dim3A_1559 = vector.broadcast %jit3A_1558 : i32 to vector<512x128xi32>
    %select_n3A_1560 = arith.select %lt3A_1556, %broadcast_in_dim3A_1559, %select_n3A_1535 : vector<512x128xi1>, vector<512x128xi32>
    %get3A_1561 = arith.constant 0 : index
    %get3A_1562 = arith.constant 7936 : index
    %get3A_1563 = vector.load %arg2[%get3A_1561, %get3A_1562] : memref<3x8192xf32, #tpu.memory_space<vmem>>, vector<1x128xf32>
    %get3A_1564 = arith.constant 1 : index
    %get3A_1565 = arith.constant 7936 : index
    %get3A_1566 = vector.load %arg2[%get3A_1564, %get3A_1565] : memref<3x8192xf32, #tpu.memory_space<vmem>>, vector<1x128xf32>
    %get3A_1567 = arith.constant 2 : index
    %get3A_1568 = arith.constant 7936 : index
    %get3A_1569 = vector.load %arg2[%get3A_1567, %get3A_1568] : memref<3x8192xf32, #tpu.memory_space<vmem>>, vector<1x128xf32>
    %sub3A_1570 = vector.broadcast %get3A_1563 : vector<1x128xf32> to vector<512x128xf32>
    %sub3A_1571 = arith.subf %broadcast_in_dim3A_2, %sub3A_1570 : vector<512x128xf32>
    %sub3A_1572 = vector.broadcast %get3A_1566 : vector<1x128xf32> to vector<512x128xf32>
    %sub3A_1573 = arith.subf %broadcast_in_dim3A_7, %sub3A_1572 : vector<512x128xf32>
    %sub3A_1574 = vector.broadcast %get3A_1569 : vector<1x128xf32> to vector<512x128xf32>
    %sub3A_1575 = arith.subf %broadcast_in_dim3A_12, %sub3A_1574 : vector<512x128xf32>
    %mul3A_1576 = arith.mulf %sub3A_1571, %sub3A_1571 : vector<512x128xf32>
    %mul3A_1577 = arith.mulf %sub3A_1573, %sub3A_1573 : vector<512x128xf32>
    %add3A_1578 = arith.addf %mul3A_1576, %mul3A_1577 : vector<512x128xf32>
    %mul3A_1579 = arith.mulf %sub3A_1575, %sub3A_1575 : vector<512x128xf32>
    %add3A_1580 = arith.addf %add3A_1578, %mul3A_1579 : vector<512x128xf32>
    %lt3A_1581 = arith.cmpf olt, %add3A_1580, %select_n3A_1557 : vector<512x128xf32>
    %select_n3A_1582 = arith.select %lt3A_1581, %add3A_1580, %select_n3A_1557 : vector<512x128xi1>, vector<512x128xf32>
    %jit3A_1583 = arith.constant 62 : i32
    %broadcast_in_dim3A_1584 = vector.broadcast %jit3A_1583 : i32 to vector<512x128xi32>
    %select_n3A_1585 = arith.select %lt3A_1581, %broadcast_in_dim3A_1584, %select_n3A_1560 : vector<512x128xi1>, vector<512x128xi32>
    %get3A_1586 = arith.constant 0 : index
    %get3A_1587 = arith.constant 8064 : index
    %get3A_1588 = vector.load %arg2[%get3A_1586, %get3A_1587] : memref<3x8192xf32, #tpu.memory_space<vmem>>, vector<1x128xf32>
    %get3A_1589 = arith.constant 1 : index
    %get3A_1590 = arith.constant 8064 : index
    %get3A_1591 = vector.load %arg2[%get3A_1589, %get3A_1590] : memref<3x8192xf32, #tpu.memory_space<vmem>>, vector<1x128xf32>
    %get3A_1592 = arith.constant 2 : index
    %get3A_1593 = arith.constant 8064 : index
    %get3A_1594 = vector.load %arg2[%get3A_1592, %get3A_1593] : memref<3x8192xf32, #tpu.memory_space<vmem>>, vector<1x128xf32>
    %sub3A_1595 = vector.broadcast %get3A_1588 : vector<1x128xf32> to vector<512x128xf32>
    %sub3A_1596 = arith.subf %broadcast_in_dim3A_2, %sub3A_1595 : vector<512x128xf32>
    %sub3A_1597 = vector.broadcast %get3A_1591 : vector<1x128xf32> to vector<512x128xf32>
    %sub3A_1598 = arith.subf %broadcast_in_dim3A_7, %sub3A_1597 : vector<512x128xf32>
    %sub3A_1599 = vector.broadcast %get3A_1594 : vector<1x128xf32> to vector<512x128xf32>
    %sub3A_1600 = arith.subf %broadcast_in_dim3A_12, %sub3A_1599 : vector<512x128xf32>
    %mul3A_1601 = arith.mulf %sub3A_1596, %sub3A_1596 : vector<512x128xf32>
    %mul3A_1602 = arith.mulf %sub3A_1598, %sub3A_1598 : vector<512x128xf32>
    %add3A_1603 = arith.addf %mul3A_1601, %mul3A_1602 : vector<512x128xf32>
    %mul3A_1604 = arith.mulf %sub3A_1600, %sub3A_1600 : vector<512x128xf32>
    %add3A_1605 = arith.addf %add3A_1603, %mul3A_1604 : vector<512x128xf32>
    %lt3A_1606 = arith.cmpf olt, %add3A_1605, %select_n3A_1582 : vector<512x128xf32>
    %select_n3A_1607 = arith.select %lt3A_1606, %add3A_1605, %select_n3A_1582 : vector<512x128xi1>, vector<512x128xf32>
    %jit3A_1608 = arith.constant 63 : i32
    %broadcast_in_dim3A_1609 = vector.broadcast %jit3A_1608 : i32 to vector<512x128xi32>
    %select_n3A_1610 = arith.select %lt3A_1606, %broadcast_in_dim3A_1609, %select_n3A_1585 : vector<512x128xi1>, vector<512x128xi32>
    %reduce_min3A = arith.constant dense<0x7F800000> : vector<512xf32>
    %reduce_min3A_1611 = vector.multi_reduction <minimumf>, %select_n3A_1607, %reduce_min3A [1] : vector<512x128xf32> to vector<512xf32>
    %broadcast_in_dim3A_1612 = vector.shape_cast %reduce_min3A_1611 : vector<512xf32> to vector<512x1xf32>
    %iota3A = tpu.iota {dimensions = array<i32: 1>} : vector<512x128xi32>
    %mul3A_1613 = arith.constant 128 : i32
    %mul3A_1614 = vector.broadcast %mul3A_1613 : i32 to vector<512x128xi32>
    %mul3A_1615 = arith.muli %select_n3A_1610, %mul3A_1614 : vector<512x128xi32>
    %add3A_1616 = arith.addi %mul3A_1615, %iota3A : vector<512x128xi32>
    %eq3A = vector.broadcast %broadcast_in_dim3A_1612 : vector<512x1xf32> to vector<512x128xf32>
    %eq3A_1617 = arith.cmpf oeq, %select_n3A_1607, %eq3A : vector<512x128xf32>
    %jit3A_1618 = arith.constant 8192 : i32
    %broadcast_in_dim3A_1619 = vector.broadcast %jit3A_1618 : i32 to vector<512x128xi32>
    %select_n3A_1620 = arith.select %eq3A_1617, %add3A_1616, %broadcast_in_dim3A_1619 : vector<512x128xi1>, vector<512x128xi32>
    %reduce_min3A_1621 = arith.constant dense<2147483647> : vector<512xi32>
    %reduce_min3A_1622 = vector.multi_reduction <minsi>, %select_n3A_1620, %reduce_min3A_1621 [1] : vector<512x128xi32> to vector<512xi32>
    %broadcast_in_dim3A_1623 = vector.shape_cast %reduce_min3A_1622 : vector<512xi32> to vector<512x1xi32>
    %transpose3A = tpu.transpose %broadcast_in_dim3A_1623, [1, 0] : vector<512x1xi32> -> vector<1x512xi32>
    %broadcast_in_dim3A_1624 = vector.shape_cast %transpose3A : vector<1x512xi32> to vector<1x1x512xi32>
    %swap3A = arith.constant 0 : index
    %swap3A_1625 = arith.constant 0 : index
    %swap3A_1626 = arith.constant 0 : index
    %swap3A_1627 = vector.load %arg3[%swap3A, %swap3A_1625, %swap3A_1626] : memref<1x1x512xi32, #tpu.memory_space<vmem>>, vector<1x1x512xi32>
    tpu.vector_store %arg3[%swap3A, %swap3A_1625, %swap3A_1626], %broadcast_in_dim3A_1624 {strides = array<i32>} : memref<1x1x512xi32, #tpu.memory_space<vmem>>, vector<1x1x512xi32>,
    return
  }
  func.func @transform_0(%arg0: i32) -> (i32, i32) {
    %c0_i32 = arith.constant 0 : i32
    %c0_i32_0 = arith.constant 0 : i32
    return %arg0, %c0_i32 : i32, i32
  }
  func.func @transform_1(%arg0: i32) -> (i32, i32) {
    %c0_i32 = arith.constant 0 : i32
    %c0_i32_0 = arith.constant 0 : i32
    %c0_i32_1 = arith.constant 0 : i32
    return %c0_i32, %c0_i32_0 : i32, i32
  }
  func.func @transform_2(%arg0: i32) -> (i32, i32, i32) {
    %c0_i32 = arith.constant 0 : i32
    %c0_i32_0 = arith.constant 0 : i32
    %c0_i32_1 = arith.constant 0 : i32
    return %arg0, %c0_i32, %c0_i32_0 : i32, i32, i32
  }
}

module attributes {stable_mosaic.version = 14 : i64} {
  func.func @_sc_merge_body(%arg0: i32, %arg1: memref<544x16xf32, #tpu.memory_space<vmem>>, %arg2: memref<544x16xi32, #tpu.memory_space<vmem>>, %arg3: memref<1x544x1xi32, #tpu.memory_space<vmem>>) attributes {dimension_semantics = [#tpu.dimension_semantics<arbitrary>], iteration_bounds = array<i64: 16>, scalar_prefetch = 0 : i64, scratch_operands = 0 : i64, tpu.core_type = #tpu.core_type<tc>, window_params = [{transform_indices = @transform_0, window_bounds = array<i64: 544, 16>}, {transform_indices = @transform_1, window_bounds = array<i64: 544, 16>}, {transform_indices = @transform_2, window_bounds = array<i64: 1, 544, 1>}]} {
    %get3A = arith.constant 0 : index
    %get3A_0 = arith.constant 0 : index
    %get3A_1 = vector.load %arg1[%get3A, %get3A_0] : memref<544x16xf32, #tpu.memory_space<vmem>>, vector<544x16xf32>
    %get3A_2 = arith.constant 0 : index
    %get3A_3 = arith.constant 0 : index
    %get3A_4 = vector.load %arg2[%get3A_2, %get3A_3] : memref<544x16xi32, #tpu.memory_space<vmem>>, vector<544x16xi32>
    %reduce_min3A = arith.constant dense<0x7F800000> : vector<544xf32>
    %reduce_min3A_5 = vector.multi_reduction <minimumf>, %get3A_1, %reduce_min3A [1] : vector<544x16xf32> to vector<544xf32>
    %broadcast_in_dim3A = vector.shape_cast %reduce_min3A_5 : vector<544xf32> to vector<544x1xf32>
    %iota3A = tpu.iota {dimensions = array<i32: 1>} : vector<544x16xi32>
    %mul3A = arith.constant 16 : i32
    %mul3A_6 = vector.broadcast %mul3A : i32 to vector<544x16xi32>
    %mul3A_7 = arith.muli %get3A_4, %mul3A_6 : vector<544x16xi32>
    %add3A = arith.addi %mul3A_7, %iota3A : vector<544x16xi32>
    %eq3A = vector.broadcast %broadcast_in_dim3A : vector<544x1xf32> to vector<544x16xf32>
    %eq3A_8 = arith.cmpf oeq, %get3A_1, %eq3A : vector<544x16xf32>
    %jit3A = arith.constant 8192 : i32
    %broadcast_in_dim3A_9 = vector.broadcast %jit3A : i32 to vector<544x16xi32>
    %select_n3A = arith.select %eq3A_8, %add3A, %broadcast_in_dim3A_9 : vector<544x16xi1>, vector<544x16xi32>
    %reduce_min3A_10 = arith.constant dense<2147483647> : vector<544xi32>
    %reduce_min3A_11 = vector.multi_reduction <minsi>, %select_n3A, %reduce_min3A_10 [1] : vector<544x16xi32> to vector<544xi32>
    %broadcast_in_dim3A_12 = vector.shape_cast %reduce_min3A_11 : vector<544xi32> to vector<1x544x1xi32>
    %swap3A = arith.constant 0 : index
    %swap3A_13 = arith.constant 0 : index
    %swap3A_14 = arith.constant 0 : index
    %swap3A_15 = vector.load %arg3[%swap3A, %swap3A_13, %swap3A_14] : memref<1x544x1xi32, #tpu.memory_space<vmem>>, vector<1x544x1xi32>
    tpu.vector_store %arg3[%swap3A, %swap3A_13, %swap3A_14], %broadcast_in_dim3A_12 {strides = array<i32>} : memref<1x544x1xi32, #tpu.memory_space<vmem>>, vector<1x544x1xi32>,
    return
  }
  func.func @transform_0(%arg0: i32) -> (i32, i32) {
    %c0_i32 = arith.constant 0 : i32
    %c0_i32_0 = arith.constant 0 : i32
    return %arg0, %c0_i32 : i32, i32
  }
  func.func @transform_1(%arg0: i32) -> (i32, i32) {
    %c0_i32 = arith.constant 0 : i32
    %c0_i32_0 = arith.constant 0 : i32
    return %arg0, %c0_i32 : i32, i32
  }
  func.func @transform_2(%arg0: i32) -> (i32, i32, i32) {
    %c0_i32 = arith.constant 0 : i32
    %c0_i32_0 = arith.constant 0 : i32
    %c0_i32_1 = arith.constant 0 : i32
    return %arg0, %c0_i32, %c0_i32_0 : i32, i32, i32
  }
}

</mosaic_0001>

<sc_bundles>
// kernel: kernel.6.cloned.1.call-start
scs
__scs_entry_jumppad:
0x0: {  	(pc) =	sbr.rel $0x88, $3  }
0x1: {  	(tag) =	ssettag $0x0;
	lr =	simm.s32 $0x1  }
0x2: {  	[smem:$0x3F9E] =	sst lr;
	_ =	strace $0xD0000000  }
0x3: {  	_ = 	snop  }
0x4: {  	_ = 	snop  }
0x5: {  	_ = 	snop  }
0x6: {  	_ = 	snop  }
0x7: {  	_ = 	snop  }
__scs_overlays_trampoline_lowered:
0x8: {  	[smem:$0x3FAD] =	sst s0  }
0x9: {  	[smem:$0x3FAE] =	sst s1  }
0xa: {  	[smem:$0x3FAF] =	sst s2  }
0xb: {  	[smem:$0x3FB0] =	sst s3  }
0xc: {  	[smem:$0x3FB1] =	sst s4  }
0xd: {  	[smem:$0x3FB2] =	sst s5  }
0xe: {  	[smem:$0x3FB3] =	sst s6  }
0xf: {  	[smem:$0x3FB4] =	sst s7  }
0x10: {  	[smem:$0x3FB5] =	sst s8  }
0x11: {  	[smem:$0x3FB6] =	sst s9;
	s0 =	simm.s32 @!p0 $0x0  }
0x12: {  	s1 =	sld [smem:$0x3F9C];
	s0 =	simm.s32 @p0 $0x1  }
0x13: {  	[smem:$0x3FB7] =	sst s0;
	s0 =	simm.s32 @!p1 $0x0  }
0x14: {  	s2 =	sld [smem:$0x3F9B];
	s0 =	simm.s32 @p1 $0x1  }
0x15: {  	[smem:$0x3FB8] =	sst s0;
	s0 =	simm.s32 @!p2 $0x0  }
0x16: {  	s3 =	sld [smem:$0x3FDB];
	s0 =	simm.s32 @p2 $0x1  }
0x17: {  	s4 =	simm.s32 $0x1BF5;
	[smem:$0x3FBA] =	sst s0  }
0x18: {  	s0 =	sld [smem:$0x3F9D];
	_ =	swait.ge [sflag:s4], $0x0  }
0x19: {  	s7 =	sld [smem:$0x3F9E]  }
0x1a: {  	s8 =	sadd.s32 $0xFFFFE003, lr  }
0x1b: {  	s9 =	sadd.s32 $0xFFFFFEF7, lr;
	s5 =	simm.s32 $0xFFFFFFFF;
	p2 =	slt.u32 s8, $0xFFFFF086  }
0x1c: {  	p1 =	slt.u32 s9, $0xF7A;
	s5 =	simm.s32 @!p2 $0x0  }
0x1d: {  	s5 =	simm.s32 @p1 $0x1;
	p0 =	seq.s32 s7, s2  }
0x1e: {  	s7 =	smul.u32 @!p0 $0xF7A, s2;
	p2 =	seq.s32 @!p0 s5, $0x0  }
0x1f: {  	s9 =	smul.u32 $0xF7A, s1;
	s8 =	simm.s32 @!p0 $0x1BF5;
	p2 =	por !p2, p0  }
0x20: {  	[sflag:s8] =	ssyncset.s32 @!p0 $0xFFFFF086;
	s6 =	sadd.s32 @!p0 s3, s7;
	s7 =	simm.s32 @!p0 $0x108  }
0x21: {  	s3 =	sadd.s32 s3, s9;
	s6 =	sadd.s32 @!p0 $0x88, s6;
	s7 =	simm.s32 @p2 $0x1082  }
0x22: {  	[simem:s7], [sflag:s8] =	dma.local @!p0 [hbm:s6], $0xF7A  }
0x23: {  	s9 =	sor.u32 $0xD0000000, s2;
	s6 =	simm.s32 $0x108;
	_ =	swait.ge @!p0 [sflag:s8], $0x0  }
0x24: {  	s3 =	sadd.s32 $0x88, s3;
	s6 =	simm.s32 @!p1 $0x1082;
	[sflag:s4] =	ssyncset.s32 $0xFFFFF086  }
0x25: {  	[simem:s6], [sflag:s4] =	dma.local [hbm:s3], $0xF7A  }
0x26: {  	[smem:$0x3F9E] =	sst s1;
	(tag) =	ssettag s2;
	_ =	strace s9  }
0x27: {  	s1 =	sld [smem:$0x3FAE]  }
0x28: {  	s2 =	sld [smem:$0x3FAF]  }
0x29: {  	s4 =	sld [smem:$0x3FB1]  }
0x2a: {  	p0 =	seq.s32 s5, $0x0;
	s5 =	sld [smem:$0x3FB2]  }
0x2b: {  	s6 =	sld [smem:$0x3FB3]  }
0x2c: {  	s7 =	sld [smem:$0x3FB4]  }
0x2d: {  	s3 =	simm.s32 $0x108;
	s8 =	sld [smem:$0x3FB5]  }
0x2e: {  	s3 =	simm.s32 @!p0 $0x1082;
	s9 =	sld [smem:$0x3FB6]  }
0x2f: {  	lr =	sadd.s32 s0, s3;
	s0 =	sld [smem:$0x3FAD]  }
0x30: {  	s3 =	sld [smem:$0x3FB0]  }
0x31: {  	[smem:$0x3FB9] =	sst s10  }
0x32: {  	s10 =	sld [smem:$0x3FB7];
	_ =	sdelay $0x3  }
0x33: {  	p0 =	seq.s32 s10, $0x1;
	s10 =	sld [smem:$0x3FB9];
	_ =	sdelay $0x3  }
0x34: {  	[smem:$0x3FB9] =	sst s10  }
0x35: {  	s10 =	sld [smem:$0x3FB8];
	_ =	sdelay $0x3  }
0x36: {  	p1 =	seq.s32 s10, $0x1;
	s10 =	sld [smem:$0x3FB9];
	_ =	sdelay $0x3  }
0x37: {  	[smem:$0x3FB9] =	sst s10  }
0x38: {  	s10 =	sld [smem:$0x3FBA]  }
0x39: {  	_ = 	snop;
	(pc) =	sbr.ind lr, $3  }
0x3a: {  	_ = 	snop  }
0x3b: {  	_ = 	snop  }
0x3c: {  	p2 =	seq.s32 s10, $0x1;
	s10 =	sld [smem:$0x3FB9]  }
0x3d: {  	_ =	shalt  }
0x3e: {  	_ =	shalt  }
0x3f: {  	_ =	shalt  }
0x40: {  	_ =	shalt  }
0x41: {  	_ =	shalt  }
0x42: {  	_ =	shalt  }
0x43: {  	_ =	shalt  }
0x44: {  	_ =	shalt  }
0x45: {  	_ =	shalt  }
0x46: {  	_ =	shalt  }
0x47: {  	_ =	shalt  }
0x48: {  	_ =	shalt  }
0x49: {  	_ =	shalt  }
0x4a: {  	_ =	shalt  }
0x4b: {  	_ =	shalt  }
0x4c: {  	_ =	shalt  }
0x4d: {  	_ =	shalt  }
0x4e: {  	_ =	shalt  }
0x4f: {  	_ =	shalt  }
0x50: {  	_ =	shalt  }
0x51: {  	_ =	shalt  }
0x52: {  	_ =	shalt  }
0x53: {  	_ =	shalt  }
0x54: {  	_ =	shalt  }
0x55: {  	_ =	shalt  }
0x56: {  	_ =	shalt  }
0x57: {  	_ =	shalt  }
0x58: {  	_ =	shalt  }
0x59: {  	_ =	shalt  }
0x5a: {  	_ =	shalt  }
0x5b: {  	_ =	shalt  }
0x5c: {  	_ =	shalt  }
0x5d: {  	_ =	shalt  }
0x5e: {  	_ =	shalt  }
0x5f: {  	_ =	shalt  }
0x60: {  	_ =	shalt  }
0x61: {  	_ =	shalt  }
0x62: {  	_ =	shalt  }
0x63: {  	_ =	shalt  }
0x64: {  	_ =	shalt  }
0x65: {  	_ =	shalt  }
0x66: {  	_ =	shalt  }
0x67: {  	_ =	shalt  }
0x68: {  	_ =	shalt  }
0x69: {  	_ =	shalt  }
0x6a: {  	_ =	shalt  }
0x6b: {  	_ =	shalt  }
0x6c: {  	_ =	shalt  }
0x6d: {  	_ =	shalt  }
0x6e: {  	_ =	shalt  }
0x6f: {  	_ =	shalt  }
0x70: {  	_ =	shalt  }
0x71: {  	_ =	shalt  }
0x72: {  	_ =	shalt  }
0x73: {  	_ =	shalt  }
0x74: {  	_ =	shalt  }
0x75: {  	_ =	shalt  }
0x76: {  	_ =	shalt  }
0x77: {  	_ =	shalt  }
0x78: {  	_ =	shalt  }
0x79: {  	_ =	shalt  }
0x7a: {  	_ =	shalt  }
0x7b: {  	_ =	shalt  }
0x7c: {  	_ =	shalt  }
0x7d: {  	_ =	shalt  }
0x7e: {  	_ =	shalt  }
0x7f: {  	_ =	shalt  }
0x80: {  	_ =	shalt  }
0x81: {  	_ =	shalt  }
0x82: {  	_ =	shalt  }
0x83: {  	_ =	shalt  }
0x84: {  	_ =	shalt  }
0x85: {  	_ =	shalt  }
0x86: {  	_ =	shalt  }
0x87: {  	_ =	shalt  }
.Lfunc_end0:
.L_simem_size_0:
called_computation_lowered:
.L_overlay_start_0:
0x88: {  	s2 =	sld [smem:$0x3FD9]  }
0x89: {  	s3 =	sld [smem:$0x3FFE];
	_ =	sdelay $0x1  }
0x8a: {  	s1 =	srdreg.scid  }
0x8b: {  	s0 =	sand.u32 $0x1, s1  }
0x8c: {  	s14 =	sshll.u32 s0, $0xA;
	s2 =	sadd.s32 s3, s2  }
0x8d: {  	s2 =	sadd.s32 s2, s14  }
0x8e: {  	[smem:$0x3FC5] =	sst s2  }
0x8f: {  	_ = 	snop  }
0x90: {  	s2 =	sld [smem:$0x3FD0];
	_ =	sdelay $0x2  }
0x91: {  	s4 =	simm.s32 $0xA;
	s5 =	simm.s32 $0x10;
	s15 =	sld [smem:$0x3FC8]  }
0x92: {  	[smem:s5], [sflag:s4] =	dma.local [hbm:s2], $0x1  }
0x93: {  	_ =	swait.eq [sflag:s4], $0x1  }
0x94: {  	[sflag:s4] =	ssyncset.done $0x0  }
0x95: {  	[sflag:s4] =	ssyncadd.s32 $0xFFFFFFFF  }
0x96: {  	s16 =	sld [smem:$0x11];
	(tm) =	ssettm $0x1  }
0x97: {  	s17 =	sld [smem:$0x3FFB];
	_ =	sdelay $0x3  }
0x98: {  	_ =	strace s17  }
0x99: {  	s4 =	sld [smem:$0x3FFC];
	_ =	sdelay $0x3  }
0x9a: {  	_ =	strace s4  }
0x9b: {  	s4 =	sld [smem:$0x3FFD];
	_ =	sdelay $0x3  }
0x9c: {  	_ =	strace s4  }
0x9d: {  	_ =	strace $0x8FFFFFFF  }
0x9e: {  	s18 =	sld [smem:$0x3FDB];
	_ =	sdelay $0x1  }
0x9f: {  	s19 =	simm.s32 $_scs_section_size  }
0xa0: {  	s6 =	simm.s32 $_size__tile_overlayer_lowered;
	s7 =	simm.s32 $_tile_overlayer_lowered  }
0xa1: {  	s22 =	simm.s32 $0x1BFF;
	s21 =	sshll.u32 s7, $0x1;
	s4 =	sadd.s32 s19, s18  }
0xa2: {  	s8 =	simm.s32 $0x0;
	s20 =	sshll.u32 s6, $0x1;
	s6 =	sadd.s32 s21, s4  }
0xa3: {  	[timem:s8], [sflag:s22] =	dma.local [hbm:s6], s20  }
0xa4: {  	_ =	swait.ge [sflag:s22], s20  }
0xa5: {  	s5 =	ssub.s32 $0x0, s20;
	[sflag:s22] =	ssyncset.done $0x0  }
0xa6: {  	[sflag:s22] =	ssyncadd.s32 s5;
	_ =	sdelay $0x1  }
0xa7: {  	s23 =	simm.s32 $0x1B8B  }
0xa8: {  	_ =	swait.ge [sflag:s23], $0x1  }
0xa9: {  	[sflag:s23] =	ssyncset.done $0x0  }
0xaa: {  	s25 =	simm.s32 $0x1B8E;
	s24 =	sld [smem:$0x3FFE];
	[sflag:s23] =	ssyncadd.s32 $0xFFFFFFFF  }
0xab: {  	s26 =	simm.s32 $execute0_lowered;
	[smem:$0x3FD2] =	sst s25  }
0xac: {  	s6 =	sshll.u32 s26, $0x1;
	_ =	strace $0x80000046;
	[dreg:$0x1] =	wrdreg $0xFFFFFFFF  }
0xad: {  	s28 =	simm.s32 $_size_execute0_lowered;
	s4 =	sadd.s32 s4, s6;
	[dreg:$0x0] =	wrdreg $0x0  }
0xae: {  	s6 =	sshll.u32 s28, $0x1;
	[dreg:$0x2] =	wrdreg s4  }
0xaf: {  	[dreg:$0x3] =	wrdreg s6  }
0xb0: {  	[dreg:$0x4] =	wrdreg $0xC0  }
0xb1: {  	_ =	task [dreg:s8], $0x5FFFF  }
0xb2: {  	[dreg:$0x1] =	wrdreg $0xFFFFFFFF  }
0xb3: {  	[dreg:$0x0] =	wrdreg $0x60  }
0xb4: {  	[dreg:$0x2] =	wrdreg s15  }
0xb5: {  	[dreg:$0x3] =	wrdreg s24  }
0xb6: {  	[dreg:$0x4] =	wrdreg s16  }
0xb7: {  	[dreg:$0x5] =	wrdreg $0x9  }
0xb8: {  	_ =	task.clear_ibuf [dreg:s8], $0x6FFFF;
	_ =	strace $0x90000046  }
0xb9: {  	s29 =	simm.s32 $0x9;
	_ =	strace $0x80000048  }
0xba: {  	_ =	swait.ge [sflag:s29], $0x1  }
0xbb: {  	[sflag:s29] =	ssyncadd.s32 $0xFFFFFFFF  }
0xbc: {  	_ =	strace $0x90000048  }
0xbd: {  	_ =	sfence  }
0xbe: {  	s30 =	sld [smem:$0x0];
	_ =	sdelay $0x2  }
0xbf: {  	s31 =	sshll.u32 s1, $0xD;
	s1 =	sshrl.u32 s1, $0x2  }
0xc0: {  	s3 =	sand.u32 $0x4000, s31;
	s1 =	sadd.s32 s1, s30  }
0xc1: {  	s0 =	sor.u32 s3, s0;
	s1 =	sshll.u32 s1, $0x11  }
0xc2: {  	s0 =	sor.u32 s1, s0  }
0xc3: {  	s0 =	sadd.s32 $0x8F2B, s0  }
0xc4: {  	[sflag:s0] =	ssyncadd.remote.s32 $0x1  }
0xc5: {  	_ =	sfence.sel $0xFFFF  }
0xc6: {  	[dreg:$0x0] =	wrdreg $0xFFFFFFFF;
	(pc) =	sbr.abs _section_cstart, $3  }
0xc7: {  	[dreg:$0x1] =	wrdreg $0xFFFFFFFF  }
0xc8: {  	_ =	task.clear_ibuf [dreg:s8], $0x2FFFF;
	_ =	strace $0x9FFFFFFF  }
0xc9: {  	(tm) =	ssettm $0x7FFFFFFF  }
tec
execute0_lowered:
.L_overlay_start_1:
0x0: {  	(tag) =	ssettag $0x1  }
0x1: {  	s1 =	rddreg [dreg:$0x0];
	s2 =	srdreg.scid  }
0x2: {  	s0 =	stileid.u32;
	s4 =	rddreg [dreg:$0x1]  }
0x3: {  	s6 =	rddreg [dreg:$0x2];
	s5 =	sand.u32 $0x1, s2;
	s31 =	sshll.u32 s0, $0x1  }
0x4: {  	s3 =	simm.s32 $0x0;
	s11 =	simm.s32 $0x14C00;
	s7 =	sor.u32 s5, s31  }
0x5: {  	s12 =	simm.s32 $0x0;
	s5 =	ssub.s32 $0x2, s5;
	s8 =	smul.u32 $0x880, s7  }
0x6: {  	[smem:$0x7FF] =	sst s3;
	s7 =	smul.u32 $0x1100, s7;
	s9 =	sshrl.u32 s5, $0x1  }
0x7: {  	s2 =	rddreg [dreg:$0x3];
	_ =	strace $0x80000047;
	s9 =	ssub.s32 s5, s9  }
0x8: {  	s8 =	sadd.s32 s8, s4;
	s10 =	sadd.s32 s7, s4;
	s5 =	sadd.s32 s6, s7  }
0x9: {  	s7 =	smax.u32 s9, $0x1;
	s9 =	simm.s32 $0x8000;
	s4 =	sadd.s32 $0xE00, s8  }
0xa: {  	s6 =	sadd.s32 $0x11E00, s10;
	s8 =	simm.s32 $0x1;
	s10 =	simm.s32 $0xC400  }
.LBB2_1:
0xb: {  	[tilespmem:s3], [sflag:$0x1] =	stream.linear.gather [hbm4b:s1+s3], $0x8000, $0x38;
	[tilespmem:$0x1D400] =	vst v63  }
0xc: {  	_ =	swait.ge [sflag:s8], $0x8000  }
0xd: {  	[sflag:s8] =	ssyncset.done $0x0  }
0xe: {  	[sflag:s8] =	ssyncadd.s32 $0xFFFF8000  }
0xf: {  	[tilespmem:s9], [sflag:$0x1] =	stream.linear.gather [hbm4b:s4+s3], $0x4400, $0x38;
	[tilespmem:$0x1D400] =	vst v63  }
0x10: {  	_ =	swait.ge [sflag:s8], $0x4400  }
0x11: {  	[sflag:s8] =	ssyncset.done $0x0  }
0x12: {  	s13 =	simm.s32 $0x0;
	[sflag:s8] =	ssyncadd.s32 $0xFFFFBC00  }
.LBB2_2:
0x13: {  	s24 =	simm.s32 $0xC0  }
0x14: {  	v3 =	vld [tilespmem:s24+$0xFFFFFFC0]  }
0x15: {  	v4 =	vld [tilespmem:s24+$0xFFFFFFA0]  }
0x16: {  	v5 =	vld [tilespmem:s24+$0x10]  }
0x17: {  	v6 =	vld [tilespmem:s24+$0xFFFFFF90]  }
0x18: {  	v8 =	vld [tilespmem:s24+$0xFFFFFF80]  }
0x19: {  	v9 =	vld [tilespmem:s24+$0xFFFFFFF0]  }
0x1a: {  	v10 =	vld [tilespmem:s24+$0xFFFFFF70]  }
0x1b: {  	s14 =	sshll.u32 s13, $0x4;
	s15 =	sshll.u32 s13, $0x6;
	v11 =	vld [tilespmem:s24+$0x50]  }
0x1c: {  	s14 =	sand.u32 $0x70, s14;
	s15 =	sand.u32 $0x7E00, s15;
	v12 =	vld [tilespmem:s24+$0xFFFFFFE0]  }
0x1d: {  	v13 =	vld [tilespmem:s24+$0xFFFFFF60];
	s14 =	sor.u32 s14, s15  }
0x1e: {  	v2 =	vld [tilespmem:s14+$0x8080]  }
0x1f: {  	v1 =	vld [tilespmem:s14+$0x8000]  }
0x20: {  	v14 =	vld [tilespmem:s24+$0xFFFFFF50]  }
0x21: {  	v0 =	vld [tilespmem:s14+$0x8100]  }
0x22: {  	v15 =	vld [tilespmem:s24+$0xFFFFFF40]  }
0x23: {  	v17 =	vld [tilespmem:s24+$0x60];
	v3 =	vsub.f32 v2, v3  }
0x24: {  	v19 =	vld [tilespmem:s24+$0x40];
	v4 =	vsub.f32 v1, v4;
	v6 =	vsub.f32 v1, v6  }
0x25: {  	v22 =	vld [tilespmem:s24+$0x20];
	v5 =	vsub.f32 v2, v5;
	v12 =	vsub.f32 v2, v12  }
0x26: {  	v7 =	vld [tilespmem:s24+$0x0];
	v9 =	vsub.f32 v2, v9;
	v11 =	vsub.f32 v0, v11  }
0x27: {  	v24 =	vld [tilespmem:s24+$0x90];
	v13 =	vsub.f32 v1, v13;
	v15 =	vsub.f32 v1, v15  }
0x28: {  	v23 =	vld [tilespmem:s24+$0xA0];
	v14 =	vsub.f32 v1, v14;
	v17 =	vsub.f32 v0, v17  }
0x29: {  	v16 =	vimm.f32 $+Inf;
	v25 =	vld [tilespmem:s24+$0xFFFFFFB0];
	v19 =	vsub.f32 v0, v19;
	v10 =	vsub.f32 v1, v10  }
0x2a: {  	v21 =	vld [tilespmem:s24+$0x30];
	v8 =	vsub.f32 v1, v8;
	v22 =	vsub.f32 v2, v22;
	v3 =	vmul.f32 v3, v3  }
0x2b: {  	v7 =	vsub.f32 v2, v7;
	v6 =	vmul.f32 v6, v6;
	v12 =	vmul.f32 v12, v12  }
0x2c: {  	v20 =	vld [tilespmem:s24+$0xFFFFFFD0];
	v24 =	vsub.f32 v0, v24;
	v11 =	vmul.f32 v11, v11;
	v13 =	vmul.f32 v13, v13  }
0x2d: {  	v23 =	vsub.f32 v0, v23;
	v15 =	vmul.f32 v15, v15;
	v14 =	vmul.f32 v14, v14  }
0x2e: {  	s18 =	simm.s32 $0x2C0;
	v25 =	vsub.f32 v1, v25;
	v19 =	vmul.f32 v19, v19;
	v5 =	vmul.f32 v5, v5  }
0x2f: {  	v26 =	vld [tilespmem:s18+$0xFFFFFFA0];
	v21 =	vsub.f32 v2, v21;
	v10 =	vmul.f32 v10, v10;
	v8 =	vmul.f32 v8, v8  }
0x30: {  	v9 =	vmul.f32 v9, v9;
	v12 =	vadd.f32 v12, v13;
	v3 =	vadd.f32 v3, v15;
	v13 =	vld [tilespmem:s24+$0xB0]  }
0x31: {  	v7 =	vmul.f32 v7, v7;
	v15 =	vsub.f32 v2, v20;
	v5 =	vadd.f32 v5, v6;
	v6 =	vld [tilespmem:s18+$0xFFFFFFC0]  }
0x32: {  	v4 =	vmul.f32 v4, v4;
	v22 =	vmul.f32 v22, v22;
	v9 =	vadd.f32 v9, v10;
	v10 =	vld [tilespmem:s18+$0x50]  }
0x33: {  	v27 =	vld [tilespmem:s18+$0x10];
	v17 =	vmul.f32 v17, v17;
	v7 =	vadd.f32 v7, v8;
	v15 =	vmul.f32 v15, v15  }
0x34: {  	v21 =	vmul.f32 v21, v21;
	v4 =	vadd.f32 v22, v4;
	v19 =	vadd.f32 v19, v3;
	v3 =	vld [tilespmem:s24+$0x80]  }
0x35: {  	v28 =	vld [tilespmem:s18+$0xFFFFFF90];
	v12 =	vadd.f32 v17, v12;
	v14 =	vadd.f32 v15, v14;
	v15 =	vmul.f32 v25, v25  }
0x36: {  	v23 =	vmul.f32 v23, v23;
	v20 =	vld [tilespmem:s24+$0x70];
	v13 =	vsub.f32 v0, v13;
	v6 =	vsub.f32 v2, v6  }
0x37: {  	v18 =	vimm.s32 $0x0;
	v10 =	vsub.f32 v0, v10;
	v15 =	vadd.f32 v21, v15  }
0x38: {  	v22 =	vld [tilespmem:s18+$0xFFFFFF60];
	vm0 =	vlt.f32 v19, v16;
	v11 =	vadd.f32 v11, v14;
	v14 =	vadd.f32 v23, v4  }
0x39: {  	v21 =	vld [tilespmem:s18+$0xFFFFFFE0];
	v4 =	vmul.f32 v24, v24;
	v25 =	vsub.f32 v0, v3;
	v3 =	vsub.f32 v1, v26  }
0x3a: {  	v24 =	vld [tilespmem:s18+$0x0];
	v13 =	vmul.f32 v13, v13;
	v26 =	vsub.f32 v2, v27;
	v27 =	vsub.f32 v1, v28  }
0x3b: {  	s25 =	simm.s32 $0x0;
	v8 =	vmul.f32 v25, v25;
	v25 =	vmul.f32 v6, v6;
	v6 =	vsub.f32 v0, v20;
	v20 =	vld [tilespmem:s18+$0xFFFFFFF0]  }
0x3c: {  	v18 =	vsel vm0, s25, v18;
	v15 =	vadd.f32 v13, v15;
	v13 =	vsel vm0, v19, v16;
	v16 =	vld [tilespmem:s18+$0xFFFFFF50]  }
0x3d: {  	v17 =	vadd.f32 v4, v5;
	v4 =	vmul.f32 v10, v10;
	v27 =	vmul.f32 v27, v27;
	v19 =	vld [tilespmem:s18+$0x60]  }
0x3e: {  	v26 =	vmul.f32 v26, v26;
	vm0 =	vlt.f32 v11, v13;
	v6 =	vmul.f32 v6, v6  }
0x3f: {  	v7 =	vadd.f32 v8, v7;
	v8 =	vld [tilespmem:s18+$0x40];
	v11 =	vsel vm0, v11, v13;
	v24 =	vsub.f32 v2, v24  }
0x40: {  	v13 =	vld [tilespmem:s18+$0xFFFFFF40];
	vm1 =	vlt.f32 v12, v11;
	v9 =	vadd.f32 v6, v9;
	v6 =	vsub.f32 v2, v20  }
0x41: {  	s26 =	simm.s32 $0x1;
	v10 =	vsel vm1, v12, v11;
	v20 =	vsub.f32 v2, v21;
	v21 =	vsub.f32 v1, v22  }
0x42: {  	s28 =	simm.s32 $0x2;
	v11 =	vld [tilespmem:s18+$0xFFFFFF70];
	v5 =	vsub.f32 v1, v16;
	v12 =	vsub.f32 v0, v19;
	v16 =	vsel vm0, s26, v18  }
0x43: {  	vm0 =	vlt.f32 v9, v10;
	v16 =	vsel vm1, s28, v16;
	v20 =	vmul.f32 v20, v20  }
0x44: {  	v63 =	vld [tilespmem:s18+$0x20];
	v18 =	vsub.f32 v0, v8;
	v9 =	vsel vm0, v9, v10;
	v8 =	vmul.f32 v5, v5  }
0x45: {  	s29 =	simm.s32 $0x3;
	v22 =	vld [tilespmem:s18+$0xFFFFFF80];
	v5 =	vmul.f32 v12, v12;
	v10 =	vsub.f32 v1, v13;
	vm1 =	vlt.f32 v7, v9  }
0x46: {  	v16 =	vsel vm0, s29, v16;
	v12 =	vmul.f32 v18, v18;
	v18 =	vld [tilespmem:s18+$0xFFFFFFD0];
	v7 =	vsel vm1, v7, v9  }
0x47: {  	s30 =	simm.s32 $0x4;
	v13 =	vld [tilespmem:s18+$0x30];
	v9 =	vmul.f32 v21, v21;
	v11 =	vsub.f32 v1, v11;
	vm2 =	vlt.f32 v17, v7  }
0x48: {  	v16 =	vsel vm1, s30, v16;
	v23 =	vmul.f32 v10, v10;
	v21 =	vsel vm2, v17, v7;
	v17 =	vld [tilespmem:s18+$0xA0]  }
0x49: {  	s31 =	simm.s32 $0x5;
	v7 =	vadd.f32 v20, v9;
	v10 =	vmul.f32 v11, v11;
	v20 =	vld [tilespmem:s18+$0x90];
	vm0 =	vlt.f32 v14, v21  }
0x4a: {  	v19 =	vsel vm2, s31, v16;
	v9 =	vsel vm0, v14, v21;
	v14 =	vadd.f32 v25, v23;
	v21 =	vld [tilespmem:s18+$0xFFFFFFB0]  }
0x4b: {  	v25 =	vsub.f32 v1, v22;
	v22 =	vld [tilespmem:s18+$0x80];
	v16 =	vsub.f32 v2, v18;
	vm1 =	vlt.f32 v15, v9  }
0x4c: {  	s16 =	simm.s32 $0x7;
	s17 =	simm.s32 $0x10;
	s20 =	simm.s32 $0x6;
	v18 =	vld [tilespmem:s18+$0xB0];
	v11 =	vsel vm1, v15, v9;
	v12 =	vadd.f32 v12, v14;
	v14 =	vsub.f32 v2, v63  }
0x4d: {  	s15 =	simm.s32 $0x8;
	s14 =	simm.s32 $0xF;
	v15 =	vld [tilespmem:s18+$0x70];
	v9 =	vadd.f32 v26, v27;
	s18 =	simm.s32 $0x4C0;
	v23 =	vmul.f32 v16, v16;
	v16 =	vmul.f32 v25, v25  }
.LBB2_3:
0x4e: {  	s21 =	sadd.s32 $0x7, s17  }
0x4f: {  	v25 =	vld [tilespmem:s18+$0xFFFFFFC0];
	p0 =	slt.u32 s17, $0x1F8;
	v20 =	vsub.f32 v0, v20;
	v17 =	vsub.f32 v0, v17;
	v19 =	vsel vm0, s20, v19;
	s19 =	smov.u32 s17;
	s17 =	sadd.s32 $0x8, s17  }
0x50: {  	v13 =	vsub.f32 v2, v13;
	v26 =	vld [tilespmem:s18+$0xFFFFFFA0];
	v21 =	vsub.f32 v1, v21;
	v19 =	vsel vm1, s16, v19;
	s16 =	smov.u32 s14;
	s14 =	smov.u32 s21  }
0x51: {  	v6 =	vmul.f32 v6, v6;
	v27 =	vld [tilespmem:s18+$0x10];
	v18 =	vsub.f32 v0, v18  }
0x52: {  	v8 =	vadd.f32 v23, v8;
	v23 =	vmul.f32 v24, v24;
	v28 =	vld [tilespmem:s18+$0xFFFFFF90];
	v21 =	vmul.f32 v21, v21  }
0x53: {  	v17 =	vmul.f32 v17, v17;
	v24 =	vld [tilespmem:s18+$0x0];
	v22 =	vsub.f32 v0, v22;
	v18 =	vmul.f32 v18, v18  }
0x54: {  	v30 =	vmul.f32 v3, v3;
	v13 =	vmul.f32 v13, v13;
	v25 =	vsub.f32 v2, v25;
	v29 =	vld [tilespmem:s18+$0xFFFFFF80]  }
0x55: {  	v16 =	vadd.f32 v23, v16;
	v31 =	vld [tilespmem:s18+$0xFFFFFFF0];
	v3 =	vsub.f32 v1, v26;
	v22 =	vmul.f32 v22, v22  }
0x56: {  	v15 =	vsub.f32 v0, v15;
	v23 =	vmul.f32 v25, v25;
	v25 =	vld [tilespmem:s18+$0xFFFFFF70];
	v26 =	vsub.f32 v2, v27  }
0x57: {  	v14 =	vmul.f32 v14, v14;
	v13 =	vadd.f32 v13, v21;
	v27 =	vld [tilespmem:s18+$0x50];
	v28 =	vsub.f32 v1, v28  }
0x58: {  	vm0 =	vlt.f32 v12, v11;
	v6 =	vadd.f32 v6, v10;
	v10 =	vmul.f32 v15, v15;
	v21 =	vld [tilespmem:s18+$0xFFFFFFE0]  }
0x59: {  	v14 =	vadd.f32 v14, v30;
	v30 =	vadd.f32 v18, v13;
	v15 =	vld [tilespmem:s18+$0xFFFFFF60];
	v28 =	vmul.f32 v28, v28  }
0x5a: {  	v11 =	vsel vm0, v12, v11;
	v12 =	vsel vm0, s15, v19;
	v10 =	vadd.f32 v10, v6;
	v13 =	vld [tilespmem:s18+$0xFFFFFF50]  }
0x5b: {  	v4 =	vadd.f32 v4, v8;
	v8 =	vmul.f32 v20, v20;
	v14 =	vadd.f32 v17, v14;
	v18 =	vld [tilespmem:s18+$0xFFFFFF40]  }
0x5c: {  	v16 =	vadd.f32 v22, v16;
	v6 =	vsub.f32 v2, v31;
	v17 =	vld [tilespmem:s18+$0x60]  }
0x5d: {  	v5 =	vadd.f32 v5, v7;
	vm0 =	vlt.f32 v4, v11;
	v19 =	vld [tilespmem:s18+$0x40];
	v20 =	vsub.f32 v2, v21  }
0x5e: {  	v9 =	vadd.f32 v8, v9;
	v11 =	vsel vm0, v4, v11;
	v7 =	vsub.f32 v0, v27  }
0x5f: {  	vm1 =	vlt.f32 v5, v11;
	v15 =	vsub.f32 v1, v15;
	v20 =	vmul.f32 v20, v20  }
0x60: {  	s20 =	sadd.s32 $0x1, s15;
	v5 =	vsel vm1, v5, v11;
	v4 =	vmul.f32 v7, v7;
	v8 =	vsub.f32 v1, v13  }
0x61: {  	v11 =	vsel vm0, s20, v12;
	s20 =	sadd.s32 $0x2, s15;
	vm0 =	vlt.f32 v10, v5;
	v7 =	vsub.f32 v0, v17  }
0x62: {  	v11 =	vsel vm1, s20, v11;
	v10 =	vsel vm0, v10, v5;
	v12 =	vsub.f32 v0, v19  }
0x63: {  	vm1 =	vlt.f32 v16, v10;
	v8 =	vmul.f32 v8, v8;
	v5 =	vmul.f32 v7, v7  }
0x64: {  	s20 =	sadd.s32 $0x3, s15;
	v10 =	vsel vm1, v16, v10;
	v7 =	vsub.f32 v1, v18;
	v12 =	vmul.f32 v12, v12;
	v18 =	vld [tilespmem:s18+$0xFFFFFFD0]  }
0x65: {  	v11 =	vsel vm0, s20, v11;
	s20 =	sadd.s32 $0x4, s15;
	vm2 =	vlt.f32 v9, v10;
	v15 =	vmul.f32 v15, v15;
	v13 =	vld [tilespmem:s18+$0x30]  }
0x66: {  	v16 =	vsub.f32 v1, v25;
	v11 =	vsel vm1, s20, v11;
	v9 =	vsel vm2, v9, v10;
	v22 =	vld [tilespmem:s18+$0x20]  }
0x67: {  	s20 =	sadd.s32 $0x5, s15;
	vm0 =	vlt.f32 v14, v9;
	v21 =	vmul.f32 v7, v7;
	v7 =	vadd.f32 v20, v15;
	v17 =	vld [tilespmem:s18+$0xA0]  }
.Ltmp0:
0x68: {  	v10 =	vmul.f32 v16, v16;
	v9 =	vsel vm0, v14, v9;
	v19 =	vsel vm2, s20, v11;
	v20 =	vld [tilespmem:s18+$0x90];
	(pc) =	sbr.rel @p0 .LBB2_3-.Ltmp0, $4  }
0x69: {  	vm1 =	vlt.f32 v30, v9;
	v14 =	vadd.f32 v23, v21;
	v15 =	vsub.f32 v2, v18;
	v21 =	vld [tilespmem:s18+$0xFFFFFFB0]  }
0x6a: {  	v25 =	vmul.f32 v26, v26;
	v16 =	vsub.f32 v1, v29;
	v11 =	vsel vm1, v30, v9;
	v18 =	vld [tilespmem:s18+$0xB0]  }
0x6b: {  	v12 =	vadd.f32 v12, v14;
	v23 =	vmul.f32 v15, v15;
	v15 =	vld [tilespmem:s18+$0x70];
	v14 =	vsub.f32 v2, v22  }
0x6c: {  	v24 =	vsub.f32 v2, v24;
	v16 =	vmul.f32 v16, v16;
	v9 =	vadd.f32 v25, v28;
	s20 =	sadd.s32 $0x6, s15;
	s15 =	smov.u32 s19;
	v22 =	vld [tilespmem:s18+$0x80];
	s18 =	sadd.s32 $0x200, s18  }
0x6d: {  	v20 =	vsub.f32 v0, v20;
	v17 =	vsub.f32 v0, v17  }
0x6e: {  	v19 =	vsel vm0, s20, v19;
	v2 =	vsub.f32 v2, v13;
	v6 =	vmul.f32 v6, v6  }
0x6f: {  	v8 =	vadd.f32 v23, v8;
	vm10 =	vlt.f32 v12, v11;
	v5 =	vadd.f32 v5, v7  }
0x70: {  	v3 =	vmul.f32 v3, v3;
	v56 =	vmul.f32 v14, v14;
	v1 =	vsub.f32 v1, v21  }
0x71: {  	v49 =	vsel vm1, s16, v19;
	v4 =	vadd.f32 v4, v8;
	v15 =	vsub.f32 v0, v15  }
0x72: {  	v50 =	vmul.f32 v24, v24;
	v52 =	vsel vm10, v12, v11;
	v6 =	vadd.f32 v6, v10  }
0x73: {  	v51 =	vsub.f32 v0, v22;
	vm11 =	vlt.f32 v4, v52;
	v53 =	vmul.f32 v15, v15  }
0x74: {  	v18 =	vsub.f32 v0, v18;
	v55 =	vadd.f32 v50, v16;
	v4 =	vsel vm11, v4, v52  }
0x75: {  	v0 =	vmul.f32 v51, v51;
	vm2 =	vlt.f32 v5, v4;
	v6 =	vadd.f32 v53, v6  }
0x76: {  	v54 =	vmul.f32 v17, v17;
	v57 =	vmul.f32 v20, v20;
	v4 =	vsel vm2, v5, v4  }
0x77: {  	v2 =	vmul.f32 v2, v2;
	v0 =	vadd.f32 v0, v55;
	vm3 =	vlt.f32 v6, v4  }
0x78: {  	v3 =	vadd.f32 v56, v3;
	v58 =	vsel vm10, s15, v49;
	v4 =	vsel vm3, v6, v4  }
0x79: {  	v1 =	vmul.f32 v1, v1;
	v5 =	vadd.f32 v57, v9;
	vm12 =	vlt.f32 v0, v4  }
0x7a: {  	s24 =	sadd.s32 $0x1, s15;
	v59 =	vmul.f32 v18, v18;
	v60 =	vadd.f32 v54, v3;
	v0 =	vsel vm12, v0, v4  }
0x7b: {  	s25 =	sadd.s32 $0x2, s15;
	v1 =	vadd.f32 v2, v1;
	v61 =	vsel vm11, s24, v58;
	vm13 =	vlt.f32 v5, v0  }
0x7c: {  	s26 =	sadd.s32 $0x3, s15;
	s31 =	sshll.u32 s13, $0x7;
	s13 =	sadd.s32 $0x1, s13;
	v3 =	vsel vm2, s25, v61;
	v0 =	vsel vm13, v5, v0  }
0x7d: {  	s28 =	sadd.s32 $0x4, s15;
	p0 =	sne.s32 s13, $0x110;
	v1 =	vadd.f32 v59, v1;
	v3 =	vsel vm3, s26, v3;
	vm14 =	vlt.f32 v60, v0  }
.Ltmp1:
0x7e: {  	s29 =	sadd.s32 $0x5, s15;
	v3 =	vsel vm12, s28, v3;
	v0 =	vsel vm14, v60, v0;
	(pc) =	sbr.rel @p0 .LBB2_2-.Ltmp1, $4  }
0x7f: {  	s30 =	sadd.s32 $0x6, s15;
	v62 =	vsel vm13, s29, v3;
	vm15 =	vlt.f32 v1, v0  }
0x80: {  	v63 =	vsel vm14, s30, v62;
	v0 =	vsel vm15, v1, v0  }
0x81: {  	v1 =	vsel vm15, s14, v63;
	[tilespmem:s31+$0xC400] =	vst v0  }
0x82: {  	[tilespmem:s31+$0x14C00] =	vst v1  }
0x83: {  	[hbm4b:s5+s3] =	stream.linear.scatter [tilespmem:s10], [sflag:$0x1], $0x8800, $0x38;
	[tilespmem:$0x1D400] =	vst v63  }
0x84: {  	s12 =	sadd.s32 $0x1, s12;
	_ =	swait.ge [sflag:s8], $0x8800  }
0x85: {  	p0 =	sne.s32 s12, s7;
	[sflag:s8] =	ssyncset.done $0x0  }
.Ltmp2:
0x86: {  	[sflag:s8] =	ssyncadd.s32 $0xFFFF7800;
	(pc) =	sbr.rel @p0 .LBB2_1-.Ltmp2, $4  }
0x87: {  	[hbm4b:s6+s3] =	stream.linear.scatter [tilespmem:s11], [sflag:$0x1], $0x8800, $0x38;
	[tilespmem:$0x1D400] =	vst v63  }
0x88: {  	_ =	swait.ge [sflag:s8], $0x8800  }
0x89: {  	[sflag:s8] =	ssyncset.done $0x0  }
0x8a: {  	[sflag:s8] =	ssyncadd.s32 $0xFFFF7800  }
0x8b: {  	_ =	sfence.sel $0x180000  }
0x8c: {  	[bflag:$0x0] =	sbarrier.arrive $0xFFFF  }
0x8d: {  	p0 =	sne.s32 s0, $0x0;
	_ =	strace $0x90000047  }
0x8e: {  	s0 =	sadd.s32 @!p0 $0x100000, s2;
	[bflag:$0x2] =	sbarrier.arrive $0xFFFF  }
0x8f: {  	[sflag:s0] =	ssyncadd.tile.s32 @!p0 $0x1;
	_ =	shalt  }
.Lfunc_end2:
_tile_overlayer_lowered:
.L_overlay_start_2:
0x90: {  	(tag) =	ssettag $0x2  }
0x91: {  	s0 =	rddreg [dreg:$0x0];
	s2 =	stileid.u32  }
0x92: {  	s1 =	rddreg [dreg:$0x1];
	p0 =	sne.s32 s2, $0x0  }
0x93: {  	s3 =	rddreg [dreg:$0x2];
	[bflag:$0x3] =	sbarrier.arrive $0xFFFF;
	s2 =	simm.s32 @!p0 $0x1C01  }
0x94: {  	[timem:s3], [sflag:s2] =	dma.local @!p0 [hbm:s0], s1  }
0x95: {  	s0 =	simm.s32 @!p0 $0x1  }
0x96: {  	_ =	swait.ge @!p0 [sflag:s0], s1  }
0x97: {  	s1 =	ssub.s32 @!p0 $0x0, s1;
	[sflag:s0] =	ssyncset.done @!p0 $0x0  }
0x98: {  	[sflag:s0] =	ssyncadd.s32 @!p0 s1  }
0x99: {  	[bflag:$0x3] =	sbarrier.arrive $0xFFFF  }
0x9a: {  	_ =	shalt  }

// kernel: kernel.9.cloned.1.call-start
scs
__scs_entry_jumppad:
0x0: {  	(pc) =	sbr.rel $0x88, $3  }
0x1: {  	(tag) =	ssettag $0x0;
	lr =	simm.s32 $0x1  }
0x2: {  	[smem:$0x3F9E] =	sst lr;
	_ =	strace $0xD0000000  }
0x3: {  	_ = 	snop  }
0x4: {  	_ = 	snop  }
0x5: {  	_ = 	snop  }
0x6: {  	_ = 	snop  }
0x7: {  	_ = 	snop  }
__scs_overlays_trampoline_lowered:
0x8: {  	[smem:$0x3FAD] =	sst s0  }
0x9: {  	[smem:$0x3FAE] =	sst s1  }
0xa: {  	[smem:$0x3FAF] =	sst s2  }
0xb: {  	[smem:$0x3FB0] =	sst s3  }
0xc: {  	[smem:$0x3FB1] =	sst s4  }
0xd: {  	[smem:$0x3FB2] =	sst s5  }
0xe: {  	[smem:$0x3FB3] =	sst s6  }
0xf: {  	[smem:$0x3FB4] =	sst s7  }
0x10: {  	[smem:$0x3FB5] =	sst s8  }
0x11: {  	[smem:$0x3FB6] =	sst s9;
	s0 =	simm.s32 @!p0 $0x0  }
0x12: {  	s1 =	sld [smem:$0x3F9C];
	s0 =	simm.s32 @p0 $0x1  }
0x13: {  	[smem:$0x3FB7] =	sst s0;
	s0 =	simm.s32 @!p1 $0x0  }
0x14: {  	s2 =	sld [smem:$0x3F9B];
	s0 =	simm.s32 @p1 $0x1  }
0x15: {  	[smem:$0x3FB8] =	sst s0;
	s0 =	simm.s32 @!p2 $0x0  }
0x16: {  	s3 =	sld [smem:$0x3FDB];
	s0 =	simm.s32 @p2 $0x1  }
0x17: {  	s4 =	simm.s32 $0x1BF5;
	[smem:$0x3FBA] =	sst s0  }
0x18: {  	s0 =	sld [smem:$0x3F9D];
	_ =	swait.ge [sflag:s4], $0x0  }
0x19: {  	s7 =	sld [smem:$0x3F9E]  }
0x1a: {  	s8 =	sadd.s32 $0xFFFFE003, lr  }
0x1b: {  	s9 =	sadd.s32 $0xFFFFFEF7, lr;
	s5 =	simm.s32 $0xFFFFFFFF;
	p2 =	slt.u32 s8, $0xFFFFF086  }
0x1c: {  	p1 =	slt.u32 s9, $0xF7A;
	s5 =	simm.s32 @!p2 $0x0  }
0x1d: {  	s5 =	simm.s32 @p1 $0x1;
	p0 =	seq.s32 s7, s2  }
0x1e: {  	s7 =	smul.u32 @!p0 $0xF7A, s2;
	p2 =	seq.s32 @!p0 s5, $0x0  }
0x1f: {  	s9 =	smul.u32 $0xF7A, s1;
	s8 =	simm.s32 @!p0 $0x1BF5;
	p2 =	por !p2, p0  }
0x20: {  	[sflag:s8] =	ssyncset.s32 @!p0 $0xFFFFF086;
	s6 =	sadd.s32 @!p0 s3, s7;
	s7 =	simm.s32 @!p0 $0x108  }
0x21: {  	s3 =	sadd.s32 s3, s9;
	s6 =	sadd.s32 @!p0 $0x88, s6;
	s7 =	simm.s32 @p2 $0x1082  }
0x22: {  	[simem:s7], [sflag:s8] =	dma.local @!p0 [hbm:s6], $0xF7A  }
0x23: {  	s9 =	sor.u32 $0xD0000000, s2;
	s6 =	simm.s32 $0x108;
	_ =	swait.ge @!p0 [sflag:s8], $0x0  }
0x24: {  	s3 =	sadd.s32 $0x88, s3;
	s6 =	simm.s32 @!p1 $0x1082;
	[sflag:s4] =	ssyncset.s32 $0xFFFFF086  }
0x25: {  	[simem:s6], [sflag:s4] =	dma.local [hbm:s3], $0xF7A  }
0x26: {  	[smem:$0x3F9E] =	sst s1;
	(tag) =	ssettag s2;
	_ =	strace s9  }
0x27: {  	s1 =	sld [smem:$0x3FAE]  }
0x28: {  	s2 =	sld [smem:$0x3FAF]  }
0x29: {  	s4 =	sld [smem:$0x3FB1]  }
0x2a: {  	p0 =	seq.s32 s5, $0x0;
	s5 =	sld [smem:$0x3FB2]  }
0x2b: {  	s6 =	sld [smem:$0x3FB3]  }
0x2c: {  	s7 =	sld [smem:$0x3FB4]  }
0x2d: {  	s3 =	simm.s32 $0x108;
	s8 =	sld [smem:$0x3FB5]  }
0x2e: {  	s3 =	simm.s32 @!p0 $0x1082;
	s9 =	sld [smem:$0x3FB6]  }
0x2f: {  	lr =	sadd.s32 s0, s3;
	s0 =	sld [smem:$0x3FAD]  }
0x30: {  	s3 =	sld [smem:$0x3FB0]  }
0x31: {  	[smem:$0x3FB9] =	sst s10  }
0x32: {  	s10 =	sld [smem:$0x3FB7];
	_ =	sdelay $0x3  }
0x33: {  	p0 =	seq.s32 s10, $0x1;
	s10 =	sld [smem:$0x3FB9];
	_ =	sdelay $0x3  }
0x34: {  	[smem:$0x3FB9] =	sst s10  }
0x35: {  	s10 =	sld [smem:$0x3FB8];
	_ =	sdelay $0x3  }
0x36: {  	p1 =	seq.s32 s10, $0x1;
	s10 =	sld [smem:$0x3FB9];
	_ =	sdelay $0x3  }
0x37: {  	[smem:$0x3FB9] =	sst s10  }
0x38: {  	s10 =	sld [smem:$0x3FBA]  }
0x39: {  	_ = 	snop;
	(pc) =	sbr.ind lr, $3  }
0x3a: {  	_ = 	snop  }
0x3b: {  	_ = 	snop  }
0x3c: {  	p2 =	seq.s32 s10, $0x1;
	s10 =	sld [smem:$0x3FB9]  }
0x3d: {  	_ =	shalt  }
0x3e: {  	_ =	shalt  }
0x3f: {  	_ =	shalt  }
0x40: {  	_ =	shalt  }
0x41: {  	_ =	shalt  }
0x42: {  	_ =	shalt  }
0x43: {  	_ =	shalt  }
0x44: {  	_ =	shalt  }
0x45: {  	_ =	shalt  }
0x46: {  	_ =	shalt  }
0x47: {  	_ =	shalt  }
0x48: {  	_ =	shalt  }
0x49: {  	_ =	shalt  }
0x4a: {  	_ =	shalt  }
0x4b: {  	_ =	shalt  }
0x4c: {  	_ =	shalt  }
0x4d: {  	_ =	shalt  }
0x4e: {  	_ =	shalt  }
0x4f: {  	_ =	shalt  }
0x50: {  	_ =	shalt  }
0x51: {  	_ =	shalt  }
0x52: {  	_ =	shalt  }
0x53: {  	_ =	shalt  }
0x54: {  	_ =	shalt  }
0x55: {  	_ =	shalt  }
0x56: {  	_ =	shalt  }
0x57: {  	_ =	shalt  }
0x58: {  	_ =	shalt  }
0x59: {  	_ =	shalt  }
0x5a: {  	_ =	shalt  }
0x5b: {  	_ =	shalt  }
0x5c: {  	_ =	shalt  }
0x5d: {  	_ =	shalt  }
0x5e: {  	_ =	shalt  }
0x5f: {  	_ =	shalt  }
0x60: {  	_ =	shalt  }
0x61: {  	_ =	shalt  }
0x62: {  	_ =	shalt  }
0x63: {  	_ =	shalt  }
0x64: {  	_ =	shalt  }
0x65: {  	_ =	shalt  }
0x66: {  	_ =	shalt  }
0x67: {  	_ =	shalt  }
0x68: {  	_ =	shalt  }
0x69: {  	_ =	shalt  }
0x6a: {  	_ =	shalt  }
0x6b: {  	_ =	shalt  }
0x6c: {  	_ =	shalt  }
0x6d: {  	_ =	shalt  }
0x6e: {  	_ =	shalt  }
0x6f: {  	_ =	shalt  }
0x70: {  	_ =	shalt  }
0x71: {  	_ =	shalt  }
0x72: {  	_ =	shalt  }
0x73: {  	_ =	shalt  }
0x74: {  	_ =	shalt  }
0x75: {  	_ =	shalt  }
0x76: {  	_ =	shalt  }
0x77: {  	_ =	shalt  }
0x78: {  	_ =	shalt  }
0x79: {  	_ =	shalt  }
0x7a: {  	_ =	shalt  }
0x7b: {  	_ =	shalt  }
0x7c: {  	_ =	shalt  }
0x7d: {  	_ =	shalt  }
0x7e: {  	_ =	shalt  }
0x7f: {  	_ =	shalt  }
0x80: {  	_ =	shalt  }
0x81: {  	_ =	shalt  }
0x82: {  	_ =	shalt  }
0x83: {  	_ =	shalt  }
0x84: {  	_ =	shalt  }
0x85: {  	_ =	shalt  }
0x86: {  	_ =	shalt  }
0x87: {  	_ =	shalt  }
.Lfunc_end0:
.L_simem_size_0:
called_computation.1_lowered:
.L_overlay_start_0:
0x88: {  	s2 =	sld [smem:$0x3FD9]  }
0x89: {  	s3 =	sld [smem:$0x3FFE];
	_ =	sdelay $0x1  }
0x8a: {  	s1 =	srdreg.scid  }
0x8b: {  	s0 =	sand.u32 $0x1, s1  }
0x8c: {  	s15 =	sshll.u32 s0, $0xA;
	s2 =	sadd.s32 s3, s2  }
0x8d: {  	s2 =	sadd.s32 s2, s15  }
0x8e: {  	[smem:$0x3FC5] =	sst s2  }
0x8f: {  	_ = 	snop  }
0x90: {  	s2 =	sld [smem:$0x3FD0];
	_ =	sdelay $0x2  }
0x91: {  	s4 =	simm.s32 $0xA;
	s5 =	simm.s32 $0x10;
	s16 =	sld [smem:$0x3FC7]  }
0x92: {  	[smem:s5], [sflag:s4] =	dma.local [hbm:s2], $0x1  }
0x93: {  	_ =	swait.eq [sflag:s4], $0x1  }
0x94: {  	[sflag:s4] =	ssyncset.done $0x0  }
0x95: {  	s17 =	sld [smem:$0x10];
	[sflag:s4] =	ssyncadd.s32 $0xFFFFFFFF  }
0x96: {  	s18 =	sld [smem:$0x11];
	(tm) =	ssettm $0x1  }
0x97: {  	s19 =	sld [smem:$0x3FFB];
	_ =	sdelay $0x3  }
0x98: {  	_ =	strace s19  }
0x99: {  	s5 =	sld [smem:$0x3FFC];
	_ =	sdelay $0x3  }
0x9a: {  	_ =	strace s5  }
0x9b: {  	s5 =	sld [smem:$0x3FFD];
	_ =	sdelay $0x3  }
0x9c: {  	_ =	strace s5  }
0x9d: {  	_ =	strace $0x8FFFFFFF  }
0x9e: {  	s20 =	sld [smem:$0x3FDB];
	_ =	sdelay $0x1  }
0x9f: {  	s6 =	simm.s32 $_scs_section_size  }
0xa0: {  	s7 =	simm.s32 $_size__tile_overlayer_lowered;
	s8 =	simm.s32 $_tile_overlayer_lowered  }
0xa1: {  	s23 =	simm.s32 $0x1BFF;
	s22 =	sshll.u32 s8, $0x1;
	s5 =	sadd.s32 s6, s20  }
0xa2: {  	s9 =	simm.s32 $0x0;
	s21 =	sshll.u32 s7, $0x1;
	s7 =	sadd.s32 s22, s5  }
0xa3: {  	[timem:s9], [sflag:s23] =	dma.local [hbm:s7], s21  }
0xa4: {  	_ =	swait.ge [sflag:s23], s21  }
0xa5: {  	s6 =	ssub.s32 $0x0, s21;
	[sflag:s23] =	ssyncset.done $0x0  }
0xa6: {  	[sflag:s23] =	ssyncadd.s32 s6;
	_ =	sdelay $0x1  }
0xa7: {  	s24 =	simm.s32 $0x1B8B  }
0xa8: {  	_ =	swait.ge [sflag:s24], $0x1  }
0xa9: {  	[sflag:s24] =	ssyncset.done $0x0  }
0xaa: {  	s25 =	simm.s32 $0x1B8E;
	[sflag:s24] =	ssyncadd.s32 $0xFFFFFFFF  }
0xab: {  	s26 =	simm.s32 $execute0_lowered;
	[smem:$0x3FD2] =	sst s25  }
0xac: {  	s6 =	sshll.u32 s26, $0x1;
	_ =	strace $0x80000049;
	[dreg:$0x1] =	wrdreg $0xFFFFFFFF  }
0xad: {  	s28 =	simm.s32 $_size_execute0_lowered;
	s5 =	sadd.s32 s5, s6;
	[dreg:$0x0] =	wrdreg $0x0  }
0xae: {  	s6 =	sshll.u32 s28, $0x1;
	[dreg:$0x2] =	wrdreg s5  }
0xaf: {  	[dreg:$0x3] =	wrdreg s6  }
0xb0: {  	[dreg:$0x4] =	wrdreg $0xC0  }
0xb1: {  	_ =	task [dreg:s9], $0x5FFFF  }
0xb2: {  	[dreg:$0x1] =	wrdreg $0xFFFFFFFF  }
0xb3: {  	[dreg:$0x0] =	wrdreg $0x60  }
0xb4: {  	[dreg:$0x2] =	wrdreg s16  }
0xb5: {  	[dreg:$0x3] =	wrdreg s17  }
0xb6: {  	[dreg:$0x4] =	wrdreg s18  }
0xb7: {  	[dreg:$0x5] =	wrdreg $0x9  }
0xb8: {  	_ =	task.clear_ibuf [dreg:s9], $0x6FFFF;
	_ =	strace $0x90000049  }
0xb9: {  	s29 =	simm.s32 $0x9;
	_ =	strace $0x8000004B  }
0xba: {  	_ =	swait.ge [sflag:s29], $0x1  }
0xbb: {  	[sflag:s29] =	ssyncadd.s32 $0xFFFFFFFF  }
0xbc: {  	_ =	strace $0x9000004B  }
0xbd: {  	_ =	sfence  }
0xbe: {  	s30 =	sld [smem:$0x0];
	_ =	sdelay $0x2  }
0xbf: {  	s31 =	sshll.u32 s1, $0xD;
	s1 =	sshrl.u32 s1, $0x2  }
0xc0: {  	s3 =	sand.u32 $0x4000, s31;
	s1 =	sadd.s32 s1, s30  }
0xc1: {  	s0 =	sor.u32 s3, s0;
	s1 =	sshll.u32 s1, $0x11  }
0xc2: {  	s0 =	sor.u32 s1, s0  }
0xc3: {  	s0 =	sadd.s32 $0x8F2B, s0  }
0xc4: {  	[sflag:s0] =	ssyncadd.remote.s32 $0x1  }
0xc5: {  	_ =	sfence.sel $0xFFFF  }
0xc6: {  	[dreg:$0x0] =	wrdreg $0xFFFFFFFF;
	(pc) =	sbr.abs _section_cstart, $3  }
0xc7: {  	[dreg:$0x1] =	wrdreg $0xFFFFFFFF  }
0xc8: {  	_ =	task.clear_ibuf [dreg:s9], $0x2FFFF;
	_ =	strace $0x9FFFFFFF  }
0xc9: {  	(tm) =	ssettm $0x7FFFFFFF  }
tec
execute0_lowered:
.L_overlay_start_1:
0x0: {  	(tag) =	ssettag $0x1  }
0x1: {  	s1 =	rddreg [dreg:$0x0];
	s0 =	srdreg.scid  }
0x2: {  	s2 =	rddreg [dreg:$0x1];
	s3 =	stileid.u32  }
0x3: {  	s4 =	rddreg [dreg:$0x2];
	s28 =	simm.s32 $0x400;
	s12 =	simm.s32 $0x1  }
0x4: {  	s14 =	simm.s32 $0x2;
	s15 =	simm.s32 $0x4;
	s16 =	simm.s32 $0x3  }
0x5: {  	s17 =	simm.s32 $0x5;
	s18 =	simm.s32 $0x6;
	s29 =	simm.s32 $0x4400  }
0x6: {  	s30 =	simm.s32 $0x4C00;
	s31 =	simm.s32 $0x5400;
	s0 =	sand.u32 $0x1, s0  }
0x7: {  	s7 =	simm.s32 $0x12400;
	s5 =	sshll.u32 s3, $0xB;
	s6 =	sshll.u32 s0, $0xA  }
0x8: {  	s8 =	simm.s32 $0x12C00;
	s9 =	simm.s32 $0x13400;
	s5 =	sor.u32 s6, s5  }
0x9: {  	s10 =	simm.s32 $0x13C00;
	s3 =	simm.s32 $0x0;
	s6 =	sshrl.u32 s5, $0x3  }
0xa: {  	[smem:$0x7FF] =	sst s3;
	s5 =	sshll.u32 s5, $0x5;
	s2 =	sadd.s32 s2, s6  }
0xb: {  	_ =	strace $0x8000004A;
	s5 =	sadd.s32 s4, s5;
	[dreg:$0x4] =	wrdreg s2  }
0xc: {  	s11 =	simm.s32 $0x14400;
	s19 =	sadd.s32 $0x1000, s5;
	[dreg:$0xc] =	wrdreg s5  }
0xd: {  	s13 =	simm.s32 $0x14C00;
	s20 =	sadd.s32 $0x2000, s5;
	[dreg:$0x5] =	wrdreg s19  }
0xe: {  	s0 =	ssub.s32 $0x2, s0;
	s21 =	sadd.s32 $0x3000, s5;
	[dreg:$0x6] =	wrdreg s20  }
0xf: {  	s24 =	sshrl.u32 s0, $0x1;
	s22 =	sadd.s32 $0x4000, s5;
	[dreg:$0x7] =	wrdreg s21  }
0x10: {  	s0 =	ssub.s32 s0, s24;
	s23 =	sadd.s32 $0x5000, s5;
	[dreg:$0x8] =	wrdreg s22  }
0x11: {  	s24 =	simm.s32 $0x16C00;
	s25 =	sadd.s32 $0x6000, s5;
	[dreg:$0x9] =	wrdreg s23  }
0x12: {  	s4 =	simm.s32 $0x11400;
	s26 =	sadd.s32 $0x7000, s5;
	[dreg:$0xa] =	wrdreg s25  }
0x13: {  	v2 =	vlaneseq.u32;
	s6 =	simm.s32 $0x11C00;
	s5 =	smax.u32 s0, $0x1;
	[dreg:$0xb] =	wrdreg s26  }
0x14: {  	vm0 =	vmmov $0xffff;
	v1 =	vshrl.u32 v2, $0x3;
	s23 =	simm.s32 $0x8400;
	s20 =	simm.s32 $0x15400;
	s21 =	simm.s32 $0x15C00  }
0x15: {  	v0 =	vand.u32 $0x7, v2;
	v2 =	vor.u32 $0x8, v2;
	v1 =	vmul.u32 $0x8, v1;
	s22 =	simm.s32 $0x16400;
	s25 =	simm.s32 $0x17400;
	s26 =	simm.s32 $0x17C00  }
.LBB2_1:
0x16: {  	s19 =	rddreg [dreg:$0x4];
	s0 =	simm.s32 $0x7  }
0x17: {  	[tilespmem:s3], [sflag:$0x7] =	stream.linear.gather [hbm4b:s19+s3], $0x400, $0x38;
	[tilespmem:$0x18400] =	vst v63  }
0x18: {  	_ =	swait.ge [sflag:s0], $0x400  }
0x19: {  	[sflag:s0] =	ssyncset.done $0x0  }
0x1a: {  	[sflag:s0] =	ssyncadd.s32 $0xFFFFFC00  }
0x1b: {  	v3 =	vld [tilespmem:$0x0];
	_ =	sdelay $0x4  }
0x1c: {  	v4 =	vshll.u32 v3, $0x1  }
0x1d: {  	v3 =	vand.u32 $0x7, v3;
	v4 =	vand.u32 $0xFFFFFFF0, v4  }
0x1e: {  	v3 =	vor.u32 v3, v4  }
0x1f: {  	v4 =	vperm.xlane v3, v0;
	_ =	sdelay $0x1  }
0x20: {  	v3 =	vperm.xlane v3, v2;
	v4 =	vadd.s32 v1, v4;
	_ =	sdelay $0x1  }
0x21: {  	v3 =	vadd.s32 v1, v3;
	_ =	sdelay $0x2  }
0x22: {  	[tilespmem:s28], [sflag:$0x1] =	stream.indirect_vreg.gather [hbm4b:s1+s3], $0x80, v4, vm0, $0xb8;
	[tilespmem:$0x18400] =	vst v63  }
0x23: {  	s0 =	simm.s32 $0xC00  }
0x24: {  	[tilespmem:s0], [sflag:$0x1] =	stream.indirect_vreg.gather [hbm4b:s1+s3], $0x80, v3, vm0, $0xb8;
	[tilespmem:$0x18400] =	vst v63  }
0x25: {  	v3 =	vld [tilespmem:$0x10];
	_ =	sdelay $0x4  }
0x26: {  	v57 =	vshll.u32 v3, $0x1  }
0x27: {  	v3 =	vand.u32 $0x7, v3;
	v4 =	vand.u32 $0xFFFFFFF0, v57  }
0x28: {  	v3 =	vor.u32 v3, v4  }
0x29: {  	v4 =	vperm.xlane v3, v0;
	_ =	sdelay $0x1  }
0x2a: {  	v3 =	vperm.xlane v3, v2;
	v4 =	vadd.s32 v1, v4;
	_ =	sdelay $0x1  }
0x2b: {  	v3 =	vadd.s32 v1, v3;
	_ =	sdelay $0x1  }
0x2c: {  	s2 =	simm.s32 $0x1400  }
0x2d: {  	[tilespmem:s2], [sflag:$0x1] =	stream.indirect_vreg.gather [hbm4b:s1+s3], $0x80, v4, vm0, $0xb8;
	[tilespmem:$0x18400] =	vst v63  }
0x2e: {  	s19 =	simm.s32 $0x1C00  }
0x2f: {  	[tilespmem:s19], [sflag:$0x1] =	stream.indirect_vreg.gather [hbm4b:s1+s3], $0x80, v3, vm0, $0xb8;
	[tilespmem:$0x18400] =	vst v63  }
0x30: {  	v3 =	vld [tilespmem:$0x20];
	_ =	sdelay $0x4  }
0x31: {  	v58 =	vshll.u32 v3, $0x1  }
0x32: {  	v3 =	vand.u32 $0x7, v3;
	v4 =	vand.u32 $0xFFFFFFF0, v58  }
0x33: {  	v3 =	vor.u32 v3, v4  }
0x34: {  	v4 =	vperm.xlane v3, v0;
	_ =	sdelay $0x1  }
0x35: {  	v3 =	vperm.xlane v3, v2;
	v4 =	vadd.s32 v1, v4;
	_ =	sdelay $0x1  }
0x36: {  	v3 =	vadd.s32 v1, v3;
	_ =	sdelay $0x1  }
0x37: {  	s2 =	simm.s32 $0x2400  }
0x38: {  	[tilespmem:s2], [sflag:$0x1] =	stream.indirect_vreg.gather [hbm4b:s1+s3], $0x80, v4, vm0, $0xb8;
	[tilespmem:$0x18400] =	vst v63  }
0x39: {  	s19 =	simm.s32 $0x2C00  }
0x3a: {  	[tilespmem:s19], [sflag:$0x1] =	stream.indirect_vreg.gather [hbm4b:s1+s3], $0x80, v3, vm0, $0xb8;
	[tilespmem:$0x18400] =	vst v63  }
0x3b: {  	v3 =	vld [tilespmem:$0x30];
	_ =	sdelay $0x4  }
0x3c: {  	v59 =	vshll.u32 v3, $0x1  }
0x3d: {  	v3 =	vand.u32 $0x7, v3;
	v4 =	vand.u32 $0xFFFFFFF0, v59  }
0x3e: {  	v3 =	vor.u32 v3, v4  }
0x3f: {  	v4 =	vperm.xlane v3, v0;
	_ =	sdelay $0x1  }
0x40: {  	v3 =	vperm.xlane v3, v2;
	v4 =	vadd.s32 v1, v4;
	_ =	sdelay $0x1  }
0x41: {  	v3 =	vadd.s32 v1, v3;
	_ =	sdelay $0x1  }
0x42: {  	s2 =	simm.s32 $0x3400  }
0x43: {  	[tilespmem:s2], [sflag:$0x1] =	stream.indirect_vreg.gather [hbm4b:s1+s3], $0x80, v4, vm0, $0xb8;
	[tilespmem:$0x18400] =	vst v63  }
0x44: {  	s19 =	simm.s32 $0x3C00  }
0x45: {  	[tilespmem:s19], [sflag:$0x1] =	stream.indirect_vreg.gather [hbm4b:s1+s3], $0x80, v3, vm0, $0xb8;
	[tilespmem:$0x18400] =	vst v63  }
0x46: {  	v3 =	vld [tilespmem:$0x40];
	_ =	sdelay $0x4  }
0x47: {  	v60 =	vshll.u32 v3, $0x1  }
0x48: {  	v3 =	vand.u32 $0x7, v3;
	v4 =	vand.u32 $0xFFFFFFF0, v60  }
0x49: {  	v3 =	vor.u32 v3, v4  }
0x4a: {  	v4 =	vperm.xlane v3, v0;
	_ =	sdelay $0x1  }
0x4b: {  	v3 =	vperm.xlane v3, v2;
	v4 =	vadd.s32 v1, v4;
	_ =	sdelay $0x1  }
0x4c: {  	v3 =	vadd.s32 v1, v3;
	_ =	sdelay $0x2  }
0x4d: {  	[tilespmem:s29], [sflag:$0x1] =	stream.indirect_vreg.gather [hbm4b:s1+s3], $0x80, v4, vm0, $0xb8;
	[tilespmem:$0x18400] =	vst v63  }
0x4e: {  	_ = 	snop  }
0x4f: {  	[tilespmem:s30], [sflag:$0x1] =	stream.indirect_vreg.gather [hbm4b:s1+s3], $0x80, v3, vm0, $0xb8;
	[tilespmem:$0x18400] =	vst v63  }
0x50: {  	v3 =	vld [tilespmem:$0x50];
	_ =	sdelay $0x4  }
0x51: {  	v61 =	vshll.u32 v3, $0x1  }
0x52: {  	v3 =	vand.u32 $0x7, v3;
	v4 =	vand.u32 $0xFFFFFFF0, v61  }
0x53: {  	v3 =	vor.u32 v3, v4  }
0x54: {  	v4 =	vperm.xlane v3, v0;
	_ =	sdelay $0x1  }
0x55: {  	v3 =	vperm.xlane v3, v2;
	v4 =	vadd.s32 v1, v4;
	_ =	sdelay $0x1  }
0x56: {  	v3 =	vadd.s32 v1, v3;
	_ =	sdelay $0x2  }
0x57: {  	[tilespmem:s31], [sflag:$0x1] =	stream.indirect_vreg.gather [hbm4b:s1+s3], $0x80, v4, vm0, $0xb8;
	[tilespmem:$0x18400] =	vst v63  }
0x58: {  	s2 =	simm.s32 $0x5C00  }
0x59: {  	[tilespmem:s2], [sflag:$0x1] =	stream.indirect_vreg.gather [hbm4b:s1+s3], $0x80, v3, vm0, $0xb8;
	[tilespmem:$0x18400] =	vst v63  }
0x5a: {  	v3 =	vld [tilespmem:$0x60];
	_ =	sdelay $0x4  }
0x5b: {  	v62 =	vshll.u32 v3, $0x1  }
0x5c: {  	v3 =	vand.u32 $0x7, v3;
	v4 =	vand.u32 $0xFFFFFFF0, v62  }
0x5d: {  	v3 =	vor.u32 v3, v4  }
0x5e: {  	v4 =	vperm.xlane v3, v0;
	_ =	sdelay $0x1  }
0x5f: {  	v3 =	vperm.xlane v3, v2;
	v4 =	vadd.s32 v1, v4;
	_ =	sdelay $0x1  }
0x60: {  	v3 =	vadd.s32 v1, v3;
	_ =	sdelay $0x1  }
0x61: {  	s19 =	simm.s32 $0x6400  }
0x62: {  	[tilespmem:s19], [sflag:$0x1] =	stream.indirect_vreg.gather [hbm4b:s1+s3], $0x80, v4, vm0, $0xb8;
	[tilespmem:$0x18400] =	vst v63  }
0x63: {  	s2 =	simm.s32 $0x6C00  }
0x64: {  	[tilespmem:s2], [sflag:$0x1] =	stream.indirect_vreg.gather [hbm4b:s1+s3], $0x80, v3, vm0, $0xb8;
	[tilespmem:$0x18400] =	vst v63  }
0x65: {  	v3 =	vld [tilespmem:$0x70];
	_ =	sdelay $0x4  }
0x66: {  	v63 =	vshll.u32 v3, $0x1  }
0x67: {  	v3 =	vand.u32 $0x7, v3;
	v4 =	vand.u32 $0xFFFFFFF0, v63  }
0x68: {  	v3 =	vor.u32 v3, v4  }
0x69: {  	v4 =	vperm.xlane v3, v0;
	_ =	sdelay $0x1  }
0x6a: {  	v3 =	vperm.xlane v3, v2;
	v4 =	vadd.s32 v1, v4;
	_ =	sdelay $0x1  }
0x6b: {  	v3 =	vadd.s32 v1, v3;
	_ =	sdelay $0x1  }
0x6c: {  	s19 =	simm.s32 $0x7400  }
0x6d: {  	[tilespmem:s19], [sflag:$0x1] =	stream.indirect_vreg.gather [hbm4b:s1+s3], $0x80, v4, vm0, $0xb8;
	[tilespmem:$0x18400] =	vst v63  }
0x6e: {  	s2 =	simm.s32 $0x7C00  }
0x6f: {  	[tilespmem:s2], [sflag:$0x1] =	stream.indirect_vreg.gather [hbm4b:s1+s3], $0x80, v3, vm0, $0xb8;
	[tilespmem:$0x18400] =	vst v63  }
0x70: {  	v3 =	vld [tilespmem:$0x80];
	_ =	sdelay $0x4  }
0x71: {  	v8 =	vshll.u32 v3, $0x1  }
0x72: {  	v3 =	vand.u32 $0x7, v3;
	v4 =	vand.u32 $0xFFFFFFF0, v8  }
0x73: {  	v3 =	vor.u32 v3, v4  }
0x74: {  	v4 =	vperm.xlane v3, v0;
	_ =	sdelay $0x1  }
0x75: {  	v3 =	vperm.xlane v3, v2;
	v4 =	vadd.s32 v1, v4;
	_ =	sdelay $0x1  }
0x76: {  	v3 =	vadd.s32 v1, v3;
	_ =	sdelay $0x2  }
0x77: {  	[tilespmem:s23], [sflag:$0x2] =	stream.indirect_vreg.gather [hbm4b:s1+s3], $0x80, v4, vm0, $0xb8;
	[tilespmem:$0x18400] =	vst v63  }
0x78: {  	s19 =	simm.s32 $0x8C00  }
0x79: {  	[tilespmem:s19], [sflag:$0x2] =	stream.indirect_vreg.gather [hbm4b:s1+s3], $0x80, v3, vm0, $0xb8;
	[tilespmem:$0x18400] =	vst v63  }
0x7a: {  	v3 =	vld [tilespmem:$0x90];
	_ =	sdelay $0x4  }
0x7b: {  	v9 =	vshll.u32 v3, $0x1  }
0x7c: {  	v3 =	vand.u32 $0x7, v3;
	v4 =	vand.u32 $0xFFFFFFF0, v9  }
0x7d: {  	v3 =	vor.u32 v3, v4  }
0x7e: {  	v4 =	vperm.xlane v3, v0;
	_ =	sdelay $0x1  }
0x7f: {  	v3 =	vperm.xlane v3, v2;
	v4 =	vadd.s32 v1, v4;
	_ =	sdelay $0x1  }
0x80: {  	v3 =	vadd.s32 v1, v3;
	_ =	sdelay $0x1  }
0x81: {  	s2 =	simm.s32 $0x9400  }
0x82: {  	[tilespmem:s2], [sflag:$0x2] =	stream.indirect_vreg.gather [hbm4b:s1+s3], $0x80, v4, vm0, $0xb8;
	[tilespmem:$0x18400] =	vst v63  }
0x83: {  	s19 =	simm.s32 $0x9C00  }
0x84: {  	[tilespmem:s19], [sflag:$0x2] =	stream.indirect_vreg.gather [hbm4b:s1+s3], $0x80, v3, vm0, $0xb8;
	[tilespmem:$0x18400] =	vst v63  }
0x85: {  	v3 =	vld [tilespmem:$0xA0];
	_ =	sdelay $0x4  }
0x86: {  	v10 =	vshll.u32 v3, $0x1  }
0x87: {  	v3 =	vand.u32 $0x7, v3;
	v4 =	vand.u32 $0xFFFFFFF0, v10  }
0x88: {  	v3 =	vor.u32 v3, v4  }
0x89: {  	v4 =	vperm.xlane v3, v0;
	_ =	sdelay $0x1  }
0x8a: {  	v3 =	vperm.xlane v3, v2;
	v4 =	vadd.s32 v1, v4;
	_ =	sdelay $0x1  }
0x8b: {  	v3 =	vadd.s32 v1, v3;
	_ =	sdelay $0x1  }
0x8c: {  	s2 =	simm.s32 $0xA400  }
0x8d: {  	[tilespmem:s2], [sflag:$0x2] =	stream.indirect_vreg.gather [hbm4b:s1+s3], $0x80, v4, vm0, $0xb8;
	[tilespmem:$0x18400] =	vst v63  }
0x8e: {  	s19 =	simm.s32 $0xAC00  }
0x8f: {  	[tilespmem:s19], [sflag:$0x2] =	stream.indirect_vreg.gather [hbm4b:s1+s3], $0x80, v3, vm0, $0xb8;
	[tilespmem:$0x18400] =	vst v63  }
0x90: {  	v3 =	vld [tilespmem:$0xB0];
	_ =	sdelay $0x4  }
0x91: {  	v11 =	vshll.u32 v3, $0x1  }
0x92: {  	v3 =	vand.u32 $0x7, v3;
	v4 =	vand.u32 $0xFFFFFFF0, v11  }
0x93: {  	v3 =	vor.u32 v3, v4  }
0x94: {  	v4 =	vperm.xlane v3, v0;
	_ =	sdelay $0x1  }
0x95: {  	v3 =	vperm.xlane v3, v2;
	v4 =	vadd.s32 v1, v4;
	_ =	sdelay $0x1  }
0x96: {  	v3 =	vadd.s32 v1, v3;
	_ =	sdelay $0x1  }
0x97: {  	s2 =	simm.s32 $0xB400  }
0x98: {  	[tilespmem:s2], [sflag:$0x2] =	stream.indirect_vreg.gather [hbm4b:s1+s3], $0x80, v4, vm0, $0xb8;
	[tilespmem:$0x18400] =	vst v63  }
0x99: {  	s19 =	simm.s32 $0xBC00  }
0x9a: {  	[tilespmem:s19], [sflag:$0x2] =	stream.indirect_vreg.gather [hbm4b:s1+s3], $0x80, v3, vm0, $0xb8;
	[tilespmem:$0x18400] =	vst v63  }
0x9b: {  	v3 =	vld [tilespmem:$0xC0];
	_ =	sdelay $0x4  }
0x9c: {  	v12 =	vshll.u32 v3, $0x1  }
0x9d: {  	v3 =	vand.u32 $0x7, v3;
	v4 =	vand.u32 $0xFFFFFFF0, v12  }
0x9e: {  	v3 =	vor.u32 v3, v4  }
0x9f: {  	v4 =	vperm.xlane v3, v0;
	_ =	sdelay $0x1  }
0xa0: {  	v3 =	vperm.xlane v3, v2;
	v4 =	vadd.s32 v1, v4;
	_ =	sdelay $0x1  }
0xa1: {  	v3 =	vadd.s32 v1, v3;
	_ =	sdelay $0x1  }
0xa2: {  	s2 =	simm.s32 $0xC400  }
0xa3: {  	[tilespmem:s2], [sflag:$0x2] =	stream.indirect_vreg.gather [hbm4b:s1+s3], $0x80, v4, vm0, $0xb8;
	[tilespmem:$0x18400] =	vst v63  }
0xa4: {  	s19 =	simm.s32 $0xCC00  }
0xa5: {  	[tilespmem:s19], [sflag:$0x2] =	stream.indirect_vreg.gather [hbm4b:s1+s3], $0x80, v3, vm0, $0xb8;
	[tilespmem:$0x18400] =	vst v63  }
0xa6: {  	v3 =	vld [tilespmem:$0xD0];
	_ =	sdelay $0x4  }
0xa7: {  	v13 =	vshll.u32 v3, $0x1  }
0xa8: {  	v3 =	vand.u32 $0x7, v3;
	v4 =	vand.u32 $0xFFFFFFF0, v13  }
0xa9: {  	v3 =	vor.u32 v3, v4  }
0xaa: {  	v4 =	vperm.xlane v3, v0;
	_ =	sdelay $0x1  }
0xab: {  	v3 =	vperm.xlane v3, v2;
	v4 =	vadd.s32 v1, v4;
	_ =	sdelay $0x1  }
0xac: {  	v3 =	vadd.s32 v1, v3;
	_ =	sdelay $0x1  }
0xad: {  	s2 =	simm.s32 $0xD400  }
0xae: {  	[tilespmem:s2], [sflag:$0x2] =	stream.indirect_vreg.gather [hbm4b:s1+s3], $0x80, v4, vm0, $0xb8;
	[tilespmem:$0x18400] =	vst v63  }
0xaf: {  	s19 =	simm.s32 $0xDC00  }
0xb0: {  	[tilespmem:s19], [sflag:$0x2] =	stream.indirect_vreg.gather [hbm4b:s1+s3], $0x80, v3, vm0, $0xb8;
	[tilespmem:$0x18400] =	vst v63  }
0xb1: {  	v3 =	vld [tilespmem:$0xE0];
	_ =	sdelay $0x4  }
0xb2: {  	v14 =	vshll.u32 v3, $0x1  }
0xb3: {  	v3 =	vand.u32 $0x7, v3;
	v4 =	vand.u32 $0xFFFFFFF0, v14  }
0xb4: {  	v3 =	vor.u32 v3, v4  }
0xb5: {  	v4 =	vperm.xlane v3, v0;
	_ =	sdelay $0x1  }
0xb6: {  	v3 =	vperm.xlane v3, v2;
	v4 =	vadd.s32 v1, v4;
	_ =	sdelay $0x1  }
0xb7: {  	v3 =	vadd.s32 v1, v3;
	_ =	sdelay $0x1  }
0xb8: {  	s2 =	simm.s32 $0xE400  }
0xb9: {  	[tilespmem:s2], [sflag:$0x2] =	stream.indirect_vreg.gather [hbm4b:s1+s3], $0x80, v4, vm0, $0xb8;
	[tilespmem:$0x18400] =	vst v63  }
0xba: {  	s19 =	simm.s32 $0xEC00  }
0xbb: {  	[tilespmem:s19], [sflag:$0x2] =	stream.indirect_vreg.gather [hbm4b:s1+s3], $0x80, v3, vm0, $0xb8;
	[tilespmem:$0x18400] =	vst v63  }
0xbc: {  	v3 =	vld [tilespmem:$0xF0];
	_ =	sdelay $0x4  }
0xbd: {  	v15 =	vshll.u32 v3, $0x1  }
0xbe: {  	v3 =	vand.u32 $0x7, v3;
	v4 =	vand.u32 $0xFFFFFFF0, v15  }
0xbf: {  	v3 =	vor.u32 v3, v4  }
0xc0: {  	v4 =	vperm.xlane v3, v0;
	_ =	sdelay $0x1  }
0xc1: {  	v3 =	vperm.xlane v3, v2;
	v4 =	vadd.s32 v1, v4;
	_ =	sdelay $0x1  }
0xc2: {  	v3 =	vadd.s32 v1, v3;
	_ =	sdelay $0x1  }
0xc3: {  	s2 =	simm.s32 $0xF400  }
0xc4: {  	[tilespmem:s2], [sflag:$0x2] =	stream.indirect_vreg.gather [hbm4b:s1+s3], $0x80, v4, vm0, $0xb8;
	[tilespmem:$0x18400] =	vst v63  }
0xc5: {  	s19 =	simm.s32 $0xFC00  }
0xc6: {  	[tilespmem:s19], [sflag:$0x2] =	stream.indirect_vreg.gather [hbm4b:s1+s3], $0x80, v3, vm0, $0xb8;
	[tilespmem:$0x18400] =	vst v63  }
0xc7: {  	_ =	swait.ge [sflag:s12], $0x8000  }
0xc8: {  	[sflag:s12] =	ssyncset.done $0x0  }
0xc9: {  	s0 =	rddreg [dreg:$0xc];
	[sflag:s12] =	ssyncadd.s32 $0xFFFF8000  }
0xca: {  	[hbm4b:s0+s3] =	stream.linear.scatter [tilespmem:s28], [sflag:$0x4], $0x8000, $0x38;
	[tilespmem:$0x18400] =	vst v63  }
0xcb: {  	v3 =	vld [tilespmem:$0x100];
	_ =	sdelay $0x4  }
0xcc: {  	v16 =	vshll.u32 v3, $0x1  }
0xcd: {  	v3 =	vand.u32 $0x7, v3;
	v4 =	vand.u32 $0xFFFFFFF0, v16  }
0xce: {  	v3 =	vor.u32 v3, v4  }
0xcf: {  	v4 =	vperm.xlane v3, v0;
	_ =	sdelay $0x1  }
0xd0: {  	v3 =	vperm.xlane v3, v2;
	v4 =	vadd.s32 v1, v4;
	_ =	sdelay $0x1  }
0xd1: {  	v3 =	vadd.s32 v1, v3;
	_ =	sdelay $0x1  }
0xd2: {  	s0 =	simm.s32 $0x10400  }
0xd3: {  	[tilespmem:s0], [sflag:$0x3] =	stream.indirect_vreg.gather [hbm4b:s1+s3], $0x80, v4, vm0, $0xb8;
	[tilespmem:$0x18400] =	vst v63  }
0xd4: {  	s2 =	simm.s32 $0x10C00  }
0xd5: {  	[tilespmem:s2], [sflag:$0x3] =	stream.indirect_vreg.gather [hbm4b:s1+s3], $0x80, v3, vm0, $0xb8;
	[tilespmem:$0x18400] =	vst v63  }
0xd6: {  	v3 =	vld [tilespmem:$0x110];
	_ =	sdelay $0x4  }
0xd7: {  	v17 =	vshll.u32 v3, $0x1  }
0xd8: {  	v3 =	vand.u32 $0x7, v3;
	v4 =	vand.u32 $0xFFFFFFF0, v17  }
0xd9: {  	v3 =	vor.u32 v3, v4  }
0xda: {  	v4 =	vperm.xlane v3, v0;
	_ =	sdelay $0x1  }
0xdb: {  	v3 =	vperm.xlane v3, v2;
	v4 =	vadd.s32 v1, v4;
	_ =	sdelay $0x1  }
0xdc: {  	v3 =	vadd.s32 v1, v3;
	_ =	sdelay $0x2  }
0xdd: {  	[tilespmem:s4], [sflag:$0x3] =	stream.indirect_vreg.gather [hbm4b:s1+s3], $0x80, v4, vm0, $0xb8;
	[tilespmem:$0x18400] =	vst v63  }
0xde: {  	_ = 	snop  }
0xdf: {  	[tilespmem:s6], [sflag:$0x3] =	stream.indirect_vreg.gather [hbm4b:s1+s3], $0x80, v3, vm0, $0xb8;
	[tilespmem:$0x18400] =	vst v63  }
0xe0: {  	v3 =	vld [tilespmem:$0x120];
	_ =	sdelay $0x4  }
0xe1: {  	v18 =	vshll.u32 v3, $0x1  }
0xe2: {  	v3 =	vand.u32 $0x7, v3;
	v4 =	vand.u32 $0xFFFFFFF0, v18  }
0xe3: {  	v3 =	vor.u32 v3, v4  }
0xe4: {  	v4 =	vperm.xlane v3, v0;
	_ =	sdelay $0x1  }
0xe5: {  	v3 =	vperm.xlane v3, v2;
	v4 =	vadd.s32 v1, v4;
	_ =	sdelay $0x1  }
0xe6: {  	v3 =	vadd.s32 v1, v3;
	_ =	sdelay $0x2  }
0xe7: {  	[tilespmem:s7], [sflag:$0x3] =	stream.indirect_vreg.gather [hbm4b:s1+s3], $0x80, v4, vm0, $0xb8;
	[tilespmem:$0x18400] =	vst v63  }
0xe8: {  	_ = 	snop  }
0xe9: {  	[tilespmem:s8], [sflag:$0x3] =	stream.indirect_vreg.gather [hbm4b:s1+s3], $0x80, v3, vm0, $0xb8;
	[tilespmem:$0x18400] =	vst v63  }
0xea: {  	v3 =	vld [tilespmem:$0x130];
	_ =	sdelay $0x4  }
0xeb: {  	v19 =	vshll.u32 v3, $0x1  }
0xec: {  	v3 =	vand.u32 $0x7, v3;
	v4 =	vand.u32 $0xFFFFFFF0, v19  }
0xed: {  	v3 =	vor.u32 v3, v4  }
0xee: {  	v4 =	vperm.xlane v3, v0;
	_ =	sdelay $0x1  }
0xef: {  	v3 =	vperm.xlane v3, v2;
	v4 =	vadd.s32 v1, v4;
	_ =	sdelay $0x1  }
0xf0: {  	v3 =	vadd.s32 v1, v3;
	_ =	sdelay $0x2  }
0xf1: {  	[tilespmem:s9], [sflag:$0x3] =	stream.indirect_vreg.gather [hbm4b:s1+s3], $0x80, v4, vm0, $0xb8;
	[tilespmem:$0x18400] =	vst v63  }
0xf2: {  	_ = 	snop  }
0xf3: {  	[tilespmem:s10], [sflag:$0x3] =	stream.indirect_vreg.gather [hbm4b:s1+s3], $0x80, v3, vm0, $0xb8;
	[tilespmem:$0x18400] =	vst v63  }
0xf4: {  	v3 =	vld [tilespmem:$0x140];
	_ =	sdelay $0x4  }
0xf5: {  	v20 =	vshll.u32 v3, $0x1  }
0xf6: {  	v3 =	vand.u32 $0x7, v3;
	v4 =	vand.u32 $0xFFFFFFF0, v20  }
0xf7: {  	v3 =	vor.u32 v3, v4  }
0xf8: {  	v4 =	vperm.xlane v3, v0;
	_ =	sdelay $0x1  }
0xf9: {  	v3 =	vperm.xlane v3, v2;
	v4 =	vadd.s32 v1, v4;
	_ =	sdelay $0x1  }
0xfa: {  	v3 =	vadd.s32 v1, v3;
	_ =	sdelay $0x2  }
0xfb: {  	[tilespmem:s11], [sflag:$0x3] =	stream.indirect_vreg.gather [hbm4b:s1+s3], $0x80, v4, vm0, $0xb8;
	[tilespmem:$0x18400] =	vst v63  }
0xfc: {  	_ = 	snop  }
0xfd: {  	[tilespmem:s13], [sflag:$0x3] =	stream.indirect_vreg.gather [hbm4b:s1+s3], $0x80, v3, vm0, $0xb8;
	[tilespmem:$0x18400] =	vst v63  }
0xfe: {  	v3 =	vld [tilespmem:$0x150];
	_ =	sdelay $0x4  }
0xff: {  	v21 =	vshll.u32 v3, $0x1  }
0x100: {  	v3 =	vand.u32 $0x7, v3;
	v4 =	vand.u32 $0xFFFFFFF0, v21  }
0x101: {  	v3 =	vor.u32 v3, v4  }
0x102: {  	v4 =	vperm.xlane v3, v0;
	_ =	sdelay $0x1  }
0x103: {  	v3 =	vperm.xlane v3, v2;
	v4 =	vadd.s32 v1, v4;
	_ =	sdelay $0x1  }
0x104: {  	v3 =	vadd.s32 v1, v3;
	_ =	sdelay $0x2  }
0x105: {  	[tilespmem:s20], [sflag:$0x3] =	stream.indirect_vreg.gather [hbm4b:s1+s3], $0x80, v4, vm0, $0xb8;
	[tilespmem:$0x18400] =	vst v63  }
0x106: {  	_ = 	snop  }
0x107: {  	[tilespmem:s21], [sflag:$0x3] =	stream.indirect_vreg.gather [hbm4b:s1+s3], $0x80, v3, vm0, $0xb8;
	[tilespmem:$0x18400] =	vst v63  }
0x108: {  	v3 =	vld [tilespmem:$0x160];
	_ =	sdelay $0x4  }
0x109: {  	v22 =	vshll.u32 v3, $0x1  }
0x10a: {  	v3 =	vand.u32 $0x7, v3;
	v4 =	vand.u32 $0xFFFFFFF0, v22  }
0x10b: {  	v3 =	vor.u32 v3, v4  }
0x10c: {  	v4 =	vperm.xlane v3, v0;
	_ =	sdelay $0x1  }
0x10d: {  	v3 =	vperm.xlane v3, v2;
	v4 =	vadd.s32 v1, v4;
	_ =	sdelay $0x1  }
0x10e: {  	v3 =	vadd.s32 v1, v3;
	_ =	sdelay $0x2  }
0x10f: {  	[tilespmem:s22], [sflag:$0x3] =	stream.indirect_vreg.gather [hbm4b:s1+s3], $0x80, v4, vm0, $0xb8;
	[tilespmem:$0x18400] =	vst v63  }
0x110: {  	_ = 	snop  }
0x111: {  	[tilespmem:s24], [sflag:$0x3] =	stream.indirect_vreg.gather [hbm4b:s1+s3], $0x80, v3, vm0, $0xb8;
	[tilespmem:$0x18400] =	vst v63  }
0x112: {  	v3 =	vld [tilespmem:$0x170];
	_ =	sdelay $0x4  }
0x113: {  	v23 =	vshll.u32 v3, $0x1  }
0x114: {  	v3 =	vand.u32 $0x7, v3;
	v4 =	vand.u32 $0xFFFFFFF0, v23  }
0x115: {  	v3 =	vor.u32 v3, v4  }
0x116: {  	v4 =	vperm.xlane v3, v0;
	_ =	sdelay $0x1  }
0x117: {  	v3 =	vperm.xlane v3, v2;
	v4 =	vadd.s32 v1, v4;
	_ =	sdelay $0x1  }
0x118: {  	v3 =	vadd.s32 v1, v3;
	_ =	sdelay $0x2  }
0x119: {  	[tilespmem:s25], [sflag:$0x3] =	stream.indirect_vreg.gather [hbm4b:s1+s3], $0x80, v4, vm0, $0xb8;
	[tilespmem:$0x18400] =	vst v63  }
0x11a: {  	_ = 	snop  }
0x11b: {  	[tilespmem:s26], [sflag:$0x3] =	stream.indirect_vreg.gather [hbm4b:s1+s3], $0x80, v3, vm0, $0xb8;
	[tilespmem:$0x18400] =	vst v63  }
0x11c: {  	_ =	swait.ge [sflag:s14], $0x8000  }
0x11d: {  	[sflag:s14] =	ssyncset.done $0x0  }
0x11e: {  	s19 =	rddreg [dreg:$0x5];
	[sflag:s14] =	ssyncadd.s32 $0xFFFF8000  }
0x11f: {  	[hbm4b:s19+s3] =	stream.linear.scatter [tilespmem:s23], [sflag:$0x5], $0x8000, $0x38;
	[tilespmem:$0x18400] =	vst v63  }
0x120: {  	_ =	swait.ge [sflag:s15], $0x8000  }
0x121: {  	[sflag:s15] =	ssyncset.done $0x0  }
0x122: {  	[sflag:s15] =	ssyncadd.s32 $0xFFFF8000  }
0x123: {  	v3 =	vld [tilespmem:$0x180];
	_ =	sdelay $0x4  }
0x124: {  	v24 =	vshll.u32 v3, $0x1  }
0x125: {  	v3 =	vand.u32 $0x7, v3;
	v4 =	vand.u32 $0xFFFFFFF0, v24  }
0x126: {  	v3 =	vor.u32 v3, v4  }
0x127: {  	v4 =	vperm.xlane v3, v0;
	_ =	sdelay $0x1  }
0x128: {  	v3 =	vperm.xlane v3, v2;
	v4 =	vadd.s32 v1, v4;
	_ =	sdelay $0x1  }
0x129: {  	v3 =	vadd.s32 v1, v3;
	_ =	sdelay $0x2  }
0x12a: {  	[tilespmem:s28], [sflag:$0x1] =	stream.indirect_vreg.gather [hbm4b:s1+s3], $0x80, v4, vm0, $0xb8;
	[tilespmem:$0x18400] =	vst v63  }
0x12b: {  	s19 =	simm.s32 $0xC00  }
0x12c: {  	[tilespmem:s19], [sflag:$0x1] =	stream.indirect_vreg.gather [hbm4b:s1+s3], $0x80, v3, vm0, $0xb8;
	[tilespmem:$0x18400] =	vst v63  }
0x12d: {  	v3 =	vld [tilespmem:$0x190];
	_ =	sdelay $0x4  }
0x12e: {  	v25 =	vshll.u32 v3, $0x1  }
0x12f: {  	v3 =	vand.u32 $0x7, v3;
	v4 =	vand.u32 $0xFFFFFFF0, v25  }
0x130: {  	v3 =	vor.u32 v3, v4  }
0x131: {  	v4 =	vperm.xlane v3, v0;
	_ =	sdelay $0x1  }
0x132: {  	v3 =	vperm.xlane v3, v2;
	v4 =	vadd.s32 v1, v4;
	_ =	sdelay $0x1  }
0x133: {  	v3 =	vadd.s32 v1, v3;
	_ =	sdelay $0x1  }
0x134: {  	s19 =	simm.s32 $0x1400  }
0x135: {  	[tilespmem:s19], [sflag:$0x1] =	stream.indirect_vreg.gather [hbm4b:s1+s3], $0x80, v4, vm0, $0xb8;
	[tilespmem:$0x18400] =	vst v63  }
0x136: {  	s19 =	simm.s32 $0x1C00  }
0x137: {  	[tilespmem:s19], [sflag:$0x1] =	stream.indirect_vreg.gather [hbm4b:s1+s3], $0x80, v3, vm0, $0xb8;
	[tilespmem:$0x18400] =	vst v63  }
0x138: {  	v3 =	vld [tilespmem:$0x1A0];
	_ =	sdelay $0x4  }
0x139: {  	v26 =	vshll.u32 v3, $0x1  }
0x13a: {  	v3 =	vand.u32 $0x7, v3;
	v4 =	vand.u32 $0xFFFFFFF0, v26  }
0x13b: {  	v3 =	vor.u32 v3, v4  }
0x13c: {  	v4 =	vperm.xlane v3, v0;
	_ =	sdelay $0x1  }
0x13d: {  	v3 =	vperm.xlane v3, v2;
	v4 =	vadd.s32 v1, v4;
	_ =	sdelay $0x1  }
0x13e: {  	v3 =	vadd.s32 v1, v3;
	_ =	sdelay $0x1  }
0x13f: {  	s19 =	simm.s32 $0x2400  }
0x140: {  	[tilespmem:s19], [sflag:$0x1] =	stream.indirect_vreg.gather [hbm4b:s1+s3], $0x80, v4, vm0, $0xb8;
	[tilespmem:$0x18400] =	vst v63  }
0x141: {  	s19 =	simm.s32 $0x2C00  }
0x142: {  	[tilespmem:s19], [sflag:$0x1] =	stream.indirect_vreg.gather [hbm4b:s1+s3], $0x80, v3, vm0, $0xb8;
	[tilespmem:$0x18400] =	vst v63  }
0x143: {  	v3 =	vld [tilespmem:$0x1B0];
	_ =	sdelay $0x4  }
0x144: {  	v27 =	vshll.u32 v3, $0x1  }
0x145: {  	v3 =	vand.u32 $0x7, v3;
	v4 =	vand.u32 $0xFFFFFFF0, v27  }
0x146: {  	v3 =	vor.u32 v3, v4  }
0x147: {  	v4 =	vperm.xlane v3, v0;
	_ =	sdelay $0x1  }
0x148: {  	v3 =	vperm.xlane v3, v2;
	v4 =	vadd.s32 v1, v4;
	_ =	sdelay $0x1  }
0x149: {  	v3 =	vadd.s32 v1, v3;
	_ =	sdelay $0x1  }
0x14a: {  	s19 =	simm.s32 $0x3400  }
0x14b: {  	[tilespmem:s19], [sflag:$0x1] =	stream.indirect_vreg.gather [hbm4b:s1+s3], $0x80, v4, vm0, $0xb8;
	[tilespmem:$0x18400] =	vst v63  }
0x14c: {  	s19 =	simm.s32 $0x3C00  }
0x14d: {  	[tilespmem:s19], [sflag:$0x1] =	stream.indirect_vreg.gather [hbm4b:s1+s3], $0x80, v3, vm0, $0xb8;
	[tilespmem:$0x18400] =	vst v63  }
0x14e: {  	v3 =	vld [tilespmem:$0x1C0];
	_ =	sdelay $0x4  }
0x14f: {  	v28 =	vshll.u32 v3, $0x1  }
0x150: {  	v3 =	vand.u32 $0x7, v3;
	v4 =	vand.u32 $0xFFFFFFF0, v28  }
0x151: {  	v3 =	vor.u32 v3, v4  }
0x152: {  	v4 =	vperm.xlane v3, v0;
	_ =	sdelay $0x1  }
0x153: {  	v3 =	vperm.xlane v3, v2;
	v4 =	vadd.s32 v1, v4;
	_ =	sdelay $0x1  }
0x154: {  	v3 =	vadd.s32 v1, v3;
	_ =	sdelay $0x2  }
0x155: {  	[tilespmem:s29], [sflag:$0x1] =	stream.indirect_vreg.gather [hbm4b:s1+s3], $0x80, v4, vm0, $0xb8;
	[tilespmem:$0x18400] =	vst v63  }
0x156: {  	_ = 	snop  }
0x157: {  	[tilespmem:s30], [sflag:$0x1] =	stream.indirect_vreg.gather [hbm4b:s1+s3], $0x80, v3, vm0, $0xb8;
	[tilespmem:$0x18400] =	vst v63  }
0x158: {  	v3 =	vld [tilespmem:$0x1D0];
	_ =	sdelay $0x4  }
0x159: {  	v29 =	vshll.u32 v3, $0x1  }
0x15a: {  	v3 =	vand.u32 $0x7, v3;
	v4 =	vand.u32 $0xFFFFFFF0, v29  }
0x15b: {  	v3 =	vor.u32 v3, v4  }
0x15c: {  	v4 =	vperm.xlane v3, v0;
	_ =	sdelay $0x1  }
0x15d: {  	v3 =	vperm.xlane v3, v2;
	v4 =	vadd.s32 v1, v4;
	_ =	sdelay $0x1  }
0x15e: {  	v3 =	vadd.s32 v1, v3;
	_ =	sdelay $0x2  }
0x15f: {  	[tilespmem:s31], [sflag:$0x1] =	stream.indirect_vreg.gather [hbm4b:s1+s3], $0x80, v4, vm0, $0xb8;
	[tilespmem:$0x18400] =	vst v63  }
0x160: {  	s19 =	simm.s32 $0x5C00  }
0x161: {  	[tilespmem:s19], [sflag:$0x1] =	stream.indirect_vreg.gather [hbm4b:s1+s3], $0x80, v3, vm0, $0xb8;
	[tilespmem:$0x18400] =	vst v63  }
0x162: {  	v3 =	vld [tilespmem:$0x1E0];
	_ =	sdelay $0x4  }
0x163: {  	v30 =	vshll.u32 v3, $0x1  }
0x164: {  	v3 =	vand.u32 $0x7, v3;
	v4 =	vand.u32 $0xFFFFFFF0, v30  }
0x165: {  	v3 =	vor.u32 v3, v4  }
0x166: {  	v4 =	vperm.xlane v3, v0;
	_ =	sdelay $0x1  }
0x167: {  	v3 =	vperm.xlane v3, v2;
	v4 =	vadd.s32 v1, v4;
	_ =	sdelay $0x1  }
0x168: {  	v3 =	vadd.s32 v1, v3;
	_ =	sdelay $0x1  }
0x169: {  	s19 =	simm.s32 $0x6400  }
0x16a: {  	[tilespmem:s19], [sflag:$0x1] =	stream.indirect_vreg.gather [hbm4b:s1+s3], $0x80, v4, vm0, $0xb8;
	[tilespmem:$0x18400] =	vst v63  }
0x16b: {  	s19 =	simm.s32 $0x6C00  }
0x16c: {  	[tilespmem:s19], [sflag:$0x1] =	stream.indirect_vreg.gather [hbm4b:s1+s3], $0x80, v3, vm0, $0xb8;
	[tilespmem:$0x18400] =	vst v63  }
0x16d: {  	v3 =	vld [tilespmem:$0x1F0];
	_ =	sdelay $0x4  }
0x16e: {  	v31 =	vshll.u32 v3, $0x1  }
0x16f: {  	v3 =	vand.u32 $0x7, v3;
	v4 =	vand.u32 $0xFFFFFFF0, v31  }
0x170: {  	v3 =	vor.u32 v3, v4  }
0x171: {  	v4 =	vperm.xlane v3, v0;
	_ =	sdelay $0x1  }
0x172: {  	v3 =	vperm.xlane v3, v2;
	v4 =	vadd.s32 v1, v4;
	_ =	sdelay $0x1  }
0x173: {  	v3 =	vadd.s32 v1, v3;
	_ =	sdelay $0x1  }
0x174: {  	s19 =	simm.s32 $0x7400  }
0x175: {  	[tilespmem:s19], [sflag:$0x1] =	stream.indirect_vreg.gather [hbm4b:s1+s3], $0x80, v4, vm0, $0xb8;
	[tilespmem:$0x18400] =	vst v63  }
0x176: {  	s19 =	simm.s32 $0x7C00  }
0x177: {  	[tilespmem:s19], [sflag:$0x1] =	stream.indirect_vreg.gather [hbm4b:s1+s3], $0x80, v3, vm0, $0xb8;
	[tilespmem:$0x18400] =	vst v63  }
0x178: {  	_ =	swait.ge [sflag:s16], $0x8000  }
0x179: {  	[sflag:s16] =	ssyncset.done $0x0  }
0x17a: {  	s19 =	rddreg [dreg:$0x6];
	[sflag:s16] =	ssyncadd.s32 $0xFFFF8000  }
0x17b: {  	[hbm4b:s19+s3] =	stream.linear.scatter [tilespmem:s0], [sflag:$0x6], $0x8000, $0x38;
	[tilespmem:$0x18400] =	vst v63  }
0x17c: {  	_ =	swait.ge [sflag:s17], $0x8000  }
0x17d: {  	[sflag:s17] =	ssyncset.done $0x0  }
0x17e: {  	[sflag:s17] =	ssyncadd.s32 $0xFFFF8000  }
0x17f: {  	v3 =	vld [tilespmem:$0x200];
	_ =	sdelay $0x4  }
0x180: {  	v32 =	vshll.u32 v3, $0x1  }
0x181: {  	v3 =	vand.u32 $0x7, v3;
	v4 =	vand.u32 $0xFFFFFFF0, v32  }
0x182: {  	v3 =	vor.u32 v3, v4  }
0x183: {  	v4 =	vperm.xlane v3, v0;
	_ =	sdelay $0x1  }
0x184: {  	v3 =	vperm.xlane v3, v2;
	v4 =	vadd.s32 v1, v4;
	_ =	sdelay $0x1  }
0x185: {  	v3 =	vadd.s32 v1, v3;
	_ =	sdelay $0x2  }
0x186: {  	[tilespmem:s23], [sflag:$0x2] =	stream.indirect_vreg.gather [hbm4b:s1+s3], $0x80, v4, vm0, $0xb8;
	[tilespmem:$0x18400] =	vst v63  }
0x187: {  	s19 =	simm.s32 $0x8C00  }
0x188: {  	[tilespmem:s19], [sflag:$0x2] =	stream.indirect_vreg.gather [hbm4b:s1+s3], $0x80, v3, vm0, $0xb8;
	[tilespmem:$0x18400] =	vst v63  }
0x189: {  	v3 =	vld [tilespmem:$0x210];
	_ =	sdelay $0x4  }
0x18a: {  	v33 =	vshll.u32 v3, $0x1  }
0x18b: {  	v3 =	vand.u32 $0x7, v3;
	v4 =	vand.u32 $0xFFFFFFF0, v33  }
0x18c: {  	v3 =	vor.u32 v3, v4  }
0x18d: {  	v4 =	vperm.xlane v3, v0;
	_ =	sdelay $0x1  }
0x18e: {  	v3 =	vperm.xlane v3, v2;
	v4 =	vadd.s32 v1, v4;
	_ =	sdelay $0x1  }
0x18f: {  	v3 =	vadd.s32 v1, v3;
	_ =	sdelay $0x1  }
0x190: {  	s19 =	simm.s32 $0x9400  }
0x191: {  	[tilespmem:s19], [sflag:$0x2] =	stream.indirect_vreg.gather [hbm4b:s1+s3], $0x80, v4, vm0, $0xb8;
	[tilespmem:$0x18400] =	vst v63  }
0x192: {  	s19 =	simm.s32 $0x9C00  }
0x193: {  	[tilespmem:s19], [sflag:$0x2] =	stream.indirect_vreg.gather [hbm4b:s1+s3], $0x80, v3, vm0, $0xb8;
	[tilespmem:$0x18400] =	vst v63  }
0x194: {  	v3 =	vld [tilespmem:$0x220];
	_ =	sdelay $0x4  }
0x195: {  	v34 =	vshll.u32 v3, $0x1  }
0x196: {  	v3 =	vand.u32 $0x7, v3;
	v4 =	vand.u32 $0xFFFFFFF0, v34  }
0x197: {  	v3 =	vor.u32 v3, v4  }
0x198: {  	v4 =	vperm.xlane v3, v0;
	_ =	sdelay $0x1  }
0x199: {  	v3 =	vperm.xlane v3, v2;
	v4 =	vadd.s32 v1, v4;
	_ =	sdelay $0x1  }
0x19a: {  	v3 =	vadd.s32 v1, v3;
	_ =	sdelay $0x1  }
0x19b: {  	s19 =	simm.s32 $0xA400  }
0x19c: {  	[tilespmem:s19], [sflag:$0x2] =	stream.indirect_vreg.gather [hbm4b:s1+s3], $0x80, v4, vm0, $0xb8;
	[tilespmem:$0x18400] =	vst v63  }
0x19d: {  	s19 =	simm.s32 $0xAC00  }
0x19e: {  	[tilespmem:s19], [sflag:$0x2] =	stream.indirect_vreg.gather [hbm4b:s1+s3], $0x80, v3, vm0, $0xb8;
	[tilespmem:$0x18400] =	vst v63  }
0x19f: {  	v3 =	vld [tilespmem:$0x230];
	_ =	sdelay $0x4  }
0x1a0: {  	v35 =	vshll.u32 v3, $0x1  }
0x1a1: {  	v3 =	vand.u32 $0x7, v3;
	v4 =	vand.u32 $0xFFFFFFF0, v35  }
0x1a2: {  	v3 =	vor.u32 v3, v4  }
0x1a3: {  	v4 =	vperm.xlane v3, v0;
	_ =	sdelay $0x1  }
0x1a4: {  	v3 =	vperm.xlane v3, v2;
	v4 =	vadd.s32 v1, v4;
	_ =	sdelay $0x1  }
0x1a5: {  	v3 =	vadd.s32 v1, v3;
	_ =	sdelay $0x1  }
0x1a6: {  	s19 =	simm.s32 $0xB400  }
0x1a7: {  	[tilespmem:s19], [sflag:$0x2] =	stream.indirect_vreg.gather [hbm4b:s1+s3], $0x80, v4, vm0, $0xb8;
	[tilespmem:$0x18400] =	vst v63  }
0x1a8: {  	s19 =	simm.s32 $0xBC00  }
0x1a9: {  	[tilespmem:s19], [sflag:$0x2] =	stream.indirect_vreg.gather [hbm4b:s1+s3], $0x80, v3, vm0, $0xb8;
	[tilespmem:$0x18400] =	vst v63  }
0x1aa: {  	v3 =	vld [tilespmem:$0x240];
	_ =	sdelay $0x4  }
0x1ab: {  	v36 =	vshll.u32 v3, $0x1  }
0x1ac: {  	v3 =	vand.u32 $0x7, v3;
	v4 =	vand.u32 $0xFFFFFFF0, v36  }
0x1ad: {  	v3 =	vor.u32 v3, v4  }
0x1ae: {  	v4 =	vperm.xlane v3, v0;
	_ =	sdelay $0x1  }
0x1af: {  	v3 =	vperm.xlane v3, v2;
	v4 =	vadd.s32 v1, v4;
	_ =	sdelay $0x1  }
0x1b0: {  	v3 =	vadd.s32 v1, v3;
	_ =	sdelay $0x1  }
0x1b1: {  	s19 =	simm.s32 $0xC400  }
0x1b2: {  	[tilespmem:s19], [sflag:$0x2] =	stream.indirect_vreg.gather [hbm4b:s1+s3], $0x80, v4, vm0, $0xb8;
	[tilespmem:$0x18400] =	vst v63  }
0x1b3: {  	s19 =	simm.s32 $0xCC00  }
0x1b4: {  	[tilespmem:s19], [sflag:$0x2] =	stream.indirect_vreg.gather [hbm4b:s1+s3], $0x80, v3, vm0, $0xb8;
	[tilespmem:$0x18400] =	vst v63  }
0x1b5: {  	v3 =	vld [tilespmem:$0x250];
	_ =	sdelay $0x4  }
0x1b6: {  	v37 =	vshll.u32 v3, $0x1  }
0x1b7: {  	v3 =	vand.u32 $0x7, v3;
	v4 =	vand.u32 $0xFFFFFFF0, v37  }
0x1b8: {  	v3 =	vor.u32 v3, v4  }
0x1b9: {  	v4 =	vperm.xlane v3, v0;
	_ =	sdelay $0x1  }
0x1ba: {  	v3 =	vperm.xlane v3, v2;
	v4 =	vadd.s32 v1, v4;
	_ =	sdelay $0x1  }
0x1bb: {  	v3 =	vadd.s32 v1, v3;
	_ =	sdelay $0x1  }
0x1bc: {  	s19 =	simm.s32 $0xD400  }
0x1bd: {  	[tilespmem:s19], [sflag:$0x2] =	stream.indirect_vreg.gather [hbm4b:s1+s3], $0x80, v4, vm0, $0xb8;
	[tilespmem:$0x18400] =	vst v63  }
0x1be: {  	s19 =	simm.s32 $0xDC00  }
0x1bf: {  	[tilespmem:s19], [sflag:$0x2] =	stream.indirect_vreg.gather [hbm4b:s1+s3], $0x80, v3, vm0, $0xb8;
	[tilespmem:$0x18400] =	vst v63  }
0x1c0: {  	v3 =	vld [tilespmem:$0x260];
	_ =	sdelay $0x4  }
0x1c1: {  	v38 =	vshll.u32 v3, $0x1  }
0x1c2: {  	v3 =	vand.u32 $0x7, v3;
	v4 =	vand.u32 $0xFFFFFFF0, v38  }
0x1c3: {  	v3 =	vor.u32 v3, v4  }
0x1c4: {  	v4 =	vperm.xlane v3, v0;
	_ =	sdelay $0x1  }
0x1c5: {  	v3 =	vperm.xlane v3, v2;
	v4 =	vadd.s32 v1, v4;
	_ =	sdelay $0x1  }
0x1c6: {  	v3 =	vadd.s32 v1, v3;
	_ =	sdelay $0x1  }
0x1c7: {  	s19 =	simm.s32 $0xE400  }
0x1c8: {  	[tilespmem:s19], [sflag:$0x2] =	stream.indirect_vreg.gather [hbm4b:s1+s3], $0x80, v4, vm0, $0xb8;
	[tilespmem:$0x18400] =	vst v63  }
0x1c9: {  	s19 =	simm.s32 $0xEC00  }
0x1ca: {  	[tilespmem:s19], [sflag:$0x2] =	stream.indirect_vreg.gather [hbm4b:s1+s3], $0x80, v3, vm0, $0xb8;
	[tilespmem:$0x18400] =	vst v63  }
0x1cb: {  	v3 =	vld [tilespmem:$0x270];
	_ =	sdelay $0x4  }
0x1cc: {  	v39 =	vshll.u32 v3, $0x1  }
0x1cd: {  	v3 =	vand.u32 $0x7, v3;
	v4 =	vand.u32 $0xFFFFFFF0, v39  }
0x1ce: {  	v3 =	vor.u32 v3, v4  }
0x1cf: {  	v4 =	vperm.xlane v3, v0;
	_ =	sdelay $0x1  }
0x1d0: {  	v3 =	vperm.xlane v3, v2;
	v4 =	vadd.s32 v1, v4;
	_ =	sdelay $0x1  }
0x1d1: {  	v3 =	vadd.s32 v1, v3;
	_ =	sdelay $0x1  }
0x1d2: {  	s19 =	simm.s32 $0xF400  }
0x1d3: {  	[tilespmem:s19], [sflag:$0x2] =	stream.indirect_vreg.gather [hbm4b:s1+s3], $0x80, v4, vm0, $0xb8;
	[tilespmem:$0x18400] =	vst v63  }
0x1d4: {  	s19 =	simm.s32 $0xFC00  }
0x1d5: {  	[tilespmem:s19], [sflag:$0x2] =	stream.indirect_vreg.gather [hbm4b:s1+s3], $0x80, v3, vm0, $0xb8;
	[tilespmem:$0x18400] =	vst v63  }
0x1d6: {  	_ =	swait.ge [sflag:s12], $0x8000  }
0x1d7: {  	[sflag:s12] =	ssyncset.done $0x0  }
0x1d8: {  	s19 =	rddreg [dreg:$0x7];
	[sflag:s12] =	ssyncadd.s32 $0xFFFF8000  }
0x1d9: {  	[hbm4b:s19+s3] =	stream.linear.scatter [tilespmem:s28], [sflag:$0x4], $0x8000, $0x38;
	[tilespmem:$0x18400] =	vst v63  }
0x1da: {  	_ =	swait.ge [sflag:s18], $0x8000  }
0x1db: {  	[sflag:s18] =	ssyncset.done $0x0  }
0x1dc: {  	[sflag:s18] =	ssyncadd.s32 $0xFFFF8000  }
0x1dd: {  	v3 =	vld [tilespmem:$0x280];
	_ =	sdelay $0x4  }
0x1de: {  	v40 =	vshll.u32 v3, $0x1  }
0x1df: {  	v3 =	vand.u32 $0x7, v3;
	v4 =	vand.u32 $0xFFFFFFF0, v40  }
0x1e0: {  	v3 =	vor.u32 v3, v4  }
0x1e1: {  	v4 =	vperm.xlane v3, v0;
	_ =	sdelay $0x1  }
0x1e2: {  	v3 =	vperm.xlane v3, v2;
	v4 =	vadd.s32 v1, v4;
	_ =	sdelay $0x1  }
0x1e3: {  	v3 =	vadd.s32 v1, v3;
	_ =	sdelay $0x2  }
0x1e4: {  	[tilespmem:s0], [sflag:$0x3] =	stream.indirect_vreg.gather [hbm4b:s1+s3], $0x80, v4, vm0, $0xb8;
	[tilespmem:$0x18400] =	vst v63  }
0x1e5: {  	_ = 	snop  }
0x1e6: {  	[tilespmem:s2], [sflag:$0x3] =	stream.indirect_vreg.gather [hbm4b:s1+s3], $0x80, v3, vm0, $0xb8;
	[tilespmem:$0x18400] =	vst v63  }
0x1e7: {  	v3 =	vld [tilespmem:$0x290];
	_ =	sdelay $0x4  }
0x1e8: {  	v41 =	vshll.u32 v3, $0x1  }
0x1e9: {  	v3 =	vand.u32 $0x7, v3;
	v4 =	vand.u32 $0xFFFFFFF0, v41  }
0x1ea: {  	v3 =	vor.u32 v3, v4  }
0x1eb: {  	v4 =	vperm.xlane v3, v0;
	_ =	sdelay $0x1  }
0x1ec: {  	v3 =	vperm.xlane v3, v2;
	v4 =	vadd.s32 v1, v4;
	_ =	sdelay $0x1  }
0x1ed: {  	v3 =	vadd.s32 v1, v3;
	_ =	sdelay $0x2  }
0x1ee: {  	[tilespmem:s4], [sflag:$0x3] =	stream.indirect_vreg.gather [hbm4b:s1+s3], $0x80, v4, vm0, $0xb8;
	[tilespmem:$0x18400] =	vst v63  }
0x1ef: {  	_ = 	snop  }
0x1f0: {  	[tilespmem:s6], [sflag:$0x3] =	stream.indirect_vreg.gather [hbm4b:s1+s3], $0x80, v3, vm0, $0xb8;
	[tilespmem:$0x18400] =	vst v63  }
0x1f1: {  	v3 =	vld [tilespmem:$0x2A0];
	_ =	sdelay $0x4  }
0x1f2: {  	v42 =	vshll.u32 v3, $0x1  }
0x1f3: {  	v3 =	vand.u32 $0x7, v3;
	v4 =	vand.u32 $0xFFFFFFF0, v42  }
0x1f4: {  	v3 =	vor.u32 v3, v4  }
0x1f5: {  	v4 =	vperm.xlane v3, v0;
	_ =	sdelay $0x1  }
0x1f6: {  	v3 =	vperm.xlane v3, v2;
	v4 =	vadd.s32 v1, v4;
	_ =	sdelay $0x1  }
0x1f7: {  	v3 =	vadd.s32 v1, v3;
	_ =	sdelay $0x2  }
0x1f8: {  	[tilespmem:s7], [sflag:$0x3] =	stream.indirect_vreg.gather [hbm4b:s1+s3], $0x80, v4, vm0, $0xb8;
	[tilespmem:$0x18400] =	vst v63  }
0x1f9: {  	_ = 	snop  }
0x1fa: {  	[tilespmem:s8], [sflag:$0x3] =	stream.indirect_vreg.gather [hbm4b:s1+s3], $0x80, v3, vm0, $0xb8;
	[tilespmem:$0x18400] =	vst v63  }
0x1fb: {  	v3 =	vld [tilespmem:$0x2B0];
	_ =	sdelay $0x4  }
0x1fc: {  	v43 =	vshll.u32 v3, $0x1  }
0x1fd: {  	v3 =	vand.u32 $0x7, v3;
	v4 =	vand.u32 $0xFFFFFFF0, v43  }
0x1fe: {  	v3 =	vor.u32 v3, v4  }
0x1ff: {  	v4 =	vperm.xlane v3, v0;
	_ =	sdelay $0x1  }
0x200: {  	v3 =	vperm.xlane v3, v2;
	v4 =	vadd.s32 v1, v4;
	_ =	sdelay $0x1  }
0x201: {  	v3 =	vadd.s32 v1, v3;
	_ =	sdelay $0x2  }
0x202: {  	[tilespmem:s9], [sflag:$0x3] =	stream.indirect_vreg.gather [hbm4b:s1+s3], $0x80, v4, vm0, $0xb8;
	[tilespmem:$0x18400] =	vst v63  }
0x203: {  	_ = 	snop  }
0x204: {  	[tilespmem:s10], [sflag:$0x3] =	stream.indirect_vreg.gather [hbm4b:s1+s3], $0x80, v3, vm0, $0xb8;
	[tilespmem:$0x18400] =	vst v63  }
0x205: {  	v3 =	vld [tilespmem:$0x2C0];
	_ =	sdelay $0x4  }
0x206: {  	v44 =	vshll.u32 v3, $0x1  }
0x207: {  	v3 =	vand.u32 $0x7, v3;
	v4 =	vand.u32 $0xFFFFFFF0, v44  }
0x208: {  	v3 =	vor.u32 v3, v4  }
0x209: {  	v4 =	vperm.xlane v3, v0;
	_ =	sdelay $0x1  }
0x20a: {  	v3 =	vperm.xlane v3, v2;
	v4 =	vadd.s32 v1, v4;
	_ =	sdelay $0x1  }
0x20b: {  	v3 =	vadd.s32 v1, v3;
	_ =	sdelay $0x2  }
0x20c: {  	[tilespmem:s11], [sflag:$0x3] =	stream.indirect_vreg.gather [hbm4b:s1+s3], $0x80, v4, vm0, $0xb8;
	[tilespmem:$0x18400] =	vst v63  }
0x20d: {  	_ = 	snop  }
0x20e: {  	[tilespmem:s13], [sflag:$0x3] =	stream.indirect_vreg.gather [hbm4b:s1+s3], $0x80, v3, vm0, $0xb8;
	[tilespmem:$0x18400] =	vst v63  }
0x20f: {  	v3 =	vld [tilespmem:$0x2D0];
	_ =	sdelay $0x4  }
0x210: {  	v45 =	vshll.u32 v3, $0x1  }
0x211: {  	v3 =	vand.u32 $0x7, v3;
	v4 =	vand.u32 $0xFFFFFFF0, v45  }
0x212: {  	v3 =	vor.u32 v3, v4  }
0x213: {  	v4 =	vperm.xlane v3, v0;
	_ =	sdelay $0x1  }
0x214: {  	v3 =	vperm.xlane v3, v2;
	v4 =	vadd.s32 v1, v4;
	_ =	sdelay $0x1  }
0x215: {  	v3 =	vadd.s32 v1, v3;
	_ =	sdelay $0x2  }
0x216: {  	[tilespmem:s20], [sflag:$0x3] =	stream.indirect_vreg.gather [hbm4b:s1+s3], $0x80, v4, vm0, $0xb8;
	[tilespmem:$0x18400] =	vst v63  }
0x217: {  	_ = 	snop  }
0x218: {  	[tilespmem:s21], [sflag:$0x3] =	stream.indirect_vreg.gather [hbm4b:s1+s3], $0x80, v3, vm0, $0xb8;
	[tilespmem:$0x18400] =	vst v63  }
0x219: {  	v3 =	vld [tilespmem:$0x2E0];
	_ =	sdelay $0x4  }
0x21a: {  	v46 =	vshll.u32 v3, $0x1  }
0x21b: {  	v3 =	vand.u32 $0x7, v3;
	v4 =	vand.u32 $0xFFFFFFF0, v46  }
0x21c: {  	v3 =	vor.u32 v3, v4  }
0x21d: {  	v4 =	vperm.xlane v3, v0;
	_ =	sdelay $0x1  }
0x21e: {  	v3 =	vperm.xlane v3, v2;
	v4 =	vadd.s32 v1, v4;
	_ =	sdelay $0x1  }
0x21f: {  	v3 =	vadd.s32 v1, v3;
	_ =	sdelay $0x2  }
0x220: {  	[tilespmem:s22], [sflag:$0x3] =	stream.indirect_vreg.gather [hbm4b:s1+s3], $0x80, v4, vm0, $0xb8;
	[tilespmem:$0x18400] =	vst v63  }
0x221: {  	_ = 	snop  }
0x222: {  	[tilespmem:s24], [sflag:$0x3] =	stream.indirect_vreg.gather [hbm4b:s1+s3], $0x80, v3, vm0, $0xb8;
	[tilespmem:$0x18400] =	vst v63  }
0x223: {  	v3 =	vld [tilespmem:$0x2F0];
	_ =	sdelay $0x4  }
0x224: {  	v47 =	vshll.u32 v3, $0x1  }
0x225: {  	v3 =	vand.u32 $0x7, v3;
	v4 =	vand.u32 $0xFFFFFFF0, v47  }
0x226: {  	v3 =	vor.u32 v3, v4  }
0x227: {  	v4 =	vperm.xlane v3, v0;
	_ =	sdelay $0x1  }
0x228: {  	v3 =	vperm.xlane v3, v2;
	v4 =	vadd.s32 v1, v4;
	_ =	sdelay $0x1  }
0x229: {  	v3 =	vadd.s32 v1, v3;
	_ =	sdelay $0x2  }
0x22a: {  	[tilespmem:s25], [sflag:$0x3] =	stream.indirect_vreg.gather [hbm4b:s1+s3], $0x80, v4, vm0, $0xb8;
	[tilespmem:$0x18400] =	vst v63  }
0x22b: {  	_ = 	snop  }
0x22c: {  	[tilespmem:s26], [sflag:$0x3] =	stream.indirect_vreg.gather [hbm4b:s1+s3], $0x80, v3, vm0, $0xb8;
	[tilespmem:$0x18400] =	vst v63  }
0x22d: {  	_ =	swait.ge [sflag:s14], $0x8000  }
0x22e: {  	[sflag:s14] =	ssyncset.done $0x0  }
0x22f: {  	s2 =	rddreg [dreg:$0x8];
	[sflag:s14] =	ssyncadd.s32 $0xFFFF8000  }
0x230: {  	[hbm4b:s2+s3] =	stream.linear.scatter [tilespmem:s23], [sflag:$0x5], $0x8000, $0x38;
	[tilespmem:$0x18400] =	vst v63  }
0x231: {  	_ =	swait.ge [sflag:s15], $0x8000  }
0x232: {  	[sflag:s15] =	ssyncset.done $0x0  }
0x233: {  	[sflag:s15] =	ssyncadd.s32 $0xFFFF8000  }
0x234: {  	v3 =	vld [tilespmem:$0x300];
	_ =	sdelay $0x4  }
0x235: {  	v48 =	vshll.u32 v3, $0x1  }
0x236: {  	v3 =	vand.u32 $0x7, v3;
	v4 =	vand.u32 $0xFFFFFFF0, v48  }
0x237: {  	v3 =	vor.u32 v3, v4  }
0x238: {  	v4 =	vperm.xlane v3, v0;
	_ =	sdelay $0x1  }
0x239: {  	v3 =	vperm.xlane v3, v2;
	v4 =	vadd.s32 v1, v4;
	_ =	sdelay $0x1  }
0x23a: {  	v3 =	vadd.s32 v1, v3;
	_ =	sdelay $0x2  }
0x23b: {  	[tilespmem:s28], [sflag:$0x1] =	stream.indirect_vreg.gather [hbm4b:s1+s3], $0x80, v4, vm0, $0xb8;
	[tilespmem:$0x18400] =	vst v63  }
0x23c: {  	s19 =	simm.s32 $0xC00  }
0x23d: {  	[tilespmem:s19], [sflag:$0x1] =	stream.indirect_vreg.gather [hbm4b:s1+s3], $0x80, v3, vm0, $0xb8;
	[tilespmem:$0x18400] =	vst v63  }
0x23e: {  	v3 =	vld [tilespmem:$0x310];
	_ =	sdelay $0x4  }
0x23f: {  	v49 =	vshll.u32 v3, $0x1  }
0x240: {  	v3 =	vand.u32 $0x7, v3;
	v4 =	vand.u32 $0xFFFFFFF0, v49  }
0x241: {  	v3 =	vor.u32 v3, v4  }
0x242: {  	v4 =	vperm.xlane v3, v0;
	_ =	sdelay $0x1  }
0x243: {  	v3 =	vperm.xlane v3, v2;
	v4 =	vadd.s32 v1, v4;
	_ =	sdelay $0x1  }
0x244: {  	v3 =	vadd.s32 v1, v3;
	_ =	sdelay $0x1  }
0x245: {  	s19 =	simm.s32 $0x1400  }
0x246: {  	[tilespmem:s19], [sflag:$0x1] =	stream.indirect_vreg.gather [hbm4b:s1+s3], $0x80, v4, vm0, $0xb8;
	[tilespmem:$0x18400] =	vst v63  }
0x247: {  	s19 =	simm.s32 $0x1C00  }
0x248: {  	[tilespmem:s19], [sflag:$0x1] =	stream.indirect_vreg.gather [hbm4b:s1+s3], $0x80, v3, vm0, $0xb8;
	[tilespmem:$0x18400] =	vst v63  }
0x249: {  	v3 =	vld [tilespmem:$0x320];
	_ =	sdelay $0x4  }
0x24a: {  	v50 =	vshll.u32 v3, $0x1  }
0x24b: {  	v3 =	vand.u32 $0x7, v3;
	v4 =	vand.u32 $0xFFFFFFF0, v50  }
0x24c: {  	v3 =	vor.u32 v3, v4  }
0x24d: {  	v4 =	vperm.xlane v3, v0;
	_ =	sdelay $0x1  }
0x24e: {  	v3 =	vperm.xlane v3, v2;
	v4 =	vadd.s32 v1, v4;
	_ =	sdelay $0x1  }
0x24f: {  	v3 =	vadd.s32 v1, v3;
	_ =	sdelay $0x1  }
0x250: {  	s19 =	simm.s32 $0x2400  }
0x251: {  	[tilespmem:s19], [sflag:$0x1] =	stream.indirect_vreg.gather [hbm4b:s1+s3], $0x80, v4, vm0, $0xb8;
	[tilespmem:$0x18400] =	vst v63  }
0x252: {  	s19 =	simm.s32 $0x2C00  }
0x253: {  	[tilespmem:s19], [sflag:$0x1] =	stream.indirect_vreg.gather [hbm4b:s1+s3], $0x80, v3, vm0, $0xb8;
	[tilespmem:$0x18400] =	vst v63  }
0x254: {  	v3 =	vld [tilespmem:$0x330];
	_ =	sdelay $0x4  }
0x255: {  	v51 =	vshll.u32 v3, $0x1  }
0x256: {  	v3 =	vand.u32 $0x7, v3;
	v4 =	vand.u32 $0xFFFFFFF0, v51  }
0x257: {  	v3 =	vor.u32 v3, v4  }
0x258: {  	v4 =	vperm.xlane v3, v0;
	_ =	sdelay $0x1  }
0x259: {  	v3 =	vperm.xlane v3, v2;
	v4 =	vadd.s32 v1, v4;
	_ =	sdelay $0x1  }
0x25a: {  	v3 =	vadd.s32 v1, v3;
	_ =	sdelay $0x1  }
0x25b: {  	s19 =	simm.s32 $0x3400  }
0x25c: {  	[tilespmem:s19], [sflag:$0x1] =	stream.indirect_vreg.gather [hbm4b:s1+s3], $0x80, v4, vm0, $0xb8;
	[tilespmem:$0x18400] =	vst v63  }
0x25d: {  	s19 =	simm.s32 $0x3C00  }
0x25e: {  	[tilespmem:s19], [sflag:$0x1] =	stream.indirect_vreg.gather [hbm4b:s1+s3], $0x80, v3, vm0, $0xb8;
	[tilespmem:$0x18400] =	vst v63  }
0x25f: {  	v3 =	vld [tilespmem:$0x340];
	_ =	sdelay $0x4  }
0x260: {  	v52 =	vshll.u32 v3, $0x1  }
0x261: {  	v3 =	vand.u32 $0x7, v3;
	v4 =	vand.u32 $0xFFFFFFF0, v52  }
0x262: {  	v3 =	vor.u32 v3, v4  }
0x263: {  	v4 =	vperm.xlane v3, v0;
	_ =	sdelay $0x1  }
0x264: {  	v3 =	vperm.xlane v3, v2;
	v4 =	vadd.s32 v1, v4;
	_ =	sdelay $0x1  }
0x265: {  	v3 =	vadd.s32 v1, v3;
	_ =	sdelay $0x2  }
0x266: {  	[tilespmem:s29], [sflag:$0x1] =	stream.indirect_vreg.gather [hbm4b:s1+s3], $0x80, v4, vm0, $0xb8;
	[tilespmem:$0x18400] =	vst v63  }
0x267: {  	_ = 	snop  }
0x268: {  	[tilespmem:s30], [sflag:$0x1] =	stream.indirect_vreg.gather [hbm4b:s1+s3], $0x80, v3, vm0, $0xb8;
	[tilespmem:$0x18400] =	vst v63  }
0x269: {  	v3 =	vld [tilespmem:$0x350];
	_ =	sdelay $0x4  }
0x26a: {  	v53 =	vshll.u32 v3, $0x1  }
0x26b: {  	v3 =	vand.u32 $0x7, v3;
	v4 =	vand.u32 $0xFFFFFFF0, v53  }
0x26c: {  	v3 =	vor.u32 v3, v4  }
0x26d: {  	v4 =	vperm.xlane v3, v0;
	_ =	sdelay $0x1  }
0x26e: {  	v3 =	vperm.xlane v3, v2;
	v4 =	vadd.s32 v1, v4;
	_ =	sdelay $0x1  }
0x26f: {  	v3 =	vadd.s32 v1, v3;
	_ =	sdelay $0x2  }
0x270: {  	[tilespmem:s31], [sflag:$0x1] =	stream.indirect_vreg.gather [hbm4b:s1+s3], $0x80, v4, vm0, $0xb8;
	[tilespmem:$0x18400] =	vst v63  }
0x271: {  	s19 =	simm.s32 $0x5C00  }
0x272: {  	[tilespmem:s19], [sflag:$0x1] =	stream.indirect_vreg.gather [hbm4b:s1+s3], $0x80, v3, vm0, $0xb8;
	[tilespmem:$0x18400] =	vst v63  }
0x273: {  	v3 =	vld [tilespmem:$0x360];
	_ =	sdelay $0x4  }
0x274: {  	v54 =	vshll.u32 v3, $0x1  }
0x275: {  	v3 =	vand.u32 $0x7, v3;
	v4 =	vand.u32 $0xFFFFFFF0, v54  }
0x276: {  	v3 =	vor.u32 v3, v4  }
0x277: {  	v4 =	vperm.xlane v3, v0;
	_ =	sdelay $0x1  }
0x278: {  	v3 =	vperm.xlane v3, v2;
	v4 =	vadd.s32 v1, v4;
	_ =	sdelay $0x1  }
0x279: {  	v3 =	vadd.s32 v1, v3;
	_ =	sdelay $0x1  }
0x27a: {  	s19 =	simm.s32 $0x6400  }
0x27b: {  	[tilespmem:s19], [sflag:$0x1] =	stream.indirect_vreg.gather [hbm4b:s1+s3], $0x80, v4, vm0, $0xb8;
	[tilespmem:$0x18400] =	vst v63  }
0x27c: {  	s19 =	simm.s32 $0x6C00  }
0x27d: {  	[tilespmem:s19], [sflag:$0x1] =	stream.indirect_vreg.gather [hbm4b:s1+s3], $0x80, v3, vm0, $0xb8;
	[tilespmem:$0x18400] =	vst v63  }
0x27e: {  	v3 =	vld [tilespmem:$0x370];
	_ =	sdelay $0x4  }
0x27f: {  	v55 =	vshll.u32 v3, $0x1  }
0x280: {  	v3 =	vand.u32 $0x7, v3;
	v4 =	vand.u32 $0xFFFFFFF0, v55  }
0x281: {  	v3 =	vor.u32 v3, v4  }
0x282: {  	v4 =	vperm.xlane v3, v0;
	_ =	sdelay $0x1  }
0x283: {  	v3 =	vperm.xlane v3, v2;
	v4 =	vadd.s32 v1, v4;
	_ =	sdelay $0x1  }
0x284: {  	v3 =	vadd.s32 v1, v3;
	_ =	sdelay $0x1  }
0x285: {  	s19 =	simm.s32 $0x7400  }
0x286: {  	[tilespmem:s19], [sflag:$0x1] =	stream.indirect_vreg.gather [hbm4b:s1+s3], $0x80, v4, vm0, $0xb8;
	[tilespmem:$0x18400] =	vst v63  }
0x287: {  	s19 =	simm.s32 $0x7C00  }
0x288: {  	[tilespmem:s19], [sflag:$0x1] =	stream.indirect_vreg.gather [hbm4b:s1+s3], $0x80, v3, vm0, $0xb8;
	[tilespmem:$0x18400] =	vst v63  }
0x289: {  	_ =	swait.ge [sflag:s16], $0x8000  }
0x28a: {  	[sflag:s16] =	ssyncset.done $0x0  }
0x28b: {  	s2 =	rddreg [dreg:$0x9];
	[sflag:s16] =	ssyncadd.s32 $0xFFFF8000  }
0x28c: {  	[hbm4b:s2+s3] =	stream.linear.scatter [tilespmem:s0], [sflag:$0x6], $0x8000, $0x38;
	[tilespmem:$0x18400] =	vst v63  }
0x28d: {  	_ =	swait.ge [sflag:s17], $0x8000  }
0x28e: {  	[sflag:s17] =	ssyncset.done $0x0  }
0x28f: {  	[sflag:s17] =	ssyncadd.s32 $0xFFFF8000  }
0x290: {  	v3 =	vld [tilespmem:$0x380];
	_ =	sdelay $0x4  }
0x291: {  	v56 =	vshll.u32 v3, $0x1  }
0x292: {  	v3 =	vand.u32 $0x7, v3;
	v4 =	vand.u32 $0xFFFFFFF0, v56  }
0x293: {  	v3 =	vor.u32 v3, v4  }
0x294: {  	v4 =	vperm.xlane v3, v0;
	_ =	sdelay $0x1  }
0x295: {  	v3 =	vperm.xlane v3, v2;
	v4 =	vadd.s32 v1, v4;
	_ =	sdelay $0x1  }
0x296: {  	v3 =	vadd.s32 v1, v3;
	_ =	sdelay $0x2  }
0x297: {  	[tilespmem:s23], [sflag:$0x2] =	stream.indirect_vreg.gather [hbm4b:s1+s3], $0x80, v4, vm0, $0xb8;
	[tilespmem:$0x18400] =	vst v63  }
0x298: {  	s19 =	simm.s32 $0x8C00  }
0x299: {  	[tilespmem:s19], [sflag:$0x2] =	stream.indirect_vreg.gather [hbm4b:s1+s3], $0x80, v3, vm0, $0xb8;
	[tilespmem:$0x18400] =	vst v63  }
0x29a: {  	v3 =	vld [tilespmem:$0x390];
	_ =	sdelay $0x4  }
0x29b: {  	v57 =	vshll.u32 v3, $0x1  }
0x29c: {  	v3 =	vand.u32 $0x7, v3;
	v4 =	vand.u32 $0xFFFFFFF0, v57  }
0x29d: {  	v3 =	vor.u32 v3, v4  }
0x29e: {  	v4 =	vperm.xlane v3, v0;
	_ =	sdelay $0x1  }
0x29f: {  	v3 =	vperm.xlane v3, v2;
	v4 =	vadd.s32 v1, v4;
	_ =	sdelay $0x1  }
0x2a0: {  	v3 =	vadd.s32 v1, v3;
	_ =	sdelay $0x1  }
0x2a1: {  	s2 =	simm.s32 $0x9400  }
0x2a2: {  	[tilespmem:s2], [sflag:$0x2] =	stream.indirect_vreg.gather [hbm4b:s1+s3], $0x80, v4, vm0, $0xb8;
	[tilespmem:$0x18400] =	vst v63  }
0x2a3: {  	s19 =	simm.s32 $0x9C00  }
0x2a4: {  	[tilespmem:s19], [sflag:$0x2] =	stream.indirect_vreg.gather [hbm4b:s1+s3], $0x80, v3, vm0, $0xb8;
	[tilespmem:$0x18400] =	vst v63  }
0x2a5: {  	v3 =	vld [tilespmem:$0x3A0];
	_ =	sdelay $0x4  }
0x2a6: {  	v58 =	vshll.u32 v3, $0x1  }
0x2a7: {  	v3 =	vand.u32 $0x7, v3;
	v4 =	vand.u32 $0xFFFFFFF0, v58  }
0x2a8: {  	v3 =	vor.u32 v3, v4  }
0x2a9: {  	v4 =	vperm.xlane v3, v0;
	_ =	sdelay $0x1  }
0x2aa: {  	v3 =	vperm.xlane v3, v2;
	v4 =	vadd.s32 v1, v4;
	_ =	sdelay $0x1  }
0x2ab: {  	v3 =	vadd.s32 v1, v3;
	_ =	sdelay $0x1  }
0x2ac: {  	s2 =	simm.s32 $0xA400  }
0x2ad: {  	[tilespmem:s2], [sflag:$0x2] =	stream.indirect_vreg.gather [hbm4b:s1+s3], $0x80, v4, vm0, $0xb8;
	[tilespmem:$0x18400] =	vst v63  }
0x2ae: {  	s19 =	simm.s32 $0xAC00  }
0x2af: {  	[tilespmem:s19], [sflag:$0x2] =	stream.indirect_vreg.gather [hbm4b:s1+s3], $0x80, v3, vm0, $0xb8;
	[tilespmem:$0x18400] =	vst v63  }
0x2b0: {  	v3 =	vld [tilespmem:$0x3B0];
	_ =	sdelay $0x4  }
0x2b1: {  	v59 =	vshll.u32 v3, $0x1  }
0x2b2: {  	v3 =	vand.u32 $0x7, v3;
	v4 =	vand.u32 $0xFFFFFFF0, v59  }
0x2b3: {  	v3 =	vor.u32 v3, v4  }
0x2b4: {  	v4 =	vperm.xlane v3, v0;
	_ =	sdelay $0x1  }
0x2b5: {  	v3 =	vperm.xlane v3, v2;
	v4 =	vadd.s32 v1, v4;
	_ =	sdelay $0x1  }
0x2b6: {  	v3 =	vadd.s32 v1, v3;
	_ =	sdelay $0x1  }
0x2b7: {  	s2 =	simm.s32 $0xB400  }
0x2b8: {  	[tilespmem:s2], [sflag:$0x2] =	stream.indirect_vreg.gather [hbm4b:s1+s3], $0x80, v4, vm0, $0xb8;
	[tilespmem:$0x18400] =	vst v63  }
0x2b9: {  	s19 =	simm.s32 $0xBC00  }
0x2ba: {  	[tilespmem:s19], [sflag:$0x2] =	stream.indirect_vreg.gather [hbm4b:s1+s3], $0x80, v3, vm0, $0xb8;
	[tilespmem:$0x18400] =	vst v63  }
0x2bb: {  	v3 =	vld [tilespmem:$0x3C0];
	_ =	sdelay $0x4  }
0x2bc: {  	v60 =	vshll.u32 v3, $0x1  }
0x2bd: {  	v3 =	vand.u32 $0x7, v3;
	v4 =	vand.u32 $0xFFFFFFF0, v60  }
0x2be: {  	v3 =	vor.u32 v3, v4  }
0x2bf: {  	v4 =	vperm.xlane v3, v0;
	_ =	sdelay $0x1  }
0x2c0: {  	v3 =	vperm.xlane v3, v2;
	v4 =	vadd.s32 v1, v4;
	_ =	sdelay $0x1  }
0x2c1: {  	v3 =	vadd.s32 v1, v3;
	_ =	sdelay $0x1  }
0x2c2: {  	s2 =	simm.s32 $0xC400  }
0x2c3: {  	[tilespmem:s2], [sflag:$0x2] =	stream.indirect_vreg.gather [hbm4b:s1+s3], $0x80, v4, vm0, $0xb8;
	[tilespmem:$0x18400] =	vst v63  }
0x2c4: {  	s19 =	simm.s32 $0xCC00  }
0x2c5: {  	[tilespmem:s19], [sflag:$0x2] =	stream.indirect_vreg.gather [hbm4b:s1+s3], $0x80, v3, vm0, $0xb8;
	[tilespmem:$0x18400] =	vst v63  }
0x2c6: {  	v3 =	vld [tilespmem:$0x3D0];
	_ =	sdelay $0x4  }
0x2c7: {  	v61 =	vshll.u32 v3, $0x1  }
0x2c8: {  	v3 =	vand.u32 $0x7, v3;
	v4 =	vand.u32 $0xFFFFFFF0, v61  }
0x2c9: {  	v3 =	vor.u32 v3, v4  }
0x2ca: {  	v4 =	vperm.xlane v3, v0;
	_ =	sdelay $0x1  }
0x2cb: {  	v3 =	vperm.xlane v3, v2;
	v4 =	vadd.s32 v1, v4;
	_ =	sdelay $0x1  }
0x2cc: {  	v3 =	vadd.s32 v1, v3;
	_ =	sdelay $0x1  }
0x2cd: {  	s2 =	simm.s32 $0xD400  }
0x2ce: {  	[tilespmem:s2], [sflag:$0x2] =	stream.indirect_vreg.gather [hbm4b:s1+s3], $0x80, v4, vm0, $0xb8;
	[tilespmem:$0x18400] =	vst v63  }
0x2cf: {  	s19 =	simm.s32 $0xDC00  }
0x2d0: {  	[tilespmem:s19], [sflag:$0x2] =	stream.indirect_vreg.gather [hbm4b:s1+s3], $0x80, v3, vm0, $0xb8;
	[tilespmem:$0x18400] =	vst v63  }
0x2d1: {  	v3 =	vld [tilespmem:$0x3E0];
	_ =	sdelay $0x4  }
0x2d2: {  	v62 =	vshll.u32 v3, $0x1  }
0x2d3: {  	v3 =	vand.u32 $0x7, v3;
	v4 =	vand.u32 $0xFFFFFFF0, v62  }
0x2d4: {  	v3 =	vor.u32 v3, v4  }
0x2d5: {  	v4 =	vperm.xlane v3, v0;
	_ =	sdelay $0x1  }
0x2d6: {  	v3 =	vperm.xlane v3, v2;
	v4 =	vadd.s32 v1, v4;
	_ =	sdelay $0x1  }
0x2d7: {  	v3 =	vadd.s32 v1, v3;
	_ =	sdelay $0x1  }
0x2d8: {  	s2 =	simm.s32 $0xE400  }
0x2d9: {  	[tilespmem:s2], [sflag:$0x2] =	stream.indirect_vreg.gather [hbm4b:s1+s3], $0x80, v4, vm0, $0xb8;
	[tilespmem:$0x18400] =	vst v63  }
0x2da: {  	s19 =	simm.s32 $0xEC00  }
0x2db: {  	[tilespmem:s19], [sflag:$0x2] =	stream.indirect_vreg.gather [hbm4b:s1+s3], $0x80, v3, vm0, $0xb8;
	[tilespmem:$0x18400] =	vst v63  }
0x2dc: {  	v3 =	vld [tilespmem:$0x3F0];
	_ =	sdelay $0x4  }
0x2dd: {  	v63 =	vshll.u32 v3, $0x1  }
0x2de: {  	v3 =	vand.u32 $0x7, v3;
	v4 =	vand.u32 $0xFFFFFFF0, v63  }
0x2df: {  	v3 =	vor.u32 v3, v4  }
0x2e0: {  	v4 =	vperm.xlane v3, v0;
	_ =	sdelay $0x1  }
0x2e1: {  	v3 =	vperm.xlane v3, v2;
	v4 =	vadd.s32 v1, v4;
	_ =	sdelay $0x1  }
0x2e2: {  	v3 =	vadd.s32 v1, v3;
	_ =	sdelay $0x1  }
0x2e3: {  	s2 =	simm.s32 $0xF400  }
0x2e4: {  	[tilespmem:s2], [sflag:$0x2] =	stream.indirect_vreg.gather [hbm4b:s1+s3], $0x80, v4, vm0, $0xb8;
	[tilespmem:$0x18400] =	vst v63  }
0x2e5: {  	s19 =	simm.s32 $0xFC00  }
0x2e6: {  	[tilespmem:s19], [sflag:$0x2] =	stream.indirect_vreg.gather [hbm4b:s1+s3], $0x80, v3, vm0, $0xb8;
	[tilespmem:$0x18400] =	vst v63  }
0x2e7: {  	_ =	swait.ge [sflag:s12], $0x8000  }
0x2e8: {  	[sflag:s12] =	ssyncset.done $0x0  }
0x2e9: {  	s0 =	rddreg [dreg:$0xa];
	[sflag:s12] =	ssyncadd.s32 $0xFFFF8000  }
0x2ea: {  	[hbm4b:s0+s3] =	stream.linear.scatter [tilespmem:s28], [sflag:$0x4], $0x8000, $0x38;
	[tilespmem:$0x18400] =	vst v63  }
0x2eb: {  	_ =	swait.ge [sflag:s14], $0x8000  }
0x2ec: {  	[sflag:s14] =	ssyncset.done $0x0  }
0x2ed: {  	s2 =	rddreg [dreg:$0xb];
	[sflag:s14] =	ssyncadd.s32 $0xFFFF8000  }
0x2ee: {  	[hbm4b:s2+s3] =	stream.linear.scatter [tilespmem:s23], [sflag:$0x5], $0x8000, $0x38;
	[tilespmem:$0x18400] =	vst v63  }
0x2ef: {  	_ =	swait.ge [sflag:s18], $0x8000  }
0x2f0: {  	[sflag:s18] =	ssyncset.done $0x0  }
0x2f1: {  	[sflag:s18] =	ssyncadd.s32 $0xFFFF8000  }
0x2f2: {  	p0 =	sne.s32 s5, $0x1;
	_ =	swait.ge [sflag:s15], $0x8000  }
.Ltmp0:
0x2f3: {  	[sflag:s15] =	ssyncset.done $0x0;
	(pc) =	sbr.rel @p0 .LBB2_1-.Ltmp0, $4  }
0x2f4: {  	[sflag:s15] =	ssyncadd.s32 $0xFFFF8000  }
0x2f5: {  	_ =	swait.ge [sflag:s17], $0x8000  }
0x2f6: {  	[sflag:s17] =	ssyncset.done $0x0  }
0x2f7: {  	s5 =	sadd.s32 $0xFFFFFFFF, s5;
	[sflag:s17] =	ssyncadd.s32 $0xFFFF8000  }
0x2f8: {  	_ =	sfence.sel $0x180000  }
0x2f9: {  	[bflag:$0x0] =	sbarrier.arrive $0xFFFF  }
0x2fa: {  	_ =	strace $0x9000004A  }
0x2fb: {  	s0 =	stileid.u32;
	[bflag:$0x2] =	sbarrier.arrive $0xFFFF  }
0x2fc: {  	p0 =	sne.s32 s0, $0x0;
	s0 =	rddreg [dreg:$0x3]  }
0x2fd: {  	s0 =	sadd.s32 @!p0 $0x100000, s0  }
0x2fe: {  	[sflag:s0] =	ssyncadd.tile.s32 @!p0 $0x1;
	_ =	shalt  }
.Lfunc_end2:
_tile_overlayer_lowered:
.L_overlay_start_2:
0x2ff: {  	(tag) =	ssettag $0x2  }
0x300: {  	s0 =	rddreg [dreg:$0x0];
	s2 =	stileid.u32  }
0x301: {  	s1 =	rddreg [dreg:$0x1];
	p0 =	sne.s32 s2, $0x0  }
0x302: {  	s3 =	rddreg [dreg:$0x2];
	[bflag:$0x3] =	sbarrier.arrive $0xFFFF;
	s2 =	simm.s32 @!p0 $0x1C07  }
0x303: {  	[timem:s3], [sflag:s2] =	dma.local @!p0 [hbm:s0], s1  }
0x304: {  	s0 =	simm.s32 @!p0 $0x7  }
0x305: {  	_ =	swait.ge @!p0 [sflag:s0], s1  }
0x306: {  	s1 =	ssub.s32 @!p0 $0x0, s1;
	[sflag:s0] =	ssyncset.done @!p0 $0x0  }
0x307: {  	[sflag:s0] =	ssyncadd.s32 @!p0 s1  }
0x308: {  	[bflag:$0x3] =	sbarrier.arrive $0xFFFF  }
0x309: {  	_ =	shalt  }

</sc_bundles>
